<compile_context>
chip_gen: v7x
topology: tpu7x:2x2x1
jax: 0.10.2.dev20260603
libtpu: 0.0.44.dev20260713+nightly
codegen_flags: <defaults>
</compile_context>

<pallas_src>
import dataclasses
import functools
import jax
import jax.numpy as jnp
from jax import lax
from jax.experimental import pallas as pl
from jax.experimental.pallas import tpu as pltpu
from jax.experimental.pallas import tpu_sc as plsc

ALPHA = 0.15
KSTEPS = 2
SCALING = 1.8

def _sc_compiler_params():
    cp = pltpu.CompilerParams()
    if "needs_layout_passes" in pltpu.CompilerParams.__dataclass_fields__:
        cp = dataclasses.replace(cp, needs_layout_passes=False)
    return cp


NC = 2
NS = 16
NW = NC * NS
LANES = 16



def _linear_norm_body(x_ref, w_ref, b_ref, o_ref):
    h = lax.dot_general(
        x_ref[...], w_ref[...], (((1,), (1,)), ((), ())),
        preferred_element_type=jnp.float32,
    )
    h = h + b_ref[...]
    nrm = jnp.sqrt(jnp.sum(h * h, axis=1, keepdims=True))
    o_ref[...] = h * (SCALING / jnp.maximum(nrm, 1e-12))


def _linear_norm(x, w, b2):
    n, d = x.shape
    br = 5000
    return pl.pallas_call(
        _linear_norm_body,
        grid=(n // br,),
        in_specs=[
            pl.BlockSpec((br, d), lambda i: (i, 0)),
            pl.BlockSpec((d, d), lambda i: (0, 0)),
            pl.BlockSpec((1, d), lambda i: (0, 0)),
        ],
        out_specs=pl.BlockSpec((br, d), lambda i: (i, 0)),
        out_shape=jax.ShapeDtypeStruct((n, d), jnp.float32),
    )(x, w, b2)




def _make_hist_kernel(n, e, rows128):
    e_per_w = e // NW
    mesh = plsc.VectorSubcoreMesh(core_axis_name="c", subcore_axis_name="s")

    @functools.partial(
        pl.kernel,
        out_type=jax.ShapeDtypeStruct((NW, rows128, 128), jnp.float32),
        mesh=mesh,
        scratch_types=[
            pltpu.VMEM((rows128, 128), jnp.float32),
            pltpu.VMEM((e_per_w // _CHUNK, _CHUNK), jnp.int32),
        ],
        compiler_params=_sc_compiler_params(),
    )
    def hist_kernel(ei_hbm, zeros_hbm, out_hbm, hist, didx):
        c = lax.axis_index("c")
        s = lax.axis_index("s")
        wid = c * NS + s
        pltpu.sync_copy(zeros_hbm, hist)
        pltpu.sync_copy(ei_hbm.at[1, wid], didx)
        ones = jnp.full((LANES,), 1.0, jnp.float32)

        @pl.loop(0, e_per_w // _CHUNK)
        def _(i):
            for l in range(_CHUNK // LANES):
                idx = didx[i, pl.ds(l * LANES, LANES)]
                row = idx >> 7
                lane = idx & 127
                plsc.addupdate_scatter(hist, [row, lane], ones)

        pltpu.sync_copy(hist, out_hbm.at[wid])

    return hist_kernel


def _dis_body(histp_ref, dis_ref):
    deg = jnp.sum(histp_ref[...], axis=0) + 1.0
    dis_ref[...] = lax.rsqrt(deg)


def _dis_tc(histp):
    nw, rows128, w = histp.shape
    return pl.pallas_call(
        _dis_body,
        grid=(1,),
        in_specs=[pl.BlockSpec((nw, rows128, w), lambda i: (0, 0, 0))],
        out_specs=pl.BlockSpec((rows128, w), lambda i: (0, 0)),
        out_shape=jax.ShapeDtypeStruct((rows128, w), jnp.float32),
    )(histp)




def _prep_body(dis_ref, hs_ref, u_ref):
    u_ref[...] = hs_ref[...] * dis_ref[...]


def _prep(dis2, hs):
    n, d = hs.shape
    br = 5000
    return pl.pallas_call(
        _prep_body,
        grid=(n // br,),
        in_specs=[
            pl.BlockSpec((br, 1), lambda i: (i, 0)),
            pl.BlockSpec((br, d), lambda i: (i, 0)),
        ],
        out_specs=pl.BlockSpec((br, d), lambda i: (i, 0)),
        out_shape=jax.ShapeDtypeStruct((n, d), jnp.float32),
    )(dis2, hs)




_CHUNK = 80
_NBUF = 4
_SLAB = 8


def _make_propagate_kernel(n_pad, e_pad, d):
    e_per_w = e_pad // NW
    n_chunks = e_per_w // _CHUNK
    n_slabs = n_chunks // _SLAB
    assert n_slabs % 2 == 0 and n_chunks % _SLAB == 0
    rows_per_s = n_pad // NS
    mesh = plsc.VectorSubcoreMesh(core_axis_name="c", subcore_axis_name="s")

    @functools.partial(
        pl.kernel,
        out_type=jax.ShapeDtypeStruct((NC, n_pad, d), jnp.float32),
        mesh=mesh,
        scratch_types=[
            pltpu.VMEM_SHARED((n_pad, d), jnp.float32),
            [pltpu.VMEM((_CHUNK, d), jnp.float32) for _ in range(_NBUF)],
            [pltpu.VMEM((_SLAB, _CHUNK), jnp.int32) for _ in range(2)],
            [pltpu.VMEM((_SLAB, _CHUNK), jnp.int32) for _ in range(2)],
            [pltpu.SemaphoreType.DMA for _ in range(_NBUF)],
            [pltpu.SemaphoreType.DMA for _ in range(2)],
        ],
    )
    def prop_kernel(u_hbm, ei_hbm, zeros_hbm, out_hbm,
                    acc, bufs, sslab, dslab, gsems, ssems):
        c = lax.axis_index("c")
        s = lax.axis_index("s")
        wid = c * NS + s
        my_rows = pl.ds(s * rows_per_s, rows_per_s)
        src_w = ei_hbm.at[0, wid]
        dst_w = ei_hbm.at[1, wid]

        def fire_slab(sg, k):
            rows = pl.ds(sg * _SLAB, _SLAB)
            pltpu.async_copy(src_w.at[rows], sslab[k], ssems[k])
            pltpu.async_copy(dst_w.at[rows], dslab[k], ssems[k])

        def wait_slab(sg, k):
            rows = pl.ds(sg * _SLAB, _SLAB)
            pltpu.make_async_copy(src_w.at[rows], sslab[k], ssems[k]).wait()
            pltpu.make_async_copy(dst_w.at[rows], dslab[k], ssems[k]).wait()

        def fire_gather(k, j, b):
            pltpu.async_copy(u_hbm.at[sslab[k].at[j]], bufs[b], gsems[b])

        def wait_gather(k, j, b):
            pltpu.make_async_copy(
                u_hbm.at[sslab[k].at[j]], bufs[b], gsems[b]).wait()

        fire_slab(0, 0)
        fire_slab(1, 1)
        zb = zeros_hbm.shape[0]
        nz, rz = divmod(rows_per_s, zb)
        pltpu.sync_copy(zeros_hbm, bufs[0].at[pl.ds(0, zb)])
        for kk in range(nz):
            pltpu.sync_copy(bufs[0].at[pl.ds(0, zb)],
                            acc.at[pl.ds(s * rows_per_s + kk * zb, zb)])
        if rz:
            pltpu.sync_copy(bufs[0].at[pl.ds(0, rz)],
                            acc.at[pl.ds(s * rows_per_s + nz * zb, rz)])
        plsc.subcore_barrier()
        wait_slab(0, 0)
        for j in range(_NBUF):
            fire_gather(0, j, j)

        @pl.loop(0, n_slabs // 2)
        def _(p):
            for kk in range(2):
                sg = p * 2 + kk
                for j in range(_SLAB):
                    cur = sg * _SLAB + j
                    b = j % _NBUF
                    wait_gather(kk, j, b)
                    pltpu.sync_copy(bufs[b], acc.at[dslab[kk].at[j]],
                                    add=True)
                    if j < _SLAB - _NBUF:
                        @pl.when(cur + _NBUF < n_chunks)
                        def _():
                            fire_gather(kk, j + _NBUF, b)
                    else:
                        if j == _SLAB - _NBUF:
                            @pl.when(sg + 1 < n_slabs)
                            def _():
                                wait_slab(sg + 1, 1 - kk)
                        @pl.when(cur + _NBUF < n_chunks)
                        def _():
                            fire_gather(1 - kk, j + _NBUF - _SLAB, b)

                @pl.when(sg + 2 < n_slabs)
                def _():
                    fire_slab(sg + 2, kk)

        plsc.subcore_barrier()
        pltpu.sync_copy(acc.at[my_rows], out_hbm.at[c].at[my_rows])

    return prop_kernel




def _combine_v_body(part_ref, v_ref, w_ref, dis_ref, o_ref):
    agg = part_ref[0] + part_ref[1] + v_ref[...]
    dis = dis_ref[...]
    o_ref[...] = (1.0 - ALPHA) * (dis * dis) * agg + ALPHA * w_ref[...]


def _combine_f_body(part_ref, v_ref, hs_ref, dis_ref, o_ref):
    agg = part_ref[0] + part_ref[1] + v_ref[...]
    o_ref[...] = (1.0 - ALPHA) * dis_ref[...] * agg + ALPHA * hs_ref[...]


def _combine(part, v, dense, dis, final):
    n, d = dense.shape
    br = 5000
    blk = pl.BlockSpec((br, d), lambda i: (i, 0))
    return pl.pallas_call(
        _combine_f_body if final else _combine_v_body,
        grid=(n // br,),
        in_specs=[
            pl.BlockSpec((NC, br, d), lambda i: (0, i, 0)),
            blk, blk,
            pl.BlockSpec((br, 1), lambda i: (i, 0)),
        ],
        out_specs=blk,
        out_shape=jax.ShapeDtypeStruct((n, d), jnp.float32),
    )(part, v, dense, dis)




def kernel(x, edge_index, W, b):
    n, d = x.shape
    e = edge_index.shape[1]
    assert n % LANES == 0 and n % NS == 0 and n % 1000 == 0
    assert e % NW == 0

    n_pad = ((n + NS * 8 - 1) // (NS * 8)) * (NS * 8)
    if n_pad == n:
        n_pad += NS * 8
    egrain = NW * _CHUNK * _SLAB * 2
    e_pad = (e + egrain - 1) // egrain * egrain
    npad_e = e_pad - e

    rows128 = (n + 127) // 128
    assert rows128 * 128 >= n and n_pad <= rows128 * 128

    b2 = b.reshape(1, d)
    zeros_nd = jnp.zeros((_CHUNK, d), jnp.float32)
    zeros_hist = jnp.zeros((rows128, 128), jnp.float32)

    fill = jnp.arange(npad_e, dtype=jnp.int32)
    ei_pad = jnp.concatenate(
        [edge_index,
         jnp.stack([fill % n, n + fill % (n_pad - n)])], axis=1)
    ei4 = ei_pad.reshape(2, NW, e_pad // (NW * _CHUNK), _CHUNK)

    hs = _linear_norm(x, W, b2)
    histp = _make_hist_kernel(n, e_pad, rows128)(ei4, zeros_hist)
    dis = _dis_tc(histp).reshape(rows128 * 128, 1)
    w = _prep(dis, hs)

    v = w
    prop = _make_propagate_kernel(n_pad, e_pad, d)
    for step in range(KSTEPS):
        part = prop(v, ei4, zeros_nd)
        final = step == KSTEPS - 1
        v = _combine(part, v, hs if final else w, dis, final)
    return v

# --- scband reference (transcript-rebuilt; emitter-appended) ---
"""Pipeline reference for scband-normalized-gcnconv-4827543240746 (READ-ONLY COPY).

The authoritative reference and input builder live on the scoring server;
editing this copy changes nothing except your own understanding.
"""

import jax, jax.numpy as jnp
import numpy as np

N = 10000
E = 320000
D = 128
ALPHA = 0.15
K = 2
SCALING = 1.8

def setup_inputs(seed: int = 0) -> dict:
    key = jax.random.key(seed)
    k1, k2, k3, k4 = jax.random.split(key, 4)
    x = jax.random.normal(k1, (N, D), dtype=jnp.float32)
    edge_index = jax.random.randint(k2, (2, E), 0, N, dtype=jnp.int32)
    bound = 1.0 / np.sqrt(D)
    W = jax.random.uniform(k3, (D, D), dtype=jnp.float32, minval=-bound, maxval=bound)
    b = jax.random.uniform(k4, (D,), dtype=jnp.float32, minval=-bound, maxval=bound)
    return {"x": x, "edge_index": edge_index, "W": W, "b": b}

def reference(x, edge_index, W, b):
    # linear
    h = x @ W.T + b
    # L2 normalize along dim=1, then scale
    nrm = jnp.sqrt(jnp.sum(h * h, axis=1, keepdims=True))
    h = h / jnp.maximum(nrm, 1e-12)
    h = h * SCALING
    # gcn_norm with added self loops (APPNP default, eval mode -> no dropout)
    loop = jnp.arange(N, dtype=edge_index.dtype)
    src = jnp.concatenate([edge_index[0], loop])
    dst = jnp.concatenate([edge_index[1], loop])
    deg = jnp.zeros((N,), dtype=h.dtype).at[dst].add(1.0)
    dis = jnp.where(deg > 0, 1.0 / jnp.sqrt(deg), 0.0)
    norm = dis[src] * dis[dst]
    # APPNP propagation: K steps of personalized pagerank
    out = h
    for _ in range(K):
        msg = out[src] * norm[:, None]
        agg = jnp.zeros_like(out).at[dst].add(msg)
        out = (1.0 - ALPHA) * agg + ALPHA * h
    return out

if __name__ == "__main__":
    import jax
    _d = setup_inputs()
    print(jax.jit(kernel)(*tuple(_d.values())))

</pallas_src>

<mosaic_0001>
#map = affine_map<(d0, d1) -> (0, 0, 0, 0)>
#map1 = affine_map<(d0, d1) -> (0, 0)>
#map2 = affine_map<(d0, d1) -> (0, 0, 0)>
module attributes {stable_mosaic.version = 14 : i64} {
  func.func @hist_kernel(%arg0: i32, %arg1: i32, %arg2: memref<2x32x128x80xi32, #tpu.memory_space<hbm>>, %arg3: memref<79x128xf32, #tpu.memory_space<hbm>>, %arg4: memref<32x79x128xf32, #tpu.memory_space<hbm>>, %arg5: memref<79x128xf32, #tpu.memory_space<vmem>>, %arg6: memref<128x80xi32, #tpu.memory_space<vmem>>) attributes {dimension_semantics = [#tpu.dimension_semantics<core_parallel>, #tpu.dimension_semantics<subcore_parallel>], iteration_bounds = array<i64: 2, 16>, scalar_prefetch = 0 : i64, scratch_operands = 2 : i64, tpu.core_type = #tpu.core_type<sc_vector_subcore>, window_params = [{transform_indices = #map}, {transform_indices = #map1}, {transform_indices = #map2}]} {
    %mul3A = arith.constant 16 : i32
    %mul3A_0 = arith.muli %arg0, %mul3A : i32
    %add3A = arith.addi %mul3A_0, %arg1 : i32
    "tpu.region"() ({
      %run_scoped3A_6 = tpu.sem_alloc : memref<!tpu.dma_semaphore, #tpu.memory_space<semaphore_mem>>
      tpu.enqueue_dma source(%arg3 : memref<79x128xf32, #tpu.memory_space<hbm>>) target(%arg5 : memref<79x128xf32, #tpu.memory_space<vmem>>) target_semaphore(%run_scoped3A_6 : memref<!tpu.dma_semaphore, #tpu.memory_space<semaphore_mem>>)
      tpu.wait_dma2 semaphore(%run_scoped3A_6 : memref<!tpu.dma_semaphore, #tpu.memory_space<semaphore_mem>>) src(%arg3 : memref<79x128xf32, #tpu.memory_space<hbm>>) dst(%arg5 : memref<79x128xf32, #tpu.memory_space<vmem>>)
      tpu.yield
    }) : () -> ()
    %run_scoped3A = arith.constant 1 : i32
    "tpu.region"() ({
      %run_scoped3A_6 = tpu.sem_alloc : memref<!tpu.dma_semaphore, #tpu.memory_space<semaphore_mem>>
      %dma_start3A = arith.constant 0 : i32
      %dma_start3A_7 = arith.constant 0 : i32
      %dma_start3A_8 = tpu.memref_slice %arg2[%run_scoped3A, %add3A, %dma_start3A, %dma_start3A_7] : memref<2x32x128x80xi32, #tpu.memory_space<hbm>> -> memref<1x1x128x80xi32, #tpu.memory_space<hbm>>
      %dma_start3A_9 = tpu.memref_squeeze %dma_start3A_8 : memref<1x1x128x80xi32, #tpu.memory_space<hbm>> -> memref<128x80xi32, #tpu.memory_space<hbm>>
      %dma_start3A_10 = arith.constant 0 : i32
      %dma_start3A_11 = arith.constant 0 : i32
      %dma_start3A_12 = tpu.memref_slice %arg2[%run_scoped3A, %add3A, %dma_start3A_10, %dma_start3A_11] : memref<2x32x128x80xi32, #tpu.memory_space<hbm>> -> memref<1x1x128x80xi32, #tpu.memory_space<hbm>>
      %dma_start3A_13 = tpu.memref_squeeze %dma_start3A_12 : memref<1x1x128x80xi32, #tpu.memory_space<hbm>> -> memref<128x80xi32, #tpu.memory_space<hbm>>
      tpu.enqueue_dma source(%dma_start3A_13 : memref<128x80xi32, #tpu.memory_space<hbm>>) target(%arg6 : memref<128x80xi32, #tpu.memory_space<vmem>>) target_semaphore(%run_scoped3A_6 : memref<!tpu.dma_semaphore, #tpu.memory_space<semaphore_mem>>)
      %dma_wait3A = arith.constant 0 : i32
      %dma_wait3A_14 = arith.constant 0 : i32
      %dma_wait3A_15 = tpu.memref_slice %arg2[%run_scoped3A, %add3A, %dma_wait3A, %dma_wait3A_14] : memref<2x32x128x80xi32, #tpu.memory_space<hbm>> -> memref<1x1x128x80xi32, #tpu.memory_space<hbm>>
      %dma_wait3A_16 = tpu.memref_squeeze %dma_wait3A_15 : memref<1x1x128x80xi32, #tpu.memory_space<hbm>> -> memref<128x80xi32, #tpu.memory_space<hbm>>
      %dma_wait3A_17 = arith.constant 0 : i32
      %dma_wait3A_18 = arith.constant 0 : i32
      %dma_wait3A_19 = tpu.memref_slice %arg2[%run_scoped3A, %add3A, %dma_wait3A_17, %dma_wait3A_18] : memref<2x32x128x80xi32, #tpu.memory_space<hbm>> -> memref<1x1x128x80xi32, #tpu.memory_space<hbm>>
      %dma_wait3A_20 = tpu.memref_squeeze %dma_wait3A_19 : memref<1x1x128x80xi32, #tpu.memory_space<hbm>> -> memref<128x80xi32, #tpu.memory_space<hbm>>
      tpu.wait_dma2 semaphore(%run_scoped3A_6 : memref<!tpu.dma_semaphore, #tpu.memory_space<semaphore_mem>>) src(%dma_wait3A_20 : memref<128x80xi32, #tpu.memory_space<hbm>>) dst(%arg6 : memref<128x80xi32, #tpu.memory_space<vmem>>)
      tpu.yield
    }) : () -> ()
    %broadcast_in_dim3A = arith.constant 1.000000e+00 : f32
    %broadcast_in_dim3A_1 = vector.broadcast %broadcast_in_dim3A : f32 to vector<16xf32>
    %scan3A = arith.constant 0 : i32
    %scan3A_2 = arith.constant 128 : i32
    %scan3A_3 = arith.addi %scan3A, %scan3A_2 : i32
    %scan3A_4 = arith.constant 1 : i32
    scf.for %scan3A_6 = %scan3A to %scan3A_3 step %scan3A_4  : i32 {
      %mul3A_7 = arith.constant 1 : i32
      %mul3A_8 = arith.muli %scan3A_6, %mul3A_7 : i32
      %add3A_9 = arith.constant 0 : i32
      %add3A_10 = arith.addi %add3A_9, %mul3A_8 : i32
      %get3A = arith.index_cast %add3A_10 : i32 to index
      %get3A_11 = arith.constant 0 : index
      %get3A_12 = tpu.vector_load %arg6[%get3A, %get3A_11] {strides = array<i32>} : memref<128x80xi32, #tpu.memory_space<vmem>>, vector<16xi32>,
      %shift_right_arithmetic3A = arith.constant 7 : i32
      %shift_right_arithmetic3A_13 = vector.broadcast %shift_right_arithmetic3A : i32 to vector<16xi32>
      %shift_right_arithmetic3A_14 = arith.shrsi %get3A_12, %shift_right_arithmetic3A_13 : vector<16xi32>
      %and3A = arith.constant 127 : i32
      %and3A_15 = vector.broadcast %and3A : i32 to vector<16xi32>
      %and3A_16 = arith.andi %get3A_12, %and3A_15 : vector<16xi32>
      tpu.vector_store_idx %arg5[%shift_right_arithmetic3A_14, %and3A_16], %broadcast_in_dim3A_1 {add = true} : memref<79x128xf32, #tpu.memory_space<vmem>>[vector<16xi32>, vector<16xi32>], vector<16xf32>,
      %get3A_17 = arith.index_cast %add3A_10 : i32 to index
      %get3A_18 = arith.constant 16 : index
      %get3A_19 = tpu.vector_load %arg6[%get3A_17, %get3A_18] {strides = array<i32>} : memref<128x80xi32, #tpu.memory_space<vmem>>, vector<16xi32>,
      %shift_right_arithmetic3A_20 = arith.constant 7 : i32
      %shift_right_arithmetic3A_21 = vector.broadcast %shift_right_arithmetic3A_20 : i32 to vector<16xi32>
      %shift_right_arithmetic3A_22 = arith.shrsi %get3A_19, %shift_right_arithmetic3A_21 : vector<16xi32>
      %and3A_23 = arith.constant 127 : i32
      %and3A_24 = vector.broadcast %and3A_23 : i32 to vector<16xi32>
      %and3A_25 = arith.andi %get3A_19, %and3A_24 : vector<16xi32>
      tpu.vector_store_idx %arg5[%shift_right_arithmetic3A_22, %and3A_25], %broadcast_in_dim3A_1 {add = true} : memref<79x128xf32, #tpu.memory_space<vmem>>[vector<16xi32>, vector<16xi32>], vector<16xf32>,
      %get3A_26 = arith.index_cast %add3A_10 : i32 to index
      %get3A_27 = arith.constant 32 : index
      %get3A_28 = tpu.vector_load %arg6[%get3A_26, %get3A_27] {strides = array<i32>} : memref<128x80xi32, #tpu.memory_space<vmem>>, vector<16xi32>,
      %shift_right_arithmetic3A_29 = arith.constant 7 : i32
      %shift_right_arithmetic3A_30 = vector.broadcast %shift_right_arithmetic3A_29 : i32 to vector<16xi32>
      %shift_right_arithmetic3A_31 = arith.shrsi %get3A_28, %shift_right_arithmetic3A_30 : vector<16xi32>
      %and3A_32 = arith.constant 127 : i32
      %and3A_33 = vector.broadcast %and3A_32 : i32 to vector<16xi32>
      %and3A_34 = arith.andi %get3A_28, %and3A_33 : vector<16xi32>
      tpu.vector_store_idx %arg5[%shift_right_arithmetic3A_31, %and3A_34], %broadcast_in_dim3A_1 {add = true} : memref<79x128xf32, #tpu.memory_space<vmem>>[vector<16xi32>, vector<16xi32>], vector<16xf32>,
      %get3A_35 = arith.index_cast %add3A_10 : i32 to index
      %get3A_36 = arith.constant 48 : index
      %get3A_37 = tpu.vector_load %arg6[%get3A_35, %get3A_36] {strides = array<i32>} : memref<128x80xi32, #tpu.memory_space<vmem>>, vector<16xi32>,
      %shift_right_arithmetic3A_38 = arith.constant 7 : i32
      %shift_right_arithmetic3A_39 = vector.broadcast %shift_right_arithmetic3A_38 : i32 to vector<16xi32>
      %shift_right_arithmetic3A_40 = arith.shrsi %get3A_37, %shift_right_arithmetic3A_39 : vector<16xi32>
      %and3A_41 = arith.constant 127 : i32
      %and3A_42 = vector.broadcast %and3A_41 : i32 to vector<16xi32>
      %and3A_43 = arith.andi %get3A_37, %and3A_42 : vector<16xi32>
      tpu.vector_store_idx %arg5[%shift_right_arithmetic3A_40, %and3A_43], %broadcast_in_dim3A_1 {add = true} : memref<79x128xf32, #tpu.memory_space<vmem>>[vector<16xi32>, vector<16xi32>], vector<16xf32>,
      %get3A_44 = arith.index_cast %add3A_10 : i32 to index
      %get3A_45 = arith.constant 64 : index
      %get3A_46 = tpu.vector_load %arg6[%get3A_44, %get3A_45] {strides = array<i32>} : memref<128x80xi32, #tpu.memory_space<vmem>>, vector<16xi32>,
      %shift_right_arithmetic3A_47 = arith.constant 7 : i32
      %shift_right_arithmetic3A_48 = vector.broadcast %shift_right_arithmetic3A_47 : i32 to vector<16xi32>
      %shift_right_arithmetic3A_49 = arith.shrsi %get3A_46, %shift_right_arithmetic3A_48 : vector<16xi32>
      %and3A_50 = arith.constant 127 : i32
      %and3A_51 = vector.broadcast %and3A_50 : i32 to vector<16xi32>
      %and3A_52 = arith.andi %get3A_46, %and3A_51 : vector<16xi32>
      tpu.vector_store_idx %arg5[%shift_right_arithmetic3A_49, %and3A_52], %broadcast_in_dim3A_1 {add = true} : memref<79x128xf32, #tpu.memory_space<vmem>>[vector<16xi32>, vector<16xi32>], vector<16xf32>,
    }
    %scan3A_5 = arith.constant 128 : i32
    "tpu.region"() ({
      %run_scoped3A_6 = tpu.sem_alloc : memref<!tpu.dma_semaphore, #tpu.memory_space<semaphore_mem>>
      %dma_start3A = arith.constant 0 : i32
      %dma_start3A_7 = arith.constant 0 : i32
      %dma_start3A_8 = tpu.memref_slice %arg4[%add3A, %dma_start3A, %dma_start3A_7] : memref<32x79x128xf32, #tpu.memory_space<hbm>> -> memref<1x79x128xf32, #tpu.memory_space<hbm>>
      %dma_start3A_9 = tpu.memref_squeeze %dma_start3A_8 : memref<1x79x128xf32, #tpu.memory_space<hbm>> -> memref<79x128xf32, #tpu.memory_space<hbm>>
      %dma_start3A_10 = arith.constant 0 : i32
      %dma_start3A_11 = arith.constant 0 : i32
      %dma_start3A_12 = tpu.memref_slice %arg4[%add3A, %dma_start3A_10, %dma_start3A_11] : memref<32x79x128xf32, #tpu.memory_space<hbm>> -> memref<1x79x128xf32, #tpu.memory_space<hbm>>
      %dma_start3A_13 = tpu.memref_squeeze %dma_start3A_12 : memref<1x79x128xf32, #tpu.memory_space<hbm>> -> memref<79x128xf32, #tpu.memory_space<hbm>>
      tpu.enqueue_dma source(%arg5 : memref<79x128xf32, #tpu.memory_space<vmem>>) target(%dma_start3A_13 : memref<79x128xf32, #tpu.memory_space<hbm>>) target_semaphore(%run_scoped3A_6 : memref<!tpu.dma_semaphore, #tpu.memory_space<semaphore_mem>>)
      %dma_wait3A = arith.constant 0 : i32
      %dma_wait3A_14 = arith.constant 0 : i32
      %dma_wait3A_15 = tpu.memref_slice %arg4[%add3A, %dma_wait3A, %dma_wait3A_14] : memref<32x79x128xf32, #tpu.memory_space<hbm>> -> memref<1x79x128xf32, #tpu.memory_space<hbm>>
      %dma_wait3A_16 = tpu.memref_squeeze %dma_wait3A_15 : memref<1x79x128xf32, #tpu.memory_space<hbm>> -> memref<79x128xf32, #tpu.memory_space<hbm>>
      %dma_wait3A_17 = arith.constant 0 : i32
      %dma_wait3A_18 = arith.constant 0 : i32
      %dma_wait3A_19 = tpu.memref_slice %arg4[%add3A, %dma_wait3A_17, %dma_wait3A_18] : memref<32x79x128xf32, #tpu.memory_space<hbm>> -> memref<1x79x128xf32, #tpu.memory_space<hbm>>
      %dma_wait3A_20 = tpu.memref_squeeze %dma_wait3A_19 : memref<1x79x128xf32, #tpu.memory_space<hbm>> -> memref<79x128xf32, #tpu.memory_space<hbm>>
      tpu.wait_dma2 semaphore(%run_scoped3A_6 : memref<!tpu.dma_semaphore, #tpu.memory_space<semaphore_mem>>) src(%arg5 : memref<79x128xf32, #tpu.memory_space<vmem>>) dst(%dma_wait3A_20 : memref<79x128xf32, #tpu.memory_space<hbm>>)
      tpu.yield
    }) : () -> ()
    return
  }
}

#map = affine_map<(d0, d1) -> (0, 0)>
#map1 = affine_map<(d0, d1) -> (0, 0, 0, 0)>
#map2 = affine_map<(d0, d1) -> (0, 0, 0)>
module attributes {stable_mosaic.version = 14 : i64} {
  func.func @prop_kernel(%arg0: i32, %arg1: i32, %arg2: memref<10000x128xf32, #tpu.memory_space<hbm>>, %arg3: memref<2x32x128x80xi32, #tpu.memory_space<hbm>>, %arg4: memref<80x128xf32, #tpu.memory_space<hbm>>, %arg5: memref<2x10112x128xf32, #tpu.memory_space<hbm>>, %arg6: memref<10112x128xf32, #tpu.memory_space<vmem_shared>>, %arg7: memref<80x128xf32, #tpu.memory_space<vmem>>, %arg8: memref<80x128xf32, #tpu.memory_space<vmem>>, %arg9: memref<80x128xf32, #tpu.memory_space<vmem>>, %arg10: memref<80x128xf32, #tpu.memory_space<vmem>>, %arg11: memref<8x80xi32, #tpu.memory_space<vmem>>, %arg12: memref<8x80xi32, #tpu.memory_space<vmem>>, %arg13: memref<8x80xi32, #tpu.memory_space<vmem>>, %arg14: memref<8x80xi32, #tpu.memory_space<vmem>>, %arg15: memref<!tpu.dma_semaphore, #tpu.memory_space<semaphore_mem>>, %arg16: memref<!tpu.dma_semaphore, #tpu.memory_space<semaphore_mem>>, %arg17: memref<!tpu.dma_semaphore, #tpu.memory_space<semaphore_mem>>, %arg18: memref<!tpu.dma_semaphore, #tpu.memory_space<semaphore_mem>>, %arg19: memref<!tpu.dma_semaphore, #tpu.memory_space<semaphore_mem>>, %arg20: memref<!tpu.dma_semaphore, #tpu.memory_space<semaphore_mem>>) attributes {dimension_semantics = [#tpu.dimension_semantics<core_parallel>, #tpu.dimension_semantics<subcore_parallel>], iteration_bounds = array<i64: 2, 16>, scalar_prefetch = 0 : i64, scratch_operands = 15 : i64, tpu.core_type = #tpu.core_type<sc_vector_subcore>, window_params = [{transform_indices = #map}, {transform_indices = #map1}, {transform_indices = #map}, {transform_indices = #map2}]} {
    %mul3A = arith.constant 16 : i32
    %mul3A_0 = arith.muli %arg0, %mul3A : i32
    %add3A = arith.addi %mul3A_0, %arg1 : i32
    %mul3A_1 = arith.constant 632 : i32
    %mul3A_2 = arith.muli %arg1, %mul3A_1 : i32
    %dma_start3A = arith.constant 0 : i32
    %dma_start3A_3 = arith.constant 0 : i32
    %dma_start3A_4 = arith.constant 0 : i32
    %dma_start3A_5 = tpu.memref_slice %arg3[%dma_start3A, %add3A, %dma_start3A_3, %dma_start3A_4] : memref<2x32x128x80xi32, #tpu.memory_space<hbm>> -> memref<1x1x128x80xi32, #tpu.memory_space<hbm>>
    %dma_start3A_6 = tpu.memref_squeeze %dma_start3A_5 : memref<1x1x128x80xi32, #tpu.memory_space<hbm>> -> memref<128x80xi32, #tpu.memory_space<hbm>>
    %dma_start3A_7 = arith.constant 0 : i32
    %dma_start3A_8 = arith.constant 0 : i32
    %dma_start3A_9 = tpu.memref_slice %dma_start3A_6[%dma_start3A_7, %dma_start3A_8] : memref<128x80xi32, #tpu.memory_space<hbm>> -> memref<8x80xi32, #tpu.memory_space<hbm>>
    %dma_start3A_10 = arith.constant 0 : i32
    %dma_start3A_11 = arith.constant 0 : i32
    %dma_start3A_12 = tpu.memref_slice %arg3[%dma_start3A, %add3A, %dma_start3A_10, %dma_start3A_11] : memref<2x32x128x80xi32, #tpu.memory_space<hbm>> -> memref<1x1x128x80xi32, #tpu.memory_space<hbm>>
    %dma_start3A_13 = tpu.memref_squeeze %dma_start3A_12 : memref<1x1x128x80xi32, #tpu.memory_space<hbm>> -> memref<128x80xi32, #tpu.memory_space<hbm>>
    %dma_start3A_14 = arith.constant 0 : i32
    %dma_start3A_15 = arith.constant 0 : i32
    %dma_start3A_16 = tpu.memref_slice %dma_start3A_13[%dma_start3A_14, %dma_start3A_15] : memref<128x80xi32, #tpu.memory_space<hbm>> -> memref<8x80xi32, #tpu.memory_space<hbm>>
    tpu.enqueue_dma source(%dma_start3A_16 : memref<8x80xi32, #tpu.memory_space<hbm>>) target(%arg11 : memref<8x80xi32, #tpu.memory_space<vmem>>) target_semaphore(%arg19 : memref<!tpu.dma_semaphore, #tpu.memory_space<semaphore_mem>>)
    %dma_start3A_17 = arith.constant 1 : i32
    %dma_start3A_18 = arith.constant 0 : i32
    %dma_start3A_19 = arith.constant 0 : i32
    %dma_start3A_20 = tpu.memref_slice %arg3[%dma_start3A_17, %add3A, %dma_start3A_18, %dma_start3A_19] : memref<2x32x128x80xi32, #tpu.memory_space<hbm>> -> memref<1x1x128x80xi32, #tpu.memory_space<hbm>>
    %dma_start3A_21 = tpu.memref_squeeze %dma_start3A_20 : memref<1x1x128x80xi32, #tpu.memory_space<hbm>> -> memref<128x80xi32, #tpu.memory_space<hbm>>
    %dma_start3A_22 = arith.constant 0 : i32
    %dma_start3A_23 = arith.constant 0 : i32
    %dma_start3A_24 = tpu.memref_slice %dma_start3A_21[%dma_start3A_22, %dma_start3A_23] : memref<128x80xi32, #tpu.memory_space<hbm>> -> memref<8x80xi32, #tpu.memory_space<hbm>>
    %dma_start3A_25 = arith.constant 0 : i32
    %dma_start3A_26 = arith.constant 0 : i32
    %dma_start3A_27 = tpu.memref_slice %arg3[%dma_start3A_17, %add3A, %dma_start3A_25, %dma_start3A_26] : memref<2x32x128x80xi32, #tpu.memory_space<hbm>> -> memref<1x1x128x80xi32, #tpu.memory_space<hbm>>
    %dma_start3A_28 = tpu.memref_squeeze %dma_start3A_27 : memref<1x1x128x80xi32, #tpu.memory_space<hbm>> -> memref<128x80xi32, #tpu.memory_space<hbm>>
    %dma_start3A_29 = arith.constant 0 : i32
    %dma_start3A_30 = arith.constant 0 : i32
    %dma_start3A_31 = tpu.memref_slice %dma_start3A_28[%dma_start3A_29, %dma_start3A_30] : memref<128x80xi32, #tpu.memory_space<hbm>> -> memref<8x80xi32, #tpu.memory_space<hbm>>
    tpu.enqueue_dma source(%dma_start3A_31 : memref<8x80xi32, #tpu.memory_space<hbm>>) target(%arg13 : memref<8x80xi32, #tpu.memory_space<vmem>>) target_semaphore(%arg19 : memref<!tpu.dma_semaphore, #tpu.memory_space<semaphore_mem>>)
    %dma_start3A_32 = arith.constant 0 : i32
    %dma_start3A_33 = arith.constant 0 : i32
    %dma_start3A_34 = arith.constant 0 : i32
    %dma_start3A_35 = tpu.memref_slice %arg3[%dma_start3A_32, %add3A, %dma_start3A_33, %dma_start3A_34] : memref<2x32x128x80xi32, #tpu.memory_space<hbm>> -> memref<1x1x128x80xi32, #tpu.memory_space<hbm>>
    %dma_start3A_36 = tpu.memref_squeeze %dma_start3A_35 : memref<1x1x128x80xi32, #tpu.memory_space<hbm>> -> memref<128x80xi32, #tpu.memory_space<hbm>>
    %dma_start3A_37 = arith.constant 8 : i32
    %dma_start3A_38 = arith.constant 0 : i32
    %dma_start3A_39 = tpu.memref_slice %dma_start3A_36[%dma_start3A_37, %dma_start3A_38] : memref<128x80xi32, #tpu.memory_space<hbm>> -> memref<8x80xi32, #tpu.memory_space<hbm>>
    %dma_start3A_40 = arith.constant 0 : i32
    %dma_start3A_41 = arith.constant 0 : i32
    %dma_start3A_42 = tpu.memref_slice %arg3[%dma_start3A_32, %add3A, %dma_start3A_40, %dma_start3A_41] : memref<2x32x128x80xi32, #tpu.memory_space<hbm>> -> memref<1x1x128x80xi32, #tpu.memory_space<hbm>>
    %dma_start3A_43 = tpu.memref_squeeze %dma_start3A_42 : memref<1x1x128x80xi32, #tpu.memory_space<hbm>> -> memref<128x80xi32, #tpu.memory_space<hbm>>
    %dma_start3A_44 = arith.constant 8 : i32
    %dma_start3A_45 = arith.constant 0 : i32
    %dma_start3A_46 = tpu.memref_slice %dma_start3A_43[%dma_start3A_44, %dma_start3A_45] : memref<128x80xi32, #tpu.memory_space<hbm>> -> memref<8x80xi32, #tpu.memory_space<hbm>>
    tpu.enqueue_dma source(%dma_start3A_46 : memref<8x80xi32, #tpu.memory_space<hbm>>) target(%arg12 : memref<8x80xi32, #tpu.memory_space<vmem>>) target_semaphore(%arg20 : memref<!tpu.dma_semaphore, #tpu.memory_space<semaphore_mem>>)
    %dma_start3A_47 = arith.constant 1 : i32
    %dma_start3A_48 = arith.constant 0 : i32
    %dma_start3A_49 = arith.constant 0 : i32
    %dma_start3A_50 = tpu.memref_slice %arg3[%dma_start3A_47, %add3A, %dma_start3A_48, %dma_start3A_49] : memref<2x32x128x80xi32, #tpu.memory_space<hbm>> -> memref<1x1x128x80xi32, #tpu.memory_space<hbm>>
    %dma_start3A_51 = tpu.memref_squeeze %dma_start3A_50 : memref<1x1x128x80xi32, #tpu.memory_space<hbm>> -> memref<128x80xi32, #tpu.memory_space<hbm>>
    %dma_start3A_52 = arith.constant 8 : i32
    %dma_start3A_53 = arith.constant 0 : i32
    %dma_start3A_54 = tpu.memref_slice %dma_start3A_51[%dma_start3A_52, %dma_start3A_53] : memref<128x80xi32, #tpu.memory_space<hbm>> -> memref<8x80xi32, #tpu.memory_space<hbm>>
    %dma_start3A_55 = arith.constant 0 : i32
    %dma_start3A_56 = arith.constant 0 : i32
    %dma_start3A_57 = tpu.memref_slice %arg3[%dma_start3A_47, %add3A, %dma_start3A_55, %dma_start3A_56] : memref<2x32x128x80xi32, #tpu.memory_space<hbm>> -> memref<1x1x128x80xi32, #tpu.memory_space<hbm>>
    %dma_start3A_58 = tpu.memref_squeeze %dma_start3A_57 : memref<1x1x128x80xi32, #tpu.memory_space<hbm>> -> memref<128x80xi32, #tpu.memory_space<hbm>>
    %dma_start3A_59 = arith.constant 8 : i32
    %dma_start3A_60 = arith.constant 0 : i32
    %dma_start3A_61 = tpu.memref_slice %dma_start3A_58[%dma_start3A_59, %dma_start3A_60] : memref<128x80xi32, #tpu.memory_space<hbm>> -> memref<8x80xi32, #tpu.memory_space<hbm>>
    tpu.enqueue_dma source(%dma_start3A_61 : memref<8x80xi32, #tpu.memory_space<hbm>>) target(%arg14 : memref<8x80xi32, #tpu.memory_space<vmem>>) target_semaphore(%arg20 : memref<!tpu.dma_semaphore, #tpu.memory_space<semaphore_mem>>)
    "tpu.region"() ({
      %run_scoped3A = tpu.sem_alloc : memref<!tpu.dma_semaphore, #tpu.memory_space<semaphore_mem>>
      %dma_start3A_158 = arith.constant 0 : i32
      %dma_start3A_159 = arith.constant 0 : i32
      %dma_start3A_160 = tpu.memref_slice %arg7[%dma_start3A_158, %dma_start3A_159] : memref<80x128xf32, #tpu.memory_space<vmem>> -> memref<80x128xf32, #tpu.memory_space<vmem>>
      %dma_start3A_161 = arith.constant 0 : i32
      %dma_start3A_162 = arith.constant 0 : i32
      %dma_start3A_163 = tpu.memref_slice %arg7[%dma_start3A_161, %dma_start3A_162] : memref<80x128xf32, #tpu.memory_space<vmem>> -> memref<80x128xf32, #tpu.memory_space<vmem>>
      tpu.enqueue_dma source(%arg4 : memref<80x128xf32, #tpu.memory_space<hbm>>) target(%dma_start3A_163 : memref<80x128xf32, #tpu.memory_space<vmem>>) target_semaphore(%run_scoped3A : memref<!tpu.dma_semaphore, #tpu.memory_space<semaphore_mem>>)
      %dma_wait3A_164 = arith.constant 0 : i32
      %dma_wait3A_165 = arith.constant 0 : i32
      %dma_wait3A_166 = tpu.memref_slice %arg7[%dma_wait3A_164, %dma_wait3A_165] : memref<80x128xf32, #tpu.memory_space<vmem>> -> memref<80x128xf32, #tpu.memory_space<vmem>>
      %dma_wait3A_167 = arith.constant 0 : i32
      %dma_wait3A_168 = arith.constant 0 : i32
      %dma_wait3A_169 = tpu.memref_slice %arg7[%dma_wait3A_167, %dma_wait3A_168] : memref<80x128xf32, #tpu.memory_space<vmem>> -> memref<80x128xf32, #tpu.memory_space<vmem>>
      tpu.wait_dma2 semaphore(%run_scoped3A : memref<!tpu.dma_semaphore, #tpu.memory_space<semaphore_mem>>) src(%arg4 : memref<80x128xf32, #tpu.memory_space<hbm>>) dst(%dma_wait3A_169 : memref<80x128xf32, #tpu.memory_space<vmem>>)
      tpu.yield
    }) : () -> ()
    %mul3A_62 = arith.constant 632 : i32
    %mul3A_63 = arith.muli %arg1, %mul3A_62 : i32
    %add3A_64 = arith.constant 0 : i32
    %add3A_65 = arith.addi %mul3A_63, %add3A_64 : i32
    "tpu.region"() ({
      %run_scoped3A = tpu.sem_alloc : memref<!tpu.dma_semaphore, #tpu.memory_space<semaphore_mem>>
      %dma_start3A_158 = arith.constant 0 : i32
      %dma_start3A_159 = arith.constant 0 : i32
      %dma_start3A_160 = tpu.memref_slice %arg7[%dma_start3A_158, %dma_start3A_159] : memref<80x128xf32, #tpu.memory_space<vmem>> -> memref<80x128xf32, #tpu.memory_space<vmem>>
      %dma_start3A_161 = arith.constant 0 : i32
      %dma_start3A_162 = tpu.memref_slice %arg6[%add3A_65, %dma_start3A_161] : memref<10112x128xf32, #tpu.memory_space<vmem_shared>> -> memref<80x128xf32, #tpu.memory_space<vmem_shared>>
      %dma_start3A_163 = arith.constant 0 : i32
      %dma_start3A_164 = tpu.memref_slice %arg6[%add3A_65, %dma_start3A_163] : memref<10112x128xf32, #tpu.memory_space<vmem_shared>> -> memref<80x128xf32, #tpu.memory_space<vmem_shared>>
      %dma_start3A_165 = arith.constant 0 : i32
      %dma_start3A_166 = arith.constant 0 : i32
      %dma_start3A_167 = tpu.memref_slice %arg7[%dma_start3A_165, %dma_start3A_166] : memref<80x128xf32, #tpu.memory_space<vmem>> -> memref<80x128xf32, #tpu.memory_space<vmem>>
      tpu.enqueue_dma source(%dma_start3A_167 : memref<80x128xf32, #tpu.memory_space<vmem>>) target(%dma_start3A_164 : memref<80x128xf32, #tpu.memory_space<vmem_shared>>) target_semaphore(%run_scoped3A : memref<!tpu.dma_semaphore, #tpu.memory_space<semaphore_mem>>)
      %dma_wait3A_168 = arith.constant 0 : i32
      %dma_wait3A_169 = arith.constant 0 : i32
      %dma_wait3A_170 = tpu.memref_slice %arg7[%dma_wait3A_168, %dma_wait3A_169] : memref<80x128xf32, #tpu.memory_space<vmem>> -> memref<80x128xf32, #tpu.memory_space<vmem>>
      %dma_wait3A_171 = arith.constant 0 : i32
      %dma_wait3A_172 = tpu.memref_slice %arg6[%add3A_65, %dma_wait3A_171] : memref<10112x128xf32, #tpu.memory_space<vmem_shared>> -> memref<80x128xf32, #tpu.memory_space<vmem_shared>>
      %dma_wait3A_173 = arith.constant 0 : i32
      %dma_wait3A_174 = tpu.memref_slice %arg6[%add3A_65, %dma_wait3A_173] : memref<10112x128xf32, #tpu.memory_space<vmem_shared>> -> memref<80x128xf32, #tpu.memory_space<vmem_shared>>
      %dma_wait3A_175 = arith.constant 0 : i32
      %dma_wait3A_176 = arith.constant 0 : i32
      %dma_wait3A_177 = tpu.memref_slice %arg7[%dma_wait3A_175, %dma_wait3A_176] : memref<80x128xf32, #tpu.memory_space<vmem>> -> memref<80x128xf32, #tpu.memory_space<vmem>>
      tpu.wait_dma2 semaphore(%run_scoped3A : memref<!tpu.dma_semaphore, #tpu.memory_space<semaphore_mem>>) src(%dma_wait3A_177 : memref<80x128xf32, #tpu.memory_space<vmem>>) dst(%dma_wait3A_174 : memref<80x128xf32, #tpu.memory_space<vmem_shared>>)
      tpu.yield
    }) : () -> ()
    %mul3A_66 = arith.constant 632 : i32
    %mul3A_67 = arith.muli %arg1, %mul3A_66 : i32
    %add3A_68 = arith.constant 80 : i32
    %add3A_69 = arith.addi %mul3A_67, %add3A_68 : i32
    "tpu.region"() ({
      %run_scoped3A = tpu.sem_alloc : memref<!tpu.dma_semaphore, #tpu.memory_space<semaphore_mem>>
      %dma_start3A_158 = arith.constant 0 : i32
      %dma_start3A_159 = arith.constant 0 : i32
      %dma_start3A_160 = tpu.memref_slice %arg7[%dma_start3A_158, %dma_start3A_159] : memref<80x128xf32, #tpu.memory_space<vmem>> -> memref<80x128xf32, #tpu.memory_space<vmem>>
      %dma_start3A_161 = arith.constant 0 : i32
      %dma_start3A_162 = tpu.memref_slice %arg6[%add3A_69, %dma_start3A_161] : memref<10112x128xf32, #tpu.memory_space<vmem_shared>> -> memref<80x128xf32, #tpu.memory_space<vmem_shared>>
      %dma_start3A_163 = arith.constant 0 : i32
      %dma_start3A_164 = tpu.memref_slice %arg6[%add3A_69, %dma_start3A_163] : memref<10112x128xf32, #tpu.memory_space<vmem_shared>> -> memref<80x128xf32, #tpu.memory_space<vmem_shared>>
      %dma_start3A_165 = arith.constant 0 : i32
      %dma_start3A_166 = arith.constant 0 : i32
      %dma_start3A_167 = tpu.memref_slice %arg7[%dma_start3A_165, %dma_start3A_166] : memref<80x128xf32, #tpu.memory_space<vmem>> -> memref<80x128xf32, #tpu.memory_space<vmem>>
      tpu.enqueue_dma source(%dma_start3A_167 : memref<80x128xf32, #tpu.memory_space<vmem>>) target(%dma_start3A_164 : memref<80x128xf32, #tpu.memory_space<vmem_shared>>) target_semaphore(%run_scoped3A : memref<!tpu.dma_semaphore, #tpu.memory_space<semaphore_mem>>)
      %dma_wait3A_168 = arith.constant 0 : i32
      %dma_wait3A_169 = arith.constant 0 : i32
      %dma_wait3A_170 = tpu.memref_slice %arg7[%dma_wait3A_168, %dma_wait3A_169] : memref<80x128xf32, #tpu.memory_space<vmem>> -> memref<80x128xf32, #tpu.memory_space<vmem>>
      %dma_wait3A_171 = arith.constant 0 : i32
      %dma_wait3A_172 = tpu.memref_slice %arg6[%add3A_69, %dma_wait3A_171] : memref<10112x128xf32, #tpu.memory_space<vmem_shared>> -> memref<80x128xf32, #tpu.memory_space<vmem_shared>>
      %dma_wait3A_173 = arith.constant 0 : i32
      %dma_wait3A_174 = tpu.memref_slice %arg6[%add3A_69, %dma_wait3A_173] : memref<10112x128xf32, #tpu.memory_space<vmem_shared>> -> memref<80x128xf32, #tpu.memory_space<vmem_shared>>
      %dma_wait3A_175 = arith.constant 0 : i32
      %dma_wait3A_176 = arith.constant 0 : i32
      %dma_wait3A_177 = tpu.memref_slice %arg7[%dma_wait3A_175, %dma_wait3A_176] : memref<80x128xf32, #tpu.memory_space<vmem>> -> memref<80x128xf32, #tpu.memory_space<vmem>>
      tpu.wait_dma2 semaphore(%run_scoped3A : memref<!tpu.dma_semaphore, #tpu.memory_space<semaphore_mem>>) src(%dma_wait3A_177 : memref<80x128xf32, #tpu.memory_space<vmem>>) dst(%dma_wait3A_174 : memref<80x128xf32, #tpu.memory_space<vmem_shared>>)
      tpu.yield
    }) : () -> ()
    %mul3A_70 = arith.constant 632 : i32
    %mul3A_71 = arith.muli %arg1, %mul3A_70 : i32
    %add3A_72 = arith.constant 160 : i32
    %add3A_73 = arith.addi %mul3A_71, %add3A_72 : i32
    "tpu.region"() ({
      %run_scoped3A = tpu.sem_alloc : memref<!tpu.dma_semaphore, #tpu.memory_space<semaphore_mem>>
      %dma_start3A_158 = arith.constant 0 : i32
      %dma_start3A_159 = arith.constant 0 : i32
      %dma_start3A_160 = tpu.memref_slice %arg7[%dma_start3A_158, %dma_start3A_159] : memref<80x128xf32, #tpu.memory_space<vmem>> -> memref<80x128xf32, #tpu.memory_space<vmem>>
      %dma_start3A_161 = arith.constant 0 : i32
      %dma_start3A_162 = tpu.memref_slice %arg6[%add3A_73, %dma_start3A_161] : memref<10112x128xf32, #tpu.memory_space<vmem_shared>> -> memref<80x128xf32, #tpu.memory_space<vmem_shared>>
      %dma_start3A_163 = arith.constant 0 : i32
      %dma_start3A_164 = tpu.memref_slice %arg6[%add3A_73, %dma_start3A_163] : memref<10112x128xf32, #tpu.memory_space<vmem_shared>> -> memref<80x128xf32, #tpu.memory_space<vmem_shared>>
      %dma_start3A_165 = arith.constant 0 : i32
      %dma_start3A_166 = arith.constant 0 : i32
      %dma_start3A_167 = tpu.memref_slice %arg7[%dma_start3A_165, %dma_start3A_166] : memref<80x128xf32, #tpu.memory_space<vmem>> -> memref<80x128xf32, #tpu.memory_space<vmem>>
      tpu.enqueue_dma source(%dma_start3A_167 : memref<80x128xf32, #tpu.memory_space<vmem>>) target(%dma_start3A_164 : memref<80x128xf32, #tpu.memory_space<vmem_shared>>) target_semaphore(%run_scoped3A : memref<!tpu.dma_semaphore, #tpu.memory_space<semaphore_mem>>)
      %dma_wait3A_168 = arith.constant 0 : i32
      %dma_wait3A_169 = arith.constant 0 : i32
      %dma_wait3A_170 = tpu.memref_slice %arg7[%dma_wait3A_168, %dma_wait3A_169] : memref<80x128xf32, #tpu.memory_space<vmem>> -> memref<80x128xf32, #tpu.memory_space<vmem>>
      %dma_wait3A_171 = arith.constant 0 : i32
      %dma_wait3A_172 = tpu.memref_slice %arg6[%add3A_73, %dma_wait3A_171] : memref<10112x128xf32, #tpu.memory_space<vmem_shared>> -> memref<80x128xf32, #tpu.memory_space<vmem_shared>>
      %dma_wait3A_173 = arith.constant 0 : i32
      %dma_wait3A_174 = tpu.memref_slice %arg6[%add3A_73, %dma_wait3A_173] : memref<10112x128xf32, #tpu.memory_space<vmem_shared>> -> memref<80x128xf32, #tpu.memory_space<vmem_shared>>
      %dma_wait3A_175 = arith.constant 0 : i32
      %dma_wait3A_176 = arith.constant 0 : i32
      %dma_wait3A_177 = tpu.memref_slice %arg7[%dma_wait3A_175, %dma_wait3A_176] : memref<80x128xf32, #tpu.memory_space<vmem>> -> memref<80x128xf32, #tpu.memory_space<vmem>>
      tpu.wait_dma2 semaphore(%run_scoped3A : memref<!tpu.dma_semaphore, #tpu.memory_space<semaphore_mem>>) src(%dma_wait3A_177 : memref<80x128xf32, #tpu.memory_space<vmem>>) dst(%dma_wait3A_174 : memref<80x128xf32, #tpu.memory_space<vmem_shared>>)
      tpu.yield
    }) : () -> ()
    %mul3A_74 = arith.constant 632 : i32
    %mul3A_75 = arith.muli %arg1, %mul3A_74 : i32
    %add3A_76 = arith.constant 240 : i32
    %add3A_77 = arith.addi %mul3A_75, %add3A_76 : i32
    "tpu.region"() ({
      %run_scoped3A = tpu.sem_alloc : memref<!tpu.dma_semaphore, #tpu.memory_space<semaphore_mem>>
      %dma_start3A_158 = arith.constant 0 : i32
      %dma_start3A_159 = arith.constant 0 : i32
      %dma_start3A_160 = tpu.memref_slice %arg7[%dma_start3A_158, %dma_start3A_159] : memref<80x128xf32, #tpu.memory_space<vmem>> -> memref<80x128xf32, #tpu.memory_space<vmem>>
      %dma_start3A_161 = arith.constant 0 : i32
      %dma_start3A_162 = tpu.memref_slice %arg6[%add3A_77, %dma_start3A_161] : memref<10112x128xf32, #tpu.memory_space<vmem_shared>> -> memref<80x128xf32, #tpu.memory_space<vmem_shared>>
      %dma_start3A_163 = arith.constant 0 : i32
      %dma_start3A_164 = tpu.memref_slice %arg6[%add3A_77, %dma_start3A_163] : memref<10112x128xf32, #tpu.memory_space<vmem_shared>> -> memref<80x128xf32, #tpu.memory_space<vmem_shared>>
      %dma_start3A_165 = arith.constant 0 : i32
      %dma_start3A_166 = arith.constant 0 : i32
      %dma_start3A_167 = tpu.memref_slice %arg7[%dma_start3A_165, %dma_start3A_166] : memref<80x128xf32, #tpu.memory_space<vmem>> -> memref<80x128xf32, #tpu.memory_space<vmem>>
      tpu.enqueue_dma source(%dma_start3A_167 : memref<80x128xf32, #tpu.memory_space<vmem>>) target(%dma_start3A_164 : memref<80x128xf32, #tpu.memory_space<vmem_shared>>) target_semaphore(%run_scoped3A : memref<!tpu.dma_semaphore, #tpu.memory_space<semaphore_mem>>)
      %dma_wait3A_168 = arith.constant 0 : i32
      %dma_wait3A_169 = arith.constant 0 : i32
      %dma_wait3A_170 = tpu.memref_slice %arg7[%dma_wait3A_168, %dma_wait3A_169] : memref<80x128xf32, #tpu.memory_space<vmem>> -> memref<80x128xf32, #tpu.memory_space<vmem>>
      %dma_wait3A_171 = arith.constant 0 : i32
      %dma_wait3A_172 = tpu.memref_slice %arg6[%add3A_77, %dma_wait3A_171] : memref<10112x128xf32, #tpu.memory_space<vmem_shared>> -> memref<80x128xf32, #tpu.memory_space<vmem_shared>>
      %dma_wait3A_173 = arith.constant 0 : i32
      %dma_wait3A_174 = tpu.memref_slice %arg6[%add3A_77, %dma_wait3A_173] : memref<10112x128xf32, #tpu.memory_space<vmem_shared>> -> memref<80x128xf32, #tpu.memory_space<vmem_shared>>
      %dma_wait3A_175 = arith.constant 0 : i32
      %dma_wait3A_176 = arith.constant 0 : i32
      %dma_wait3A_177 = tpu.memref_slice %arg7[%dma_wait3A_175, %dma_wait3A_176] : memref<80x128xf32, #tpu.memory_space<vmem>> -> memref<80x128xf32, #tpu.memory_space<vmem>>
      tpu.wait_dma2 semaphore(%run_scoped3A : memref<!tpu.dma_semaphore, #tpu.memory_space<semaphore_mem>>) src(%dma_wait3A_177 : memref<80x128xf32, #tpu.memory_space<vmem>>) dst(%dma_wait3A_174 : memref<80x128xf32, #tpu.memory_space<vmem_shared>>)
      tpu.yield
    }) : () -> ()
    %mul3A_78 = arith.constant 632 : i32
    %mul3A_79 = arith.muli %arg1, %mul3A_78 : i32
    %add3A_80 = arith.constant 320 : i32
    %add3A_81 = arith.addi %mul3A_79, %add3A_80 : i32
    "tpu.region"() ({
      %run_scoped3A = tpu.sem_alloc : memref<!tpu.dma_semaphore, #tpu.memory_space<semaphore_mem>>
      %dma_start3A_158 = arith.constant 0 : i32
      %dma_start3A_159 = arith.constant 0 : i32
      %dma_start3A_160 = tpu.memref_slice %arg7[%dma_start3A_158, %dma_start3A_159] : memref<80x128xf32, #tpu.memory_space<vmem>> -> memref<80x128xf32, #tpu.memory_space<vmem>>
      %dma_start3A_161 = arith.constant 0 : i32
      %dma_start3A_162 = tpu.memref_slice %arg6[%add3A_81, %dma_start3A_161] : memref<10112x128xf32, #tpu.memory_space<vmem_shared>> -> memref<80x128xf32, #tpu.memory_space<vmem_shared>>
      %dma_start3A_163 = arith.constant 0 : i32
      %dma_start3A_164 = tpu.memref_slice %arg6[%add3A_81, %dma_start3A_163] : memref<10112x128xf32, #tpu.memory_space<vmem_shared>> -> memref<80x128xf32, #tpu.memory_space<vmem_shared>>
      %dma_start3A_165 = arith.constant 0 : i32
      %dma_start3A_166 = arith.constant 0 : i32
      %dma_start3A_167 = tpu.memref_slice %arg7[%dma_start3A_165, %dma_start3A_166] : memref<80x128xf32, #tpu.memory_space<vmem>> -> memref<80x128xf32, #tpu.memory_space<vmem>>
      tpu.enqueue_dma source(%dma_start3A_167 : memref<80x128xf32, #tpu.memory_space<vmem>>) target(%dma_start3A_164 : memref<80x128xf32, #tpu.memory_space<vmem_shared>>) target_semaphore(%run_scoped3A : memref<!tpu.dma_semaphore, #tpu.memory_space<semaphore_mem>>)
      %dma_wait3A_168 = arith.constant 0 : i32
      %dma_wait3A_169 = arith.constant 0 : i32
      %dma_wait3A_170 = tpu.memref_slice %arg7[%dma_wait3A_168, %dma_wait3A_169] : memref<80x128xf32, #tpu.memory_space<vmem>> -> memref<80x128xf32, #tpu.memory_space<vmem>>
      %dma_wait3A_171 = arith.constant 0 : i32
      %dma_wait3A_172 = tpu.memref_slice %arg6[%add3A_81, %dma_wait3A_171] : memref<10112x128xf32, #tpu.memory_space<vmem_shared>> -> memref<80x128xf32, #tpu.memory_space<vmem_shared>>
      %dma_wait3A_173 = arith.constant 0 : i32
      %dma_wait3A_174 = tpu.memref_slice %arg6[%add3A_81, %dma_wait3A_173] : memref<10112x128xf32, #tpu.memory_space<vmem_shared>> -> memref<80x128xf32, #tpu.memory_space<vmem_shared>>
      %dma_wait3A_175 = arith.constant 0 : i32
      %dma_wait3A_176 = arith.constant 0 : i32
      %dma_wait3A_177 = tpu.memref_slice %arg7[%dma_wait3A_175, %dma_wait3A_176] : memref<80x128xf32, #tpu.memory_space<vmem>> -> memref<80x128xf32, #tpu.memory_space<vmem>>
      tpu.wait_dma2 semaphore(%run_scoped3A : memref<!tpu.dma_semaphore, #tpu.memory_space<semaphore_mem>>) src(%dma_wait3A_177 : memref<80x128xf32, #tpu.memory_space<vmem>>) dst(%dma_wait3A_174 : memref<80x128xf32, #tpu.memory_space<vmem_shared>>)
      tpu.yield
    }) : () -> ()
    %mul3A_82 = arith.constant 632 : i32
    %mul3A_83 = arith.muli %arg1, %mul3A_82 : i32
    %add3A_84 = arith.constant 400 : i32
    %add3A_85 = arith.addi %mul3A_83, %add3A_84 : i32
    "tpu.region"() ({
      %run_scoped3A = tpu.sem_alloc : memref<!tpu.dma_semaphore, #tpu.memory_space<semaphore_mem>>
      %dma_start3A_158 = arith.constant 0 : i32
      %dma_start3A_159 = arith.constant 0 : i32
      %dma_start3A_160 = tpu.memref_slice %arg7[%dma_start3A_158, %dma_start3A_159] : memref<80x128xf32, #tpu.memory_space<vmem>> -> memref<80x128xf32, #tpu.memory_space<vmem>>
      %dma_start3A_161 = arith.constant 0 : i32
      %dma_start3A_162 = tpu.memref_slice %arg6[%add3A_85, %dma_start3A_161] : memref<10112x128xf32, #tpu.memory_space<vmem_shared>> -> memref<80x128xf32, #tpu.memory_space<vmem_shared>>
      %dma_start3A_163 = arith.constant 0 : i32
      %dma_start3A_164 = tpu.memref_slice %arg6[%add3A_85, %dma_start3A_163] : memref<10112x128xf32, #tpu.memory_space<vmem_shared>> -> memref<80x128xf32, #tpu.memory_space<vmem_shared>>
      %dma_start3A_165 = arith.constant 0 : i32
      %dma_start3A_166 = arith.constant 0 : i32
      %dma_start3A_167 = tpu.memref_slice %arg7[%dma_start3A_165, %dma_start3A_166] : memref<80x128xf32, #tpu.memory_space<vmem>> -> memref<80x128xf32, #tpu.memory_space<vmem>>
      tpu.enqueue_dma source(%dma_start3A_167 : memref<80x128xf32, #tpu.memory_space<vmem>>) target(%dma_start3A_164 : memref<80x128xf32, #tpu.memory_space<vmem_shared>>) target_semaphore(%run_scoped3A : memref<!tpu.dma_semaphore, #tpu.memory_space<semaphore_mem>>)
      %dma_wait3A_168 = arith.constant 0 : i32
      %dma_wait3A_169 = arith.constant 0 : i32
      %dma_wait3A_170 = tpu.memref_slice %arg7[%dma_wait3A_168, %dma_wait3A_169] : memref<80x128xf32, #tpu.memory_space<vmem>> -> memref<80x128xf32, #tpu.memory_space<vmem>>
      %dma_wait3A_171 = arith.constant 0 : i32
      %dma_wait3A_172 = tpu.memref_slice %arg6[%add3A_85, %dma_wait3A_171] : memref<10112x128xf32, #tpu.memory_space<vmem_shared>> -> memref<80x128xf32, #tpu.memory_space<vmem_shared>>
      %dma_wait3A_173 = arith.constant 0 : i32
      %dma_wait3A_174 = tpu.memref_slice %arg6[%add3A_85, %dma_wait3A_173] : memref<10112x128xf32, #tpu.memory_space<vmem_shared>> -> memref<80x128xf32, #tpu.memory_space<vmem_shared>>
      %dma_wait3A_175 = arith.constant 0 : i32
      %dma_wait3A_176 = arith.constant 0 : i32
      %dma_wait3A_177 = tpu.memref_slice %arg7[%dma_wait3A_175, %dma_wait3A_176] : memref<80x128xf32, #tpu.memory_space<vmem>> -> memref<80x128xf32, #tpu.memory_space<vmem>>
      tpu.wait_dma2 semaphore(%run_scoped3A : memref<!tpu.dma_semaphore, #tpu.memory_space<semaphore_mem>>) src(%dma_wait3A_177 : memref<80x128xf32, #tpu.memory_space<vmem>>) dst(%dma_wait3A_174 : memref<80x128xf32, #tpu.memory_space<vmem_shared>>)
      tpu.yield
    }) : () -> ()
    %mul3A_86 = arith.constant 632 : i32
    %mul3A_87 = arith.muli %arg1, %mul3A_86 : i32
    %add3A_88 = arith.constant 480 : i32
    %add3A_89 = arith.addi %mul3A_87, %add3A_88 : i32
    "tpu.region"() ({
      %run_scoped3A = tpu.sem_alloc : memref<!tpu.dma_semaphore, #tpu.memory_space<semaphore_mem>>
      %dma_start3A_158 = arith.constant 0 : i32
      %dma_start3A_159 = arith.constant 0 : i32
      %dma_start3A_160 = tpu.memref_slice %arg7[%dma_start3A_158, %dma_start3A_159] : memref<80x128xf32, #tpu.memory_space<vmem>> -> memref<80x128xf32, #tpu.memory_space<vmem>>
      %dma_start3A_161 = arith.constant 0 : i32
      %dma_start3A_162 = tpu.memref_slice %arg6[%add3A_89, %dma_start3A_161] : memref<10112x128xf32, #tpu.memory_space<vmem_shared>> -> memref<80x128xf32, #tpu.memory_space<vmem_shared>>
      %dma_start3A_163 = arith.constant 0 : i32
      %dma_start3A_164 = tpu.memref_slice %arg6[%add3A_89, %dma_start3A_163] : memref<10112x128xf32, #tpu.memory_space<vmem_shared>> -> memref<80x128xf32, #tpu.memory_space<vmem_shared>>
      %dma_start3A_165 = arith.constant 0 : i32
      %dma_start3A_166 = arith.constant 0 : i32
      %dma_start3A_167 = tpu.memref_slice %arg7[%dma_start3A_165, %dma_start3A_166] : memref<80x128xf32, #tpu.memory_space<vmem>> -> memref<80x128xf32, #tpu.memory_space<vmem>>
      tpu.enqueue_dma source(%dma_start3A_167 : memref<80x128xf32, #tpu.memory_space<vmem>>) target(%dma_start3A_164 : memref<80x128xf32, #tpu.memory_space<vmem_shared>>) target_semaphore(%run_scoped3A : memref<!tpu.dma_semaphore, #tpu.memory_space<semaphore_mem>>)
      %dma_wait3A_168 = arith.constant 0 : i32
      %dma_wait3A_169 = arith.constant 0 : i32
      %dma_wait3A_170 = tpu.memref_slice %arg7[%dma_wait3A_168, %dma_wait3A_169] : memref<80x128xf32, #tpu.memory_space<vmem>> -> memref<80x128xf32, #tpu.memory_space<vmem>>
      %dma_wait3A_171 = arith.constant 0 : i32
      %dma_wait3A_172 = tpu.memref_slice %arg6[%add3A_89, %dma_wait3A_171] : memref<10112x128xf32, #tpu.memory_space<vmem_shared>> -> memref<80x128xf32, #tpu.memory_space<vmem_shared>>
      %dma_wait3A_173 = arith.constant 0 : i32
      %dma_wait3A_174 = tpu.memref_slice %arg6[%add3A_89, %dma_wait3A_173] : memref<10112x128xf32, #tpu.memory_space<vmem_shared>> -> memref<80x128xf32, #tpu.memory_space<vmem_shared>>
      %dma_wait3A_175 = arith.constant 0 : i32
      %dma_wait3A_176 = arith.constant 0 : i32
      %dma_wait3A_177 = tpu.memref_slice %arg7[%dma_wait3A_175, %dma_wait3A_176] : memref<80x128xf32, #tpu.memory_space<vmem>> -> memref<80x128xf32, #tpu.memory_space<vmem>>
      tpu.wait_dma2 semaphore(%run_scoped3A : memref<!tpu.dma_semaphore, #tpu.memory_space<semaphore_mem>>) src(%dma_wait3A_177 : memref<80x128xf32, #tpu.memory_space<vmem>>) dst(%dma_wait3A_174 : memref<80x128xf32, #tpu.memory_space<vmem_shared>>)
      tpu.yield
    }) : () -> ()
    %mul3A_90 = arith.constant 632 : i32
    %mul3A_91 = arith.muli %arg1, %mul3A_90 : i32
    %add3A_92 = arith.constant 560 : i32
    %add3A_93 = arith.addi %mul3A_91, %add3A_92 : i32
    "tpu.region"() ({
      %run_scoped3A = tpu.sem_alloc : memref<!tpu.dma_semaphore, #tpu.memory_space<semaphore_mem>>
      %dma_start3A_158 = arith.constant 0 : i32
      %dma_start3A_159 = arith.constant 0 : i32
      %dma_start3A_160 = tpu.memref_slice %arg7[%dma_start3A_158, %dma_start3A_159] : memref<80x128xf32, #tpu.memory_space<vmem>> -> memref<72x128xf32, #tpu.memory_space<vmem>>
      %dma_start3A_161 = arith.constant 0 : i32
      %dma_start3A_162 = tpu.memref_slice %arg6[%add3A_93, %dma_start3A_161] : memref<10112x128xf32, #tpu.memory_space<vmem_shared>> -> memref<72x128xf32, #tpu.memory_space<vmem_shared>>
      %dma_start3A_163 = arith.constant 0 : i32
      %dma_start3A_164 = tpu.memref_slice %arg6[%add3A_93, %dma_start3A_163] : memref<10112x128xf32, #tpu.memory_space<vmem_shared>> -> memref<72x128xf32, #tpu.memory_space<vmem_shared>>
      %dma_start3A_165 = arith.constant 0 : i32
      %dma_start3A_166 = arith.constant 0 : i32
      %dma_start3A_167 = tpu.memref_slice %arg7[%dma_start3A_165, %dma_start3A_166] : memref<80x128xf32, #tpu.memory_space<vmem>> -> memref<72x128xf32, #tpu.memory_space<vmem>>
      tpu.enqueue_dma source(%dma_start3A_167 : memref<72x128xf32, #tpu.memory_space<vmem>>) target(%dma_start3A_164 : memref<72x128xf32, #tpu.memory_space<vmem_shared>>) target_semaphore(%run_scoped3A : memref<!tpu.dma_semaphore, #tpu.memory_space<semaphore_mem>>)
      %dma_wait3A_168 = arith.constant 0 : i32
      %dma_wait3A_169 = arith.constant 0 : i32
      %dma_wait3A_170 = tpu.memref_slice %arg7[%dma_wait3A_168, %dma_wait3A_169] : memref<80x128xf32, #tpu.memory_space<vmem>> -> memref<72x128xf32, #tpu.memory_space<vmem>>
      %dma_wait3A_171 = arith.constant 0 : i32
      %dma_wait3A_172 = tpu.memref_slice %arg6[%add3A_93, %dma_wait3A_171] : memref<10112x128xf32, #tpu.memory_space<vmem_shared>> -> memref<72x128xf32, #tpu.memory_space<vmem_shared>>
      %dma_wait3A_173 = arith.constant 0 : i32
      %dma_wait3A_174 = tpu.memref_slice %arg6[%add3A_93, %dma_wait3A_173] : memref<10112x128xf32, #tpu.memory_space<vmem_shared>> -> memref<72x128xf32, #tpu.memory_space<vmem_shared>>
      %dma_wait3A_175 = arith.constant 0 : i32
      %dma_wait3A_176 = arith.constant 0 : i32
      %dma_wait3A_177 = tpu.memref_slice %arg7[%dma_wait3A_175, %dma_wait3A_176] : memref<80x128xf32, #tpu.memory_space<vmem>> -> memref<72x128xf32, #tpu.memory_space<vmem>>
      tpu.wait_dma2 semaphore(%run_scoped3A : memref<!tpu.dma_semaphore, #tpu.memory_space<semaphore_mem>>) src(%dma_wait3A_177 : memref<72x128xf32, #tpu.memory_space<vmem>>) dst(%dma_wait3A_174 : memref<72x128xf32, #tpu.memory_space<vmem_shared>>)
      tpu.yield
    }) : () -> ()
    %barrier3A = arith.constant 0 : index
    tpu.barrier barrier_id(%barrier3A)
    %dma_wait3A = arith.constant 0 : i32
    %dma_wait3A_94 = arith.constant 0 : i32
    %dma_wait3A_95 = arith.constant 0 : i32
    %dma_wait3A_96 = tpu.memref_slice %arg3[%dma_wait3A, %add3A, %dma_wait3A_94, %dma_wait3A_95] : memref<2x32x128x80xi32, #tpu.memory_space<hbm>> -> memref<1x1x128x80xi32, #tpu.memory_space<hbm>>
    %dma_wait3A_97 = tpu.memref_squeeze %dma_wait3A_96 : memref<1x1x128x80xi32, #tpu.memory_space<hbm>> -> memref<128x80xi32, #tpu.memory_space<hbm>>
    %dma_wait3A_98 = arith.constant 0 : i32
    %dma_wait3A_99 = arith.constant 0 : i32
    %dma_wait3A_100 = tpu.memref_slice %dma_wait3A_97[%dma_wait3A_98, %dma_wait3A_99] : memref<128x80xi32, #tpu.memory_space<hbm>> -> memref<8x80xi32, #tpu.memory_space<hbm>>
    %dma_wait3A_101 = arith.constant 0 : i32
    %dma_wait3A_102 = arith.constant 0 : i32
    %dma_wait3A_103 = tpu.memref_slice %arg3[%dma_wait3A, %add3A, %dma_wait3A_101, %dma_wait3A_102] : memref<2x32x128x80xi32, #tpu.memory_space<hbm>> -> memref<1x1x128x80xi32, #tpu.memory_space<hbm>>
    %dma_wait3A_104 = tpu.memref_squeeze %dma_wait3A_103 : memref<1x1x128x80xi32, #tpu.memory_space<hbm>> -> memref<128x80xi32, #tpu.memory_space<hbm>>
    %dma_wait3A_105 = arith.constant 0 : i32
    %dma_wait3A_106 = arith.constant 0 : i32
    %dma_wait3A_107 = tpu.memref_slice %dma_wait3A_104[%dma_wait3A_105, %dma_wait3A_106] : memref<128x80xi32, #tpu.memory_space<hbm>> -> memref<8x80xi32, #tpu.memory_space<hbm>>
    tpu.wait_dma2 semaphore(%arg19 : memref<!tpu.dma_semaphore, #tpu.memory_space<semaphore_mem>>) src(%dma_wait3A_107 : memref<8x80xi32, #tpu.memory_space<hbm>>) dst(%arg11 : memref<8x80xi32, #tpu.memory_space<vmem>>)
    %dma_wait3A_108 = arith.constant 1 : i32
    %dma_wait3A_109 = arith.constant 0 : i32
    %dma_wait3A_110 = arith.constant 0 : i32
    %dma_wait3A_111 = tpu.memref_slice %arg3[%dma_wait3A_108, %add3A, %dma_wait3A_109, %dma_wait3A_110] : memref<2x32x128x80xi32, #tpu.memory_space<hbm>> -> memref<1x1x128x80xi32, #tpu.memory_space<hbm>>
    %dma_wait3A_112 = tpu.memref_squeeze %dma_wait3A_111 : memref<1x1x128x80xi32, #tpu.memory_space<hbm>> -> memref<128x80xi32, #tpu.memory_space<hbm>>
    %dma_wait3A_113 = arith.constant 0 : i32
    %dma_wait3A_114 = arith.constant 0 : i32
    %dma_wait3A_115 = tpu.memref_slice %dma_wait3A_112[%dma_wait3A_113, %dma_wait3A_114] : memref<128x80xi32, #tpu.memory_space<hbm>> -> memref<8x80xi32, #tpu.memory_space<hbm>>
    %dma_wait3A_116 = arith.constant 0 : i32
    %dma_wait3A_117 = arith.constant 0 : i32
    %dma_wait3A_118 = tpu.memref_slice %arg3[%dma_wait3A_108, %add3A, %dma_wait3A_116, %dma_wait3A_117] : memref<2x32x128x80xi32, #tpu.memory_space<hbm>> -> memref<1x1x128x80xi32, #tpu.memory_space<hbm>>
    %dma_wait3A_119 = tpu.memref_squeeze %dma_wait3A_118 : memref<1x1x128x80xi32, #tpu.memory_space<hbm>> -> memref<128x80xi32, #tpu.memory_space<hbm>>
    %dma_wait3A_120 = arith.constant 0 : i32
    %dma_wait3A_121 = arith.constant 0 : i32
    %dma_wait3A_122 = tpu.memref_slice %dma_wait3A_119[%dma_wait3A_120, %dma_wait3A_121] : memref<128x80xi32, #tpu.memory_space<hbm>> -> memref<8x80xi32, #tpu.memory_space<hbm>>
    tpu.wait_dma2 semaphore(%arg19 : memref<!tpu.dma_semaphore, #tpu.memory_space<semaphore_mem>>) src(%dma_wait3A_122 : memref<8x80xi32, #tpu.memory_space<hbm>>) dst(%arg13 : memref<8x80xi32, #tpu.memory_space<vmem>>)
    %dma_start3A_123 = arith.constant 0 : i32
    %dma_start3A_124 = arith.constant 0 : i32
    %dma_start3A_125 = tpu.memref_slice %arg11[%dma_start3A_123, %dma_start3A_124] : memref<8x80xi32, #tpu.memory_space<vmem>> -> memref<1x80xi32, #tpu.memory_space<vmem>>
    %dma_start3A_126 = tpu.memref_squeeze %dma_start3A_125 : memref<1x80xi32, #tpu.memory_space<vmem>> -> memref<80xi32, #tpu.memory_space<vmem>>
    %dma_start3A_127 = arith.constant 0 : i32
    %dma_start3A_128 = arith.constant 0 : i32
    %dma_start3A_129 = tpu.memref_slice %arg2[%dma_start3A_127, %dma_start3A_128] : memref<10000x128xf32, #tpu.memory_space<hbm>> -> memref<10000x128xf32, #tpu.memory_space<hbm>>
    tpu.enqueue_indirect_dma source(%dma_start3A_129 : memref<10000x128xf32, #tpu.memory_space<hbm>>) target(%arg7 : memref<80x128xf32, #tpu.memory_space<vmem>>) offsets(%dma_start3A_126 : memref<80xi32, #tpu.memory_space<vmem>>) semaphore(%arg15 : memref<!tpu.dma_semaphore, #tpu.memory_space<semaphore_mem>>)
    %dma_start3A_130 = arith.constant 1 : i32
    %dma_start3A_131 = arith.constant 0 : i32
    %dma_start3A_132 = tpu.memref_slice %arg11[%dma_start3A_130, %dma_start3A_131] : memref<8x80xi32, #tpu.memory_space<vmem>> -> memref<1x80xi32, #tpu.memory_space<vmem>>
    %dma_start3A_133 = tpu.memref_squeeze %dma_start3A_132 : memref<1x80xi32, #tpu.memory_space<vmem>> -> memref<80xi32, #tpu.memory_space<vmem>>
    %dma_start3A_134 = arith.constant 0 : i32
    %dma_start3A_135 = arith.constant 0 : i32
    %dma_start3A_136 = tpu.memref_slice %arg2[%dma_start3A_134, %dma_start3A_135] : memref<10000x128xf32, #tpu.memory_space<hbm>> -> memref<10000x128xf32, #tpu.memory_space<hbm>>
    tpu.enqueue_indirect_dma source(%dma_start3A_136 : memref<10000x128xf32, #tpu.memory_space<hbm>>) target(%arg8 : memref<80x128xf32, #tpu.memory_space<vmem>>) offsets(%dma_start3A_133 : memref<80xi32, #tpu.memory_space<vmem>>) semaphore(%arg16 : memref<!tpu.dma_semaphore, #tpu.memory_space<semaphore_mem>>)
    %dma_start3A_137 = arith.constant 2 : i32
    %dma_start3A_138 = arith.constant 0 : i32
    %dma_start3A_139 = tpu.memref_slice %arg11[%dma_start3A_137, %dma_start3A_138] : memref<8x80xi32, #tpu.memory_space<vmem>> -> memref<1x80xi32, #tpu.memory_space<vmem>>
    %dma_start3A_140 = tpu.memref_squeeze %dma_start3A_139 : memref<1x80xi32, #tpu.memory_space<vmem>> -> memref<80xi32, #tpu.memory_space<vmem>>
    %dma_start3A_141 = arith.constant 0 : i32
    %dma_start3A_142 = arith.constant 0 : i32
    %dma_start3A_143 = tpu.memref_slice %arg2[%dma_start3A_141, %dma_start3A_142] : memref<10000x128xf32, #tpu.memory_space<hbm>> -> memref<10000x128xf32, #tpu.memory_space<hbm>>
    tpu.enqueue_indirect_dma source(%dma_start3A_143 : memref<10000x128xf32, #tpu.memory_space<hbm>>) target(%arg9 : memref<80x128xf32, #tpu.memory_space<vmem>>) offsets(%dma_start3A_140 : memref<80xi32, #tpu.memory_space<vmem>>) semaphore(%arg17 : memref<!tpu.dma_semaphore, #tpu.memory_space<semaphore_mem>>)
    %dma_start3A_144 = arith.constant 3 : i32
    %dma_start3A_145 = arith.constant 0 : i32
    %dma_start3A_146 = tpu.memref_slice %arg11[%dma_start3A_144, %dma_start3A_145] : memref<8x80xi32, #tpu.memory_space<vmem>> -> memref<1x80xi32, #tpu.memory_space<vmem>>
    %dma_start3A_147 = tpu.memref_squeeze %dma_start3A_146 : memref<1x80xi32, #tpu.memory_space<vmem>> -> memref<80xi32, #tpu.memory_space<vmem>>
    %dma_start3A_148 = arith.constant 0 : i32
    %dma_start3A_149 = arith.constant 0 : i32
    %dma_start3A_150 = tpu.memref_slice %arg2[%dma_start3A_148, %dma_start3A_149] : memref<10000x128xf32, #tpu.memory_space<hbm>> -> memref<10000x128xf32, #tpu.memory_space<hbm>>
    tpu.enqueue_indirect_dma source(%dma_start3A_150 : memref<10000x128xf32, #tpu.memory_space<hbm>>) target(%arg10 : memref<80x128xf32, #tpu.memory_space<vmem>>) offsets(%dma_start3A_147 : memref<80xi32, #tpu.memory_space<vmem>>) semaphore(%arg18 : memref<!tpu.dma_semaphore, #tpu.memory_space<semaphore_mem>>)
    %scan3A = arith.constant 0 : i32
    %scan3A_151 = arith.constant 1 : i32
    %scan3A_152 = arith.constant 0 : i32
    %scan3A_153 = arith.constant 8 : i32
    %scan3A_154 = arith.addi %scan3A_152, %scan3A_153 : i32
    %scan3A_155 = arith.constant 1 : i32
    scf.for %scan3A_158 = %scan3A_152 to %scan3A_154 step %scan3A_155  : i32 {
      %mul3A_159 = arith.constant 1 : i32
      %mul3A_160 = arith.muli %scan3A_158, %mul3A_159 : i32
      %add3A_161 = arith.constant 0 : i32
      %add3A_162 = arith.addi %add3A_161, %mul3A_160 : i32
      %mul3A_163 = arith.constant 2 : i32
      %mul3A_164 = arith.muli %add3A_162, %mul3A_163 : i32
      %add3A_165 = arith.constant 0 : i32
      %add3A_166 = arith.addi %mul3A_164, %add3A_165 : i32
      %mul3A_167 = arith.constant 8 : i32
      %mul3A_168 = arith.muli %add3A_166, %mul3A_167 : i32
      %add3A_169 = arith.constant 0 : i32
      %add3A_170 = arith.addi %mul3A_168, %add3A_169 : i32
      %dma_wait3A_171 = arith.constant 0 : i32
      %dma_wait3A_172 = arith.constant 0 : i32
      %dma_wait3A_173 = tpu.memref_slice %arg11[%dma_wait3A_171, %dma_wait3A_172] : memref<8x80xi32, #tpu.memory_space<vmem>> -> memref<1x80xi32, #tpu.memory_space<vmem>>
      %dma_wait3A_174 = tpu.memref_squeeze %dma_wait3A_173 : memref<1x80xi32, #tpu.memory_space<vmem>> -> memref<80xi32, #tpu.memory_space<vmem>>
      %dma_wait3A_175 = arith.constant 0 : i32
      %dma_wait3A_176 = arith.constant 0 : i32
      %dma_wait3A_177 = tpu.memref_slice %arg2[%dma_wait3A_175, %dma_wait3A_176] : memref<10000x128xf32, #tpu.memory_space<hbm>> -> memref<10000x128xf32, #tpu.memory_space<hbm>>
      tpu.wait_indirect_dma semaphore(%arg15 : memref<!tpu.dma_semaphore, #tpu.memory_space<semaphore_mem>>) src(%dma_wait3A_177 : memref<10000x128xf32, #tpu.memory_space<hbm>>) dst(%arg7 : memref<80x128xf32, #tpu.memory_space<vmem>>)
      %run_scoped3A = arith.constant 0 : i32
      "tpu.region"() ({
        %run_scoped3A_499 = tpu.sem_alloc : memref<!tpu.dma_semaphore, #tpu.memory_space<semaphore_mem>>
        %dma_start3A_500 = arith.constant 0 : i32
        %dma_start3A_501 = tpu.memref_slice %arg13[%run_scoped3A, %dma_start3A_500] : memref<8x80xi32, #tpu.memory_space<vmem>> -> memref<1x80xi32, #tpu.memory_space<vmem>>
        %dma_start3A_502 = tpu.memref_squeeze %dma_start3A_501 : memref<1x80xi32, #tpu.memory_space<vmem>> -> memref<80xi32, #tpu.memory_space<vmem>>
        %dma_start3A_503 = arith.constant 0 : i32
        %dma_start3A_504 = arith.constant 0 : i32
        %dma_start3A_505 = tpu.memref_slice %arg6[%dma_start3A_503, %dma_start3A_504] : memref<10112x128xf32, #tpu.memory_space<vmem_shared>> -> memref<10112x128xf32, #tpu.memory_space<vmem_shared>>
        tpu.enqueue_indirect_dma source(%arg7 : memref<80x128xf32, #tpu.memory_space<vmem>>) target(%dma_start3A_505 : memref<10112x128xf32, #tpu.memory_space<vmem_shared>>) offsets(%dma_start3A_502 : memref<80xi32, #tpu.memory_space<vmem>>) semaphore(%run_scoped3A_499 : memref<!tpu.dma_semaphore, #tpu.memory_space<semaphore_mem>>) {add = true}
        %dma_wait3A_506 = arith.constant 0 : i32
        %dma_wait3A_507 = tpu.memref_slice %arg13[%run_scoped3A, %dma_wait3A_506] : memref<8x80xi32, #tpu.memory_space<vmem>> -> memref<1x80xi32, #tpu.memory_space<vmem>>
        %dma_wait3A_508 = tpu.memref_squeeze %dma_wait3A_507 : memref<1x80xi32, #tpu.memory_space<vmem>> -> memref<80xi32, #tpu.memory_space<vmem>>
        %dma_wait3A_509 = arith.constant 0 : i32
        %dma_wait3A_510 = arith.constant 0 : i32
        %dma_wait3A_511 = tpu.memref_slice %arg6[%dma_wait3A_509, %dma_wait3A_510] : memref<10112x128xf32, #tpu.memory_space<vmem_shared>> -> memref<10112x128xf32, #tpu.memory_space<vmem_shared>>
        tpu.wait_indirect_dma semaphore(%run_scoped3A_499 : memref<!tpu.dma_semaphore, #tpu.memory_space<semaphore_mem>>) src(%arg7 : memref<80x128xf32, #tpu.memory_space<vmem>>) dst(%dma_wait3A_511 : memref<10112x128xf32, #tpu.memory_space<vmem_shared>>)
        tpu.yield
      }) : () -> ()
      %add3A_178 = arith.constant 4 : i32
      %add3A_179 = arith.addi %add3A_170, %add3A_178 : i32
      %lt3A = arith.constant 128 : i32
      %lt3A_180 = arith.cmpi slt, %add3A_179, %lt3A : i32
      %convert_element_type3A = arith.extui %lt3A_180 : i1 to i32
      %cond3A = arith.constant 0 : i32
      %cond3A_181 = arith.cmpi ne, %convert_element_type3A, %cond3A : i32
      scf.if %cond3A_181 {
        %dma_start3A_499 = arith.constant 4 : i32
        %dma_start3A_500 = arith.constant 0 : i32
        %dma_start3A_501 = tpu.memref_slice %arg11[%dma_start3A_499, %dma_start3A_500] : memref<8x80xi32, #tpu.memory_space<vmem>> -> memref<1x80xi32, #tpu.memory_space<vmem>>
        %dma_start3A_502 = tpu.memref_squeeze %dma_start3A_501 : memref<1x80xi32, #tpu.memory_space<vmem>> -> memref<80xi32, #tpu.memory_space<vmem>>
        %dma_start3A_503 = arith.constant 0 : i32
        %dma_start3A_504 = arith.constant 0 : i32
        %dma_start3A_505 = tpu.memref_slice %arg2[%dma_start3A_503, %dma_start3A_504] : memref<10000x128xf32, #tpu.memory_space<hbm>> -> memref<10000x128xf32, #tpu.memory_space<hbm>>
        tpu.enqueue_indirect_dma source(%dma_start3A_505 : memref<10000x128xf32, #tpu.memory_space<hbm>>) target(%arg7 : memref<80x128xf32, #tpu.memory_space<vmem>>) offsets(%dma_start3A_502 : memref<80xi32, #tpu.memory_space<vmem>>) semaphore(%arg15 : memref<!tpu.dma_semaphore, #tpu.memory_space<semaphore_mem>>)
      } else {
      }
      %mul3A_182 = arith.constant 8 : i32
      %mul3A_183 = arith.muli %add3A_166, %mul3A_182 : i32
      %add3A_184 = arith.constant 1 : i32
      %add3A_185 = arith.addi %mul3A_183, %add3A_184 : i32
      %dma_wait3A_186 = arith.constant 1 : i32
      %dma_wait3A_187 = arith.constant 0 : i32
      %dma_wait3A_188 = tpu.memref_slice %arg11[%dma_wait3A_186, %dma_wait3A_187] : memref<8x80xi32, #tpu.memory_space<vmem>> -> memref<1x80xi32, #tpu.memory_space<vmem>>
      %dma_wait3A_189 = tpu.memref_squeeze %dma_wait3A_188 : memref<1x80xi32, #tpu.memory_space<vmem>> -> memref<80xi32, #tpu.memory_space<vmem>>
      %dma_wait3A_190 = arith.constant 0 : i32
      %dma_wait3A_191 = arith.constant 0 : i32
      %dma_wait3A_192 = tpu.memref_slice %arg2[%dma_wait3A_190, %dma_wait3A_191] : memref<10000x128xf32, #tpu.memory_space<hbm>> -> memref<10000x128xf32, #tpu.memory_space<hbm>>
      tpu.wait_indirect_dma semaphore(%arg16 : memref<!tpu.dma_semaphore, #tpu.memory_space<semaphore_mem>>) src(%dma_wait3A_192 : memref<10000x128xf32, #tpu.memory_space<hbm>>) dst(%arg8 : memref<80x128xf32, #tpu.memory_space<vmem>>)
      %run_scoped3A_193 = arith.constant 1 : i32
      "tpu.region"() ({
        %run_scoped3A_499 = tpu.sem_alloc : memref<!tpu.dma_semaphore, #tpu.memory_space<semaphore_mem>>
        %dma_start3A_500 = arith.constant 0 : i32
        %dma_start3A_501 = tpu.memref_slice %arg13[%run_scoped3A_193, %dma_start3A_500] : memref<8x80xi32, #tpu.memory_space<vmem>> -> memref<1x80xi32, #tpu.memory_space<vmem>>
        %dma_start3A_502 = tpu.memref_squeeze %dma_start3A_501 : memref<1x80xi32, #tpu.memory_space<vmem>> -> memref<80xi32, #tpu.memory_space<vmem>>
        %dma_start3A_503 = arith.constant 0 : i32
        %dma_start3A_504 = arith.constant 0 : i32
        %dma_start3A_505 = tpu.memref_slice %arg6[%dma_start3A_503, %dma_start3A_504] : memref<10112x128xf32, #tpu.memory_space<vmem_shared>> -> memref<10112x128xf32, #tpu.memory_space<vmem_shared>>
        tpu.enqueue_indirect_dma source(%arg8 : memref<80x128xf32, #tpu.memory_space<vmem>>) target(%dma_start3A_505 : memref<10112x128xf32, #tpu.memory_space<vmem_shared>>) offsets(%dma_start3A_502 : memref<80xi32, #tpu.memory_space<vmem>>) semaphore(%run_scoped3A_499 : memref<!tpu.dma_semaphore, #tpu.memory_space<semaphore_mem>>) {add = true}
        %dma_wait3A_506 = arith.constant 0 : i32
        %dma_wait3A_507 = tpu.memref_slice %arg13[%run_scoped3A_193, %dma_wait3A_506] : memref<8x80xi32, #tpu.memory_space<vmem>> -> memref<1x80xi32, #tpu.memory_space<vmem>>
        %dma_wait3A_508 = tpu.memref_squeeze %dma_wait3A_507 : memref<1x80xi32, #tpu.memory_space<vmem>> -> memref<80xi32, #tpu.memory_space<vmem>>
        %dma_wait3A_509 = arith.constant 0 : i32
        %dma_wait3A_510 = arith.constant 0 : i32
        %dma_wait3A_511 = tpu.memref_slice %arg6[%dma_wait3A_509, %dma_wait3A_510] : memref<10112x128xf32, #tpu.memory_space<vmem_shared>> -> memref<10112x128xf32, #tpu.memory_space<vmem_shared>>
        tpu.wait_indirect_dma semaphore(%run_scoped3A_499 : memref<!tpu.dma_semaphore, #tpu.memory_space<semaphore_mem>>) src(%arg8 : memref<80x128xf32, #tpu.memory_space<vmem>>) dst(%dma_wait3A_511 : memref<10112x128xf32, #tpu.memory_space<vmem_shared>>)
        tpu.yield
      }) : () -> ()
      %add3A_194 = arith.constant 4 : i32
      %add3A_195 = arith.addi %add3A_185, %add3A_194 : i32
      %lt3A_196 = arith.constant 128 : i32
      %lt3A_197 = arith.cmpi slt, %add3A_195, %lt3A_196 : i32
      %convert_element_type3A_198 = arith.extui %lt3A_197 : i1 to i32
      %cond3A_199 = arith.constant 0 : i32
      %cond3A_200 = arith.cmpi ne, %convert_element_type3A_198, %cond3A_199 : i32
      scf.if %cond3A_200 {
        %dma_start3A_499 = arith.constant 5 : i32
        %dma_start3A_500 = arith.constant 0 : i32
        %dma_start3A_501 = tpu.memref_slice %arg11[%dma_start3A_499, %dma_start3A_500] : memref<8x80xi32, #tpu.memory_space<vmem>> -> memref<1x80xi32, #tpu.memory_space<vmem>>
        %dma_start3A_502 = tpu.memref_squeeze %dma_start3A_501 : memref<1x80xi32, #tpu.memory_space<vmem>> -> memref<80xi32, #tpu.memory_space<vmem>>
        %dma_start3A_503 = arith.constant 0 : i32
        %dma_start3A_504 = arith.constant 0 : i32
        %dma_start3A_505 = tpu.memref_slice %arg2[%dma_start3A_503, %dma_start3A_504] : memref<10000x128xf32, #tpu.memory_space<hbm>> -> memref<10000x128xf32, #tpu.memory_space<hbm>>
        tpu.enqueue_indirect_dma source(%dma_start3A_505 : memref<10000x128xf32, #tpu.memory_space<hbm>>) target(%arg8 : memref<80x128xf32, #tpu.memory_space<vmem>>) offsets(%dma_start3A_502 : memref<80xi32, #tpu.memory_space<vmem>>) semaphore(%arg16 : memref<!tpu.dma_semaphore, #tpu.memory_space<semaphore_mem>>)
      } else {
      }
      %mul3A_201 = arith.constant 8 : i32
      %mul3A_202 = arith.muli %add3A_166, %mul3A_201 : i32
      %add3A_203 = arith.constant 2 : i32
      %add3A_204 = arith.addi %mul3A_202, %add3A_203 : i32
      %dma_wait3A_205 = arith.constant 2 : i32
      %dma_wait3A_206 = arith.constant 0 : i32
      %dma_wait3A_207 = tpu.memref_slice %arg11[%dma_wait3A_205, %dma_wait3A_206] : memref<8x80xi32, #tpu.memory_space<vmem>> -> memref<1x80xi32, #tpu.memory_space<vmem>>
      %dma_wait3A_208 = tpu.memref_squeeze %dma_wait3A_207 : memref<1x80xi32, #tpu.memory_space<vmem>> -> memref<80xi32, #tpu.memory_space<vmem>>
      %dma_wait3A_209 = arith.constant 0 : i32
      %dma_wait3A_210 = arith.constant 0 : i32
      %dma_wait3A_211 = tpu.memref_slice %arg2[%dma_wait3A_209, %dma_wait3A_210] : memref<10000x128xf32, #tpu.memory_space<hbm>> -> memref<10000x128xf32, #tpu.memory_space<hbm>>
      tpu.wait_indirect_dma semaphore(%arg17 : memref<!tpu.dma_semaphore, #tpu.memory_space<semaphore_mem>>) src(%dma_wait3A_211 : memref<10000x128xf32, #tpu.memory_space<hbm>>) dst(%arg9 : memref<80x128xf32, #tpu.memory_space<vmem>>)
      %run_scoped3A_212 = arith.constant 2 : i32
      "tpu.region"() ({
        %run_scoped3A_499 = tpu.sem_alloc : memref<!tpu.dma_semaphore, #tpu.memory_space<semaphore_mem>>
        %dma_start3A_500 = arith.constant 0 : i32
        %dma_start3A_501 = tpu.memref_slice %arg13[%run_scoped3A_212, %dma_start3A_500] : memref<8x80xi32, #tpu.memory_space<vmem>> -> memref<1x80xi32, #tpu.memory_space<vmem>>
        %dma_start3A_502 = tpu.memref_squeeze %dma_start3A_501 : memref<1x80xi32, #tpu.memory_space<vmem>> -> memref<80xi32, #tpu.memory_space<vmem>>
        %dma_start3A_503 = arith.constant 0 : i32
        %dma_start3A_504 = arith.constant 0 : i32
        %dma_start3A_505 = tpu.memref_slice %arg6[%dma_start3A_503, %dma_start3A_504] : memref<10112x128xf32, #tpu.memory_space<vmem_shared>> -> memref<10112x128xf32, #tpu.memory_space<vmem_shared>>
        tpu.enqueue_indirect_dma source(%arg9 : memref<80x128xf32, #tpu.memory_space<vmem>>) target(%dma_start3A_505 : memref<10112x128xf32, #tpu.memory_space<vmem_shared>>) offsets(%dma_start3A_502 : memref<80xi32, #tpu.memory_space<vmem>>) semaphore(%run_scoped3A_499 : memref<!tpu.dma_semaphore, #tpu.memory_space<semaphore_mem>>) {add = true}
        %dma_wait3A_506 = arith.constant 0 : i32
        %dma_wait3A_507 = tpu.memref_slice %arg13[%run_scoped3A_212, %dma_wait3A_506] : memref<8x80xi32, #tpu.memory_space<vmem>> -> memref<1x80xi32, #tpu.memory_space<vmem>>
        %dma_wait3A_508 = tpu.memref_squeeze %dma_wait3A_507 : memref<1x80xi32, #tpu.memory_space<vmem>> -> memref<80xi32, #tpu.memory_space<vmem>>
        %dma_wait3A_509 = arith.constant 0 : i32
        %dma_wait3A_510 = arith.constant 0 : i32
        %dma_wait3A_511 = tpu.memref_slice %arg6[%dma_wait3A_509, %dma_wait3A_510] : memref<10112x128xf32, #tpu.memory_space<vmem_shared>> -> memref<10112x128xf32, #tpu.memory_space<vmem_shared>>
        tpu.wait_indirect_dma semaphore(%run_scoped3A_499 : memref<!tpu.dma_semaphore, #tpu.memory_space<semaphore_mem>>) src(%arg9 : memref<80x128xf32, #tpu.memory_space<vmem>>) dst(%dma_wait3A_511 : memref<10112x128xf32, #tpu.memory_space<vmem_shared>>)
        tpu.yield
      }) : () -> ()
      %add3A_213 = arith.constant 4 : i32
      %add3A_214 = arith.addi %add3A_204, %add3A_213 : i32
      %lt3A_215 = arith.constant 128 : i32
      %lt3A_216 = arith.cmpi slt, %add3A_214, %lt3A_215 : i32
      %convert_element_type3A_217 = arith.extui %lt3A_216 : i1 to i32
      %cond3A_218 = arith.constant 0 : i32
      %cond3A_219 = arith.cmpi ne, %convert_element_type3A_217, %cond3A_218 : i32
      scf.if %cond3A_219 {
        %dma_start3A_499 = arith.constant 6 : i32
        %dma_start3A_500 = arith.constant 0 : i32
        %dma_start3A_501 = tpu.memref_slice %arg11[%dma_start3A_499, %dma_start3A_500] : memref<8x80xi32, #tpu.memory_space<vmem>> -> memref<1x80xi32, #tpu.memory_space<vmem>>
        %dma_start3A_502 = tpu.memref_squeeze %dma_start3A_501 : memref<1x80xi32, #tpu.memory_space<vmem>> -> memref<80xi32, #tpu.memory_space<vmem>>
        %dma_start3A_503 = arith.constant 0 : i32
        %dma_start3A_504 = arith.constant 0 : i32
        %dma_start3A_505 = tpu.memref_slice %arg2[%dma_start3A_503, %dma_start3A_504] : memref<10000x128xf32, #tpu.memory_space<hbm>> -> memref<10000x128xf32, #tpu.memory_space<hbm>>
        tpu.enqueue_indirect_dma source(%dma_start3A_505 : memref<10000x128xf32, #tpu.memory_space<hbm>>) target(%arg9 : memref<80x128xf32, #tpu.memory_space<vmem>>) offsets(%dma_start3A_502 : memref<80xi32, #tpu.memory_space<vmem>>) semaphore(%arg17 : memref<!tpu.dma_semaphore, #tpu.memory_space<semaphore_mem>>)
      } else {
      }
      %mul3A_220 = arith.constant 8 : i32
      %mul3A_221 = arith.muli %add3A_166, %mul3A_220 : i32
      %add3A_222 = arith.constant 3 : i32
      %add3A_223 = arith.addi %mul3A_221, %add3A_222 : i32
      %dma_wait3A_224 = arith.constant 3 : i32
      %dma_wait3A_225 = arith.constant 0 : i32
      %dma_wait3A_226 = tpu.memref_slice %arg11[%dma_wait3A_224, %dma_wait3A_225] : memref<8x80xi32, #tpu.memory_space<vmem>> -> memref<1x80xi32, #tpu.memory_space<vmem>>
      %dma_wait3A_227 = tpu.memref_squeeze %dma_wait3A_226 : memref<1x80xi32, #tpu.memory_space<vmem>> -> memref<80xi32, #tpu.memory_space<vmem>>
      %dma_wait3A_228 = arith.constant 0 : i32
      %dma_wait3A_229 = arith.constant 0 : i32
      %dma_wait3A_230 = tpu.memref_slice %arg2[%dma_wait3A_228, %dma_wait3A_229] : memref<10000x128xf32, #tpu.memory_space<hbm>> -> memref<10000x128xf32, #tpu.memory_space<hbm>>
      tpu.wait_indirect_dma semaphore(%arg18 : memref<!tpu.dma_semaphore, #tpu.memory_space<semaphore_mem>>) src(%dma_wait3A_230 : memref<10000x128xf32, #tpu.memory_space<hbm>>) dst(%arg10 : memref<80x128xf32, #tpu.memory_space<vmem>>)
      %run_scoped3A_231 = arith.constant 3 : i32
      "tpu.region"() ({
        %run_scoped3A_499 = tpu.sem_alloc : memref<!tpu.dma_semaphore, #tpu.memory_space<semaphore_mem>>
        %dma_start3A_500 = arith.constant 0 : i32
        %dma_start3A_501 = tpu.memref_slice %arg13[%run_scoped3A_231, %dma_start3A_500] : memref<8x80xi32, #tpu.memory_space<vmem>> -> memref<1x80xi32, #tpu.memory_space<vmem>>
        %dma_start3A_502 = tpu.memref_squeeze %dma_start3A_501 : memref<1x80xi32, #tpu.memory_space<vmem>> -> memref<80xi32, #tpu.memory_space<vmem>>
        %dma_start3A_503 = arith.constant 0 : i32
        %dma_start3A_504 = arith.constant 0 : i32
        %dma_start3A_505 = tpu.memref_slice %arg6[%dma_start3A_503, %dma_start3A_504] : memref<10112x128xf32, #tpu.memory_space<vmem_shared>> -> memref<10112x128xf32, #tpu.memory_space<vmem_shared>>
        tpu.enqueue_indirect_dma source(%arg10 : memref<80x128xf32, #tpu.memory_space<vmem>>) target(%dma_start3A_505 : memref<10112x128xf32, #tpu.memory_space<vmem_shared>>) offsets(%dma_start3A_502 : memref<80xi32, #tpu.memory_space<vmem>>) semaphore(%run_scoped3A_499 : memref<!tpu.dma_semaphore, #tpu.memory_space<semaphore_mem>>) {add = true}
        %dma_wait3A_506 = arith.constant 0 : i32
        %dma_wait3A_507 = tpu.memref_slice %arg13[%run_scoped3A_231, %dma_wait3A_506] : memref<8x80xi32, #tpu.memory_space<vmem>> -> memref<1x80xi32, #tpu.memory_space<vmem>>
        %dma_wait3A_508 = tpu.memref_squeeze %dma_wait3A_507 : memref<1x80xi32, #tpu.memory_space<vmem>> -> memref<80xi32, #tpu.memory_space<vmem>>
        %dma_wait3A_509 = arith.constant 0 : i32
        %dma_wait3A_510 = arith.constant 0 : i32
        %dma_wait3A_511 = tpu.memref_slice %arg6[%dma_wait3A_509, %dma_wait3A_510] : memref<10112x128xf32, #tpu.memory_space<vmem_shared>> -> memref<10112x128xf32, #tpu.memory_space<vmem_shared>>
        tpu.wait_indirect_dma semaphore(%run_scoped3A_499 : memref<!tpu.dma_semaphore, #tpu.memory_space<semaphore_mem>>) src(%arg10 : memref<80x128xf32, #tpu.memory_space<vmem>>) dst(%dma_wait3A_511 : memref<10112x128xf32, #tpu.memory_space<vmem_shared>>)
        tpu.yield
      }) : () -> ()
      %add3A_232 = arith.constant 4 : i32
      %add3A_233 = arith.addi %add3A_223, %add3A_232 : i32
      %lt3A_234 = arith.constant 128 : i32
      %lt3A_235 = arith.cmpi slt, %add3A_233, %lt3A_234 : i32
      %convert_element_type3A_236 = arith.extui %lt3A_235 : i1 to i32
      %cond3A_237 = arith.constant 0 : i32
      %cond3A_238 = arith.cmpi ne, %convert_element_type3A_236, %cond3A_237 : i32
      scf.if %cond3A_238 {
        %dma_start3A_499 = arith.constant 7 : i32
        %dma_start3A_500 = arith.constant 0 : i32
        %dma_start3A_501 = tpu.memref_slice %arg11[%dma_start3A_499, %dma_start3A_500] : memref<8x80xi32, #tpu.memory_space<vmem>> -> memref<1x80xi32, #tpu.memory_space<vmem>>
        %dma_start3A_502 = tpu.memref_squeeze %dma_start3A_501 : memref<1x80xi32, #tpu.memory_space<vmem>> -> memref<80xi32, #tpu.memory_space<vmem>>
        %dma_start3A_503 = arith.constant 0 : i32
        %dma_start3A_504 = arith.constant 0 : i32
        %dma_start3A_505 = tpu.memref_slice %arg2[%dma_start3A_503, %dma_start3A_504] : memref<10000x128xf32, #tpu.memory_space<hbm>> -> memref<10000x128xf32, #tpu.memory_space<hbm>>
        tpu.enqueue_indirect_dma source(%dma_start3A_505 : memref<10000x128xf32, #tpu.memory_space<hbm>>) target(%arg10 : memref<80x128xf32, #tpu.memory_space<vmem>>) offsets(%dma_start3A_502 : memref<80xi32, #tpu.memory_space<vmem>>) semaphore(%arg18 : memref<!tpu.dma_semaphore, #tpu.memory_space<semaphore_mem>>)
      } else {
      }
      %mul3A_239 = arith.constant 8 : i32
      %mul3A_240 = arith.muli %add3A_166, %mul3A_239 : i32
      %add3A_241 = arith.constant 4 : i32
      %add3A_242 = arith.addi %mul3A_240, %add3A_241 : i32
      %dma_wait3A_243 = arith.constant 4 : i32
      %dma_wait3A_244 = arith.constant 0 : i32
      %dma_wait3A_245 = tpu.memref_slice %arg11[%dma_wait3A_243, %dma_wait3A_244] : memref<8x80xi32, #tpu.memory_space<vmem>> -> memref<1x80xi32, #tpu.memory_space<vmem>>
      %dma_wait3A_246 = tpu.memref_squeeze %dma_wait3A_245 : memref<1x80xi32, #tpu.memory_space<vmem>> -> memref<80xi32, #tpu.memory_space<vmem>>
      %dma_wait3A_247 = arith.constant 0 : i32
      %dma_wait3A_248 = arith.constant 0 : i32
      %dma_wait3A_249 = tpu.memref_slice %arg2[%dma_wait3A_247, %dma_wait3A_248] : memref<10000x128xf32, #tpu.memory_space<hbm>> -> memref<10000x128xf32, #tpu.memory_space<hbm>>
      tpu.wait_indirect_dma semaphore(%arg15 : memref<!tpu.dma_semaphore, #tpu.memory_space<semaphore_mem>>) src(%dma_wait3A_249 : memref<10000x128xf32, #tpu.memory_space<hbm>>) dst(%arg7 : memref<80x128xf32, #tpu.memory_space<vmem>>)
      %run_scoped3A_250 = arith.constant 4 : i32
      "tpu.region"() ({
        %run_scoped3A_499 = tpu.sem_alloc : memref<!tpu.dma_semaphore, #tpu.memory_space<semaphore_mem>>
        %dma_start3A_500 = arith.constant 0 : i32
        %dma_start3A_501 = tpu.memref_slice %arg13[%run_scoped3A_250, %dma_start3A_500] : memref<8x80xi32, #tpu.memory_space<vmem>> -> memref<1x80xi32, #tpu.memory_space<vmem>>
        %dma_start3A_502 = tpu.memref_squeeze %dma_start3A_501 : memref<1x80xi32, #tpu.memory_space<vmem>> -> memref<80xi32, #tpu.memory_space<vmem>>
        %dma_start3A_503 = arith.constant 0 : i32
        %dma_start3A_504 = arith.constant 0 : i32
        %dma_start3A_505 = tpu.memref_slice %arg6[%dma_start3A_503, %dma_start3A_504] : memref<10112x128xf32, #tpu.memory_space<vmem_shared>> -> memref<10112x128xf32, #tpu.memory_space<vmem_shared>>
        tpu.enqueue_indirect_dma source(%arg7 : memref<80x128xf32, #tpu.memory_space<vmem>>) target(%dma_start3A_505 : memref<10112x128xf32, #tpu.memory_space<vmem_shared>>) offsets(%dma_start3A_502 : memref<80xi32, #tpu.memory_space<vmem>>) semaphore(%run_scoped3A_499 : memref<!tpu.dma_semaphore, #tpu.memory_space<semaphore_mem>>) {add = true}
        %dma_wait3A_506 = arith.constant 0 : i32
        %dma_wait3A_507 = tpu.memref_slice %arg13[%run_scoped3A_250, %dma_wait3A_506] : memref<8x80xi32, #tpu.memory_space<vmem>> -> memref<1x80xi32, #tpu.memory_space<vmem>>
        %dma_wait3A_508 = tpu.memref_squeeze %dma_wait3A_507 : memref<1x80xi32, #tpu.memory_space<vmem>> -> memref<80xi32, #tpu.memory_space<vmem>>
        %dma_wait3A_509 = arith.constant 0 : i32
        %dma_wait3A_510 = arith.constant 0 : i32
        %dma_wait3A_511 = tpu.memref_slice %arg6[%dma_wait3A_509, %dma_wait3A_510] : memref<10112x128xf32, #tpu.memory_space<vmem_shared>> -> memref<10112x128xf32, #tpu.memory_space<vmem_shared>>
        tpu.wait_indirect_dma semaphore(%run_scoped3A_499 : memref<!tpu.dma_semaphore, #tpu.memory_space<semaphore_mem>>) src(%arg7 : memref<80x128xf32, #tpu.memory_space<vmem>>) dst(%dma_wait3A_511 : memref<10112x128xf32, #tpu.memory_space<vmem_shared>>)
        tpu.yield
      }) : () -> ()
      %add3A_251 = arith.constant 1 : i32
      %add3A_252 = arith.addi %add3A_166, %add3A_251 : i32
      %lt3A_253 = arith.constant 16 : i32
      %lt3A_254 = arith.cmpi slt, %add3A_252, %lt3A_253 : i32
      %convert_element_type3A_255 = arith.extui %lt3A_254 : i1 to i32
      %cond3A_256 = arith.constant 0 : i32
      %cond3A_257 = arith.cmpi ne, %convert_element_type3A_255, %cond3A_256 : i32
      scf.if %cond3A_257 {
        %add3A_499 = arith.constant 1 : i32
        %add3A_500 = arith.addi %add3A_166, %add3A_499 : i32
        %mul3A_501 = arith.constant 8 : i32
        %mul3A_502 = arith.muli %add3A_500, %mul3A_501 : i32
        %dma_wait3A_503 = arith.constant 0 : i32
        %dma_wait3A_504 = arith.constant 0 : i32
        %dma_wait3A_505 = tpu.memref_slice %arg3[%scan3A, %add3A, %dma_wait3A_503, %dma_wait3A_504] : memref<2x32x128x80xi32, #tpu.memory_space<hbm>> -> memref<1x1x128x80xi32, #tpu.memory_space<hbm>>
        %dma_wait3A_506 = tpu.memref_squeeze %dma_wait3A_505 : memref<1x1x128x80xi32, #tpu.memory_space<hbm>> -> memref<128x80xi32, #tpu.memory_space<hbm>>
        %dma_wait3A_507 = arith.constant 0 : i32
        %dma_wait3A_508 = tpu.memref_slice %dma_wait3A_506[%mul3A_502, %dma_wait3A_507] : memref<128x80xi32, #tpu.memory_space<hbm>> -> memref<8x80xi32, #tpu.memory_space<hbm>>
        %dma_wait3A_509 = arith.constant 0 : i32
        %dma_wait3A_510 = arith.constant 0 : i32
        %dma_wait3A_511 = tpu.memref_slice %arg3[%scan3A, %add3A, %dma_wait3A_509, %dma_wait3A_510] : memref<2x32x128x80xi32, #tpu.memory_space<hbm>> -> memref<1x1x128x80xi32, #tpu.memory_space<hbm>>
        %dma_wait3A_512 = tpu.memref_squeeze %dma_wait3A_511 : memref<1x1x128x80xi32, #tpu.memory_space<hbm>> -> memref<128x80xi32, #tpu.memory_space<hbm>>
        %dma_wait3A_513 = arith.constant 0 : i32
        %dma_wait3A_514 = tpu.memref_slice %dma_wait3A_512[%mul3A_502, %dma_wait3A_513] : memref<128x80xi32, #tpu.memory_space<hbm>> -> memref<8x80xi32, #tpu.memory_space<hbm>>
        tpu.wait_dma2 semaphore(%arg20 : memref<!tpu.dma_semaphore, #tpu.memory_space<semaphore_mem>>) src(%dma_wait3A_514 : memref<8x80xi32, #tpu.memory_space<hbm>>) dst(%arg12 : memref<8x80xi32, #tpu.memory_space<vmem>>)
        %dma_wait3A_515 = arith.constant 0 : i32
        %dma_wait3A_516 = arith.constant 0 : i32
        %dma_wait3A_517 = tpu.memref_slice %arg3[%scan3A_151, %add3A, %dma_wait3A_515, %dma_wait3A_516] : memref<2x32x128x80xi32, #tpu.memory_space<hbm>> -> memref<1x1x128x80xi32, #tpu.memory_space<hbm>>
        %dma_wait3A_518 = tpu.memref_squeeze %dma_wait3A_517 : memref<1x1x128x80xi32, #tpu.memory_space<hbm>> -> memref<128x80xi32, #tpu.memory_space<hbm>>
        %dma_wait3A_519 = arith.constant 0 : i32
        %dma_wait3A_520 = tpu.memref_slice %dma_wait3A_518[%mul3A_502, %dma_wait3A_519] : memref<128x80xi32, #tpu.memory_space<hbm>> -> memref<8x80xi32, #tpu.memory_space<hbm>>
        %dma_wait3A_521 = arith.constant 0 : i32
        %dma_wait3A_522 = arith.constant 0 : i32
        %dma_wait3A_523 = tpu.memref_slice %arg3[%scan3A_151, %add3A, %dma_wait3A_521, %dma_wait3A_522] : memref<2x32x128x80xi32, #tpu.memory_space<hbm>> -> memref<1x1x128x80xi32, #tpu.memory_space<hbm>>
        %dma_wait3A_524 = tpu.memref_squeeze %dma_wait3A_523 : memref<1x1x128x80xi32, #tpu.memory_space<hbm>> -> memref<128x80xi32, #tpu.memory_space<hbm>>
        %dma_wait3A_525 = arith.constant 0 : i32
        %dma_wait3A_526 = tpu.memref_slice %dma_wait3A_524[%mul3A_502, %dma_wait3A_525] : memref<128x80xi32, #tpu.memory_space<hbm>> -> memref<8x80xi32, #tpu.memory_space<hbm>>
        tpu.wait_dma2 semaphore(%arg20 : memref<!tpu.dma_semaphore, #tpu.memory_space<semaphore_mem>>) src(%dma_wait3A_526 : memref<8x80xi32, #tpu.memory_space<hbm>>) dst(%arg14 : memref<8x80xi32, #tpu.memory_space<vmem>>)
      } else {
      }
      %add3A_258 = arith.constant 4 : i32
      %add3A_259 = arith.addi %add3A_242, %add3A_258 : i32
      %lt3A_260 = arith.constant 128 : i32
      %lt3A_261 = arith.cmpi slt, %add3A_259, %lt3A_260 : i32
      %convert_element_type3A_262 = arith.extui %lt3A_261 : i1 to i32
      %cond3A_263 = arith.constant 0 : i32
      %cond3A_264 = arith.cmpi ne, %convert_element_type3A_262, %cond3A_263 : i32
      scf.if %cond3A_264 {
        %dma_start3A_499 = arith.constant 0 : i32
        %dma_start3A_500 = arith.constant 0 : i32
        %dma_start3A_501 = tpu.memref_slice %arg12[%dma_start3A_499, %dma_start3A_500] : memref<8x80xi32, #tpu.memory_space<vmem>> -> memref<1x80xi32, #tpu.memory_space<vmem>>
        %dma_start3A_502 = tpu.memref_squeeze %dma_start3A_501 : memref<1x80xi32, #tpu.memory_space<vmem>> -> memref<80xi32, #tpu.memory_space<vmem>>
        %dma_start3A_503 = arith.constant 0 : i32
        %dma_start3A_504 = arith.constant 0 : i32
        %dma_start3A_505 = tpu.memref_slice %arg2[%dma_start3A_503, %dma_start3A_504] : memref<10000x128xf32, #tpu.memory_space<hbm>> -> memref<10000x128xf32, #tpu.memory_space<hbm>>
        tpu.enqueue_indirect_dma source(%dma_start3A_505 : memref<10000x128xf32, #tpu.memory_space<hbm>>) target(%arg7 : memref<80x128xf32, #tpu.memory_space<vmem>>) offsets(%dma_start3A_502 : memref<80xi32, #tpu.memory_space<vmem>>) semaphore(%arg15 : memref<!tpu.dma_semaphore, #tpu.memory_space<semaphore_mem>>)
      } else {
      }
      %mul3A_265 = arith.constant 8 : i32
      %mul3A_266 = arith.muli %add3A_166, %mul3A_265 : i32
      %add3A_267 = arith.constant 5 : i32
      %add3A_268 = arith.addi %mul3A_266, %add3A_267 : i32
      %dma_wait3A_269 = arith.constant 5 : i32
      %dma_wait3A_270 = arith.constant 0 : i32
      %dma_wait3A_271 = tpu.memref_slice %arg11[%dma_wait3A_269, %dma_wait3A_270] : memref<8x80xi32, #tpu.memory_space<vmem>> -> memref<1x80xi32, #tpu.memory_space<vmem>>
      %dma_wait3A_272 = tpu.memref_squeeze %dma_wait3A_271 : memref<1x80xi32, #tpu.memory_space<vmem>> -> memref<80xi32, #tpu.memory_space<vmem>>
      %dma_wait3A_273 = arith.constant 0 : i32
      %dma_wait3A_274 = arith.constant 0 : i32
      %dma_wait3A_275 = tpu.memref_slice %arg2[%dma_wait3A_273, %dma_wait3A_274] : memref<10000x128xf32, #tpu.memory_space<hbm>> -> memref<10000x128xf32, #tpu.memory_space<hbm>>
      tpu.wait_indirect_dma semaphore(%arg16 : memref<!tpu.dma_semaphore, #tpu.memory_space<semaphore_mem>>) src(%dma_wait3A_275 : memref<10000x128xf32, #tpu.memory_space<hbm>>) dst(%arg8 : memref<80x128xf32, #tpu.memory_space<vmem>>)
      %run_scoped3A_276 = arith.constant 5 : i32
      "tpu.region"() ({
        %run_scoped3A_499 = tpu.sem_alloc : memref<!tpu.dma_semaphore, #tpu.memory_space<semaphore_mem>>
        %dma_start3A_500 = arith.constant 0 : i32
        %dma_start3A_501 = tpu.memref_slice %arg13[%run_scoped3A_276, %dma_start3A_500] : memref<8x80xi32, #tpu.memory_space<vmem>> -> memref<1x80xi32, #tpu.memory_space<vmem>>
        %dma_start3A_502 = tpu.memref_squeeze %dma_start3A_501 : memref<1x80xi32, #tpu.memory_space<vmem>> -> memref<80xi32, #tpu.memory_space<vmem>>
        %dma_start3A_503 = arith.constant 0 : i32
        %dma_start3A_504 = arith.constant 0 : i32
        %dma_start3A_505 = tpu.memref_slice %arg6[%dma_start3A_503, %dma_start3A_504] : memref<10112x128xf32, #tpu.memory_space<vmem_shared>> -> memref<10112x128xf32, #tpu.memory_space<vmem_shared>>
        tpu.enqueue_indirect_dma source(%arg8 : memref<80x128xf32, #tpu.memory_space<vmem>>) target(%dma_start3A_505 : memref<10112x128xf32, #tpu.memory_space<vmem_shared>>) offsets(%dma_start3A_502 : memref<80xi32, #tpu.memory_space<vmem>>) semaphore(%run_scoped3A_499 : memref<!tpu.dma_semaphore, #tpu.memory_space<semaphore_mem>>) {add = true}
        %dma_wait3A_506 = arith.constant 0 : i32
        %dma_wait3A_507 = tpu.memref_slice %arg13[%run_scoped3A_276, %dma_wait3A_506] : memref<8x80xi32, #tpu.memory_space<vmem>> -> memref<1x80xi32, #tpu.memory_space<vmem>>
        %dma_wait3A_508 = tpu.memref_squeeze %dma_wait3A_507 : memref<1x80xi32, #tpu.memory_space<vmem>> -> memref<80xi32, #tpu.memory_space<vmem>>
        %dma_wait3A_509 = arith.constant 0 : i32
        %dma_wait3A_510 = arith.constant 0 : i32
        %dma_wait3A_511 = tpu.memref_slice %arg6[%dma_wait3A_509, %dma_wait3A_510] : memref<10112x128xf32, #tpu.memory_space<vmem_shared>> -> memref<10112x128xf32, #tpu.memory_space<vmem_shared>>
        tpu.wait_indirect_dma semaphore(%run_scoped3A_499 : memref<!tpu.dma_semaphore, #tpu.memory_space<semaphore_mem>>) src(%arg8 : memref<80x128xf32, #tpu.memory_space<vmem>>) dst(%dma_wait3A_511 : memref<10112x128xf32, #tpu.memory_space<vmem_shared>>)
        tpu.yield
      }) : () -> ()
      %add3A_277 = arith.constant 4 : i32
      %add3A_278 = arith.addi %add3A_268, %add3A_277 : i32
      %lt3A_279 = arith.constant 128 : i32
      %lt3A_280 = arith.cmpi slt, %add3A_278, %lt3A_279 : i32
      %convert_element_type3A_281 = arith.extui %lt3A_280 : i1 to i32
      %cond3A_282 = arith.constant 0 : i32
      %cond3A_283 = arith.cmpi ne, %convert_element_type3A_281, %cond3A_282 : i32
      scf.if %cond3A_283 {
        %dma_start3A_499 = arith.constant 1 : i32
        %dma_start3A_500 = arith.constant 0 : i32
        %dma_start3A_501 = tpu.memref_slice %arg12[%dma_start3A_499, %dma_start3A_500] : memref<8x80xi32, #tpu.memory_space<vmem>> -> memref<1x80xi32, #tpu.memory_space<vmem>>
        %dma_start3A_502 = tpu.memref_squeeze %dma_start3A_501 : memref<1x80xi32, #tpu.memory_space<vmem>> -> memref<80xi32, #tpu.memory_space<vmem>>
        %dma_start3A_503 = arith.constant 0 : i32
        %dma_start3A_504 = arith.constant 0 : i32
        %dma_start3A_505 = tpu.memref_slice %arg2[%dma_start3A_503, %dma_start3A_504] : memref<10000x128xf32, #tpu.memory_space<hbm>> -> memref<10000x128xf32, #tpu.memory_space<hbm>>
        tpu.enqueue_indirect_dma source(%dma_start3A_505 : memref<10000x128xf32, #tpu.memory_space<hbm>>) target(%arg8 : memref<80x128xf32, #tpu.memory_space<vmem>>) offsets(%dma_start3A_502 : memref<80xi32, #tpu.memory_space<vmem>>) semaphore(%arg16 : memref<!tpu.dma_semaphore, #tpu.memory_space<semaphore_mem>>)
      } else {
      }
      %mul3A_284 = arith.constant 8 : i32
      %mul3A_285 = arith.muli %add3A_166, %mul3A_284 : i32
      %add3A_286 = arith.constant 6 : i32
      %add3A_287 = arith.addi %mul3A_285, %add3A_286 : i32
      %dma_wait3A_288 = arith.constant 6 : i32
      %dma_wait3A_289 = arith.constant 0 : i32
      %dma_wait3A_290 = tpu.memref_slice %arg11[%dma_wait3A_288, %dma_wait3A_289] : memref<8x80xi32, #tpu.memory_space<vmem>> -> memref<1x80xi32, #tpu.memory_space<vmem>>
      %dma_wait3A_291 = tpu.memref_squeeze %dma_wait3A_290 : memref<1x80xi32, #tpu.memory_space<vmem>> -> memref<80xi32, #tpu.memory_space<vmem>>
      %dma_wait3A_292 = arith.constant 0 : i32
      %dma_wait3A_293 = arith.constant 0 : i32
      %dma_wait3A_294 = tpu.memref_slice %arg2[%dma_wait3A_292, %dma_wait3A_293] : memref<10000x128xf32, #tpu.memory_space<hbm>> -> memref<10000x128xf32, #tpu.memory_space<hbm>>
      tpu.wait_indirect_dma semaphore(%arg17 : memref<!tpu.dma_semaphore, #tpu.memory_space<semaphore_mem>>) src(%dma_wait3A_294 : memref<10000x128xf32, #tpu.memory_space<hbm>>) dst(%arg9 : memref<80x128xf32, #tpu.memory_space<vmem>>)
      %run_scoped3A_295 = arith.constant 6 : i32
      "tpu.region"() ({
        %run_scoped3A_499 = tpu.sem_alloc : memref<!tpu.dma_semaphore, #tpu.memory_space<semaphore_mem>>
        %dma_start3A_500 = arith.constant 0 : i32
        %dma_start3A_501 = tpu.memref_slice %arg13[%run_scoped3A_295, %dma_start3A_500] : memref<8x80xi32, #tpu.memory_space<vmem>> -> memref<1x80xi32, #tpu.memory_space<vmem>>
        %dma_start3A_502 = tpu.memref_squeeze %dma_start3A_501 : memref<1x80xi32, #tpu.memory_space<vmem>> -> memref<80xi32, #tpu.memory_space<vmem>>
        %dma_start3A_503 = arith.constant 0 : i32
        %dma_start3A_504 = arith.constant 0 : i32
        %dma_start3A_505 = tpu.memref_slice %arg6[%dma_start3A_503, %dma_start3A_504] : memref<10112x128xf32, #tpu.memory_space<vmem_shared>> -> memref<10112x128xf32, #tpu.memory_space<vmem_shared>>
        tpu.enqueue_indirect_dma source(%arg9 : memref<80x128xf32, #tpu.memory_space<vmem>>) target(%dma_start3A_505 : memref<10112x128xf32, #tpu.memory_space<vmem_shared>>) offsets(%dma_start3A_502 : memref<80xi32, #tpu.memory_space<vmem>>) semaphore(%run_scoped3A_499 : memref<!tpu.dma_semaphore, #tpu.memory_space<semaphore_mem>>) {add = true}
        %dma_wait3A_506 = arith.constant 0 : i32
        %dma_wait3A_507 = tpu.memref_slice %arg13[%run_scoped3A_295, %dma_wait3A_506] : memref<8x80xi32, #tpu.memory_space<vmem>> -> memref<1x80xi32, #tpu.memory_space<vmem>>
        %dma_wait3A_508 = tpu.memref_squeeze %dma_wait3A_507 : memref<1x80xi32, #tpu.memory_space<vmem>> -> memref<80xi32, #tpu.memory_space<vmem>>
        %dma_wait3A_509 = arith.constant 0 : i32
        %dma_wait3A_510 = arith.constant 0 : i32
        %dma_wait3A_511 = tpu.memref_slice %arg6[%dma_wait3A_509, %dma_wait3A_510] : memref<10112x128xf32, #tpu.memory_space<vmem_shared>> -> memref<10112x128xf32, #tpu.memory_space<vmem_shared>>
        tpu.wait_indirect_dma semaphore(%run_scoped3A_499 : memref<!tpu.dma_semaphore, #tpu.memory_space<semaphore_mem>>) src(%arg9 : memref<80x128xf32, #tpu.memory_space<vmem>>) dst(%dma_wait3A_511 : memref<10112x128xf32, #tpu.memory_space<vmem_shared>>)
        tpu.yield
      }) : () -> ()
      %add3A_296 = arith.constant 4 : i32
      %add3A_297 = arith.addi %add3A_287, %add3A_296 : i32
      %lt3A_298 = arith.constant 128 : i32
      %lt3A_299 = arith.cmpi slt, %add3A_297, %lt3A_298 : i32
      %convert_element_type3A_300 = arith.extui %lt3A_299 : i1 to i32
      %cond3A_301 = arith.constant 0 : i32
      %cond3A_302 = arith.cmpi ne, %convert_element_type3A_300, %cond3A_301 : i32
      scf.if %cond3A_302 {
        %dma_start3A_499 = arith.constant 2 : i32
        %dma_start3A_500 = arith.constant 0 : i32
        %dma_start3A_501 = tpu.memref_slice %arg12[%dma_start3A_499, %dma_start3A_500] : memref<8x80xi32, #tpu.memory_space<vmem>> -> memref<1x80xi32, #tpu.memory_space<vmem>>
        %dma_start3A_502 = tpu.memref_squeeze %dma_start3A_501 : memref<1x80xi32, #tpu.memory_space<vmem>> -> memref<80xi32, #tpu.memory_space<vmem>>
        %dma_start3A_503 = arith.constant 0 : i32
        %dma_start3A_504 = arith.constant 0 : i32
        %dma_start3A_505 = tpu.memref_slice %arg2[%dma_start3A_503, %dma_start3A_504] : memref<10000x128xf32, #tpu.memory_space<hbm>> -> memref<10000x128xf32, #tpu.memory_space<hbm>>
        tpu.enqueue_indirect_dma source(%dma_start3A_505 : memref<10000x128xf32, #tpu.memory_space<hbm>>) target(%arg9 : memref<80x128xf32, #tpu.memory_space<vmem>>) offsets(%dma_start3A_502 : memref<80xi32, #tpu.memory_space<vmem>>) semaphore(%arg17 : memref<!tpu.dma_semaphore, #tpu.memory_space<semaphore_mem>>)
      } else {
      }
      %mul3A_303 = arith.constant 8 : i32
      %mul3A_304 = arith.muli %add3A_166, %mul3A_303 : i32
      %add3A_305 = arith.constant 7 : i32
      %add3A_306 = arith.addi %mul3A_304, %add3A_305 : i32
      %dma_wait3A_307 = arith.constant 7 : i32
      %dma_wait3A_308 = arith.constant 0 : i32
      %dma_wait3A_309 = tpu.memref_slice %arg11[%dma_wait3A_307, %dma_wait3A_308] : memref<8x80xi32, #tpu.memory_space<vmem>> -> memref<1x80xi32, #tpu.memory_space<vmem>>
      %dma_wait3A_310 = tpu.memref_squeeze %dma_wait3A_309 : memref<1x80xi32, #tpu.memory_space<vmem>> -> memref<80xi32, #tpu.memory_space<vmem>>
      %dma_wait3A_311 = arith.constant 0 : i32
      %dma_wait3A_312 = arith.constant 0 : i32
      %dma_wait3A_313 = tpu.memref_slice %arg2[%dma_wait3A_311, %dma_wait3A_312] : memref<10000x128xf32, #tpu.memory_space<hbm>> -> memref<10000x128xf32, #tpu.memory_space<hbm>>
      tpu.wait_indirect_dma semaphore(%arg18 : memref<!tpu.dma_semaphore, #tpu.memory_space<semaphore_mem>>) src(%dma_wait3A_313 : memref<10000x128xf32, #tpu.memory_space<hbm>>) dst(%arg10 : memref<80x128xf32, #tpu.memory_space<vmem>>)
      %run_scoped3A_314 = arith.constant 7 : i32
      "tpu.region"() ({
        %run_scoped3A_499 = tpu.sem_alloc : memref<!tpu.dma_semaphore, #tpu.memory_space<semaphore_mem>>
        %dma_start3A_500 = arith.constant 0 : i32
        %dma_start3A_501 = tpu.memref_slice %arg13[%run_scoped3A_314, %dma_start3A_500] : memref<8x80xi32, #tpu.memory_space<vmem>> -> memref<1x80xi32, #tpu.memory_space<vmem>>
        %dma_start3A_502 = tpu.memref_squeeze %dma_start3A_501 : memref<1x80xi32, #tpu.memory_space<vmem>> -> memref<80xi32, #tpu.memory_space<vmem>>
        %dma_start3A_503 = arith.constant 0 : i32
        %dma_start3A_504 = arith.constant 0 : i32
        %dma_start3A_505 = tpu.memref_slice %arg6[%dma_start3A_503, %dma_start3A_504] : memref<10112x128xf32, #tpu.memory_space<vmem_shared>> -> memref<10112x128xf32, #tpu.memory_space<vmem_shared>>
        tpu.enqueue_indirect_dma source(%arg10 : memref<80x128xf32, #tpu.memory_space<vmem>>) target(%dma_start3A_505 : memref<10112x128xf32, #tpu.memory_space<vmem_shared>>) offsets(%dma_start3A_502 : memref<80xi32, #tpu.memory_space<vmem>>) semaphore(%run_scoped3A_499 : memref<!tpu.dma_semaphore, #tpu.memory_space<semaphore_mem>>) {add = true}
        %dma_wait3A_506 = arith.constant 0 : i32
        %dma_wait3A_507 = tpu.memref_slice %arg13[%run_scoped3A_314, %dma_wait3A_506] : memref<8x80xi32, #tpu.memory_space<vmem>> -> memref<1x80xi32, #tpu.memory_space<vmem>>
        %dma_wait3A_508 = tpu.memref_squeeze %dma_wait3A_507 : memref<1x80xi32, #tpu.memory_space<vmem>> -> memref<80xi32, #tpu.memory_space<vmem>>
        %dma_wait3A_509 = arith.constant 0 : i32
        %dma_wait3A_510 = arith.constant 0 : i32
        %dma_wait3A_511 = tpu.memref_slice %arg6[%dma_wait3A_509, %dma_wait3A_510] : memref<10112x128xf32, #tpu.memory_space<vmem_shared>> -> memref<10112x128xf32, #tpu.memory_space<vmem_shared>>
        tpu.wait_indirect_dma semaphore(%run_scoped3A_499 : memref<!tpu.dma_semaphore, #tpu.memory_space<semaphore_mem>>) src(%arg10 : memref<80x128xf32, #tpu.memory_space<vmem>>) dst(%dma_wait3A_511 : memref<10112x128xf32, #tpu.memory_space<vmem_shared>>)
        tpu.yield
      }) : () -> ()
      %add3A_315 = arith.constant 4 : i32
      %add3A_316 = arith.addi %add3A_306, %add3A_315 : i32
      %lt3A_317 = arith.constant 128 : i32
      %lt3A_318 = arith.cmpi slt, %add3A_316, %lt3A_317 : i32
      %convert_element_type3A_319 = arith.extui %lt3A_318 : i1 to i32
      %cond3A_320 = arith.constant 0 : i32
      %cond3A_321 = arith.cmpi ne, %convert_element_type3A_319, %cond3A_320 : i32
      scf.if %cond3A_321 {
        %dma_start3A_499 = arith.constant 3 : i32
        %dma_start3A_500 = arith.constant 0 : i32
        %dma_start3A_501 = tpu.memref_slice %arg12[%dma_start3A_499, %dma_start3A_500] : memref<8x80xi32, #tpu.memory_space<vmem>> -> memref<1x80xi32, #tpu.memory_space<vmem>>
        %dma_start3A_502 = tpu.memref_squeeze %dma_start3A_501 : memref<1x80xi32, #tpu.memory_space<vmem>> -> memref<80xi32, #tpu.memory_space<vmem>>
        %dma_start3A_503 = arith.constant 0 : i32
        %dma_start3A_504 = arith.constant 0 : i32
        %dma_start3A_505 = tpu.memref_slice %arg2[%dma_start3A_503, %dma_start3A_504] : memref<10000x128xf32, #tpu.memory_space<hbm>> -> memref<10000x128xf32, #tpu.memory_space<hbm>>
        tpu.enqueue_indirect_dma source(%dma_start3A_505 : memref<10000x128xf32, #tpu.memory_space<hbm>>) target(%arg10 : memref<80x128xf32, #tpu.memory_space<vmem>>) offsets(%dma_start3A_502 : memref<80xi32, #tpu.memory_space<vmem>>) semaphore(%arg18 : memref<!tpu.dma_semaphore, #tpu.memory_space<semaphore_mem>>)
      } else {
      }
      %add3A_322 = arith.constant 2 : i32
      %add3A_323 = arith.addi %add3A_166, %add3A_322 : i32
      %lt3A_324 = arith.constant 16 : i32
      %lt3A_325 = arith.cmpi slt, %add3A_323, %lt3A_324 : i32
      %convert_element_type3A_326 = arith.extui %lt3A_325 : i1 to i32
      %cond3A_327 = arith.constant 0 : i32
      %cond3A_328 = arith.cmpi ne, %convert_element_type3A_326, %cond3A_327 : i32
      scf.if %cond3A_328 {
        %add3A_499 = arith.constant 2 : i32
        %add3A_500 = arith.addi %add3A_166, %add3A_499 : i32
        %mul3A_501 = arith.constant 8 : i32
        %mul3A_502 = arith.muli %add3A_500, %mul3A_501 : i32
        %dma_start3A_503 = arith.constant 0 : i32
        %dma_start3A_504 = arith.constant 0 : i32
        %dma_start3A_505 = tpu.memref_slice %arg3[%scan3A, %add3A, %dma_start3A_503, %dma_start3A_504] : memref<2x32x128x80xi32, #tpu.memory_space<hbm>> -> memref<1x1x128x80xi32, #tpu.memory_space<hbm>>
        %dma_start3A_506 = tpu.memref_squeeze %dma_start3A_505 : memref<1x1x128x80xi32, #tpu.memory_space<hbm>> -> memref<128x80xi32, #tpu.memory_space<hbm>>
        %dma_start3A_507 = arith.constant 0 : i32
        %dma_start3A_508 = tpu.memref_slice %dma_start3A_506[%mul3A_502, %dma_start3A_507] : memref<128x80xi32, #tpu.memory_space<hbm>> -> memref<8x80xi32, #tpu.memory_space<hbm>>
        %dma_start3A_509 = arith.constant 0 : i32
        %dma_start3A_510 = arith.constant 0 : i32
        %dma_start3A_511 = tpu.memref_slice %arg3[%scan3A, %add3A, %dma_start3A_509, %dma_start3A_510] : memref<2x32x128x80xi32, #tpu.memory_space<hbm>> -> memref<1x1x128x80xi32, #tpu.memory_space<hbm>>
        %dma_start3A_512 = tpu.memref_squeeze %dma_start3A_511 : memref<1x1x128x80xi32, #tpu.memory_space<hbm>> -> memref<128x80xi32, #tpu.memory_space<hbm>>
        %dma_start3A_513 = arith.constant 0 : i32
        %dma_start3A_514 = tpu.memref_slice %dma_start3A_512[%mul3A_502, %dma_start3A_513] : memref<128x80xi32, #tpu.memory_space<hbm>> -> memref<8x80xi32, #tpu.memory_space<hbm>>
        tpu.enqueue_dma source(%dma_start3A_514 : memref<8x80xi32, #tpu.memory_space<hbm>>) target(%arg11 : memref<8x80xi32, #tpu.memory_space<vmem>>) target_semaphore(%arg19 : memref<!tpu.dma_semaphore, #tpu.memory_space<semaphore_mem>>)
        %dma_start3A_515 = arith.constant 0 : i32
        %dma_start3A_516 = arith.constant 0 : i32
        %dma_start3A_517 = tpu.memref_slice %arg3[%scan3A_151, %add3A, %dma_start3A_515, %dma_start3A_516] : memref<2x32x128x80xi32, #tpu.memory_space<hbm>> -> memref<1x1x128x80xi32, #tpu.memory_space<hbm>>
        %dma_start3A_518 = tpu.memref_squeeze %dma_start3A_517 : memref<1x1x128x80xi32, #tpu.memory_space<hbm>> -> memref<128x80xi32, #tpu.memory_space<hbm>>
        %dma_start3A_519 = arith.constant 0 : i32
        %dma_start3A_520 = tpu.memref_slice %dma_start3A_518[%mul3A_502, %dma_start3A_519] : memref<128x80xi32, #tpu.memory_space<hbm>> -> memref<8x80xi32, #tpu.memory_space<hbm>>
        %dma_start3A_521 = arith.constant 0 : i32
        %dma_start3A_522 = arith.constant 0 : i32
        %dma_start3A_523 = tpu.memref_slice %arg3[%scan3A_151, %add3A, %dma_start3A_521, %dma_start3A_522] : memref<2x32x128x80xi32, #tpu.memory_space<hbm>> -> memref<1x1x128x80xi32, #tpu.memory_space<hbm>>
        %dma_start3A_524 = tpu.memref_squeeze %dma_start3A_523 : memref<1x1x128x80xi32, #tpu.memory_space<hbm>> -> memref<128x80xi32, #tpu.memory_space<hbm>>
        %dma_start3A_525 = arith.constant 0 : i32
        %dma_start3A_526 = tpu.memref_slice %dma_start3A_524[%mul3A_502, %dma_start3A_525] : memref<128x80xi32, #tpu.memory_space<hbm>> -> memref<8x80xi32, #tpu.memory_space<hbm>>
        tpu.enqueue_dma source(%dma_start3A_526 : memref<8x80xi32, #tpu.memory_space<hbm>>) target(%arg13 : memref<8x80xi32, #tpu.memory_space<vmem>>) target_semaphore(%arg19 : memref<!tpu.dma_semaphore, #tpu.memory_space<semaphore_mem>>)
      } else {
      }
      %mul3A_329 = arith.constant 2 : i32
      %mul3A_330 = arith.muli %add3A_162, %mul3A_329 : i32
      %add3A_331 = arith.constant 1 : i32
      %add3A_332 = arith.addi %mul3A_330, %add3A_331 : i32
      %mul3A_333 = arith.constant 8 : i32
      %mul3A_334 = arith.muli %add3A_332, %mul3A_333 : i32
      %add3A_335 = arith.constant 0 : i32
      %add3A_336 = arith.addi %mul3A_334, %add3A_335 : i32
      %dma_wait3A_337 = arith.constant 0 : i32
      %dma_wait3A_338 = arith.constant 0 : i32
      %dma_wait3A_339 = tpu.memref_slice %arg12[%dma_wait3A_337, %dma_wait3A_338] : memref<8x80xi32, #tpu.memory_space<vmem>> -> memref<1x80xi32, #tpu.memory_space<vmem>>
      %dma_wait3A_340 = tpu.memref_squeeze %dma_wait3A_339 : memref<1x80xi32, #tpu.memory_space<vmem>> -> memref<80xi32, #tpu.memory_space<vmem>>
      %dma_wait3A_341 = arith.constant 0 : i32
      %dma_wait3A_342 = arith.constant 0 : i32
      %dma_wait3A_343 = tpu.memref_slice %arg2[%dma_wait3A_341, %dma_wait3A_342] : memref<10000x128xf32, #tpu.memory_space<hbm>> -> memref<10000x128xf32, #tpu.memory_space<hbm>>
      tpu.wait_indirect_dma semaphore(%arg15 : memref<!tpu.dma_semaphore, #tpu.memory_space<semaphore_mem>>) src(%dma_wait3A_343 : memref<10000x128xf32, #tpu.memory_space<hbm>>) dst(%arg7 : memref<80x128xf32, #tpu.memory_space<vmem>>)
      %run_scoped3A_344 = arith.constant 0 : i32
      "tpu.region"() ({
        %run_scoped3A_499 = tpu.sem_alloc : memref<!tpu.dma_semaphore, #tpu.memory_space<semaphore_mem>>
        %dma_start3A_500 = arith.constant 0 : i32
        %dma_start3A_501 = tpu.memref_slice %arg14[%run_scoped3A_344, %dma_start3A_500] : memref<8x80xi32, #tpu.memory_space<vmem>> -> memref<1x80xi32, #tpu.memory_space<vmem>>
        %dma_start3A_502 = tpu.memref_squeeze %dma_start3A_501 : memref<1x80xi32, #tpu.memory_space<vmem>> -> memref<80xi32, #tpu.memory_space<vmem>>
        %dma_start3A_503 = arith.constant 0 : i32
        %dma_start3A_504 = arith.constant 0 : i32
        %dma_start3A_505 = tpu.memref_slice %arg6[%dma_start3A_503, %dma_start3A_504] : memref<10112x128xf32, #tpu.memory_space<vmem_shared>> -> memref<10112x128xf32, #tpu.memory_space<vmem_shared>>
        tpu.enqueue_indirect_dma source(%arg7 : memref<80x128xf32, #tpu.memory_space<vmem>>) target(%dma_start3A_505 : memref<10112x128xf32, #tpu.memory_space<vmem_shared>>) offsets(%dma_start3A_502 : memref<80xi32, #tpu.memory_space<vmem>>) semaphore(%run_scoped3A_499 : memref<!tpu.dma_semaphore, #tpu.memory_space<semaphore_mem>>) {add = true}
        %dma_wait3A_506 = arith.constant 0 : i32
        %dma_wait3A_507 = tpu.memref_slice %arg14[%run_scoped3A_344, %dma_wait3A_506] : memref<8x80xi32, #tpu.memory_space<vmem>> -> memref<1x80xi32, #tpu.memory_space<vmem>>
        %dma_wait3A_508 = tpu.memref_squeeze %dma_wait3A_507 : memref<1x80xi32, #tpu.memory_space<vmem>> -> memref<80xi32, #tpu.memory_space<vmem>>
        %dma_wait3A_509 = arith.constant 0 : i32
        %dma_wait3A_510 = arith.constant 0 : i32
        %dma_wait3A_511 = tpu.memref_slice %arg6[%dma_wait3A_509, %dma_wait3A_510] : memref<10112x128xf32, #tpu.memory_space<vmem_shared>> -> memref<10112x128xf32, #tpu.memory_space<vmem_shared>>
        tpu.wait_indirect_dma semaphore(%run_scoped3A_499 : memref<!tpu.dma_semaphore, #tpu.memory_space<semaphore_mem>>) src(%arg7 : memref<80x128xf32, #tpu.memory_space<vmem>>) dst(%dma_wait3A_511 : memref<10112x128xf32, #tpu.memory_space<vmem_shared>>)
        tpu.yield
      }) : () -> ()
      %add3A_345 = arith.constant 4 : i32
      %add3A_346 = arith.addi %add3A_336, %add3A_345 : i32
      %lt3A_347 = arith.constant 128 : i32
      %lt3A_348 = arith.cmpi slt, %add3A_346, %lt3A_347 : i32
      %convert_element_type3A_349 = arith.extui %lt3A_348 : i1 to i32
      %cond3A_350 = arith.constant 0 : i32
      %cond3A_351 = arith.cmpi ne, %convert_element_type3A_349, %cond3A_350 : i32
      scf.if %cond3A_351 {
        %dma_start3A_499 = arith.constant 4 : i32
        %dma_start3A_500 = arith.constant 0 : i32
        %dma_start3A_501 = tpu.memref_slice %arg12[%dma_start3A_499, %dma_start3A_500] : memref<8x80xi32, #tpu.memory_space<vmem>> -> memref<1x80xi32, #tpu.memory_space<vmem>>
        %dma_start3A_502 = tpu.memref_squeeze %dma_start3A_501 : memref<1x80xi32, #tpu.memory_space<vmem>> -> memref<80xi32, #tpu.memory_space<vmem>>
        %dma_start3A_503 = arith.constant 0 : i32
        %dma_start3A_504 = arith.constant 0 : i32
        %dma_start3A_505 = tpu.memref_slice %arg2[%dma_start3A_503, %dma_start3A_504] : memref<10000x128xf32, #tpu.memory_space<hbm>> -> memref<10000x128xf32, #tpu.memory_space<hbm>>
        tpu.enqueue_indirect_dma source(%dma_start3A_505 : memref<10000x128xf32, #tpu.memory_space<hbm>>) target(%arg7 : memref<80x128xf32, #tpu.memory_space<vmem>>) offsets(%dma_start3A_502 : memref<80xi32, #tpu.memory_space<vmem>>) semaphore(%arg15 : memref<!tpu.dma_semaphore, #tpu.memory_space<semaphore_mem>>)
      } else {
      }
      %mul3A_352 = arith.constant 8 : i32
      %mul3A_353 = arith.muli %add3A_332, %mul3A_352 : i32
      %add3A_354 = arith.constant 1 : i32
      %add3A_355 = arith.addi %mul3A_353, %add3A_354 : i32
      %dma_wait3A_356 = arith.constant 1 : i32
      %dma_wait3A_357 = arith.constant 0 : i32
      %dma_wait3A_358 = tpu.memref_slice %arg12[%dma_wait3A_356, %dma_wait3A_357] : memref<8x80xi32, #tpu.memory_space<vmem>> -> memref<1x80xi32, #tpu.memory_space<vmem>>
      %dma_wait3A_359 = tpu.memref_squeeze %dma_wait3A_358 : memref<1x80xi32, #tpu.memory_space<vmem>> -> memref<80xi32, #tpu.memory_space<vmem>>
      %dma_wait3A_360 = arith.constant 0 : i32
      %dma_wait3A_361 = arith.constant 0 : i32
      %dma_wait3A_362 = tpu.memref_slice %arg2[%dma_wait3A_360, %dma_wait3A_361] : memref<10000x128xf32, #tpu.memory_space<hbm>> -> memref<10000x128xf32, #tpu.memory_space<hbm>>
      tpu.wait_indirect_dma semaphore(%arg16 : memref<!tpu.dma_semaphore, #tpu.memory_space<semaphore_mem>>) src(%dma_wait3A_362 : memref<10000x128xf32, #tpu.memory_space<hbm>>) dst(%arg8 : memref<80x128xf32, #tpu.memory_space<vmem>>)
      %run_scoped3A_363 = arith.constant 1 : i32
      "tpu.region"() ({
        %run_scoped3A_499 = tpu.sem_alloc : memref<!tpu.dma_semaphore, #tpu.memory_space<semaphore_mem>>
        %dma_start3A_500 = arith.constant 0 : i32
        %dma_start3A_501 = tpu.memref_slice %arg14[%run_scoped3A_363, %dma_start3A_500] : memref<8x80xi32, #tpu.memory_space<vmem>> -> memref<1x80xi32, #tpu.memory_space<vmem>>
        %dma_start3A_502 = tpu.memref_squeeze %dma_start3A_501 : memref<1x80xi32, #tpu.memory_space<vmem>> -> memref<80xi32, #tpu.memory_space<vmem>>
        %dma_start3A_503 = arith.constant 0 : i32
        %dma_start3A_504 = arith.constant 0 : i32
        %dma_start3A_505 = tpu.memref_slice %arg6[%dma_start3A_503, %dma_start3A_504] : memref<10112x128xf32, #tpu.memory_space<vmem_shared>> -> memref<10112x128xf32, #tpu.memory_space<vmem_shared>>
        tpu.enqueue_indirect_dma source(%arg8 : memref<80x128xf32, #tpu.memory_space<vmem>>) target(%dma_start3A_505 : memref<10112x128xf32, #tpu.memory_space<vmem_shared>>) offsets(%dma_start3A_502 : memref<80xi32, #tpu.memory_space<vmem>>) semaphore(%run_scoped3A_499 : memref<!tpu.dma_semaphore, #tpu.memory_space<semaphore_mem>>) {add = true}
        %dma_wait3A_506 = arith.constant 0 : i32
        %dma_wait3A_507 = tpu.memref_slice %arg14[%run_scoped3A_363, %dma_wait3A_506] : memref<8x80xi32, #tpu.memory_space<vmem>> -> memref<1x80xi32, #tpu.memory_space<vmem>>
        %dma_wait3A_508 = tpu.memref_squeeze %dma_wait3A_507 : memref<1x80xi32, #tpu.memory_space<vmem>> -> memref<80xi32, #tpu.memory_space<vmem>>
        %dma_wait3A_509 = arith.constant 0 : i32
        %dma_wait3A_510 = arith.constant 0 : i32
        %dma_wait3A_511 = tpu.memref_slice %arg6[%dma_wait3A_509, %dma_wait3A_510] : memref<10112x128xf32, #tpu.memory_space<vmem_shared>> -> memref<10112x128xf32, #tpu.memory_space<vmem_shared>>
        tpu.wait_indirect_dma semaphore(%run_scoped3A_499 : memref<!tpu.dma_semaphore, #tpu.memory_space<semaphore_mem>>) src(%arg8 : memref<80x128xf32, #tpu.memory_space<vmem>>) dst(%dma_wait3A_511 : memref<10112x128xf32, #tpu.memory_space<vmem_shared>>)
        tpu.yield
      }) : () -> ()
      %add3A_364 = arith.constant 4 : i32
      %add3A_365 = arith.addi %add3A_355, %add3A_364 : i32
      %lt3A_366 = arith.constant 128 : i32
      %lt3A_367 = arith.cmpi slt, %add3A_365, %lt3A_366 : i32
      %convert_element_type3A_368 = arith.extui %lt3A_367 : i1 to i32
      %cond3A_369 = arith.constant 0 : i32
      %cond3A_370 = arith.cmpi ne, %convert_element_type3A_368, %cond3A_369 : i32
      scf.if %cond3A_370 {
        %dma_start3A_499 = arith.constant 5 : i32
        %dma_start3A_500 = arith.constant 0 : i32
        %dma_start3A_501 = tpu.memref_slice %arg12[%dma_start3A_499, %dma_start3A_500] : memref<8x80xi32, #tpu.memory_space<vmem>> -> memref<1x80xi32, #tpu.memory_space<vmem>>
        %dma_start3A_502 = tpu.memref_squeeze %dma_start3A_501 : memref<1x80xi32, #tpu.memory_space<vmem>> -> memref<80xi32, #tpu.memory_space<vmem>>
        %dma_start3A_503 = arith.constant 0 : i32
        %dma_start3A_504 = arith.constant 0 : i32
        %dma_start3A_505 = tpu.memref_slice %arg2[%dma_start3A_503, %dma_start3A_504] : memref<10000x128xf32, #tpu.memory_space<hbm>> -> memref<10000x128xf32, #tpu.memory_space<hbm>>
        tpu.enqueue_indirect_dma source(%dma_start3A_505 : memref<10000x128xf32, #tpu.memory_space<hbm>>) target(%arg8 : memref<80x128xf32, #tpu.memory_space<vmem>>) offsets(%dma_start3A_502 : memref<80xi32, #tpu.memory_space<vmem>>) semaphore(%arg16 : memref<!tpu.dma_semaphore, #tpu.memory_space<semaphore_mem>>)
      } else {
      }
      %mul3A_371 = arith.constant 8 : i32
      %mul3A_372 = arith.muli %add3A_332, %mul3A_371 : i32
      %add3A_373 = arith.constant 2 : i32
      %add3A_374 = arith.addi %mul3A_372, %add3A_373 : i32
      %dma_wait3A_375 = arith.constant 2 : i32
      %dma_wait3A_376 = arith.constant 0 : i32
      %dma_wait3A_377 = tpu.memref_slice %arg12[%dma_wait3A_375, %dma_wait3A_376] : memref<8x80xi32, #tpu.memory_space<vmem>> -> memref<1x80xi32, #tpu.memory_space<vmem>>
      %dma_wait3A_378 = tpu.memref_squeeze %dma_wait3A_377 : memref<1x80xi32, #tpu.memory_space<vmem>> -> memref<80xi32, #tpu.memory_space<vmem>>
      %dma_wait3A_379 = arith.constant 0 : i32
      %dma_wait3A_380 = arith.constant 0 : i32
      %dma_wait3A_381 = tpu.memref_slice %arg2[%dma_wait3A_379, %dma_wait3A_380] : memref<10000x128xf32, #tpu.memory_space<hbm>> -> memref<10000x128xf32, #tpu.memory_space<hbm>>
      tpu.wait_indirect_dma semaphore(%arg17 : memref<!tpu.dma_semaphore, #tpu.memory_space<semaphore_mem>>) src(%dma_wait3A_381 : memref<10000x128xf32, #tpu.memory_space<hbm>>) dst(%arg9 : memref<80x128xf32, #tpu.memory_space<vmem>>)
      %run_scoped3A_382 = arith.constant 2 : i32
      "tpu.region"() ({
        %run_scoped3A_499 = tpu.sem_alloc : memref<!tpu.dma_semaphore, #tpu.memory_space<semaphore_mem>>
        %dma_start3A_500 = arith.constant 0 : i32
        %dma_start3A_501 = tpu.memref_slice %arg14[%run_scoped3A_382, %dma_start3A_500] : memref<8x80xi32, #tpu.memory_space<vmem>> -> memref<1x80xi32, #tpu.memory_space<vmem>>
        %dma_start3A_502 = tpu.memref_squeeze %dma_start3A_501 : memref<1x80xi32, #tpu.memory_space<vmem>> -> memref<80xi32, #tpu.memory_space<vmem>>
        %dma_start3A_503 = arith.constant 0 : i32
        %dma_start3A_504 = arith.constant 0 : i32
        %dma_start3A_505 = tpu.memref_slice %arg6[%dma_start3A_503, %dma_start3A_504] : memref<10112x128xf32, #tpu.memory_space<vmem_shared>> -> memref<10112x128xf32, #tpu.memory_space<vmem_shared>>
        tpu.enqueue_indirect_dma source(%arg9 : memref<80x128xf32, #tpu.memory_space<vmem>>) target(%dma_start3A_505 : memref<10112x128xf32, #tpu.memory_space<vmem_shared>>) offsets(%dma_start3A_502 : memref<80xi32, #tpu.memory_space<vmem>>) semaphore(%run_scoped3A_499 : memref<!tpu.dma_semaphore, #tpu.memory_space<semaphore_mem>>) {add = true}
        %dma_wait3A_506 = arith.constant 0 : i32
        %dma_wait3A_507 = tpu.memref_slice %arg14[%run_scoped3A_382, %dma_wait3A_506] : memref<8x80xi32, #tpu.memory_space<vmem>> -> memref<1x80xi32, #tpu.memory_space<vmem>>
        %dma_wait3A_508 = tpu.memref_squeeze %dma_wait3A_507 : memref<1x80xi32, #tpu.memory_space<vmem>> -> memref<80xi32, #tpu.memory_space<vmem>>
        %dma_wait3A_509 = arith.constant 0 : i32
        %dma_wait3A_510 = arith.constant 0 : i32
        %dma_wait3A_511 = tpu.memref_slice %arg6[%dma_wait3A_509, %dma_wait3A_510] : memref<10112x128xf32, #tpu.memory_space<vmem_shared>> -> memref<10112x128xf32, #tpu.memory_space<vmem_shared>>
        tpu.wait_indirect_dma semaphore(%run_scoped3A_499 : memref<!tpu.dma_semaphore, #tpu.memory_space<semaphore_mem>>) src(%arg9 : memref<80x128xf32, #tpu.memory_space<vmem>>) dst(%dma_wait3A_511 : memref<10112x128xf32, #tpu.memory_space<vmem_shared>>)
        tpu.yield
      }) : () -> ()
      %add3A_383 = arith.constant 4 : i32
      %add3A_384 = arith.addi %add3A_374, %add3A_383 : i32
      %lt3A_385 = arith.constant 128 : i32
      %lt3A_386 = arith.cmpi slt, %add3A_384, %lt3A_385 : i32
      %convert_element_type3A_387 = arith.extui %lt3A_386 : i1 to i32
      %cond3A_388 = arith.constant 0 : i32
      %cond3A_389 = arith.cmpi ne, %convert_element_type3A_387, %cond3A_388 : i32
      scf.if %cond3A_389 {
        %dma_start3A_499 = arith.constant 6 : i32
        %dma_start3A_500 = arith.constant 0 : i32
        %dma_start3A_501 = tpu.memref_slice %arg12[%dma_start3A_499, %dma_start3A_500] : memref<8x80xi32, #tpu.memory_space<vmem>> -> memref<1x80xi32, #tpu.memory_space<vmem>>
        %dma_start3A_502 = tpu.memref_squeeze %dma_start3A_501 : memref<1x80xi32, #tpu.memory_space<vmem>> -> memref<80xi32, #tpu.memory_space<vmem>>
        %dma_start3A_503 = arith.constant 0 : i32
        %dma_start3A_504 = arith.constant 0 : i32
        %dma_start3A_505 = tpu.memref_slice %arg2[%dma_start3A_503, %dma_start3A_504] : memref<10000x128xf32, #tpu.memory_space<hbm>> -> memref<10000x128xf32, #tpu.memory_space<hbm>>
        tpu.enqueue_indirect_dma source(%dma_start3A_505 : memref<10000x128xf32, #tpu.memory_space<hbm>>) target(%arg9 : memref<80x128xf32, #tpu.memory_space<vmem>>) offsets(%dma_start3A_502 : memref<80xi32, #tpu.memory_space<vmem>>) semaphore(%arg17 : memref<!tpu.dma_semaphore, #tpu.memory_space<semaphore_mem>>)
      } else {
      }
      %mul3A_390 = arith.constant 8 : i32
      %mul3A_391 = arith.muli %add3A_332, %mul3A_390 : i32
      %add3A_392 = arith.constant 3 : i32
      %add3A_393 = arith.addi %mul3A_391, %add3A_392 : i32
      %dma_wait3A_394 = arith.constant 3 : i32
      %dma_wait3A_395 = arith.constant 0 : i32
      %dma_wait3A_396 = tpu.memref_slice %arg12[%dma_wait3A_394, %dma_wait3A_395] : memref<8x80xi32, #tpu.memory_space<vmem>> -> memref<1x80xi32, #tpu.memory_space<vmem>>
      %dma_wait3A_397 = tpu.memref_squeeze %dma_wait3A_396 : memref<1x80xi32, #tpu.memory_space<vmem>> -> memref<80xi32, #tpu.memory_space<vmem>>
      %dma_wait3A_398 = arith.constant 0 : i32
      %dma_wait3A_399 = arith.constant 0 : i32
      %dma_wait3A_400 = tpu.memref_slice %arg2[%dma_wait3A_398, %dma_wait3A_399] : memref<10000x128xf32, #tpu.memory_space<hbm>> -> memref<10000x128xf32, #tpu.memory_space<hbm>>
      tpu.wait_indirect_dma semaphore(%arg18 : memref<!tpu.dma_semaphore, #tpu.memory_space<semaphore_mem>>) src(%dma_wait3A_400 : memref<10000x128xf32, #tpu.memory_space<hbm>>) dst(%arg10 : memref<80x128xf32, #tpu.memory_space<vmem>>)
      %run_scoped3A_401 = arith.constant 3 : i32
      "tpu.region"() ({
        %run_scoped3A_499 = tpu.sem_alloc : memref<!tpu.dma_semaphore, #tpu.memory_space<semaphore_mem>>
        %dma_start3A_500 = arith.constant 0 : i32
        %dma_start3A_501 = tpu.memref_slice %arg14[%run_scoped3A_401, %dma_start3A_500] : memref<8x80xi32, #tpu.memory_space<vmem>> -> memref<1x80xi32, #tpu.memory_space<vmem>>
        %dma_start3A_502 = tpu.memref_squeeze %dma_start3A_501 : memref<1x80xi32, #tpu.memory_space<vmem>> -> memref<80xi32, #tpu.memory_space<vmem>>
        %dma_start3A_503 = arith.constant 0 : i32
        %dma_start3A_504 = arith.constant 0 : i32
        %dma_start3A_505 = tpu.memref_slice %arg6[%dma_start3A_503, %dma_start3A_504] : memref<10112x128xf32, #tpu.memory_space<vmem_shared>> -> memref<10112x128xf32, #tpu.memory_space<vmem_shared>>
        tpu.enqueue_indirect_dma source(%arg10 : memref<80x128xf32, #tpu.memory_space<vmem>>) target(%dma_start3A_505 : memref<10112x128xf32, #tpu.memory_space<vmem_shared>>) offsets(%dma_start3A_502 : memref<80xi32, #tpu.memory_space<vmem>>) semaphore(%run_scoped3A_499 : memref<!tpu.dma_semaphore, #tpu.memory_space<semaphore_mem>>) {add = true}
        %dma_wait3A_506 = arith.constant 0 : i32
        %dma_wait3A_507 = tpu.memref_slice %arg14[%run_scoped3A_401, %dma_wait3A_506] : memref<8x80xi32, #tpu.memory_space<vmem>> -> memref<1x80xi32, #tpu.memory_space<vmem>>
        %dma_wait3A_508 = tpu.memref_squeeze %dma_wait3A_507 : memref<1x80xi32, #tpu.memory_space<vmem>> -> memref<80xi32, #tpu.memory_space<vmem>>
        %dma_wait3A_509 = arith.constant 0 : i32
        %dma_wait3A_510 = arith.constant 0 : i32
        %dma_wait3A_511 = tpu.memref_slice %arg6[%dma_wait3A_509, %dma_wait3A_510] : memref<10112x128xf32, #tpu.memory_space<vmem_shared>> -> memref<10112x128xf32, #tpu.memory_space<vmem_shared>>
        tpu.wait_indirect_dma semaphore(%run_scoped3A_499 : memref<!tpu.dma_semaphore, #tpu.memory_space<semaphore_mem>>) src(%arg10 : memref<80x128xf32, #tpu.memory_space<vmem>>) dst(%dma_wait3A_511 : memref<10112x128xf32, #tpu.memory_space<vmem_shared>>)
        tpu.yield
      }) : () -> ()
      %add3A_402 = arith.constant 4 : i32
      %add3A_403 = arith.addi %add3A_393, %add3A_402 : i32
      %lt3A_404 = arith.constant 128 : i32
      %lt3A_405 = arith.cmpi slt, %add3A_403, %lt3A_404 : i32
      %convert_element_type3A_406 = arith.extui %lt3A_405 : i1 to i32
      %cond3A_407 = arith.constant 0 : i32
      %cond3A_408 = arith.cmpi ne, %convert_element_type3A_406, %cond3A_407 : i32
      scf.if %cond3A_408 {
        %dma_start3A_499 = arith.constant 7 : i32
        %dma_start3A_500 = arith.constant 0 : i32
        %dma_start3A_501 = tpu.memref_slice %arg12[%dma_start3A_499, %dma_start3A_500] : memref<8x80xi32, #tpu.memory_space<vmem>> -> memref<1x80xi32, #tpu.memory_space<vmem>>
        %dma_start3A_502 = tpu.memref_squeeze %dma_start3A_501 : memref<1x80xi32, #tpu.memory_space<vmem>> -> memref<80xi32, #tpu.memory_space<vmem>>
        %dma_start3A_503 = arith.constant 0 : i32
        %dma_start3A_504 = arith.constant 0 : i32
        %dma_start3A_505 = tpu.memref_slice %arg2[%dma_start3A_503, %dma_start3A_504] : memref<10000x128xf32, #tpu.memory_space<hbm>> -> memref<10000x128xf32, #tpu.memory_space<hbm>>
        tpu.enqueue_indirect_dma source(%dma_start3A_505 : memref<10000x128xf32, #tpu.memory_space<hbm>>) target(%arg10 : memref<80x128xf32, #tpu.memory_space<vmem>>) offsets(%dma_start3A_502 : memref<80xi32, #tpu.memory_space<vmem>>) semaphore(%arg18 : memref<!tpu.dma_semaphore, #tpu.memory_space<semaphore_mem>>)
      } else {
      }
      %mul3A_409 = arith.constant 8 : i32
      %mul3A_410 = arith.muli %add3A_332, %mul3A_409 : i32
      %add3A_411 = arith.constant 4 : i32
      %add3A_412 = arith.addi %mul3A_410, %add3A_411 : i32
      %dma_wait3A_413 = arith.constant 4 : i32
      %dma_wait3A_414 = arith.constant 0 : i32
      %dma_wait3A_415 = tpu.memref_slice %arg12[%dma_wait3A_413, %dma_wait3A_414] : memref<8x80xi32, #tpu.memory_space<vmem>> -> memref<1x80xi32, #tpu.memory_space<vmem>>
      %dma_wait3A_416 = tpu.memref_squeeze %dma_wait3A_415 : memref<1x80xi32, #tpu.memory_space<vmem>> -> memref<80xi32, #tpu.memory_space<vmem>>
      %dma_wait3A_417 = arith.constant 0 : i32
      %dma_wait3A_418 = arith.constant 0 : i32
      %dma_wait3A_419 = tpu.memref_slice %arg2[%dma_wait3A_417, %dma_wait3A_418] : memref<10000x128xf32, #tpu.memory_space<hbm>> -> memref<10000x128xf32, #tpu.memory_space<hbm>>
      tpu.wait_indirect_dma semaphore(%arg15 : memref<!tpu.dma_semaphore, #tpu.memory_space<semaphore_mem>>) src(%dma_wait3A_419 : memref<10000x128xf32, #tpu.memory_space<hbm>>) dst(%arg7 : memref<80x128xf32, #tpu.memory_space<vmem>>)
      %run_scoped3A_420 = arith.constant 4 : i32
      "tpu.region"() ({
        %run_scoped3A_499 = tpu.sem_alloc : memref<!tpu.dma_semaphore, #tpu.memory_space<semaphore_mem>>
        %dma_start3A_500 = arith.constant 0 : i32
        %dma_start3A_501 = tpu.memref_slice %arg14[%run_scoped3A_420, %dma_start3A_500] : memref<8x80xi32, #tpu.memory_space<vmem>> -> memref<1x80xi32, #tpu.memory_space<vmem>>
        %dma_start3A_502 = tpu.memref_squeeze %dma_start3A_501 : memref<1x80xi32, #tpu.memory_space<vmem>> -> memref<80xi32, #tpu.memory_space<vmem>>
        %dma_start3A_503 = arith.constant 0 : i32
        %dma_start3A_504 = arith.constant 0 : i32
        %dma_start3A_505 = tpu.memref_slice %arg6[%dma_start3A_503, %dma_start3A_504] : memref<10112x128xf32, #tpu.memory_space<vmem_shared>> -> memref<10112x128xf32, #tpu.memory_space<vmem_shared>>
        tpu.enqueue_indirect_dma source(%arg7 : memref<80x128xf32, #tpu.memory_space<vmem>>) target(%dma_start3A_505 : memref<10112x128xf32, #tpu.memory_space<vmem_shared>>) offsets(%dma_start3A_502 : memref<80xi32, #tpu.memory_space<vmem>>) semaphore(%run_scoped3A_499 : memref<!tpu.dma_semaphore, #tpu.memory_space<semaphore_mem>>) {add = true}
        %dma_wait3A_506 = arith.constant 0 : i32
        %dma_wait3A_507 = tpu.memref_slice %arg14[%run_scoped3A_420, %dma_wait3A_506] : memref<8x80xi32, #tpu.memory_space<vmem>> -> memref<1x80xi32, #tpu.memory_space<vmem>>
        %dma_wait3A_508 = tpu.memref_squeeze %dma_wait3A_507 : memref<1x80xi32, #tpu.memory_space<vmem>> -> memref<80xi32, #tpu.memory_space<vmem>>
        %dma_wait3A_509 = arith.constant 0 : i32
        %dma_wait3A_510 = arith.constant 0 : i32
        %dma_wait3A_511 = tpu.memref_slice %arg6[%dma_wait3A_509, %dma_wait3A_510] : memref<10112x128xf32, #tpu.memory_space<vmem_shared>> -> memref<10112x128xf32, #tpu.memory_space<vmem_shared>>
        tpu.wait_indirect_dma semaphore(%run_scoped3A_499 : memref<!tpu.dma_semaphore, #tpu.memory_space<semaphore_mem>>) src(%arg7 : memref<80x128xf32, #tpu.memory_space<vmem>>) dst(%dma_wait3A_511 : memref<10112x128xf32, #tpu.memory_space<vmem_shared>>)
        tpu.yield
      }) : () -> ()
      %add3A_421 = arith.constant 1 : i32
      %add3A_422 = arith.addi %add3A_332, %add3A_421 : i32
      %lt3A_423 = arith.constant 16 : i32
      %lt3A_424 = arith.cmpi slt, %add3A_422, %lt3A_423 : i32
      %convert_element_type3A_425 = arith.extui %lt3A_424 : i1 to i32
      %cond3A_426 = arith.constant 0 : i32
      %cond3A_427 = arith.cmpi ne, %convert_element_type3A_425, %cond3A_426 : i32
      scf.if %cond3A_427 {
        %add3A_499 = arith.constant 1 : i32
        %add3A_500 = arith.addi %add3A_332, %add3A_499 : i32
        %mul3A_501 = arith.constant 8 : i32
        %mul3A_502 = arith.muli %add3A_500, %mul3A_501 : i32
        %dma_wait3A_503 = arith.constant 0 : i32
        %dma_wait3A_504 = arith.constant 0 : i32
        %dma_wait3A_505 = tpu.memref_slice %arg3[%scan3A, %add3A, %dma_wait3A_503, %dma_wait3A_504] : memref<2x32x128x80xi32, #tpu.memory_space<hbm>> -> memref<1x1x128x80xi32, #tpu.memory_space<hbm>>
        %dma_wait3A_506 = tpu.memref_squeeze %dma_wait3A_505 : memref<1x1x128x80xi32, #tpu.memory_space<hbm>> -> memref<128x80xi32, #tpu.memory_space<hbm>>
        %dma_wait3A_507 = arith.constant 0 : i32
        %dma_wait3A_508 = tpu.memref_slice %dma_wait3A_506[%mul3A_502, %dma_wait3A_507] : memref<128x80xi32, #tpu.memory_space<hbm>> -> memref<8x80xi32, #tpu.memory_space<hbm>>
        %dma_wait3A_509 = arith.constant 0 : i32
        %dma_wait3A_510 = arith.constant 0 : i32
        %dma_wait3A_511 = tpu.memref_slice %arg3[%scan3A, %add3A, %dma_wait3A_509, %dma_wait3A_510] : memref<2x32x128x80xi32, #tpu.memory_space<hbm>> -> memref<1x1x128x80xi32, #tpu.memory_space<hbm>>
        %dma_wait3A_512 = tpu.memref_squeeze %dma_wait3A_511 : memref<1x1x128x80xi32, #tpu.memory_space<hbm>> -> memref<128x80xi32, #tpu.memory_space<hbm>>
        %dma_wait3A_513 = arith.constant 0 : i32
        %dma_wait3A_514 = tpu.memref_slice %dma_wait3A_512[%mul3A_502, %dma_wait3A_513] : memref<128x80xi32, #tpu.memory_space<hbm>> -> memref<8x80xi32, #tpu.memory_space<hbm>>
        tpu.wait_dma2 semaphore(%arg19 : memref<!tpu.dma_semaphore, #tpu.memory_space<semaphore_mem>>) src(%dma_wait3A_514 : memref<8x80xi32, #tpu.memory_space<hbm>>) dst(%arg11 : memref<8x80xi32, #tpu.memory_space<vmem>>)
        %dma_wait3A_515 = arith.constant 0 : i32
        %dma_wait3A_516 = arith.constant 0 : i32
        %dma_wait3A_517 = tpu.memref_slice %arg3[%scan3A_151, %add3A, %dma_wait3A_515, %dma_wait3A_516] : memref<2x32x128x80xi32, #tpu.memory_space<hbm>> -> memref<1x1x128x80xi32, #tpu.memory_space<hbm>>
        %dma_wait3A_518 = tpu.memref_squeeze %dma_wait3A_517 : memref<1x1x128x80xi32, #tpu.memory_space<hbm>> -> memref<128x80xi32, #tpu.memory_space<hbm>>
        %dma_wait3A_519 = arith.constant 0 : i32
        %dma_wait3A_520 = tpu.memref_slice %dma_wait3A_518[%mul3A_502, %dma_wait3A_519] : memref<128x80xi32, #tpu.memory_space<hbm>> -> memref<8x80xi32, #tpu.memory_space<hbm>>
        %dma_wait3A_521 = arith.constant 0 : i32
        %dma_wait3A_522 = arith.constant 0 : i32
        %dma_wait3A_523 = tpu.memref_slice %arg3[%scan3A_151, %add3A, %dma_wait3A_521, %dma_wait3A_522] : memref<2x32x128x80xi32, #tpu.memory_space<hbm>> -> memref<1x1x128x80xi32, #tpu.memory_space<hbm>>
        %dma_wait3A_524 = tpu.memref_squeeze %dma_wait3A_523 : memref<1x1x128x80xi32, #tpu.memory_space<hbm>> -> memref<128x80xi32, #tpu.memory_space<hbm>>
        %dma_wait3A_525 = arith.constant 0 : i32
        %dma_wait3A_526 = tpu.memref_slice %dma_wait3A_524[%mul3A_502, %dma_wait3A_525] : memref<128x80xi32, #tpu.memory_space<hbm>> -> memref<8x80xi32, #tpu.memory_space<hbm>>
        tpu.wait_dma2 semaphore(%arg19 : memref<!tpu.dma_semaphore, #tpu.memory_space<semaphore_mem>>) src(%dma_wait3A_526 : memref<8x80xi32, #tpu.memory_space<hbm>>) dst(%arg13 : memref<8x80xi32, #tpu.memory_space<vmem>>)
      } else {
      }
      %add3A_428 = arith.constant 4 : i32
      %add3A_429 = arith.addi %add3A_412, %add3A_428 : i32
      %lt3A_430 = arith.constant 128 : i32
      %lt3A_431 = arith.cmpi slt, %add3A_429, %lt3A_430 : i32
      %convert_element_type3A_432 = arith.extui %lt3A_431 : i1 to i32
      %cond3A_433 = arith.constant 0 : i32
      %cond3A_434 = arith.cmpi ne, %convert_element_type3A_432, %cond3A_433 : i32
      scf.if %cond3A_434 {
        %dma_start3A_499 = arith.constant 0 : i32
        %dma_start3A_500 = arith.constant 0 : i32
        %dma_start3A_501 = tpu.memref_slice %arg11[%dma_start3A_499, %dma_start3A_500] : memref<8x80xi32, #tpu.memory_space<vmem>> -> memref<1x80xi32, #tpu.memory_space<vmem>>
        %dma_start3A_502 = tpu.memref_squeeze %dma_start3A_501 : memref<1x80xi32, #tpu.memory_space<vmem>> -> memref<80xi32, #tpu.memory_space<vmem>>
        %dma_start3A_503 = arith.constant 0 : i32
        %dma_start3A_504 = arith.constant 0 : i32
        %dma_start3A_505 = tpu.memref_slice %arg2[%dma_start3A_503, %dma_start3A_504] : memref<10000x128xf32, #tpu.memory_space<hbm>> -> memref<10000x128xf32, #tpu.memory_space<hbm>>
        tpu.enqueue_indirect_dma source(%dma_start3A_505 : memref<10000x128xf32, #tpu.memory_space<hbm>>) target(%arg7 : memref<80x128xf32, #tpu.memory_space<vmem>>) offsets(%dma_start3A_502 : memref<80xi32, #tpu.memory_space<vmem>>) semaphore(%arg15 : memref<!tpu.dma_semaphore, #tpu.memory_space<semaphore_mem>>)
      } else {
      }
      %mul3A_435 = arith.constant 8 : i32
      %mul3A_436 = arith.muli %add3A_332, %mul3A_435 : i32
      %add3A_437 = arith.constant 5 : i32
      %add3A_438 = arith.addi %mul3A_436, %add3A_437 : i32
      %dma_wait3A_439 = arith.constant 5 : i32
      %dma_wait3A_440 = arith.constant 0 : i32
      %dma_wait3A_441 = tpu.memref_slice %arg12[%dma_wait3A_439, %dma_wait3A_440] : memref<8x80xi32, #tpu.memory_space<vmem>> -> memref<1x80xi32, #tpu.memory_space<vmem>>
      %dma_wait3A_442 = tpu.memref_squeeze %dma_wait3A_441 : memref<1x80xi32, #tpu.memory_space<vmem>> -> memref<80xi32, #tpu.memory_space<vmem>>
      %dma_wait3A_443 = arith.constant 0 : i32
      %dma_wait3A_444 = arith.constant 0 : i32
      %dma_wait3A_445 = tpu.memref_slice %arg2[%dma_wait3A_443, %dma_wait3A_444] : memref<10000x128xf32, #tpu.memory_space<hbm>> -> memref<10000x128xf32, #tpu.memory_space<hbm>>
      tpu.wait_indirect_dma semaphore(%arg16 : memref<!tpu.dma_semaphore, #tpu.memory_space<semaphore_mem>>) src(%dma_wait3A_445 : memref<10000x128xf32, #tpu.memory_space<hbm>>) dst(%arg8 : memref<80x128xf32, #tpu.memory_space<vmem>>)
      %run_scoped3A_446 = arith.constant 5 : i32
      "tpu.region"() ({
        %run_scoped3A_499 = tpu.sem_alloc : memref<!tpu.dma_semaphore, #tpu.memory_space<semaphore_mem>>
        %dma_start3A_500 = arith.constant 0 : i32
        %dma_start3A_501 = tpu.memref_slice %arg14[%run_scoped3A_446, %dma_start3A_500] : memref<8x80xi32, #tpu.memory_space<vmem>> -> memref<1x80xi32, #tpu.memory_space<vmem>>
        %dma_start3A_502 = tpu.memref_squeeze %dma_start3A_501 : memref<1x80xi32, #tpu.memory_space<vmem>> -> memref<80xi32, #tpu.memory_space<vmem>>
        %dma_start3A_503 = arith.constant 0 : i32
        %dma_start3A_504 = arith.constant 0 : i32
        %dma_start3A_505 = tpu.memref_slice %arg6[%dma_start3A_503, %dma_start3A_504] : memref<10112x128xf32, #tpu.memory_space<vmem_shared>> -> memref<10112x128xf32, #tpu.memory_space<vmem_shared>>
        tpu.enqueue_indirect_dma source(%arg8 : memref<80x128xf32, #tpu.memory_space<vmem>>) target(%dma_start3A_505 : memref<10112x128xf32, #tpu.memory_space<vmem_shared>>) offsets(%dma_start3A_502 : memref<80xi32, #tpu.memory_space<vmem>>) semaphore(%run_scoped3A_499 : memref<!tpu.dma_semaphore, #tpu.memory_space<semaphore_mem>>) {add = true}
        %dma_wait3A_506 = arith.constant 0 : i32
        %dma_wait3A_507 = tpu.memref_slice %arg14[%run_scoped3A_446, %dma_wait3A_506] : memref<8x80xi32, #tpu.memory_space<vmem>> -> memref<1x80xi32, #tpu.memory_space<vmem>>
        %dma_wait3A_508 = tpu.memref_squeeze %dma_wait3A_507 : memref<1x80xi32, #tpu.memory_space<vmem>> -> memref<80xi32, #tpu.memory_space<vmem>>
        %dma_wait3A_509 = arith.constant 0 : i32
        %dma_wait3A_510 = arith.constant 0 : i32
        %dma_wait3A_511 = tpu.memref_slice %arg6[%dma_wait3A_509, %dma_wait3A_510] : memref<10112x128xf32, #tpu.memory_space<vmem_shared>> -> memref<10112x128xf32, #tpu.memory_space<vmem_shared>>
        tpu.wait_indirect_dma semaphore(%run_scoped3A_499 : memref<!tpu.dma_semaphore, #tpu.memory_space<semaphore_mem>>) src(%arg8 : memref<80x128xf32, #tpu.memory_space<vmem>>) dst(%dma_wait3A_511 : memref<10112x128xf32, #tpu.memory_space<vmem_shared>>)
        tpu.yield
      }) : () -> ()
      %add3A_447 = arith.constant 4 : i32
      %add3A_448 = arith.addi %add3A_438, %add3A_447 : i32
      %lt3A_449 = arith.constant 128 : i32
      %lt3A_450 = arith.cmpi slt, %add3A_448, %lt3A_449 : i32
      %convert_element_type3A_451 = arith.extui %lt3A_450 : i1 to i32
      %cond3A_452 = arith.constant 0 : i32
      %cond3A_453 = arith.cmpi ne, %convert_element_type3A_451, %cond3A_452 : i32
      scf.if %cond3A_453 {
        %dma_start3A_499 = arith.constant 1 : i32
        %dma_start3A_500 = arith.constant 0 : i32
        %dma_start3A_501 = tpu.memref_slice %arg11[%dma_start3A_499, %dma_start3A_500] : memref<8x80xi32, #tpu.memory_space<vmem>> -> memref<1x80xi32, #tpu.memory_space<vmem>>
        %dma_start3A_502 = tpu.memref_squeeze %dma_start3A_501 : memref<1x80xi32, #tpu.memory_space<vmem>> -> memref<80xi32, #tpu.memory_space<vmem>>
        %dma_start3A_503 = arith.constant 0 : i32
        %dma_start3A_504 = arith.constant 0 : i32
        %dma_start3A_505 = tpu.memref_slice %arg2[%dma_start3A_503, %dma_start3A_504] : memref<10000x128xf32, #tpu.memory_space<hbm>> -> memref<10000x128xf32, #tpu.memory_space<hbm>>
        tpu.enqueue_indirect_dma source(%dma_start3A_505 : memref<10000x128xf32, #tpu.memory_space<hbm>>) target(%arg8 : memref<80x128xf32, #tpu.memory_space<vmem>>) offsets(%dma_start3A_502 : memref<80xi32, #tpu.memory_space<vmem>>) semaphore(%arg16 : memref<!tpu.dma_semaphore, #tpu.memory_space<semaphore_mem>>)
      } else {
      }
      %mul3A_454 = arith.constant 8 : i32
      %mul3A_455 = arith.muli %add3A_332, %mul3A_454 : i32
      %add3A_456 = arith.constant 6 : i32
      %add3A_457 = arith.addi %mul3A_455, %add3A_456 : i32
      %dma_wait3A_458 = arith.constant 6 : i32
      %dma_wait3A_459 = arith.constant 0 : i32
      %dma_wait3A_460 = tpu.memref_slice %arg12[%dma_wait3A_458, %dma_wait3A_459] : memref<8x80xi32, #tpu.memory_space<vmem>> -> memref<1x80xi32, #tpu.memory_space<vmem>>
      %dma_wait3A_461 = tpu.memref_squeeze %dma_wait3A_460 : memref<1x80xi32, #tpu.memory_space<vmem>> -> memref<80xi32, #tpu.memory_space<vmem>>
      %dma_wait3A_462 = arith.constant 0 : i32
      %dma_wait3A_463 = arith.constant 0 : i32
      %dma_wait3A_464 = tpu.memref_slice %arg2[%dma_wait3A_462, %dma_wait3A_463] : memref<10000x128xf32, #tpu.memory_space<hbm>> -> memref<10000x128xf32, #tpu.memory_space<hbm>>
      tpu.wait_indirect_dma semaphore(%arg17 : memref<!tpu.dma_semaphore, #tpu.memory_space<semaphore_mem>>) src(%dma_wait3A_464 : memref<10000x128xf32, #tpu.memory_space<hbm>>) dst(%arg9 : memref<80x128xf32, #tpu.memory_space<vmem>>)
      %run_scoped3A_465 = arith.constant 6 : i32
      "tpu.region"() ({
        %run_scoped3A_499 = tpu.sem_alloc : memref<!tpu.dma_semaphore, #tpu.memory_space<semaphore_mem>>
        %dma_start3A_500 = arith.constant 0 : i32
        %dma_start3A_501 = tpu.memref_slice %arg14[%run_scoped3A_465, %dma_start3A_500] : memref<8x80xi32, #tpu.memory_space<vmem>> -> memref<1x80xi32, #tpu.memory_space<vmem>>
        %dma_start3A_502 = tpu.memref_squeeze %dma_start3A_501 : memref<1x80xi32, #tpu.memory_space<vmem>> -> memref<80xi32, #tpu.memory_space<vmem>>
        %dma_start3A_503 = arith.constant 0 : i32
        %dma_start3A_504 = arith.constant 0 : i32
        %dma_start3A_505 = tpu.memref_slice %arg6[%dma_start3A_503, %dma_start3A_504] : memref<10112x128xf32, #tpu.memory_space<vmem_shared>> -> memref<10112x128xf32, #tpu.memory_space<vmem_shared>>
        tpu.enqueue_indirect_dma source(%arg9 : memref<80x128xf32, #tpu.memory_space<vmem>>) target(%dma_start3A_505 : memref<10112x128xf32, #tpu.memory_space<vmem_shared>>) offsets(%dma_start3A_502 : memref<80xi32, #tpu.memory_space<vmem>>) semaphore(%run_scoped3A_499 : memref<!tpu.dma_semaphore, #tpu.memory_space<semaphore_mem>>) {add = true}
        %dma_wait3A_506 = arith.constant 0 : i32
        %dma_wait3A_507 = tpu.memref_slice %arg14[%run_scoped3A_465, %dma_wait3A_506] : memref<8x80xi32, #tpu.memory_space<vmem>> -> memref<1x80xi32, #tpu.memory_space<vmem>>
        %dma_wait3A_508 = tpu.memref_squeeze %dma_wait3A_507 : memref<1x80xi32, #tpu.memory_space<vmem>> -> memref<80xi32, #tpu.memory_space<vmem>>
        %dma_wait3A_509 = arith.constant 0 : i32
        %dma_wait3A_510 = arith.constant 0 : i32
        %dma_wait3A_511 = tpu.memref_slice %arg6[%dma_wait3A_509, %dma_wait3A_510] : memref<10112x128xf32, #tpu.memory_space<vmem_shared>> -> memref<10112x128xf32, #tpu.memory_space<vmem_shared>>
        tpu.wait_indirect_dma semaphore(%run_scoped3A_499 : memref<!tpu.dma_semaphore, #tpu.memory_space<semaphore_mem>>) src(%arg9 : memref<80x128xf32, #tpu.memory_space<vmem>>) dst(%dma_wait3A_511 : memref<10112x128xf32, #tpu.memory_space<vmem_shared>>)
        tpu.yield
      }) : () -> ()
      %add3A_466 = arith.constant 4 : i32
      %add3A_467 = arith.addi %add3A_457, %add3A_466 : i32
      %lt3A_468 = arith.constant 128 : i32
      %lt3A_469 = arith.cmpi slt, %add3A_467, %lt3A_468 : i32
      %convert_element_type3A_470 = arith.extui %lt3A_469 : i1 to i32
      %cond3A_471 = arith.constant 0 : i32
      %cond3A_472 = arith.cmpi ne, %convert_element_type3A_470, %cond3A_471 : i32
      scf.if %cond3A_472 {
        %dma_start3A_499 = arith.constant 2 : i32
        %dma_start3A_500 = arith.constant 0 : i32
        %dma_start3A_501 = tpu.memref_slice %arg11[%dma_start3A_499, %dma_start3A_500] : memref<8x80xi32, #tpu.memory_space<vmem>> -> memref<1x80xi32, #tpu.memory_space<vmem>>
        %dma_start3A_502 = tpu.memref_squeeze %dma_start3A_501 : memref<1x80xi32, #tpu.memory_space<vmem>> -> memref<80xi32, #tpu.memory_space<vmem>>
        %dma_start3A_503 = arith.constant 0 : i32
        %dma_start3A_504 = arith.constant 0 : i32
        %dma_start3A_505 = tpu.memref_slice %arg2[%dma_start3A_503, %dma_start3A_504] : memref<10000x128xf32, #tpu.memory_space<hbm>> -> memref<10000x128xf32, #tpu.memory_space<hbm>>
        tpu.enqueue_indirect_dma source(%dma_start3A_505 : memref<10000x128xf32, #tpu.memory_space<hbm>>) target(%arg9 : memref<80x128xf32, #tpu.memory_space<vmem>>) offsets(%dma_start3A_502 : memref<80xi32, #tpu.memory_space<vmem>>) semaphore(%arg17 : memref<!tpu.dma_semaphore, #tpu.memory_space<semaphore_mem>>)
      } else {
      }
      %mul3A_473 = arith.constant 8 : i32
      %mul3A_474 = arith.muli %add3A_332, %mul3A_473 : i32
      %add3A_475 = arith.constant 7 : i32
      %add3A_476 = arith.addi %mul3A_474, %add3A_475 : i32
      %dma_wait3A_477 = arith.constant 7 : i32
      %dma_wait3A_478 = arith.constant 0 : i32
      %dma_wait3A_479 = tpu.memref_slice %arg12[%dma_wait3A_477, %dma_wait3A_478] : memref<8x80xi32, #tpu.memory_space<vmem>> -> memref<1x80xi32, #tpu.memory_space<vmem>>
      %dma_wait3A_480 = tpu.memref_squeeze %dma_wait3A_479 : memref<1x80xi32, #tpu.memory_space<vmem>> -> memref<80xi32, #tpu.memory_space<vmem>>
      %dma_wait3A_481 = arith.constant 0 : i32
      %dma_wait3A_482 = arith.constant 0 : i32
      %dma_wait3A_483 = tpu.memref_slice %arg2[%dma_wait3A_481, %dma_wait3A_482] : memref<10000x128xf32, #tpu.memory_space<hbm>> -> memref<10000x128xf32, #tpu.memory_space<hbm>>
      tpu.wait_indirect_dma semaphore(%arg18 : memref<!tpu.dma_semaphore, #tpu.memory_space<semaphore_mem>>) src(%dma_wait3A_483 : memref<10000x128xf32, #tpu.memory_space<hbm>>) dst(%arg10 : memref<80x128xf32, #tpu.memory_space<vmem>>)
      %run_scoped3A_484 = arith.constant 7 : i32
      "tpu.region"() ({
        %run_scoped3A_499 = tpu.sem_alloc : memref<!tpu.dma_semaphore, #tpu.memory_space<semaphore_mem>>
        %dma_start3A_500 = arith.constant 0 : i32
        %dma_start3A_501 = tpu.memref_slice %arg14[%run_scoped3A_484, %dma_start3A_500] : memref<8x80xi32, #tpu.memory_space<vmem>> -> memref<1x80xi32, #tpu.memory_space<vmem>>
        %dma_start3A_502 = tpu.memref_squeeze %dma_start3A_501 : memref<1x80xi32, #tpu.memory_space<vmem>> -> memref<80xi32, #tpu.memory_space<vmem>>
        %dma_start3A_503 = arith.constant 0 : i32
        %dma_start3A_504 = arith.constant 0 : i32
        %dma_start3A_505 = tpu.memref_slice %arg6[%dma_start3A_503, %dma_start3A_504] : memref<10112x128xf32, #tpu.memory_space<vmem_shared>> -> memref<10112x128xf32, #tpu.memory_space<vmem_shared>>
        tpu.enqueue_indirect_dma source(%arg10 : memref<80x128xf32, #tpu.memory_space<vmem>>) target(%dma_start3A_505 : memref<10112x128xf32, #tpu.memory_space<vmem_shared>>) offsets(%dma_start3A_502 : memref<80xi32, #tpu.memory_space<vmem>>) semaphore(%run_scoped3A_499 : memref<!tpu.dma_semaphore, #tpu.memory_space<semaphore_mem>>) {add = true}
        %dma_wait3A_506 = arith.constant 0 : i32
        %dma_wait3A_507 = tpu.memref_slice %arg14[%run_scoped3A_484, %dma_wait3A_506] : memref<8x80xi32, #tpu.memory_space<vmem>> -> memref<1x80xi32, #tpu.memory_space<vmem>>
        %dma_wait3A_508 = tpu.memref_squeeze %dma_wait3A_507 : memref<1x80xi32, #tpu.memory_space<vmem>> -> memref<80xi32, #tpu.memory_space<vmem>>
        %dma_wait3A_509 = arith.constant 0 : i32
        %dma_wait3A_510 = arith.constant 0 : i32
        %dma_wait3A_511 = tpu.memref_slice %arg6[%dma_wait3A_509, %dma_wait3A_510] : memref<10112x128xf32, #tpu.memory_space<vmem_shared>> -> memref<10112x128xf32, #tpu.memory_space<vmem_shared>>
        tpu.wait_indirect_dma semaphore(%run_scoped3A_499 : memref<!tpu.dma_semaphore, #tpu.memory_space<semaphore_mem>>) src(%arg10 : memref<80x128xf32, #tpu.memory_space<vmem>>) dst(%dma_wait3A_511 : memref<10112x128xf32, #tpu.memory_space<vmem_shared>>)
        tpu.yield
      }) : () -> ()
      %add3A_485 = arith.constant 4 : i32
      %add3A_486 = arith.addi %add3A_476, %add3A_485 : i32
      %lt3A_487 = arith.constant 128 : i32
      %lt3A_488 = arith.cmpi slt, %add3A_486, %lt3A_487 : i32
      %convert_element_type3A_489 = arith.extui %lt3A_488 : i1 to i32
      %cond3A_490 = arith.constant 0 : i32
      %cond3A_491 = arith.cmpi ne, %convert_element_type3A_489, %cond3A_490 : i32
      scf.if %cond3A_491 {
        %dma_start3A_499 = arith.constant 3 : i32
        %dma_start3A_500 = arith.constant 0 : i32
        %dma_start3A_501 = tpu.memref_slice %arg11[%dma_start3A_499, %dma_start3A_500] : memref<8x80xi32, #tpu.memory_space<vmem>> -> memref<1x80xi32, #tpu.memory_space<vmem>>
        %dma_start3A_502 = tpu.memref_squeeze %dma_start3A_501 : memref<1x80xi32, #tpu.memory_space<vmem>> -> memref<80xi32, #tpu.memory_space<vmem>>
        %dma_start3A_503 = arith.constant 0 : i32
        %dma_start3A_504 = arith.constant 0 : i32
        %dma_start3A_505 = tpu.memref_slice %arg2[%dma_start3A_503, %dma_start3A_504] : memref<10000x128xf32, #tpu.memory_space<hbm>> -> memref<10000x128xf32, #tpu.memory_space<hbm>>
        tpu.enqueue_indirect_dma source(%dma_start3A_505 : memref<10000x128xf32, #tpu.memory_space<hbm>>) target(%arg10 : memref<80x128xf32, #tpu.memory_space<vmem>>) offsets(%dma_start3A_502 : memref<80xi32, #tpu.memory_space<vmem>>) semaphore(%arg18 : memref<!tpu.dma_semaphore, #tpu.memory_space<semaphore_mem>>)
      } else {
      }
      %add3A_492 = arith.constant 2 : i32
      %add3A_493 = arith.addi %add3A_332, %add3A_492 : i32
      %lt3A_494 = arith.constant 16 : i32
      %lt3A_495 = arith.cmpi slt, %add3A_493, %lt3A_494 : i32
      %convert_element_type3A_496 = arith.extui %lt3A_495 : i1 to i32
      %cond3A_497 = arith.constant 0 : i32
      %cond3A_498 = arith.cmpi ne, %convert_element_type3A_496, %cond3A_497 : i32
      scf.if %cond3A_498 {
        %add3A_499 = arith.constant 2 : i32
        %add3A_500 = arith.addi %add3A_332, %add3A_499 : i32
        %mul3A_501 = arith.constant 8 : i32
        %mul3A_502 = arith.muli %add3A_500, %mul3A_501 : i32
        %dma_start3A_503 = arith.constant 0 : i32
        %dma_start3A_504 = arith.constant 0 : i32
        %dma_start3A_505 = tpu.memref_slice %arg3[%scan3A, %add3A, %dma_start3A_503, %dma_start3A_504] : memref<2x32x128x80xi32, #tpu.memory_space<hbm>> -> memref<1x1x128x80xi32, #tpu.memory_space<hbm>>
        %dma_start3A_506 = tpu.memref_squeeze %dma_start3A_505 : memref<1x1x128x80xi32, #tpu.memory_space<hbm>> -> memref<128x80xi32, #tpu.memory_space<hbm>>
        %dma_start3A_507 = arith.constant 0 : i32
        %dma_start3A_508 = tpu.memref_slice %dma_start3A_506[%mul3A_502, %dma_start3A_507] : memref<128x80xi32, #tpu.memory_space<hbm>> -> memref<8x80xi32, #tpu.memory_space<hbm>>
        %dma_start3A_509 = arith.constant 0 : i32
        %dma_start3A_510 = arith.constant 0 : i32
        %dma_start3A_511 = tpu.memref_slice %arg3[%scan3A, %add3A, %dma_start3A_509, %dma_start3A_510] : memref<2x32x128x80xi32, #tpu.memory_space<hbm>> -> memref<1x1x128x80xi32, #tpu.memory_space<hbm>>
        %dma_start3A_512 = tpu.memref_squeeze %dma_start3A_511 : memref<1x1x128x80xi32, #tpu.memory_space<hbm>> -> memref<128x80xi32, #tpu.memory_space<hbm>>
        %dma_start3A_513 = arith.constant 0 : i32
        %dma_start3A_514 = tpu.memref_slice %dma_start3A_512[%mul3A_502, %dma_start3A_513] : memref<128x80xi32, #tpu.memory_space<hbm>> -> memref<8x80xi32, #tpu.memory_space<hbm>>
        tpu.enqueue_dma source(%dma_start3A_514 : memref<8x80xi32, #tpu.memory_space<hbm>>) target(%arg12 : memref<8x80xi32, #tpu.memory_space<vmem>>) target_semaphore(%arg20 : memref<!tpu.dma_semaphore, #tpu.memory_space<semaphore_mem>>)
        %dma_start3A_515 = arith.constant 0 : i32
        %dma_start3A_516 = arith.constant 0 : i32
        %dma_start3A_517 = tpu.memref_slice %arg3[%scan3A_151, %add3A, %dma_start3A_515, %dma_start3A_516] : memref<2x32x128x80xi32, #tpu.memory_space<hbm>> -> memref<1x1x128x80xi32, #tpu.memory_space<hbm>>
        %dma_start3A_518 = tpu.memref_squeeze %dma_start3A_517 : memref<1x1x128x80xi32, #tpu.memory_space<hbm>> -> memref<128x80xi32, #tpu.memory_space<hbm>>
        %dma_start3A_519 = arith.constant 0 : i32
        %dma_start3A_520 = tpu.memref_slice %dma_start3A_518[%mul3A_502, %dma_start3A_519] : memref<128x80xi32, #tpu.memory_space<hbm>> -> memref<8x80xi32, #tpu.memory_space<hbm>>
        %dma_start3A_521 = arith.constant 0 : i32
        %dma_start3A_522 = arith.constant 0 : i32
        %dma_start3A_523 = tpu.memref_slice %arg3[%scan3A_151, %add3A, %dma_start3A_521, %dma_start3A_522] : memref<2x32x128x80xi32, #tpu.memory_space<hbm>> -> memref<1x1x128x80xi32, #tpu.memory_space<hbm>>
        %dma_start3A_524 = tpu.memref_squeeze %dma_start3A_523 : memref<1x1x128x80xi32, #tpu.memory_space<hbm>> -> memref<128x80xi32, #tpu.memory_space<hbm>>
        %dma_start3A_525 = arith.constant 0 : i32
        %dma_start3A_526 = tpu.memref_slice %dma_start3A_524[%mul3A_502, %dma_start3A_525] : memref<128x80xi32, #tpu.memory_space<hbm>> -> memref<8x80xi32, #tpu.memory_space<hbm>>
        tpu.enqueue_dma source(%dma_start3A_526 : memref<8x80xi32, #tpu.memory_space<hbm>>) target(%arg14 : memref<8x80xi32, #tpu.memory_space<vmem>>) target_semaphore(%arg20 : memref<!tpu.dma_semaphore, #tpu.memory_space<semaphore_mem>>)
      } else {
      }
    }
    %scan3A_156 = arith.constant 8 : i32
    %barrier3A_157 = arith.constant 0 : index
    tpu.barrier barrier_id(%barrier3A_157)
    "tpu.region"() ({
      %run_scoped3A = tpu.sem_alloc : memref<!tpu.dma_semaphore, #tpu.memory_space<semaphore_mem>>
      %dma_start3A_158 = arith.constant 0 : i32
      %dma_start3A_159 = arith.constant 0 : i32
      %dma_start3A_160 = tpu.memref_slice %arg5[%arg0, %dma_start3A_158, %dma_start3A_159] : memref<2x10112x128xf32, #tpu.memory_space<hbm>> -> memref<1x10112x128xf32, #tpu.memory_space<hbm>>
      %dma_start3A_161 = tpu.memref_squeeze %dma_start3A_160 : memref<1x10112x128xf32, #tpu.memory_space<hbm>> -> memref<10112x128xf32, #tpu.memory_space<hbm>>
      %dma_start3A_162 = arith.constant 0 : i32
      %dma_start3A_163 = tpu.memref_slice %dma_start3A_161[%mul3A_2, %dma_start3A_162] : memref<10112x128xf32, #tpu.memory_space<hbm>> -> memref<632x128xf32, #tpu.memory_space<hbm>>
      %dma_start3A_164 = arith.constant 0 : i32
      %dma_start3A_165 = tpu.memref_slice %arg6[%mul3A_2, %dma_start3A_164] : memref<10112x128xf32, #tpu.memory_space<vmem_shared>> -> memref<632x128xf32, #tpu.memory_space<vmem_shared>>
      tpu.enqueue_dma source(%dma_start3A_165 : memref<632x128xf32, #tpu.memory_space<vmem_shared>>) target(%dma_start3A_163 : memref<632x128xf32, #tpu.memory_space<hbm>>) target_semaphore(%run_scoped3A : memref<!tpu.dma_semaphore, #tpu.memory_space<semaphore_mem>>)
      %dma_wait3A_166 = arith.constant 0 : i32
      %dma_wait3A_167 = arith.constant 0 : i32
      %dma_wait3A_168 = tpu.memref_slice %arg5[%arg0, %dma_wait3A_166, %dma_wait3A_167] : memref<2x10112x128xf32, #tpu.memory_space<hbm>> -> memref<1x10112x128xf32, #tpu.memory_space<hbm>>
      %dma_wait3A_169 = tpu.memref_squeeze %dma_wait3A_168 : memref<1x10112x128xf32, #tpu.memory_space<hbm>> -> memref<10112x128xf32, #tpu.memory_space<hbm>>
      %dma_wait3A_170 = arith.constant 0 : i32
      %dma_wait3A_171 = tpu.memref_slice %dma_wait3A_169[%mul3A_2, %dma_wait3A_170] : memref<10112x128xf32, #tpu.memory_space<hbm>> -> memref<632x128xf32, #tpu.memory_space<hbm>>
      %dma_wait3A_172 = arith.constant 0 : i32
      %dma_wait3A_173 = tpu.memref_slice %arg6[%mul3A_2, %dma_wait3A_172] : memref<10112x128xf32, #tpu.memory_space<vmem_shared>> -> memref<632x128xf32, #tpu.memory_space<vmem_shared>>
      tpu.wait_dma2 semaphore(%run_scoped3A : memref<!tpu.dma_semaphore, #tpu.memory_space<semaphore_mem>>) src(%dma_wait3A_173 : memref<632x128xf32, #tpu.memory_space<vmem_shared>>) dst(%dma_wait3A_171 : memref<632x128xf32, #tpu.memory_space<hbm>>)
      tpu.yield
    }) : () -> ()
    return
  }
}

#map = affine_map<(d0, d1) -> (0, 0)>
#map1 = affine_map<(d0, d1) -> (0, 0, 0, 0)>
#map2 = affine_map<(d0, d1) -> (0, 0, 0)>
module attributes {stable_mosaic.version = 14 : i64} {
  func.func @prop_kernel(%arg0: i32, %arg1: i32, %arg2: memref<10000x128xf32, #tpu.memory_space<hbm>>, %arg3: memref<2x32x128x80xi32, #tpu.memory_space<hbm>>, %arg4: memref<80x128xf32, #tpu.memory_space<hbm>>, %arg5: memref<2x10112x128xf32, #tpu.memory_space<hbm>>, %arg6: memref<10112x128xf32, #tpu.memory_space<vmem_shared>>, %arg7: memref<80x128xf32, #tpu.memory_space<vmem>>, %arg8: memref<80x128xf32, #tpu.memory_space<vmem>>, %arg9: memref<80x128xf32, #tpu.memory_space<vmem>>, %arg10: memref<80x128xf32, #tpu.memory_space<vmem>>, %arg11: memref<8x80xi32, #tpu.memory_space<vmem>>, %arg12: memref<8x80xi32, #tpu.memory_space<vmem>>, %arg13: memref<8x80xi32, #tpu.memory_space<vmem>>, %arg14: memref<8x80xi32, #tpu.memory_space<vmem>>, %arg15: memref<!tpu.dma_semaphore, #tpu.memory_space<semaphore_mem>>, %arg16: memref<!tpu.dma_semaphore, #tpu.memory_space<semaphore_mem>>, %arg17: memref<!tpu.dma_semaphore, #tpu.memory_space<semaphore_mem>>, %arg18: memref<!tpu.dma_semaphore, #tpu.memory_space<semaphore_mem>>, %arg19: memref<!tpu.dma_semaphore, #tpu.memory_space<semaphore_mem>>, %arg20: memref<!tpu.dma_semaphore, #tpu.memory_space<semaphore_mem>>) attributes {dimension_semantics = [#tpu.dimension_semantics<core_parallel>, #tpu.dimension_semantics<subcore_parallel>], iteration_bounds = array<i64: 2, 16>, scalar_prefetch = 0 : i64, scratch_operands = 15 : i64, tpu.core_type = #tpu.core_type<sc_vector_subcore>, window_params = [{transform_indices = #map}, {transform_indices = #map1}, {transform_indices = #map}, {transform_indices = #map2}]} {
    %mul3A = arith.constant 16 : i32
    %mul3A_0 = arith.muli %arg0, %mul3A : i32
    %add3A = arith.addi %mul3A_0, %arg1 : i32
    %mul3A_1 = arith.constant 632 : i32
    %mul3A_2 = arith.muli %arg1, %mul3A_1 : i32
    %dma_start3A = arith.constant 0 : i32
    %dma_start3A_3 = arith.constant 0 : i32
    %dma_start3A_4 = arith.constant 0 : i32
    %dma_start3A_5 = tpu.memref_slice %arg3[%dma_start3A, %add3A, %dma_start3A_3, %dma_start3A_4] : memref<2x32x128x80xi32, #tpu.memory_space<hbm>> -> memref<1x1x128x80xi32, #tpu.memory_space<hbm>>
    %dma_start3A_6 = tpu.memref_squeeze %dma_start3A_5 : memref<1x1x128x80xi32, #tpu.memory_space<hbm>> -> memref<128x80xi32, #tpu.memory_space<hbm>>
    %dma_start3A_7 = arith.constant 0 : i32
    %dma_start3A_8 = arith.constant 0 : i32
    %dma_start3A_9 = tpu.memref_slice %dma_start3A_6[%dma_start3A_7, %dma_start3A_8] : memref<128x80xi32, #tpu.memory_space<hbm>> -> memref<8x80xi32, #tpu.memory_space<hbm>>
    %dma_start3A_10 = arith.constant 0 : i32
    %dma_start3A_11 = arith.constant 0 : i32
    %dma_start3A_12 = tpu.memref_slice %arg3[%dma_start3A, %add3A, %dma_start3A_10, %dma_start3A_11] : memref<2x32x128x80xi32, #tpu.memory_space<hbm>> -> memref<1x1x128x80xi32, #tpu.memory_space<hbm>>
    %dma_start3A_13 = tpu.memref_squeeze %dma_start3A_12 : memref<1x1x128x80xi32, #tpu.memory_space<hbm>> -> memref<128x80xi32, #tpu.memory_space<hbm>>
    %dma_start3A_14 = arith.constant 0 : i32
    %dma_start3A_15 = arith.constant 0 : i32
    %dma_start3A_16 = tpu.memref_slice %dma_start3A_13[%dma_start3A_14, %dma_start3A_15] : memref<128x80xi32, #tpu.memory_space<hbm>> -> memref<8x80xi32, #tpu.memory_space<hbm>>
    tpu.enqueue_dma source(%dma_start3A_16 : memref<8x80xi32, #tpu.memory_space<hbm>>) target(%arg11 : memref<8x80xi32, #tpu.memory_space<vmem>>) target_semaphore(%arg19 : memref<!tpu.dma_semaphore, #tpu.memory_space<semaphore_mem>>)
    %dma_start3A_17 = arith.constant 1 : i32
    %dma_start3A_18 = arith.constant 0 : i32
    %dma_start3A_19 = arith.constant 0 : i32
    %dma_start3A_20 = tpu.memref_slice %arg3[%dma_start3A_17, %add3A, %dma_start3A_18, %dma_start3A_19] : memref<2x32x128x80xi32, #tpu.memory_space<hbm>> -> memref<1x1x128x80xi32, #tpu.memory_space<hbm>>
    %dma_start3A_21 = tpu.memref_squeeze %dma_start3A_20 : memref<1x1x128x80xi32, #tpu.memory_space<hbm>> -> memref<128x80xi32, #tpu.memory_space<hbm>>
    %dma_start3A_22 = arith.constant 0 : i32
    %dma_start3A_23 = arith.constant 0 : i32
    %dma_start3A_24 = tpu.memref_slice %dma_start3A_21[%dma_start3A_22, %dma_start3A_23] : memref<128x80xi32, #tpu.memory_space<hbm>> -> memref<8x80xi32, #tpu.memory_space<hbm>>
    %dma_start3A_25 = arith.constant 0 : i32
    %dma_start3A_26 = arith.constant 0 : i32
    %dma_start3A_27 = tpu.memref_slice %arg3[%dma_start3A_17, %add3A, %dma_start3A_25, %dma_start3A_26] : memref<2x32x128x80xi32, #tpu.memory_space<hbm>> -> memref<1x1x128x80xi32, #tpu.memory_space<hbm>>
    %dma_start3A_28 = tpu.memref_squeeze %dma_start3A_27 : memref<1x1x128x80xi32, #tpu.memory_space<hbm>> -> memref<128x80xi32, #tpu.memory_space<hbm>>
    %dma_start3A_29 = arith.constant 0 : i32
    %dma_start3A_30 = arith.constant 0 : i32
    %dma_start3A_31 = tpu.memref_slice %dma_start3A_28[%dma_start3A_29, %dma_start3A_30] : memref<128x80xi32, #tpu.memory_space<hbm>> -> memref<8x80xi32, #tpu.memory_space<hbm>>
    tpu.enqueue_dma source(%dma_start3A_31 : memref<8x80xi32, #tpu.memory_space<hbm>>) target(%arg13 : memref<8x80xi32, #tpu.memory_space<vmem>>) target_semaphore(%arg19 : memref<!tpu.dma_semaphore, #tpu.memory_space<semaphore_mem>>)
    %dma_start3A_32 = arith.constant 0 : i32
    %dma_start3A_33 = arith.constant 0 : i32
    %dma_start3A_34 = arith.constant 0 : i32
    %dma_start3A_35 = tpu.memref_slice %arg3[%dma_start3A_32, %add3A, %dma_start3A_33, %dma_start3A_34] : memref<2x32x128x80xi32, #tpu.memory_space<hbm>> -> memref<1x1x128x80xi32, #tpu.memory_space<hbm>>
    %dma_start3A_36 = tpu.memref_squeeze %dma_start3A_35 : memref<1x1x128x80xi32, #tpu.memory_space<hbm>> -> memref<128x80xi32, #tpu.memory_space<hbm>>
    %dma_start3A_37 = arith.constant 8 : i32
    %dma_start3A_38 = arith.constant 0 : i32
    %dma_start3A_39 = tpu.memref_slice %dma_start3A_36[%dma_start3A_37, %dma_start3A_38] : memref<128x80xi32, #tpu.memory_space<hbm>> -> memref<8x80xi32, #tpu.memory_space<hbm>>
    %dma_start3A_40 = arith.constant 0 : i32
    %dma_start3A_41 = arith.constant 0 : i32
    %dma_start3A_42 = tpu.memref_slice %arg3[%dma_start3A_32, %add3A, %dma_start3A_40, %dma_start3A_41] : memref<2x32x128x80xi32, #tpu.memory_space<hbm>> -> memref<1x1x128x80xi32, #tpu.memory_space<hbm>>
    %dma_start3A_43 = tpu.memref_squeeze %dma_start3A_42 : memref<1x1x128x80xi32, #tpu.memory_space<hbm>> -> memref<128x80xi32, #tpu.memory_space<hbm>>
    %dma_start3A_44 = arith.constant 8 : i32
    %dma_start3A_45 = arith.constant 0 : i32
    %dma_start3A_46 = tpu.memref_slice %dma_start3A_43[%dma_start3A_44, %dma_start3A_45] : memref<128x80xi32, #tpu.memory_space<hbm>> -> memref<8x80xi32, #tpu.memory_space<hbm>>
    tpu.enqueue_dma source(%dma_start3A_46 : memref<8x80xi32, #tpu.memory_space<hbm>>) target(%arg12 : memref<8x80xi32, #tpu.memory_space<vmem>>) target_semaphore(%arg20 : memref<!tpu.dma_semaphore, #tpu.memory_space<semaphore_mem>>)
    %dma_start3A_47 = arith.constant 1 : i32
    %dma_start3A_48 = arith.constant 0 : i32
    %dma_start3A_49 = arith.constant 0 : i32
    %dma_start3A_50 = tpu.memref_slice %arg3[%dma_start3A_47, %add3A, %dma_start3A_48, %dma_start3A_49] : memref<2x32x128x80xi32, #tpu.memory_space<hbm>> -> memref<1x1x128x80xi32, #tpu.memory_space<hbm>>
    %dma_start3A_51 = tpu.memref_squeeze %dma_start3A_50 : memref<1x1x128x80xi32, #tpu.memory_space<hbm>> -> memref<128x80xi32, #tpu.memory_space<hbm>>
    %dma_start3A_52 = arith.constant 8 : i32
    %dma_start3A_53 = arith.constant 0 : i32
    %dma_start3A_54 = tpu.memref_slice %dma_start3A_51[%dma_start3A_52, %dma_start3A_53] : memref<128x80xi32, #tpu.memory_space<hbm>> -> memref<8x80xi32, #tpu.memory_space<hbm>>
    %dma_start3A_55 = arith.constant 0 : i32
    %dma_start3A_56 = arith.constant 0 : i32
    %dma_start3A_57 = tpu.memref_slice %arg3[%dma_start3A_47, %add3A, %dma_start3A_55, %dma_start3A_56] : memref<2x32x128x80xi32, #tpu.memory_space<hbm>> -> memref<1x1x128x80xi32, #tpu.memory_space<hbm>>
    %dma_start3A_58 = tpu.memref_squeeze %dma_start3A_57 : memref<1x1x128x80xi32, #tpu.memory_space<hbm>> -> memref<128x80xi32, #tpu.memory_space<hbm>>
    %dma_start3A_59 = arith.constant 8 : i32
    %dma_start3A_60 = arith.constant 0 : i32
    %dma_start3A_61 = tpu.memref_slice %dma_start3A_58[%dma_start3A_59, %dma_start3A_60] : memref<128x80xi32, #tpu.memory_space<hbm>> -> memref<8x80xi32, #tpu.memory_space<hbm>>
    tpu.enqueue_dma source(%dma_start3A_61 : memref<8x80xi32, #tpu.memory_space<hbm>>) target(%arg14 : memref<8x80xi32, #tpu.memory_space<vmem>>) target_semaphore(%arg20 : memref<!tpu.dma_semaphore, #tpu.memory_space<semaphore_mem>>)
    "tpu.region"() ({
      %run_scoped3A = tpu.sem_alloc : memref<!tpu.dma_semaphore, #tpu.memory_space<semaphore_mem>>
      %dma_start3A_158 = arith.constant 0 : i32
      %dma_start3A_159 = arith.constant 0 : i32
      %dma_start3A_160 = tpu.memref_slice %arg7[%dma_start3A_158, %dma_start3A_159] : memref<80x128xf32, #tpu.memory_space<vmem>> -> memref<80x128xf32, #tpu.memory_space<vmem>>
      %dma_start3A_161 = arith.constant 0 : i32
      %dma_start3A_162 = arith.constant 0 : i32
      %dma_start3A_163 = tpu.memref_slice %arg7[%dma_start3A_161, %dma_start3A_162] : memref<80x128xf32, #tpu.memory_space<vmem>> -> memref<80x128xf32, #tpu.memory_space<vmem>>
      tpu.enqueue_dma source(%arg4 : memref<80x128xf32, #tpu.memory_space<hbm>>) target(%dma_start3A_163 : memref<80x128xf32, #tpu.memory_space<vmem>>) target_semaphore(%run_scoped3A : memref<!tpu.dma_semaphore, #tpu.memory_space<semaphore_mem>>)
      %dma_wait3A_164 = arith.constant 0 : i32
      %dma_wait3A_165 = arith.constant 0 : i32
      %dma_wait3A_166 = tpu.memref_slice %arg7[%dma_wait3A_164, %dma_wait3A_165] : memref<80x128xf32, #tpu.memory_space<vmem>> -> memref<80x128xf32, #tpu.memory_space<vmem>>
      %dma_wait3A_167 = arith.constant 0 : i32
      %dma_wait3A_168 = arith.constant 0 : i32
      %dma_wait3A_169 = tpu.memref_slice %arg7[%dma_wait3A_167, %dma_wait3A_168] : memref<80x128xf32, #tpu.memory_space<vmem>> -> memref<80x128xf32, #tpu.memory_space<vmem>>
      tpu.wait_dma2 semaphore(%run_scoped3A : memref<!tpu.dma_semaphore, #tpu.memory_space<semaphore_mem>>) src(%arg4 : memref<80x128xf32, #tpu.memory_space<hbm>>) dst(%dma_wait3A_169 : memref<80x128xf32, #tpu.memory_space<vmem>>)
      tpu.yield
    }) : () -> ()
    %mul3A_62 = arith.constant 632 : i32
    %mul3A_63 = arith.muli %arg1, %mul3A_62 : i32
    %add3A_64 = arith.constant 0 : i32
    %add3A_65 = arith.addi %mul3A_63, %add3A_64 : i32
    "tpu.region"() ({
      %run_scoped3A = tpu.sem_alloc : memref<!tpu.dma_semaphore, #tpu.memory_space<semaphore_mem>>
      %dma_start3A_158 = arith.constant 0 : i32
      %dma_start3A_159 = arith.constant 0 : i32
      %dma_start3A_160 = tpu.memref_slice %arg7[%dma_start3A_158, %dma_start3A_159] : memref<80x128xf32, #tpu.memory_space<vmem>> -> memref<80x128xf32, #tpu.memory_space<vmem>>
      %dma_start3A_161 = arith.constant 0 : i32
      %dma_start3A_162 = tpu.memref_slice %arg6[%add3A_65, %dma_start3A_161] : memref<10112x128xf32, #tpu.memory_space<vmem_shared>> -> memref<80x128xf32, #tpu.memory_space<vmem_shared>>
      %dma_start3A_163 = arith.constant 0 : i32
      %dma_start3A_164 = tpu.memref_slice %arg6[%add3A_65, %dma_start3A_163] : memref<10112x128xf32, #tpu.memory_space<vmem_shared>> -> memref<80x128xf32, #tpu.memory_space<vmem_shared>>
      %dma_start3A_165 = arith.constant 0 : i32
      %dma_start3A_166 = arith.constant 0 : i32
      %dma_start3A_167 = tpu.memref_slice %arg7[%dma_start3A_165, %dma_start3A_166] : memref<80x128xf32, #tpu.memory_space<vmem>> -> memref<80x128xf32, #tpu.memory_space<vmem>>
      tpu.enqueue_dma source(%dma_start3A_167 : memref<80x128xf32, #tpu.memory_space<vmem>>) target(%dma_start3A_164 : memref<80x128xf32, #tpu.memory_space<vmem_shared>>) target_semaphore(%run_scoped3A : memref<!tpu.dma_semaphore, #tpu.memory_space<semaphore_mem>>)
      %dma_wait3A_168 = arith.constant 0 : i32
      %dma_wait3A_169 = arith.constant 0 : i32
      %dma_wait3A_170 = tpu.memref_slice %arg7[%dma_wait3A_168, %dma_wait3A_169] : memref<80x128xf32, #tpu.memory_space<vmem>> -> memref<80x128xf32, #tpu.memory_space<vmem>>
      %dma_wait3A_171 = arith.constant 0 : i32
      %dma_wait3A_172 = tpu.memref_slice %arg6[%add3A_65, %dma_wait3A_171] : memref<10112x128xf32, #tpu.memory_space<vmem_shared>> -> memref<80x128xf32, #tpu.memory_space<vmem_shared>>
      %dma_wait3A_173 = arith.constant 0 : i32
      %dma_wait3A_174 = tpu.memref_slice %arg6[%add3A_65, %dma_wait3A_173] : memref<10112x128xf32, #tpu.memory_space<vmem_shared>> -> memref<80x128xf32, #tpu.memory_space<vmem_shared>>
      %dma_wait3A_175 = arith.constant 0 : i32
      %dma_wait3A_176 = arith.constant 0 : i32
      %dma_wait3A_177 = tpu.memref_slice %arg7[%dma_wait3A_175, %dma_wait3A_176] : memref<80x128xf32, #tpu.memory_space<vmem>> -> memref<80x128xf32, #tpu.memory_space<vmem>>
      tpu.wait_dma2 semaphore(%run_scoped3A : memref<!tpu.dma_semaphore, #tpu.memory_space<semaphore_mem>>) src(%dma_wait3A_177 : memref<80x128xf32, #tpu.memory_space<vmem>>) dst(%dma_wait3A_174 : memref<80x128xf32, #tpu.memory_space<vmem_shared>>)
      tpu.yield
    }) : () -> ()
    %mul3A_66 = arith.constant 632 : i32
    %mul3A_67 = arith.muli %arg1, %mul3A_66 : i32
    %add3A_68 = arith.constant 80 : i32
    %add3A_69 = arith.addi %mul3A_67, %add3A_68 : i32
    "tpu.region"() ({
      %run_scoped3A = tpu.sem_alloc : memref<!tpu.dma_semaphore, #tpu.memory_space<semaphore_mem>>
      %dma_start3A_158 = arith.constant 0 : i32
      %dma_start3A_159 = arith.constant 0 : i32
      %dma_start3A_160 = tpu.memref_slice %arg7[%dma_start3A_158, %dma_start3A_159] : memref<80x128xf32, #tpu.memory_space<vmem>> -> memref<80x128xf32, #tpu.memory_space<vmem>>
      %dma_start3A_161 = arith.constant 0 : i32
      %dma_start3A_162 = tpu.memref_slice %arg6[%add3A_69, %dma_start3A_161] : memref<10112x128xf32, #tpu.memory_space<vmem_shared>> -> memref<80x128xf32, #tpu.memory_space<vmem_shared>>
      %dma_start3A_163 = arith.constant 0 : i32
      %dma_start3A_164 = tpu.memref_slice %arg6[%add3A_69, %dma_start3A_163] : memref<10112x128xf32, #tpu.memory_space<vmem_shared>> -> memref<80x128xf32, #tpu.memory_space<vmem_shared>>
      %dma_start3A_165 = arith.constant 0 : i32
      %dma_start3A_166 = arith.constant 0 : i32
      %dma_start3A_167 = tpu.memref_slice %arg7[%dma_start3A_165, %dma_start3A_166] : memref<80x128xf32, #tpu.memory_space<vmem>> -> memref<80x128xf32, #tpu.memory_space<vmem>>
      tpu.enqueue_dma source(%dma_start3A_167 : memref<80x128xf32, #tpu.memory_space<vmem>>) target(%dma_start3A_164 : memref<80x128xf32, #tpu.memory_space<vmem_shared>>) target_semaphore(%run_scoped3A : memref<!tpu.dma_semaphore, #tpu.memory_space<semaphore_mem>>)
      %dma_wait3A_168 = arith.constant 0 : i32
      %dma_wait3A_169 = arith.constant 0 : i32
      %dma_wait3A_170 = tpu.memref_slice %arg7[%dma_wait3A_168, %dma_wait3A_169] : memref<80x128xf32, #tpu.memory_space<vmem>> -> memref<80x128xf32, #tpu.memory_space<vmem>>
      %dma_wait3A_171 = arith.constant 0 : i32
      %dma_wait3A_172 = tpu.memref_slice %arg6[%add3A_69, %dma_wait3A_171] : memref<10112x128xf32, #tpu.memory_space<vmem_shared>> -> memref<80x128xf32, #tpu.memory_space<vmem_shared>>
      %dma_wait3A_173 = arith.constant 0 : i32
      %dma_wait3A_174 = tpu.memref_slice %arg6[%add3A_69, %dma_wait3A_173] : memref<10112x128xf32, #tpu.memory_space<vmem_shared>> -> memref<80x128xf32, #tpu.memory_space<vmem_shared>>
      %dma_wait3A_175 = arith.constant 0 : i32
      %dma_wait3A_176 = arith.constant 0 : i32
      %dma_wait3A_177 = tpu.memref_slice %arg7[%dma_wait3A_175, %dma_wait3A_176] : memref<80x128xf32, #tpu.memory_space<vmem>> -> memref<80x128xf32, #tpu.memory_space<vmem>>
      tpu.wait_dma2 semaphore(%run_scoped3A : memref<!tpu.dma_semaphore, #tpu.memory_space<semaphore_mem>>) src(%dma_wait3A_177 : memref<80x128xf32, #tpu.memory_space<vmem>>) dst(%dma_wait3A_174 : memref<80x128xf32, #tpu.memory_space<vmem_shared>>)
      tpu.yield
    }) : () -> ()
    %mul3A_70 = arith.constant 632 : i32
    %mul3A_71 = arith.muli %arg1, %mul3A_70 : i32
    %add3A_72 = arith.constant 160 : i32
    %add3A_73 = arith.addi %mul3A_71, %add3A_72 : i32
    "tpu.region"() ({
      %run_scoped3A = tpu.sem_alloc : memref<!tpu.dma_semaphore, #tpu.memory_space<semaphore_mem>>
      %dma_start3A_158 = arith.constant 0 : i32
      %dma_start3A_159 = arith.constant 0 : i32
      %dma_start3A_160 = tpu.memref_slice %arg7[%dma_start3A_158, %dma_start3A_159] : memref<80x128xf32, #tpu.memory_space<vmem>> -> memref<80x128xf32, #tpu.memory_space<vmem>>
      %dma_start3A_161 = arith.constant 0 : i32
      %dma_start3A_162 = tpu.memref_slice %arg6[%add3A_73, %dma_start3A_161] : memref<10112x128xf32, #tpu.memory_space<vmem_shared>> -> memref<80x128xf32, #tpu.memory_space<vmem_shared>>
      %dma_start3A_163 = arith.constant 0 : i32
      %dma_start3A_164 = tpu.memref_slice %arg6[%add3A_73, %dma_start3A_163] : memref<10112x128xf32, #tpu.memory_space<vmem_shared>> -> memref<80x128xf32, #tpu.memory_space<vmem_shared>>
      %dma_start3A_165 = arith.constant 0 : i32
      %dma_start3A_166 = arith.constant 0 : i32
      %dma_start3A_167 = tpu.memref_slice %arg7[%dma_start3A_165, %dma_start3A_166] : memref<80x128xf32, #tpu.memory_space<vmem>> -> memref<80x128xf32, #tpu.memory_space<vmem>>
      tpu.enqueue_dma source(%dma_start3A_167 : memref<80x128xf32, #tpu.memory_space<vmem>>) target(%dma_start3A_164 : memref<80x128xf32, #tpu.memory_space<vmem_shared>>) target_semaphore(%run_scoped3A : memref<!tpu.dma_semaphore, #tpu.memory_space<semaphore_mem>>)
      %dma_wait3A_168 = arith.constant 0 : i32
      %dma_wait3A_169 = arith.constant 0 : i32
      %dma_wait3A_170 = tpu.memref_slice %arg7[%dma_wait3A_168, %dma_wait3A_169] : memref<80x128xf32, #tpu.memory_space<vmem>> -> memref<80x128xf32, #tpu.memory_space<vmem>>
      %dma_wait3A_171 = arith.constant 0 : i32
      %dma_wait3A_172 = tpu.memref_slice %arg6[%add3A_73, %dma_wait3A_171] : memref<10112x128xf32, #tpu.memory_space<vmem_shared>> -> memref<80x128xf32, #tpu.memory_space<vmem_shared>>
      %dma_wait3A_173 = arith.constant 0 : i32
      %dma_wait3A_174 = tpu.memref_slice %arg6[%add3A_73, %dma_wait3A_173] : memref<10112x128xf32, #tpu.memory_space<vmem_shared>> -> memref<80x128xf32, #tpu.memory_space<vmem_shared>>
      %dma_wait3A_175 = arith.constant 0 : i32
      %dma_wait3A_176 = arith.constant 0 : i32
      %dma_wait3A_177 = tpu.memref_slice %arg7[%dma_wait3A_175, %dma_wait3A_176] : memref<80x128xf32, #tpu.memory_space<vmem>> -> memref<80x128xf32, #tpu.memory_space<vmem>>
      tpu.wait_dma2 semaphore(%run_scoped3A : memref<!tpu.dma_semaphore, #tpu.memory_space<semaphore_mem>>) src(%dma_wait3A_177 : memref<80x128xf32, #tpu.memory_space<vmem>>) dst(%dma_wait3A_174 : memref<80x128xf32, #tpu.memory_space<vmem_shared>>)
      tpu.yield
    }) : () -> ()
    %mul3A_74 = arith.constant 632 : i32
    %mul3A_75 = arith.muli %arg1, %mul3A_74 : i32
    %add3A_76 = arith.constant 240 : i32
    %add3A_77 = arith.addi %mul3A_75, %add3A_76 : i32
    "tpu.region"() ({
      %run_scoped3A = tpu.sem_alloc : memref<!tpu.dma_semaphore, #tpu.memory_space<semaphore_mem>>
      %dma_start3A_158 = arith.constant 0 : i32
      %dma_start3A_159 = arith.constant 0 : i32
      %dma_start3A_160 = tpu.memref_slice %arg7[%dma_start3A_158, %dma_start3A_159] : memref<80x128xf32, #tpu.memory_space<vmem>> -> memref<80x128xf32, #tpu.memory_space<vmem>>
      %dma_start3A_161 = arith.constant 0 : i32
      %dma_start3A_162 = tpu.memref_slice %arg6[%add3A_77, %dma_start3A_161] : memref<10112x128xf32, #tpu.memory_space<vmem_shared>> -> memref<80x128xf32, #tpu.memory_space<vmem_shared>>
      %dma_start3A_163 = arith.constant 0 : i32
      %dma_start3A_164 = tpu.memref_slice %arg6[%add3A_77, %dma_start3A_163] : memref<10112x128xf32, #tpu.memory_space<vmem_shared>> -> memref<80x128xf32, #tpu.memory_space<vmem_shared>>
      %dma_start3A_165 = arith.constant 0 : i32
      %dma_start3A_166 = arith.constant 0 : i32
      %dma_start3A_167 = tpu.memref_slice %arg7[%dma_start3A_165, %dma_start3A_166] : memref<80x128xf32, #tpu.memory_space<vmem>> -> memref<80x128xf32, #tpu.memory_space<vmem>>
      tpu.enqueue_dma source(%dma_start3A_167 : memref<80x128xf32, #tpu.memory_space<vmem>>) target(%dma_start3A_164 : memref<80x128xf32, #tpu.memory_space<vmem_shared>>) target_semaphore(%run_scoped3A : memref<!tpu.dma_semaphore, #tpu.memory_space<semaphore_mem>>)
      %dma_wait3A_168 = arith.constant 0 : i32
      %dma_wait3A_169 = arith.constant 0 : i32
      %dma_wait3A_170 = tpu.memref_slice %arg7[%dma_wait3A_168, %dma_wait3A_169] : memref<80x128xf32, #tpu.memory_space<vmem>> -> memref<80x128xf32, #tpu.memory_space<vmem>>
      %dma_wait3A_171 = arith.constant 0 : i32
      %dma_wait3A_172 = tpu.memref_slice %arg6[%add3A_77, %dma_wait3A_171] : memref<10112x128xf32, #tpu.memory_space<vmem_shared>> -> memref<80x128xf32, #tpu.memory_space<vmem_shared>>
      %dma_wait3A_173 = arith.constant 0 : i32
      %dma_wait3A_174 = tpu.memref_slice %arg6[%add3A_77, %dma_wait3A_173] : memref<10112x128xf32, #tpu.memory_space<vmem_shared>> -> memref<80x128xf32, #tpu.memory_space<vmem_shared>>
      %dma_wait3A_175 = arith.constant 0 : i32
      %dma_wait3A_176 = arith.constant 0 : i32
      %dma_wait3A_177 = tpu.memref_slice %arg7[%dma_wait3A_175, %dma_wait3A_176] : memref<80x128xf32, #tpu.memory_space<vmem>> -> memref<80x128xf32, #tpu.memory_space<vmem>>
      tpu.wait_dma2 semaphore(%run_scoped3A : memref<!tpu.dma_semaphore, #tpu.memory_space<semaphore_mem>>) src(%dma_wait3A_177 : memref<80x128xf32, #tpu.memory_space<vmem>>) dst(%dma_wait3A_174 : memref<80x128xf32, #tpu.memory_space<vmem_shared>>)
      tpu.yield
    }) : () -> ()
    %mul3A_78 = arith.constant 632 : i32
    %mul3A_79 = arith.muli %arg1, %mul3A_78 : i32
    %add3A_80 = arith.constant 320 : i32
    %add3A_81 = arith.addi %mul3A_79, %add3A_80 : i32
    "tpu.region"() ({
      %run_scoped3A = tpu.sem_alloc : memref<!tpu.dma_semaphore, #tpu.memory_space<semaphore_mem>>
      %dma_start3A_158 = arith.constant 0 : i32
      %dma_start3A_159 = arith.constant 0 : i32
      %dma_start3A_160 = tpu.memref_slice %arg7[%dma_start3A_158, %dma_start3A_159] : memref<80x128xf32, #tpu.memory_space<vmem>> -> memref<80x128xf32, #tpu.memory_space<vmem>>
      %dma_start3A_161 = arith.constant 0 : i32
      %dma_start3A_162 = tpu.memref_slice %arg6[%add3A_81, %dma_start3A_161] : memref<10112x128xf32, #tpu.memory_space<vmem_shared>> -> memref<80x128xf32, #tpu.memory_space<vmem_shared>>
      %dma_start3A_163 = arith.constant 0 : i32
      %dma_start3A_164 = tpu.memref_slice %arg6[%add3A_81, %dma_start3A_163] : memref<10112x128xf32, #tpu.memory_space<vmem_shared>> -> memref<80x128xf32, #tpu.memory_space<vmem_shared>>
      %dma_start3A_165 = arith.constant 0 : i32
      %dma_start3A_166 = arith.constant 0 : i32
      %dma_start3A_167 = tpu.memref_slice %arg7[%dma_start3A_165, %dma_start3A_166] : memref<80x128xf32, #tpu.memory_space<vmem>> -> memref<80x128xf32, #tpu.memory_space<vmem>>
      tpu.enqueue_dma source(%dma_start3A_167 : memref<80x128xf32, #tpu.memory_space<vmem>>) target(%dma_start3A_164 : memref<80x128xf32, #tpu.memory_space<vmem_shared>>) target_semaphore(%run_scoped3A : memref<!tpu.dma_semaphore, #tpu.memory_space<semaphore_mem>>)
      %dma_wait3A_168 = arith.constant 0 : i32
      %dma_wait3A_169 = arith.constant 0 : i32
      %dma_wait3A_170 = tpu.memref_slice %arg7[%dma_wait3A_168, %dma_wait3A_169] : memref<80x128xf32, #tpu.memory_space<vmem>> -> memref<80x128xf32, #tpu.memory_space<vmem>>
      %dma_wait3A_171 = arith.constant 0 : i32
      %dma_wait3A_172 = tpu.memref_slice %arg6[%add3A_81, %dma_wait3A_171] : memref<10112x128xf32, #tpu.memory_space<vmem_shared>> -> memref<80x128xf32, #tpu.memory_space<vmem_shared>>
      %dma_wait3A_173 = arith.constant 0 : i32
      %dma_wait3A_174 = tpu.memref_slice %arg6[%add3A_81, %dma_wait3A_173] : memref<10112x128xf32, #tpu.memory_space<vmem_shared>> -> memref<80x128xf32, #tpu.memory_space<vmem_shared>>
      %dma_wait3A_175 = arith.constant 0 : i32
      %dma_wait3A_176 = arith.constant 0 : i32
      %dma_wait3A_177 = tpu.memref_slice %arg7[%dma_wait3A_175, %dma_wait3A_176] : memref<80x128xf32, #tpu.memory_space<vmem>> -> memref<80x128xf32, #tpu.memory_space<vmem>>
      tpu.wait_dma2 semaphore(%run_scoped3A : memref<!tpu.dma_semaphore, #tpu.memory_space<semaphore_mem>>) src(%dma_wait3A_177 : memref<80x128xf32, #tpu.memory_space<vmem>>) dst(%dma_wait3A_174 : memref<80x128xf32, #tpu.memory_space<vmem_shared>>)
      tpu.yield
    }) : () -> ()
    %mul3A_82 = arith.constant 632 : i32
    %mul3A_83 = arith.muli %arg1, %mul3A_82 : i32
    %add3A_84 = arith.constant 400 : i32
    %add3A_85 = arith.addi %mul3A_83, %add3A_84 : i32
    "tpu.region"() ({
      %run_scoped3A = tpu.sem_alloc : memref<!tpu.dma_semaphore, #tpu.memory_space<semaphore_mem>>
      %dma_start3A_158 = arith.constant 0 : i32
      %dma_start3A_159 = arith.constant 0 : i32
      %dma_start3A_160 = tpu.memref_slice %arg7[%dma_start3A_158, %dma_start3A_159] : memref<80x128xf32, #tpu.memory_space<vmem>> -> memref<80x128xf32, #tpu.memory_space<vmem>>
      %dma_start3A_161 = arith.constant 0 : i32
      %dma_start3A_162 = tpu.memref_slice %arg6[%add3A_85, %dma_start3A_161] : memref<10112x128xf32, #tpu.memory_space<vmem_shared>> -> memref<80x128xf32, #tpu.memory_space<vmem_shared>>
      %dma_start3A_163 = arith.constant 0 : i32
      %dma_start3A_164 = tpu.memref_slice %arg6[%add3A_85, %dma_start3A_163] : memref<10112x128xf32, #tpu.memory_space<vmem_shared>> -> memref<80x128xf32, #tpu.memory_space<vmem_shared>>
      %dma_start3A_165 = arith.constant 0 : i32
      %dma_start3A_166 = arith.constant 0 : i32
      %dma_start3A_167 = tpu.memref_slice %arg7[%dma_start3A_165, %dma_start3A_166] : memref<80x128xf32, #tpu.memory_space<vmem>> -> memref<80x128xf32, #tpu.memory_space<vmem>>
      tpu.enqueue_dma source(%dma_start3A_167 : memref<80x128xf32, #tpu.memory_space<vmem>>) target(%dma_start3A_164 : memref<80x128xf32, #tpu.memory_space<vmem_shared>>) target_semaphore(%run_scoped3A : memref<!tpu.dma_semaphore, #tpu.memory_space<semaphore_mem>>)
      %dma_wait3A_168 = arith.constant 0 : i32
      %dma_wait3A_169 = arith.constant 0 : i32
      %dma_wait3A_170 = tpu.memref_slice %arg7[%dma_wait3A_168, %dma_wait3A_169] : memref<80x128xf32, #tpu.memory_space<vmem>> -> memref<80x128xf32, #tpu.memory_space<vmem>>
      %dma_wait3A_171 = arith.constant 0 : i32
      %dma_wait3A_172 = tpu.memref_slice %arg6[%add3A_85, %dma_wait3A_171] : memref<10112x128xf32, #tpu.memory_space<vmem_shared>> -> memref<80x128xf32, #tpu.memory_space<vmem_shared>>
      %dma_wait3A_173 = arith.constant 0 : i32
      %dma_wait3A_174 = tpu.memref_slice %arg6[%add3A_85, %dma_wait3A_173] : memref<10112x128xf32, #tpu.memory_space<vmem_shared>> -> memref<80x128xf32, #tpu.memory_space<vmem_shared>>
      %dma_wait3A_175 = arith.constant 0 : i32
      %dma_wait3A_176 = arith.constant 0 : i32
      %dma_wait3A_177 = tpu.memref_slice %arg7[%dma_wait3A_175, %dma_wait3A_176] : memref<80x128xf32, #tpu.memory_space<vmem>> -> memref<80x128xf32, #tpu.memory_space<vmem>>
      tpu.wait_dma2 semaphore(%run_scoped3A : memref<!tpu.dma_semaphore, #tpu.memory_space<semaphore_mem>>) src(%dma_wait3A_177 : memref<80x128xf32, #tpu.memory_space<vmem>>) dst(%dma_wait3A_174 : memref<80x128xf32, #tpu.memory_space<vmem_shared>>)
      tpu.yield
    }) : () -> ()
    %mul3A_86 = arith.constant 632 : i32
    %mul3A_87 = arith.muli %arg1, %mul3A_86 : i32
    %add3A_88 = arith.constant 480 : i32
    %add3A_89 = arith.addi %mul3A_87, %add3A_88 : i32
    "tpu.region"() ({
      %run_scoped3A = tpu.sem_alloc : memref<!tpu.dma_semaphore, #tpu.memory_space<semaphore_mem>>
      %dma_start3A_158 = arith.constant 0 : i32
      %dma_start3A_159 = arith.constant 0 : i32
      %dma_start3A_160 = tpu.memref_slice %arg7[%dma_start3A_158, %dma_start3A_159] : memref<80x128xf32, #tpu.memory_space<vmem>> -> memref<80x128xf32, #tpu.memory_space<vmem>>
      %dma_start3A_161 = arith.constant 0 : i32
      %dma_start3A_162 = tpu.memref_slice %arg6[%add3A_89, %dma_start3A_161] : memref<10112x128xf32, #tpu.memory_space<vmem_shared>> -> memref<80x128xf32, #tpu.memory_space<vmem_shared>>
      %dma_start3A_163 = arith.constant 0 : i32
      %dma_start3A_164 = tpu.memref_slice %arg6[%add3A_89, %dma_start3A_163] : memref<10112x128xf32, #tpu.memory_space<vmem_shared>> -> memref<80x128xf32, #tpu.memory_space<vmem_shared>>
      %dma_start3A_165 = arith.constant 0 : i32
      %dma_start3A_166 = arith.constant 0 : i32
      %dma_start3A_167 = tpu.memref_slice %arg7[%dma_start3A_165, %dma_start3A_166] : memref<80x128xf32, #tpu.memory_space<vmem>> -> memref<80x128xf32, #tpu.memory_space<vmem>>
      tpu.enqueue_dma source(%dma_start3A_167 : memref<80x128xf32, #tpu.memory_space<vmem>>) target(%dma_start3A_164 : memref<80x128xf32, #tpu.memory_space<vmem_shared>>) target_semaphore(%run_scoped3A : memref<!tpu.dma_semaphore, #tpu.memory_space<semaphore_mem>>)
      %dma_wait3A_168 = arith.constant 0 : i32
      %dma_wait3A_169 = arith.constant 0 : i32
      %dma_wait3A_170 = tpu.memref_slice %arg7[%dma_wait3A_168, %dma_wait3A_169] : memref<80x128xf32, #tpu.memory_space<vmem>> -> memref<80x128xf32, #tpu.memory_space<vmem>>
      %dma_wait3A_171 = arith.constant 0 : i32
      %dma_wait3A_172 = tpu.memref_slice %arg6[%add3A_89, %dma_wait3A_171] : memref<10112x128xf32, #tpu.memory_space<vmem_shared>> -> memref<80x128xf32, #tpu.memory_space<vmem_shared>>
      %dma_wait3A_173 = arith.constant 0 : i32
      %dma_wait3A_174 = tpu.memref_slice %arg6[%add3A_89, %dma_wait3A_173] : memref<10112x128xf32, #tpu.memory_space<vmem_shared>> -> memref<80x128xf32, #tpu.memory_space<vmem_shared>>
      %dma_wait3A_175 = arith.constant 0 : i32
      %dma_wait3A_176 = arith.constant 0 : i32
      %dma_wait3A_177 = tpu.memref_slice %arg7[%dma_wait3A_175, %dma_wait3A_176] : memref<80x128xf32, #tpu.memory_space<vmem>> -> memref<80x128xf32, #tpu.memory_space<vmem>>
      tpu.wait_dma2 semaphore(%run_scoped3A : memref<!tpu.dma_semaphore, #tpu.memory_space<semaphore_mem>>) src(%dma_wait3A_177 : memref<80x128xf32, #tpu.memory_space<vmem>>) dst(%dma_wait3A_174 : memref<80x128xf32, #tpu.memory_space<vmem_shared>>)
      tpu.yield
    }) : () -> ()
    %mul3A_90 = arith.constant 632 : i32
    %mul3A_91 = arith.muli %arg1, %mul3A_90 : i32
    %add3A_92 = arith.constant 560 : i32
    %add3A_93 = arith.addi %mul3A_91, %add3A_92 : i32
    "tpu.region"() ({
      %run_scoped3A = tpu.sem_alloc : memref<!tpu.dma_semaphore, #tpu.memory_space<semaphore_mem>>
      %dma_start3A_158 = arith.constant 0 : i32
      %dma_start3A_159 = arith.constant 0 : i32
      %dma_start3A_160 = tpu.memref_slice %arg7[%dma_start3A_158, %dma_start3A_159] : memref<80x128xf32, #tpu.memory_space<vmem>> -> memref<72x128xf32, #tpu.memory_space<vmem>>
      %dma_start3A_161 = arith.constant 0 : i32
      %dma_start3A_162 = tpu.memref_slice %arg6[%add3A_93, %dma_start3A_161] : memref<10112x128xf32, #tpu.memory_space<vmem_shared>> -> memref<72x128xf32, #tpu.memory_space<vmem_shared>>
      %dma_start3A_163 = arith.constant 0 : i32
      %dma_start3A_164 = tpu.memref_slice %arg6[%add3A_93, %dma_start3A_163] : memref<10112x128xf32, #tpu.memory_space<vmem_shared>> -> memref<72x128xf32, #tpu.memory_space<vmem_shared>>
      %dma_start3A_165 = arith.constant 0 : i32
      %dma_start3A_166 = arith.constant 0 : i32
      %dma_start3A_167 = tpu.memref_slice %arg7[%dma_start3A_165, %dma_start3A_166] : memref<80x128xf32, #tpu.memory_space<vmem>> -> memref<72x128xf32, #tpu.memory_space<vmem>>
      tpu.enqueue_dma source(%dma_start3A_167 : memref<72x128xf32, #tpu.memory_space<vmem>>) target(%dma_start3A_164 : memref<72x128xf32, #tpu.memory_space<vmem_shared>>) target_semaphore(%run_scoped3A : memref<!tpu.dma_semaphore, #tpu.memory_space<semaphore_mem>>)
      %dma_wait3A_168 = arith.constant 0 : i32
      %dma_wait3A_169 = arith.constant 0 : i32
      %dma_wait3A_170 = tpu.memref_slice %arg7[%dma_wait3A_168, %dma_wait3A_169] : memref<80x128xf32, #tpu.memory_space<vmem>> -> memref<72x128xf32, #tpu.memory_space<vmem>>
      %dma_wait3A_171 = arith.constant 0 : i32
      %dma_wait3A_172 = tpu.memref_slice %arg6[%add3A_93, %dma_wait3A_171] : memref<10112x128xf32, #tpu.memory_space<vmem_shared>> -> memref<72x128xf32, #tpu.memory_space<vmem_shared>>
      %dma_wait3A_173 = arith.constant 0 : i32
      %dma_wait3A_174 = tpu.memref_slice %arg6[%add3A_93, %dma_wait3A_173] : memref<10112x128xf32, #tpu.memory_space<vmem_shared>> -> memref<72x128xf32, #tpu.memory_space<vmem_shared>>
      %dma_wait3A_175 = arith.constant 0 : i32
      %dma_wait3A_176 = arith.constant 0 : i32
      %dma_wait3A_177 = tpu.memref_slice %arg7[%dma_wait3A_175, %dma_wait3A_176] : memref<80x128xf32, #tpu.memory_space<vmem>> -> memref<72x128xf32, #tpu.memory_space<vmem>>
      tpu.wait_dma2 semaphore(%run_scoped3A : memref<!tpu.dma_semaphore, #tpu.memory_space<semaphore_mem>>) src(%dma_wait3A_177 : memref<72x128xf32, #tpu.memory_space<vmem>>) dst(%dma_wait3A_174 : memref<72x128xf32, #tpu.memory_space<vmem_shared>>)
      tpu.yield
    }) : () -> ()
    %barrier3A = arith.constant 0 : index
    tpu.barrier barrier_id(%barrier3A)
    %dma_wait3A = arith.constant 0 : i32
    %dma_wait3A_94 = arith.constant 0 : i32
    %dma_wait3A_95 = arith.constant 0 : i32
    %dma_wait3A_96 = tpu.memref_slice %arg3[%dma_wait3A, %add3A, %dma_wait3A_94, %dma_wait3A_95] : memref<2x32x128x80xi32, #tpu.memory_space<hbm>> -> memref<1x1x128x80xi32, #tpu.memory_space<hbm>>
    %dma_wait3A_97 = tpu.memref_squeeze %dma_wait3A_96 : memref<1x1x128x80xi32, #tpu.memory_space<hbm>> -> memref<128x80xi32, #tpu.memory_space<hbm>>
    %dma_wait3A_98 = arith.constant 0 : i32
    %dma_wait3A_99 = arith.constant 0 : i32
    %dma_wait3A_100 = tpu.memref_slice %dma_wait3A_97[%dma_wait3A_98, %dma_wait3A_99] : memref<128x80xi32, #tpu.memory_space<hbm>> -> memref<8x80xi32, #tpu.memory_space<hbm>>
    %dma_wait3A_101 = arith.constant 0 : i32
    %dma_wait3A_102 = arith.constant 0 : i32
    %dma_wait3A_103 = tpu.memref_slice %arg3[%dma_wait3A, %add3A, %dma_wait3A_101, %dma_wait3A_102] : memref<2x32x128x80xi32, #tpu.memory_space<hbm>> -> memref<1x1x128x80xi32, #tpu.memory_space<hbm>>
    %dma_wait3A_104 = tpu.memref_squeeze %dma_wait3A_103 : memref<1x1x128x80xi32, #tpu.memory_space<hbm>> -> memref<128x80xi32, #tpu.memory_space<hbm>>
    %dma_wait3A_105 = arith.constant 0 : i32
    %dma_wait3A_106 = arith.constant 0 : i32
    %dma_wait3A_107 = tpu.memref_slice %dma_wait3A_104[%dma_wait3A_105, %dma_wait3A_106] : memref<128x80xi32, #tpu.memory_space<hbm>> -> memref<8x80xi32, #tpu.memory_space<hbm>>
    tpu.wait_dma2 semaphore(%arg19 : memref<!tpu.dma_semaphore, #tpu.memory_space<semaphore_mem>>) src(%dma_wait3A_107 : memref<8x80xi32, #tpu.memory_space<hbm>>) dst(%arg11 : memref<8x80xi32, #tpu.memory_space<vmem>>)
    %dma_wait3A_108 = arith.constant 1 : i32
    %dma_wait3A_109 = arith.constant 0 : i32
    %dma_wait3A_110 = arith.constant 0 : i32
    %dma_wait3A_111 = tpu.memref_slice %arg3[%dma_wait3A_108, %add3A, %dma_wait3A_109, %dma_wait3A_110] : memref<2x32x128x80xi32, #tpu.memory_space<hbm>> -> memref<1x1x128x80xi32, #tpu.memory_space<hbm>>
    %dma_wait3A_112 = tpu.memref_squeeze %dma_wait3A_111 : memref<1x1x128x80xi32, #tpu.memory_space<hbm>> -> memref<128x80xi32, #tpu.memory_space<hbm>>
    %dma_wait3A_113 = arith.constant 0 : i32
    %dma_wait3A_114 = arith.constant 0 : i32
    %dma_wait3A_115 = tpu.memref_slice %dma_wait3A_112[%dma_wait3A_113, %dma_wait3A_114] : memref<128x80xi32, #tpu.memory_space<hbm>> -> memref<8x80xi32, #tpu.memory_space<hbm>>
    %dma_wait3A_116 = arith.constant 0 : i32
    %dma_wait3A_117 = arith.constant 0 : i32
    %dma_wait3A_118 = tpu.memref_slice %arg3[%dma_wait3A_108, %add3A, %dma_wait3A_116, %dma_wait3A_117] : memref<2x32x128x80xi32, #tpu.memory_space<hbm>> -> memref<1x1x128x80xi32, #tpu.memory_space<hbm>>
    %dma_wait3A_119 = tpu.memref_squeeze %dma_wait3A_118 : memref<1x1x128x80xi32, #tpu.memory_space<hbm>> -> memref<128x80xi32, #tpu.memory_space<hbm>>
    %dma_wait3A_120 = arith.constant 0 : i32
    %dma_wait3A_121 = arith.constant 0 : i32
    %dma_wait3A_122 = tpu.memref_slice %dma_wait3A_119[%dma_wait3A_120, %dma_wait3A_121] : memref<128x80xi32, #tpu.memory_space<hbm>> -> memref<8x80xi32, #tpu.memory_space<hbm>>
    tpu.wait_dma2 semaphore(%arg19 : memref<!tpu.dma_semaphore, #tpu.memory_space<semaphore_mem>>) src(%dma_wait3A_122 : memref<8x80xi32, #tpu.memory_space<hbm>>) dst(%arg13 : memref<8x80xi32, #tpu.memory_space<vmem>>)
    %dma_start3A_123 = arith.constant 0 : i32
    %dma_start3A_124 = arith.constant 0 : i32
    %dma_start3A_125 = tpu.memref_slice %arg11[%dma_start3A_123, %dma_start3A_124] : memref<8x80xi32, #tpu.memory_space<vmem>> -> memref<1x80xi32, #tpu.memory_space<vmem>>
    %dma_start3A_126 = tpu.memref_squeeze %dma_start3A_125 : memref<1x80xi32, #tpu.memory_space<vmem>> -> memref<80xi32, #tpu.memory_space<vmem>>
    %dma_start3A_127 = arith.constant 0 : i32
    %dma_start3A_128 = arith.constant 0 : i32
    %dma_start3A_129 = tpu.memref_slice %arg2[%dma_start3A_127, %dma_start3A_128] : memref<10000x128xf32, #tpu.memory_space<hbm>> -> memref<10000x128xf32, #tpu.memory_space<hbm>>
    tpu.enqueue_indirect_dma source(%dma_start3A_129 : memref<10000x128xf32, #tpu.memory_space<hbm>>) target(%arg7 : memref<80x128xf32, #tpu.memory_space<vmem>>) offsets(%dma_start3A_126 : memref<80xi32, #tpu.memory_space<vmem>>) semaphore(%arg15 : memref<!tpu.dma_semaphore, #tpu.memory_space<semaphore_mem>>)
    %dma_start3A_130 = arith.constant 1 : i32
    %dma_start3A_131 = arith.constant 0 : i32
    %dma_start3A_132 = tpu.memref_slice %arg11[%dma_start3A_130, %dma_start3A_131] : memref<8x80xi32, #tpu.memory_space<vmem>> -> memref<1x80xi32, #tpu.memory_space<vmem>>
    %dma_start3A_133 = tpu.memref_squeeze %dma_start3A_132 : memref<1x80xi32, #tpu.memory_space<vmem>> -> memref<80xi32, #tpu.memory_space<vmem>>
    %dma_start3A_134 = arith.constant 0 : i32
    %dma_start3A_135 = arith.constant 0 : i32
    %dma_start3A_136 = tpu.memref_slice %arg2[%dma_start3A_134, %dma_start3A_135] : memref<10000x128xf32, #tpu.memory_space<hbm>> -> memref<10000x128xf32, #tpu.memory_space<hbm>>
    tpu.enqueue_indirect_dma source(%dma_start3A_136 : memref<10000x128xf32, #tpu.memory_space<hbm>>) target(%arg8 : memref<80x128xf32, #tpu.memory_space<vmem>>) offsets(%dma_start3A_133 : memref<80xi32, #tpu.memory_space<vmem>>) semaphore(%arg16 : memref<!tpu.dma_semaphore, #tpu.memory_space<semaphore_mem>>)
    %dma_start3A_137 = arith.constant 2 : i32
    %dma_start3A_138 = arith.constant 0 : i32
    %dma_start3A_139 = tpu.memref_slice %arg11[%dma_start3A_137, %dma_start3A_138] : memref<8x80xi32, #tpu.memory_space<vmem>> -> memref<1x80xi32, #tpu.memory_space<vmem>>
    %dma_start3A_140 = tpu.memref_squeeze %dma_start3A_139 : memref<1x80xi32, #tpu.memory_space<vmem>> -> memref<80xi32, #tpu.memory_space<vmem>>
    %dma_start3A_141 = arith.constant 0 : i32
    %dma_start3A_142 = arith.constant 0 : i32
    %dma_start3A_143 = tpu.memref_slice %arg2[%dma_start3A_141, %dma_start3A_142] : memref<10000x128xf32, #tpu.memory_space<hbm>> -> memref<10000x128xf32, #tpu.memory_space<hbm>>
    tpu.enqueue_indirect_dma source(%dma_start3A_143 : memref<10000x128xf32, #tpu.memory_space<hbm>>) target(%arg9 : memref<80x128xf32, #tpu.memory_space<vmem>>) offsets(%dma_start3A_140 : memref<80xi32, #tpu.memory_space<vmem>>) semaphore(%arg17 : memref<!tpu.dma_semaphore, #tpu.memory_space<semaphore_mem>>)
    %dma_start3A_144 = arith.constant 3 : i32
    %dma_start3A_145 = arith.constant 0 : i32
    %dma_start3A_146 = tpu.memref_slice %arg11[%dma_start3A_144, %dma_start3A_145] : memref<8x80xi32, #tpu.memory_space<vmem>> -> memref<1x80xi32, #tpu.memory_space<vmem>>
    %dma_start3A_147 = tpu.memref_squeeze %dma_start3A_146 : memref<1x80xi32, #tpu.memory_space<vmem>> -> memref<80xi32, #tpu.memory_space<vmem>>
    %dma_start3A_148 = arith.constant 0 : i32
    %dma_start3A_149 = arith.constant 0 : i32
    %dma_start3A_150 = tpu.memref_slice %arg2[%dma_start3A_148, %dma_start3A_149] : memref<10000x128xf32, #tpu.memory_space<hbm>> -> memref<10000x128xf32, #tpu.memory_space<hbm>>
    tpu.enqueue_indirect_dma source(%dma_start3A_150 : memref<10000x128xf32, #tpu.memory_space<hbm>>) target(%arg10 : memref<80x128xf32, #tpu.memory_space<vmem>>) offsets(%dma_start3A_147 : memref<80xi32, #tpu.memory_space<vmem>>) semaphore(%arg18 : memref<!tpu.dma_semaphore, #tpu.memory_space<semaphore_mem>>)
    %scan3A = arith.constant 0 : i32
    %scan3A_151 = arith.constant 1 : i32
    %scan3A_152 = arith.constant 0 : i32
    %scan3A_153 = arith.constant 8 : i32
    %scan3A_154 = arith.addi %scan3A_152, %scan3A_153 : i32
    %scan3A_155 = arith.constant 1 : i32
    scf.for %scan3A_158 = %scan3A_152 to %scan3A_154 step %scan3A_155  : i32 {
      %mul3A_159 = arith.constant 1 : i32
      %mul3A_160 = arith.muli %scan3A_158, %mul3A_159 : i32
      %add3A_161 = arith.constant 0 : i32
      %add3A_162 = arith.addi %add3A_161, %mul3A_160 : i32
      %mul3A_163 = arith.constant 2 : i32
      %mul3A_164 = arith.muli %add3A_162, %mul3A_163 : i32
      %add3A_165 = arith.constant 0 : i32
      %add3A_166 = arith.addi %mul3A_164, %add3A_165 : i32
      %mul3A_167 = arith.constant 8 : i32
      %mul3A_168 = arith.muli %add3A_166, %mul3A_167 : i32
      %add3A_169 = arith.constant 0 : i32
      %add3A_170 = arith.addi %mul3A_168, %add3A_169 : i32
      %dma_wait3A_171 = arith.constant 0 : i32
      %dma_wait3A_172 = arith.constant 0 : i32
      %dma_wait3A_173 = tpu.memref_slice %arg11[%dma_wait3A_171, %dma_wait3A_172] : memref<8x80xi32, #tpu.memory_space<vmem>> -> memref<1x80xi32, #tpu.memory_space<vmem>>
      %dma_wait3A_174 = tpu.memref_squeeze %dma_wait3A_173 : memref<1x80xi32, #tpu.memory_space<vmem>> -> memref<80xi32, #tpu.memory_space<vmem>>
      %dma_wait3A_175 = arith.constant 0 : i32
      %dma_wait3A_176 = arith.constant 0 : i32
      %dma_wait3A_177 = tpu.memref_slice %arg2[%dma_wait3A_175, %dma_wait3A_176] : memref<10000x128xf32, #tpu.memory_space<hbm>> -> memref<10000x128xf32, #tpu.memory_space<hbm>>
      tpu.wait_indirect_dma semaphore(%arg15 : memref<!tpu.dma_semaphore, #tpu.memory_space<semaphore_mem>>) src(%dma_wait3A_177 : memref<10000x128xf32, #tpu.memory_space<hbm>>) dst(%arg7 : memref<80x128xf32, #tpu.memory_space<vmem>>)
      %run_scoped3A = arith.constant 0 : i32
      "tpu.region"() ({
        %run_scoped3A_499 = tpu.sem_alloc : memref<!tpu.dma_semaphore, #tpu.memory_space<semaphore_mem>>
        %dma_start3A_500 = arith.constant 0 : i32
        %dma_start3A_501 = tpu.memref_slice %arg13[%run_scoped3A, %dma_start3A_500] : memref<8x80xi32, #tpu.memory_space<vmem>> -> memref<1x80xi32, #tpu.memory_space<vmem>>
        %dma_start3A_502 = tpu.memref_squeeze %dma_start3A_501 : memref<1x80xi32, #tpu.memory_space<vmem>> -> memref<80xi32, #tpu.memory_space<vmem>>
        %dma_start3A_503 = arith.constant 0 : i32
        %dma_start3A_504 = arith.constant 0 : i32
        %dma_start3A_505 = tpu.memref_slice %arg6[%dma_start3A_503, %dma_start3A_504] : memref<10112x128xf32, #tpu.memory_space<vmem_shared>> -> memref<10112x128xf32, #tpu.memory_space<vmem_shared>>
        tpu.enqueue_indirect_dma source(%arg7 : memref<80x128xf32, #tpu.memory_space<vmem>>) target(%dma_start3A_505 : memref<10112x128xf32, #tpu.memory_space<vmem_shared>>) offsets(%dma_start3A_502 : memref<80xi32, #tpu.memory_space<vmem>>) semaphore(%run_scoped3A_499 : memref<!tpu.dma_semaphore, #tpu.memory_space<semaphore_mem>>) {add = true}
        %dma_wait3A_506 = arith.constant 0 : i32
        %dma_wait3A_507 = tpu.memref_slice %arg13[%run_scoped3A, %dma_wait3A_506] : memref<8x80xi32, #tpu.memory_space<vmem>> -> memref<1x80xi32, #tpu.memory_space<vmem>>
        %dma_wait3A_508 = tpu.memref_squeeze %dma_wait3A_507 : memref<1x80xi32, #tpu.memory_space<vmem>> -> memref<80xi32, #tpu.memory_space<vmem>>
        %dma_wait3A_509 = arith.constant 0 : i32
        %dma_wait3A_510 = arith.constant 0 : i32
        %dma_wait3A_511 = tpu.memref_slice %arg6[%dma_wait3A_509, %dma_wait3A_510] : memref<10112x128xf32, #tpu.memory_space<vmem_shared>> -> memref<10112x128xf32, #tpu.memory_space<vmem_shared>>
        tpu.wait_indirect_dma semaphore(%run_scoped3A_499 : memref<!tpu.dma_semaphore, #tpu.memory_space<semaphore_mem>>) src(%arg7 : memref<80x128xf32, #tpu.memory_space<vmem>>) dst(%dma_wait3A_511 : memref<10112x128xf32, #tpu.memory_space<vmem_shared>>)
        tpu.yield
      }) : () -> ()
      %add3A_178 = arith.constant 4 : i32
      %add3A_179 = arith.addi %add3A_170, %add3A_178 : i32
      %lt3A = arith.constant 128 : i32
      %lt3A_180 = arith.cmpi slt, %add3A_179, %lt3A : i32
      %convert_element_type3A = arith.extui %lt3A_180 : i1 to i32
      %cond3A = arith.constant 0 : i32
      %cond3A_181 = arith.cmpi ne, %convert_element_type3A, %cond3A : i32
      scf.if %cond3A_181 {
        %dma_start3A_499 = arith.constant 4 : i32
        %dma_start3A_500 = arith.constant 0 : i32
        %dma_start3A_501 = tpu.memref_slice %arg11[%dma_start3A_499, %dma_start3A_500] : memref<8x80xi32, #tpu.memory_space<vmem>> -> memref<1x80xi32, #tpu.memory_space<vmem>>
        %dma_start3A_502 = tpu.memref_squeeze %dma_start3A_501 : memref<1x80xi32, #tpu.memory_space<vmem>> -> memref<80xi32, #tpu.memory_space<vmem>>
        %dma_start3A_503 = arith.constant 0 : i32
        %dma_start3A_504 = arith.constant 0 : i32
        %dma_start3A_505 = tpu.memref_slice %arg2[%dma_start3A_503, %dma_start3A_504] : memref<10000x128xf32, #tpu.memory_space<hbm>> -> memref<10000x128xf32, #tpu.memory_space<hbm>>
        tpu.enqueue_indirect_dma source(%dma_start3A_505 : memref<10000x128xf32, #tpu.memory_space<hbm>>) target(%arg7 : memref<80x128xf32, #tpu.memory_space<vmem>>) offsets(%dma_start3A_502 : memref<80xi32, #tpu.memory_space<vmem>>) semaphore(%arg15 : memref<!tpu.dma_semaphore, #tpu.memory_space<semaphore_mem>>)
      } else {
      }
      %mul3A_182 = arith.constant 8 : i32
      %mul3A_183 = arith.muli %add3A_166, %mul3A_182 : i32
      %add3A_184 = arith.constant 1 : i32
      %add3A_185 = arith.addi %mul3A_183, %add3A_184 : i32
      %dma_wait3A_186 = arith.constant 1 : i32
      %dma_wait3A_187 = arith.constant 0 : i32
      %dma_wait3A_188 = tpu.memref_slice %arg11[%dma_wait3A_186, %dma_wait3A_187] : memref<8x80xi32, #tpu.memory_space<vmem>> -> memref<1x80xi32, #tpu.memory_space<vmem>>
      %dma_wait3A_189 = tpu.memref_squeeze %dma_wait3A_188 : memref<1x80xi32, #tpu.memory_space<vmem>> -> memref<80xi32, #tpu.memory_space<vmem>>
      %dma_wait3A_190 = arith.constant 0 : i32
      %dma_wait3A_191 = arith.constant 0 : i32
      %dma_wait3A_192 = tpu.memref_slice %arg2[%dma_wait3A_190, %dma_wait3A_191] : memref<10000x128xf32, #tpu.memory_space<hbm>> -> memref<10000x128xf32, #tpu.memory_space<hbm>>
      tpu.wait_indirect_dma semaphore(%arg16 : memref<!tpu.dma_semaphore, #tpu.memory_space<semaphore_mem>>) src(%dma_wait3A_192 : memref<10000x128xf32, #tpu.memory_space<hbm>>) dst(%arg8 : memref<80x128xf32, #tpu.memory_space<vmem>>)
      %run_scoped3A_193 = arith.constant 1 : i32
      "tpu.region"() ({
        %run_scoped3A_499 = tpu.sem_alloc : memref<!tpu.dma_semaphore, #tpu.memory_space<semaphore_mem>>
        %dma_start3A_500 = arith.constant 0 : i32
        %dma_start3A_501 = tpu.memref_slice %arg13[%run_scoped3A_193, %dma_start3A_500] : memref<8x80xi32, #tpu.memory_space<vmem>> -> memref<1x80xi32, #tpu.memory_space<vmem>>
        %dma_start3A_502 = tpu.memref_squeeze %dma_start3A_501 : memref<1x80xi32, #tpu.memory_space<vmem>> -> memref<80xi32, #tpu.memory_space<vmem>>
        %dma_start3A_503 = arith.constant 0 : i32
        %dma_start3A_504 = arith.constant 0 : i32
        %dma_start3A_505 = tpu.memref_slice %arg6[%dma_start3A_503, %dma_start3A_504] : memref<10112x128xf32, #tpu.memory_space<vmem_shared>> -> memref<10112x128xf32, #tpu.memory_space<vmem_shared>>
        tpu.enqueue_indirect_dma source(%arg8 : memref<80x128xf32, #tpu.memory_space<vmem>>) target(%dma_start3A_505 : memref<10112x128xf32, #tpu.memory_space<vmem_shared>>) offsets(%dma_start3A_502 : memref<80xi32, #tpu.memory_space<vmem>>) semaphore(%run_scoped3A_499 : memref<!tpu.dma_semaphore, #tpu.memory_space<semaphore_mem>>) {add = true}
        %dma_wait3A_506 = arith.constant 0 : i32
        %dma_wait3A_507 = tpu.memref_slice %arg13[%run_scoped3A_193, %dma_wait3A_506] : memref<8x80xi32, #tpu.memory_space<vmem>> -> memref<1x80xi32, #tpu.memory_space<vmem>>
        %dma_wait3A_508 = tpu.memref_squeeze %dma_wait3A_507 : memref<1x80xi32, #tpu.memory_space<vmem>> -> memref<80xi32, #tpu.memory_space<vmem>>
        %dma_wait3A_509 = arith.constant 0 : i32
        %dma_wait3A_510 = arith.constant 0 : i32
        %dma_wait3A_511 = tpu.memref_slice %arg6[%dma_wait3A_509, %dma_wait3A_510] : memref<10112x128xf32, #tpu.memory_space<vmem_shared>> -> memref<10112x128xf32, #tpu.memory_space<vmem_shared>>
        tpu.wait_indirect_dma semaphore(%run_scoped3A_499 : memref<!tpu.dma_semaphore, #tpu.memory_space<semaphore_mem>>) src(%arg8 : memref<80x128xf32, #tpu.memory_space<vmem>>) dst(%dma_wait3A_511 : memref<10112x128xf32, #tpu.memory_space<vmem_shared>>)
        tpu.yield
      }) : () -> ()
      %add3A_194 = arith.constant 4 : i32
      %add3A_195 = arith.addi %add3A_185, %add3A_194 : i32
      %lt3A_196 = arith.constant 128 : i32
      %lt3A_197 = arith.cmpi slt, %add3A_195, %lt3A_196 : i32
      %convert_element_type3A_198 = arith.extui %lt3A_197 : i1 to i32
      %cond3A_199 = arith.constant 0 : i32
      %cond3A_200 = arith.cmpi ne, %convert_element_type3A_198, %cond3A_199 : i32
      scf.if %cond3A_200 {
        %dma_start3A_499 = arith.constant 5 : i32
        %dma_start3A_500 = arith.constant 0 : i32
        %dma_start3A_501 = tpu.memref_slice %arg11[%dma_start3A_499, %dma_start3A_500] : memref<8x80xi32, #tpu.memory_space<vmem>> -> memref<1x80xi32, #tpu.memory_space<vmem>>
        %dma_start3A_502 = tpu.memref_squeeze %dma_start3A_501 : memref<1x80xi32, #tpu.memory_space<vmem>> -> memref<80xi32, #tpu.memory_space<vmem>>
        %dma_start3A_503 = arith.constant 0 : i32
        %dma_start3A_504 = arith.constant 0 : i32
        %dma_start3A_505 = tpu.memref_slice %arg2[%dma_start3A_503, %dma_start3A_504] : memref<10000x128xf32, #tpu.memory_space<hbm>> -> memref<10000x128xf32, #tpu.memory_space<hbm>>
        tpu.enqueue_indirect_dma source(%dma_start3A_505 : memref<10000x128xf32, #tpu.memory_space<hbm>>) target(%arg8 : memref<80x128xf32, #tpu.memory_space<vmem>>) offsets(%dma_start3A_502 : memref<80xi32, #tpu.memory_space<vmem>>) semaphore(%arg16 : memref<!tpu.dma_semaphore, #tpu.memory_space<semaphore_mem>>)
      } else {
      }
      %mul3A_201 = arith.constant 8 : i32
      %mul3A_202 = arith.muli %add3A_166, %mul3A_201 : i32
      %add3A_203 = arith.constant 2 : i32
      %add3A_204 = arith.addi %mul3A_202, %add3A_203 : i32
      %dma_wait3A_205 = arith.constant 2 : i32
      %dma_wait3A_206 = arith.constant 0 : i32
      %dma_wait3A_207 = tpu.memref_slice %arg11[%dma_wait3A_205, %dma_wait3A_206] : memref<8x80xi32, #tpu.memory_space<vmem>> -> memref<1x80xi32, #tpu.memory_space<vmem>>
      %dma_wait3A_208 = tpu.memref_squeeze %dma_wait3A_207 : memref<1x80xi32, #tpu.memory_space<vmem>> -> memref<80xi32, #tpu.memory_space<vmem>>
      %dma_wait3A_209 = arith.constant 0 : i32
      %dma_wait3A_210 = arith.constant 0 : i32
      %dma_wait3A_211 = tpu.memref_slice %arg2[%dma_wait3A_209, %dma_wait3A_210] : memref<10000x128xf32, #tpu.memory_space<hbm>> -> memref<10000x128xf32, #tpu.memory_space<hbm>>
      tpu.wait_indirect_dma semaphore(%arg17 : memref<!tpu.dma_semaphore, #tpu.memory_space<semaphore_mem>>) src(%dma_wait3A_211 : memref<10000x128xf32, #tpu.memory_space<hbm>>) dst(%arg9 : memref<80x128xf32, #tpu.memory_space<vmem>>)
      %run_scoped3A_212 = arith.constant 2 : i32
      "tpu.region"() ({
        %run_scoped3A_499 = tpu.sem_alloc : memref<!tpu.dma_semaphore, #tpu.memory_space<semaphore_mem>>
        %dma_start3A_500 = arith.constant 0 : i32
        %dma_start3A_501 = tpu.memref_slice %arg13[%run_scoped3A_212, %dma_start3A_500] : memref<8x80xi32, #tpu.memory_space<vmem>> -> memref<1x80xi32, #tpu.memory_space<vmem>>
        %dma_start3A_502 = tpu.memref_squeeze %dma_start3A_501 : memref<1x80xi32, #tpu.memory_space<vmem>> -> memref<80xi32, #tpu.memory_space<vmem>>
        %dma_start3A_503 = arith.constant 0 : i32
        %dma_start3A_504 = arith.constant 0 : i32
        %dma_start3A_505 = tpu.memref_slice %arg6[%dma_start3A_503, %dma_start3A_504] : memref<10112x128xf32, #tpu.memory_space<vmem_shared>> -> memref<10112x128xf32, #tpu.memory_space<vmem_shared>>
        tpu.enqueue_indirect_dma source(%arg9 : memref<80x128xf32, #tpu.memory_space<vmem>>) target(%dma_start3A_505 : memref<10112x128xf32, #tpu.memory_space<vmem_shared>>) offsets(%dma_start3A_502 : memref<80xi32, #tpu.memory_space<vmem>>) semaphore(%run_scoped3A_499 : memref<!tpu.dma_semaphore, #tpu.memory_space<semaphore_mem>>) {add = true}
        %dma_wait3A_506 = arith.constant 0 : i32
        %dma_wait3A_507 = tpu.memref_slice %arg13[%run_scoped3A_212, %dma_wait3A_506] : memref<8x80xi32, #tpu.memory_space<vmem>> -> memref<1x80xi32, #tpu.memory_space<vmem>>
        %dma_wait3A_508 = tpu.memref_squeeze %dma_wait3A_507 : memref<1x80xi32, #tpu.memory_space<vmem>> -> memref<80xi32, #tpu.memory_space<vmem>>
        %dma_wait3A_509 = arith.constant 0 : i32
        %dma_wait3A_510 = arith.constant 0 : i32
        %dma_wait3A_511 = tpu.memref_slice %arg6[%dma_wait3A_509, %dma_wait3A_510] : memref<10112x128xf32, #tpu.memory_space<vmem_shared>> -> memref<10112x128xf32, #tpu.memory_space<vmem_shared>>
        tpu.wait_indirect_dma semaphore(%run_scoped3A_499 : memref<!tpu.dma_semaphore, #tpu.memory_space<semaphore_mem>>) src(%arg9 : memref<80x128xf32, #tpu.memory_space<vmem>>) dst(%dma_wait3A_511 : memref<10112x128xf32, #tpu.memory_space<vmem_shared>>)
        tpu.yield
      }) : () -> ()
      %add3A_213 = arith.constant 4 : i32
      %add3A_214 = arith.addi %add3A_204, %add3A_213 : i32
      %lt3A_215 = arith.constant 128 : i32
      %lt3A_216 = arith.cmpi slt, %add3A_214, %lt3A_215 : i32
      %convert_element_type3A_217 = arith.extui %lt3A_216 : i1 to i32
      %cond3A_218 = arith.constant 0 : i32
      %cond3A_219 = arith.cmpi ne, %convert_element_type3A_217, %cond3A_218 : i32
      scf.if %cond3A_219 {
        %dma_start3A_499 = arith.constant 6 : i32
        %dma_start3A_500 = arith.constant 0 : i32
        %dma_start3A_501 = tpu.memref_slice %arg11[%dma_start3A_499, %dma_start3A_500] : memref<8x80xi32, #tpu.memory_space<vmem>> -> memref<1x80xi32, #tpu.memory_space<vmem>>
        %dma_start3A_502 = tpu.memref_squeeze %dma_start3A_501 : memref<1x80xi32, #tpu.memory_space<vmem>> -> memref<80xi32, #tpu.memory_space<vmem>>
        %dma_start3A_503 = arith.constant 0 : i32
        %dma_start3A_504 = arith.constant 0 : i32
        %dma_start3A_505 = tpu.memref_slice %arg2[%dma_start3A_503, %dma_start3A_504] : memref<10000x128xf32, #tpu.memory_space<hbm>> -> memref<10000x128xf32, #tpu.memory_space<hbm>>
        tpu.enqueue_indirect_dma source(%dma_start3A_505 : memref<10000x128xf32, #tpu.memory_space<hbm>>) target(%arg9 : memref<80x128xf32, #tpu.memory_space<vmem>>) offsets(%dma_start3A_502 : memref<80xi32, #tpu.memory_space<vmem>>) semaphore(%arg17 : memref<!tpu.dma_semaphore, #tpu.memory_space<semaphore_mem>>)
      } else {
      }
      %mul3A_220 = arith.constant 8 : i32
      %mul3A_221 = arith.muli %add3A_166, %mul3A_220 : i32
      %add3A_222 = arith.constant 3 : i32
      %add3A_223 = arith.addi %mul3A_221, %add3A_222 : i32
      %dma_wait3A_224 = arith.constant 3 : i32
      %dma_wait3A_225 = arith.constant 0 : i32
      %dma_wait3A_226 = tpu.memref_slice %arg11[%dma_wait3A_224, %dma_wait3A_225] : memref<8x80xi32, #tpu.memory_space<vmem>> -> memref<1x80xi32, #tpu.memory_space<vmem>>
      %dma_wait3A_227 = tpu.memref_squeeze %dma_wait3A_226 : memref<1x80xi32, #tpu.memory_space<vmem>> -> memref<80xi32, #tpu.memory_space<vmem>>
      %dma_wait3A_228 = arith.constant 0 : i32
      %dma_wait3A_229 = arith.constant 0 : i32
      %dma_wait3A_230 = tpu.memref_slice %arg2[%dma_wait3A_228, %dma_wait3A_229] : memref<10000x128xf32, #tpu.memory_space<hbm>> -> memref<10000x128xf32, #tpu.memory_space<hbm>>
      tpu.wait_indirect_dma semaphore(%arg18 : memref<!tpu.dma_semaphore, #tpu.memory_space<semaphore_mem>>) src(%dma_wait3A_230 : memref<10000x128xf32, #tpu.memory_space<hbm>>) dst(%arg10 : memref<80x128xf32, #tpu.memory_space<vmem>>)
      %run_scoped3A_231 = arith.constant 3 : i32
      "tpu.region"() ({
        %run_scoped3A_499 = tpu.sem_alloc : memref<!tpu.dma_semaphore, #tpu.memory_space<semaphore_mem>>
        %dma_start3A_500 = arith.constant 0 : i32
        %dma_start3A_501 = tpu.memref_slice %arg13[%run_scoped3A_231, %dma_start3A_500] : memref<8x80xi32, #tpu.memory_space<vmem>> -> memref<1x80xi32, #tpu.memory_space<vmem>>
        %dma_start3A_502 = tpu.memref_squeeze %dma_start3A_501 : memref<1x80xi32, #tpu.memory_space<vmem>> -> memref<80xi32, #tpu.memory_space<vmem>>
        %dma_start3A_503 = arith.constant 0 : i32
        %dma_start3A_504 = arith.constant 0 : i32
        %dma_start3A_505 = tpu.memref_slice %arg6[%dma_start3A_503, %dma_start3A_504] : memref<10112x128xf32, #tpu.memory_space<vmem_shared>> -> memref<10112x128xf32, #tpu.memory_space<vmem_shared>>
        tpu.enqueue_indirect_dma source(%arg10 : memref<80x128xf32, #tpu.memory_space<vmem>>) target(%dma_start3A_505 : memref<10112x128xf32, #tpu.memory_space<vmem_shared>>) offsets(%dma_start3A_502 : memref<80xi32, #tpu.memory_space<vmem>>) semaphore(%run_scoped3A_499 : memref<!tpu.dma_semaphore, #tpu.memory_space<semaphore_mem>>) {add = true}
        %dma_wait3A_506 = arith.constant 0 : i32
        %dma_wait3A_507 = tpu.memref_slice %arg13[%run_scoped3A_231, %dma_wait3A_506] : memref<8x80xi32, #tpu.memory_space<vmem>> -> memref<1x80xi32, #tpu.memory_space<vmem>>
        %dma_wait3A_508 = tpu.memref_squeeze %dma_wait3A_507 : memref<1x80xi32, #tpu.memory_space<vmem>> -> memref<80xi32, #tpu.memory_space<vmem>>
        %dma_wait3A_509 = arith.constant 0 : i32
        %dma_wait3A_510 = arith.constant 0 : i32
        %dma_wait3A_511 = tpu.memref_slice %arg6[%dma_wait3A_509, %dma_wait3A_510] : memref<10112x128xf32, #tpu.memory_space<vmem_shared>> -> memref<10112x128xf32, #tpu.memory_space<vmem_shared>>
        tpu.wait_indirect_dma semaphore(%run_scoped3A_499 : memref<!tpu.dma_semaphore, #tpu.memory_space<semaphore_mem>>) src(%arg10 : memref<80x128xf32, #tpu.memory_space<vmem>>) dst(%dma_wait3A_511 : memref<10112x128xf32, #tpu.memory_space<vmem_shared>>)
        tpu.yield
      }) : () -> ()
      %add3A_232 = arith.constant 4 : i32
      %add3A_233 = arith.addi %add3A_223, %add3A_232 : i32
      %lt3A_234 = arith.constant 128 : i32
      %lt3A_235 = arith.cmpi slt, %add3A_233, %lt3A_234 : i32
      %convert_element_type3A_236 = arith.extui %lt3A_235 : i1 to i32
      %cond3A_237 = arith.constant 0 : i32
      %cond3A_238 = arith.cmpi ne, %convert_element_type3A_236, %cond3A_237 : i32
      scf.if %cond3A_238 {
        %dma_start3A_499 = arith.constant 7 : i32
        %dma_start3A_500 = arith.constant 0 : i32
        %dma_start3A_501 = tpu.memref_slice %arg11[%dma_start3A_499, %dma_start3A_500] : memref<8x80xi32, #tpu.memory_space<vmem>> -> memref<1x80xi32, #tpu.memory_space<vmem>>
        %dma_start3A_502 = tpu.memref_squeeze %dma_start3A_501 : memref<1x80xi32, #tpu.memory_space<vmem>> -> memref<80xi32, #tpu.memory_space<vmem>>
        %dma_start3A_503 = arith.constant 0 : i32
        %dma_start3A_504 = arith.constant 0 : i32
        %dma_start3A_505 = tpu.memref_slice %arg2[%dma_start3A_503, %dma_start3A_504] : memref<10000x128xf32, #tpu.memory_space<hbm>> -> memref<10000x128xf32, #tpu.memory_space<hbm>>
        tpu.enqueue_indirect_dma source(%dma_start3A_505 : memref<10000x128xf32, #tpu.memory_space<hbm>>) target(%arg10 : memref<80x128xf32, #tpu.memory_space<vmem>>) offsets(%dma_start3A_502 : memref<80xi32, #tpu.memory_space<vmem>>) semaphore(%arg18 : memref<!tpu.dma_semaphore, #tpu.memory_space<semaphore_mem>>)
      } else {
      }
      %mul3A_239 = arith.constant 8 : i32
      %mul3A_240 = arith.muli %add3A_166, %mul3A_239 : i32
      %add3A_241 = arith.constant 4 : i32
      %add3A_242 = arith.addi %mul3A_240, %add3A_241 : i32
      %dma_wait3A_243 = arith.constant 4 : i32
      %dma_wait3A_244 = arith.constant 0 : i32
      %dma_wait3A_245 = tpu.memref_slice %arg11[%dma_wait3A_243, %dma_wait3A_244] : memref<8x80xi32, #tpu.memory_space<vmem>> -> memref<1x80xi32, #tpu.memory_space<vmem>>
      %dma_wait3A_246 = tpu.memref_squeeze %dma_wait3A_245 : memref<1x80xi32, #tpu.memory_space<vmem>> -> memref<80xi32, #tpu.memory_space<vmem>>
      %dma_wait3A_247 = arith.constant 0 : i32
      %dma_wait3A_248 = arith.constant 0 : i32
      %dma_wait3A_249 = tpu.memref_slice %arg2[%dma_wait3A_247, %dma_wait3A_248] : memref<10000x128xf32, #tpu.memory_space<hbm>> -> memref<10000x128xf32, #tpu.memory_space<hbm>>
      tpu.wait_indirect_dma semaphore(%arg15 : memref<!tpu.dma_semaphore, #tpu.memory_space<semaphore_mem>>) src(%dma_wait3A_249 : memref<10000x128xf32, #tpu.memory_space<hbm>>) dst(%arg7 : memref<80x128xf32, #tpu.memory_space<vmem>>)
      %run_scoped3A_250 = arith.constant 4 : i32
      "tpu.region"() ({
        %run_scoped3A_499 = tpu.sem_alloc : memref<!tpu.dma_semaphore, #tpu.memory_space<semaphore_mem>>
        %dma_start3A_500 = arith.constant 0 : i32
        %dma_start3A_501 = tpu.memref_slice %arg13[%run_scoped3A_250, %dma_start3A_500] : memref<8x80xi32, #tpu.memory_space<vmem>> -> memref<1x80xi32, #tpu.memory_space<vmem>>
        %dma_start3A_502 = tpu.memref_squeeze %dma_start3A_501 : memref<1x80xi32, #tpu.memory_space<vmem>> -> memref<80xi32, #tpu.memory_space<vmem>>
        %dma_start3A_503 = arith.constant 0 : i32
        %dma_start3A_504 = arith.constant 0 : i32
        %dma_start3A_505 = tpu.memref_slice %arg6[%dma_start3A_503, %dma_start3A_504] : memref<10112x128xf32, #tpu.memory_space<vmem_shared>> -> memref<10112x128xf32, #tpu.memory_space<vmem_shared>>
        tpu.enqueue_indirect_dma source(%arg7 : memref<80x128xf32, #tpu.memory_space<vmem>>) target(%dma_start3A_505 : memref<10112x128xf32, #tpu.memory_space<vmem_shared>>) offsets(%dma_start3A_502 : memref<80xi32, #tpu.memory_space<vmem>>) semaphore(%run_scoped3A_499 : memref<!tpu.dma_semaphore, #tpu.memory_space<semaphore_mem>>) {add = true}
        %dma_wait3A_506 = arith.constant 0 : i32
        %dma_wait3A_507 = tpu.memref_slice %arg13[%run_scoped3A_250, %dma_wait3A_506] : memref<8x80xi32, #tpu.memory_space<vmem>> -> memref<1x80xi32, #tpu.memory_space<vmem>>
        %dma_wait3A_508 = tpu.memref_squeeze %dma_wait3A_507 : memref<1x80xi32, #tpu.memory_space<vmem>> -> memref<80xi32, #tpu.memory_space<vmem>>
        %dma_wait3A_509 = arith.constant 0 : i32
        %dma_wait3A_510 = arith.constant 0 : i32
        %dma_wait3A_511 = tpu.memref_slice %arg6[%dma_wait3A_509, %dma_wait3A_510] : memref<10112x128xf32, #tpu.memory_space<vmem_shared>> -> memref<10112x128xf32, #tpu.memory_space<vmem_shared>>
        tpu.wait_indirect_dma semaphore(%run_scoped3A_499 : memref<!tpu.dma_semaphore, #tpu.memory_space<semaphore_mem>>) src(%arg7 : memref<80x128xf32, #tpu.memory_space<vmem>>) dst(%dma_wait3A_511 : memref<10112x128xf32, #tpu.memory_space<vmem_shared>>)
        tpu.yield
      }) : () -> ()
      %add3A_251 = arith.constant 1 : i32
      %add3A_252 = arith.addi %add3A_166, %add3A_251 : i32
      %lt3A_253 = arith.constant 16 : i32
      %lt3A_254 = arith.cmpi slt, %add3A_252, %lt3A_253 : i32
      %convert_element_type3A_255 = arith.extui %lt3A_254 : i1 to i32
      %cond3A_256 = arith.constant 0 : i32
      %cond3A_257 = arith.cmpi ne, %convert_element_type3A_255, %cond3A_256 : i32
      scf.if %cond3A_257 {
        %add3A_499 = arith.constant 1 : i32
        %add3A_500 = arith.addi %add3A_166, %add3A_499 : i32
        %mul3A_501 = arith.constant 8 : i32
        %mul3A_502 = arith.muli %add3A_500, %mul3A_501 : i32
        %dma_wait3A_503 = arith.constant 0 : i32
        %dma_wait3A_504 = arith.constant 0 : i32
        %dma_wait3A_505 = tpu.memref_slice %arg3[%scan3A, %add3A, %dma_wait3A_503, %dma_wait3A_504] : memref<2x32x128x80xi32, #tpu.memory_space<hbm>> -> memref<1x1x128x80xi32, #tpu.memory_space<hbm>>
        %dma_wait3A_506 = tpu.memref_squeeze %dma_wait3A_505 : memref<1x1x128x80xi32, #tpu.memory_space<hbm>> -> memref<128x80xi32, #tpu.memory_space<hbm>>
        %dma_wait3A_507 = arith.constant 0 : i32
        %dma_wait3A_508 = tpu.memref_slice %dma_wait3A_506[%mul3A_502, %dma_wait3A_507] : memref<128x80xi32, #tpu.memory_space<hbm>> -> memref<8x80xi32, #tpu.memory_space<hbm>>
        %dma_wait3A_509 = arith.constant 0 : i32
        %dma_wait3A_510 = arith.constant 0 : i32
        %dma_wait3A_511 = tpu.memref_slice %arg3[%scan3A, %add3A, %dma_wait3A_509, %dma_wait3A_510] : memref<2x32x128x80xi32, #tpu.memory_space<hbm>> -> memref<1x1x128x80xi32, #tpu.memory_space<hbm>>
        %dma_wait3A_512 = tpu.memref_squeeze %dma_wait3A_511 : memref<1x1x128x80xi32, #tpu.memory_space<hbm>> -> memref<128x80xi32, #tpu.memory_space<hbm>>
        %dma_wait3A_513 = arith.constant 0 : i32
        %dma_wait3A_514 = tpu.memref_slice %dma_wait3A_512[%mul3A_502, %dma_wait3A_513] : memref<128x80xi32, #tpu.memory_space<hbm>> -> memref<8x80xi32, #tpu.memory_space<hbm>>
        tpu.wait_dma2 semaphore(%arg20 : memref<!tpu.dma_semaphore, #tpu.memory_space<semaphore_mem>>) src(%dma_wait3A_514 : memref<8x80xi32, #tpu.memory_space<hbm>>) dst(%arg12 : memref<8x80xi32, #tpu.memory_space<vmem>>)
        %dma_wait3A_515 = arith.constant 0 : i32
        %dma_wait3A_516 = arith.constant 0 : i32
        %dma_wait3A_517 = tpu.memref_slice %arg3[%scan3A_151, %add3A, %dma_wait3A_515, %dma_wait3A_516] : memref<2x32x128x80xi32, #tpu.memory_space<hbm>> -> memref<1x1x128x80xi32, #tpu.memory_space<hbm>>
        %dma_wait3A_518 = tpu.memref_squeeze %dma_wait3A_517 : memref<1x1x128x80xi32, #tpu.memory_space<hbm>> -> memref<128x80xi32, #tpu.memory_space<hbm>>
        %dma_wait3A_519 = arith.constant 0 : i32
        %dma_wait3A_520 = tpu.memref_slice %dma_wait3A_518[%mul3A_502, %dma_wait3A_519] : memref<128x80xi32, #tpu.memory_space<hbm>> -> memref<8x80xi32, #tpu.memory_space<hbm>>
        %dma_wait3A_521 = arith.constant 0 : i32
        %dma_wait3A_522 = arith.constant 0 : i32
        %dma_wait3A_523 = tpu.memref_slice %arg3[%scan3A_151, %add3A, %dma_wait3A_521, %dma_wait3A_522] : memref<2x32x128x80xi32, #tpu.memory_space<hbm>> -> memref<1x1x128x80xi32, #tpu.memory_space<hbm>>
        %dma_wait3A_524 = tpu.memref_squeeze %dma_wait3A_523 : memref<1x1x128x80xi32, #tpu.memory_space<hbm>> -> memref<128x80xi32, #tpu.memory_space<hbm>>
        %dma_wait3A_525 = arith.constant 0 : i32
        %dma_wait3A_526 = tpu.memref_slice %dma_wait3A_524[%mul3A_502, %dma_wait3A_525] : memref<128x80xi32, #tpu.memory_space<hbm>> -> memref<8x80xi32, #tpu.memory_space<hbm>>
        tpu.wait_dma2 semaphore(%arg20 : memref<!tpu.dma_semaphore, #tpu.memory_space<semaphore_mem>>) src(%dma_wait3A_526 : memref<8x80xi32, #tpu.memory_space<hbm>>) dst(%arg14 : memref<8x80xi32, #tpu.memory_space<vmem>>)
      } else {
      }
      %add3A_258 = arith.constant 4 : i32
      %add3A_259 = arith.addi %add3A_242, %add3A_258 : i32
      %lt3A_260 = arith.constant 128 : i32
      %lt3A_261 = arith.cmpi slt, %add3A_259, %lt3A_260 : i32
      %convert_element_type3A_262 = arith.extui %lt3A_261 : i1 to i32
      %cond3A_263 = arith.constant 0 : i32
      %cond3A_264 = arith.cmpi ne, %convert_element_type3A_262, %cond3A_263 : i32
      scf.if %cond3A_264 {
        %dma_start3A_499 = arith.constant 0 : i32
        %dma_start3A_500 = arith.constant 0 : i32
        %dma_start3A_501 = tpu.memref_slice %arg12[%dma_start3A_499, %dma_start3A_500] : memref<8x80xi32, #tpu.memory_space<vmem>> -> memref<1x80xi32, #tpu.memory_space<vmem>>
        %dma_start3A_502 = tpu.memref_squeeze %dma_start3A_501 : memref<1x80xi32, #tpu.memory_space<vmem>> -> memref<80xi32, #tpu.memory_space<vmem>>
        %dma_start3A_503 = arith.constant 0 : i32
        %dma_start3A_504 = arith.constant 0 : i32
        %dma_start3A_505 = tpu.memref_slice %arg2[%dma_start3A_503, %dma_start3A_504] : memref<10000x128xf32, #tpu.memory_space<hbm>> -> memref<10000x128xf32, #tpu.memory_space<hbm>>
        tpu.enqueue_indirect_dma source(%dma_start3A_505 : memref<10000x128xf32, #tpu.memory_space<hbm>>) target(%arg7 : memref<80x128xf32, #tpu.memory_space<vmem>>) offsets(%dma_start3A_502 : memref<80xi32, #tpu.memory_space<vmem>>) semaphore(%arg15 : memref<!tpu.dma_semaphore, #tpu.memory_space<semaphore_mem>>)
      } else {
      }
      %mul3A_265 = arith.constant 8 : i32
      %mul3A_266 = arith.muli %add3A_166, %mul3A_265 : i32
      %add3A_267 = arith.constant 5 : i32
      %add3A_268 = arith.addi %mul3A_266, %add3A_267 : i32
      %dma_wait3A_269 = arith.constant 5 : i32
      %dma_wait3A_270 = arith.constant 0 : i32
      %dma_wait3A_271 = tpu.memref_slice %arg11[%dma_wait3A_269, %dma_wait3A_270] : memref<8x80xi32, #tpu.memory_space<vmem>> -> memref<1x80xi32, #tpu.memory_space<vmem>>
      %dma_wait3A_272 = tpu.memref_squeeze %dma_wait3A_271 : memref<1x80xi32, #tpu.memory_space<vmem>> -> memref<80xi32, #tpu.memory_space<vmem>>
      %dma_wait3A_273 = arith.constant 0 : i32
      %dma_wait3A_274 = arith.constant 0 : i32
      %dma_wait3A_275 = tpu.memref_slice %arg2[%dma_wait3A_273, %dma_wait3A_274] : memref<10000x128xf32, #tpu.memory_space<hbm>> -> memref<10000x128xf32, #tpu.memory_space<hbm>>
      tpu.wait_indirect_dma semaphore(%arg16 : memref<!tpu.dma_semaphore, #tpu.memory_space<semaphore_mem>>) src(%dma_wait3A_275 : memref<10000x128xf32, #tpu.memory_space<hbm>>) dst(%arg8 : memref<80x128xf32, #tpu.memory_space<vmem>>)
      %run_scoped3A_276 = arith.constant 5 : i32
      "tpu.region"() ({
        %run_scoped3A_499 = tpu.sem_alloc : memref<!tpu.dma_semaphore, #tpu.memory_space<semaphore_mem>>
        %dma_start3A_500 = arith.constant 0 : i32
        %dma_start3A_501 = tpu.memref_slice %arg13[%run_scoped3A_276, %dma_start3A_500] : memref<8x80xi32, #tpu.memory_space<vmem>> -> memref<1x80xi32, #tpu.memory_space<vmem>>
        %dma_start3A_502 = tpu.memref_squeeze %dma_start3A_501 : memref<1x80xi32, #tpu.memory_space<vmem>> -> memref<80xi32, #tpu.memory_space<vmem>>
        %dma_start3A_503 = arith.constant 0 : i32
        %dma_start3A_504 = arith.constant 0 : i32
        %dma_start3A_505 = tpu.memref_slice %arg6[%dma_start3A_503, %dma_start3A_504] : memref<10112x128xf32, #tpu.memory_space<vmem_shared>> -> memref<10112x128xf32, #tpu.memory_space<vmem_shared>>
        tpu.enqueue_indirect_dma source(%arg8 : memref<80x128xf32, #tpu.memory_space<vmem>>) target(%dma_start3A_505 : memref<10112x128xf32, #tpu.memory_space<vmem_shared>>) offsets(%dma_start3A_502 : memref<80xi32, #tpu.memory_space<vmem>>) semaphore(%run_scoped3A_499 : memref<!tpu.dma_semaphore, #tpu.memory_space<semaphore_mem>>) {add = true}
        %dma_wait3A_506 = arith.constant 0 : i32
        %dma_wait3A_507 = tpu.memref_slice %arg13[%run_scoped3A_276, %dma_wait3A_506] : memref<8x80xi32, #tpu.memory_space<vmem>> -> memref<1x80xi32, #tpu.memory_space<vmem>>
        %dma_wait3A_508 = tpu.memref_squeeze %dma_wait3A_507 : memref<1x80xi32, #tpu.memory_space<vmem>> -> memref<80xi32, #tpu.memory_space<vmem>>
        %dma_wait3A_509 = arith.constant 0 : i32
        %dma_wait3A_510 = arith.constant 0 : i32
        %dma_wait3A_511 = tpu.memref_slice %arg6[%dma_wait3A_509, %dma_wait3A_510] : memref<10112x128xf32, #tpu.memory_space<vmem_shared>> -> memref<10112x128xf32, #tpu.memory_space<vmem_shared>>
        tpu.wait_indirect_dma semaphore(%run_scoped3A_499 : memref<!tpu.dma_semaphore, #tpu.memory_space<semaphore_mem>>) src(%arg8 : memref<80x128xf32, #tpu.memory_space<vmem>>) dst(%dma_wait3A_511 : memref<10112x128xf32, #tpu.memory_space<vmem_shared>>)
        tpu.yield
      }) : () -> ()
      %add3A_277 = arith.constant 4 : i32
      %add3A_278 = arith.addi %add3A_268, %add3A_277 : i32
      %lt3A_279 = arith.constant 128 : i32
      %lt3A_280 = arith.cmpi slt, %add3A_278, %lt3A_279 : i32
      %convert_element_type3A_281 = arith.extui %lt3A_280 : i1 to i32
      %cond3A_282 = arith.constant 0 : i32
      %cond3A_283 = arith.cmpi ne, %convert_element_type3A_281, %cond3A_282 : i32
      scf.if %cond3A_283 {
        %dma_start3A_499 = arith.constant 1 : i32
        %dma_start3A_500 = arith.constant 0 : i32
        %dma_start3A_501 = tpu.memref_slice %arg12[%dma_start3A_499, %dma_start3A_500] : memref<8x80xi32, #tpu.memory_space<vmem>> -> memref<1x80xi32, #tpu.memory_space<vmem>>
        %dma_start3A_502 = tpu.memref_squeeze %dma_start3A_501 : memref<1x80xi32, #tpu.memory_space<vmem>> -> memref<80xi32, #tpu.memory_space<vmem>>
        %dma_start3A_503 = arith.constant 0 : i32
        %dma_start3A_504 = arith.constant 0 : i32
        %dma_start3A_505 = tpu.memref_slice %arg2[%dma_start3A_503, %dma_start3A_504] : memref<10000x128xf32, #tpu.memory_space<hbm>> -> memref<10000x128xf32, #tpu.memory_space<hbm>>
        tpu.enqueue_indirect_dma source(%dma_start3A_505 : memref<10000x128xf32, #tpu.memory_space<hbm>>) target(%arg8 : memref<80x128xf32, #tpu.memory_space<vmem>>) offsets(%dma_start3A_502 : memref<80xi32, #tpu.memory_space<vmem>>) semaphore(%arg16 : memref<!tpu.dma_semaphore, #tpu.memory_space<semaphore_mem>>)
      } else {
      }
      %mul3A_284 = arith.constant 8 : i32
      %mul3A_285 = arith.muli %add3A_166, %mul3A_284 : i32
      %add3A_286 = arith.constant 6 : i32
      %add3A_287 = arith.addi %mul3A_285, %add3A_286 : i32
      %dma_wait3A_288 = arith.constant 6 : i32
      %dma_wait3A_289 = arith.constant 0 : i32
      %dma_wait3A_290 = tpu.memref_slice %arg11[%dma_wait3A_288, %dma_wait3A_289] : memref<8x80xi32, #tpu.memory_space<vmem>> -> memref<1x80xi32, #tpu.memory_space<vmem>>
      %dma_wait3A_291 = tpu.memref_squeeze %dma_wait3A_290 : memref<1x80xi32, #tpu.memory_space<vmem>> -> memref<80xi32, #tpu.memory_space<vmem>>
      %dma_wait3A_292 = arith.constant 0 : i32
      %dma_wait3A_293 = arith.constant 0 : i32
      %dma_wait3A_294 = tpu.memref_slice %arg2[%dma_wait3A_292, %dma_wait3A_293] : memref<10000x128xf32, #tpu.memory_space<hbm>> -> memref<10000x128xf32, #tpu.memory_space<hbm>>
      tpu.wait_indirect_dma semaphore(%arg17 : memref<!tpu.dma_semaphore, #tpu.memory_space<semaphore_mem>>) src(%dma_wait3A_294 : memref<10000x128xf32, #tpu.memory_space<hbm>>) dst(%arg9 : memref<80x128xf32, #tpu.memory_space<vmem>>)
      %run_scoped3A_295 = arith.constant 6 : i32
      "tpu.region"() ({
        %run_scoped3A_499 = tpu.sem_alloc : memref<!tpu.dma_semaphore, #tpu.memory_space<semaphore_mem>>
        %dma_start3A_500 = arith.constant 0 : i32
        %dma_start3A_501 = tpu.memref_slice %arg13[%run_scoped3A_295, %dma_start3A_500] : memref<8x80xi32, #tpu.memory_space<vmem>> -> memref<1x80xi32, #tpu.memory_space<vmem>>
        %dma_start3A_502 = tpu.memref_squeeze %dma_start3A_501 : memref<1x80xi32, #tpu.memory_space<vmem>> -> memref<80xi32, #tpu.memory_space<vmem>>
        %dma_start3A_503 = arith.constant 0 : i32
        %dma_start3A_504 = arith.constant 0 : i32
        %dma_start3A_505 = tpu.memref_slice %arg6[%dma_start3A_503, %dma_start3A_504] : memref<10112x128xf32, #tpu.memory_space<vmem_shared>> -> memref<10112x128xf32, #tpu.memory_space<vmem_shared>>
        tpu.enqueue_indirect_dma source(%arg9 : memref<80x128xf32, #tpu.memory_space<vmem>>) target(%dma_start3A_505 : memref<10112x128xf32, #tpu.memory_space<vmem_shared>>) offsets(%dma_start3A_502 : memref<80xi32, #tpu.memory_space<vmem>>) semaphore(%run_scoped3A_499 : memref<!tpu.dma_semaphore, #tpu.memory_space<semaphore_mem>>) {add = true}
        %dma_wait3A_506 = arith.constant 0 : i32
        %dma_wait3A_507 = tpu.memref_slice %arg13[%run_scoped3A_295, %dma_wait3A_506] : memref<8x80xi32, #tpu.memory_space<vmem>> -> memref<1x80xi32, #tpu.memory_space<vmem>>
        %dma_wait3A_508 = tpu.memref_squeeze %dma_wait3A_507 : memref<1x80xi32, #tpu.memory_space<vmem>> -> memref<80xi32, #tpu.memory_space<vmem>>
        %dma_wait3A_509 = arith.constant 0 : i32
        %dma_wait3A_510 = arith.constant 0 : i32
        %dma_wait3A_511 = tpu.memref_slice %arg6[%dma_wait3A_509, %dma_wait3A_510] : memref<10112x128xf32, #tpu.memory_space<vmem_shared>> -> memref<10112x128xf32, #tpu.memory_space<vmem_shared>>
        tpu.wait_indirect_dma semaphore(%run_scoped3A_499 : memref<!tpu.dma_semaphore, #tpu.memory_space<semaphore_mem>>) src(%arg9 : memref<80x128xf32, #tpu.memory_space<vmem>>) dst(%dma_wait3A_511 : memref<10112x128xf32, #tpu.memory_space<vmem_shared>>)
        tpu.yield
      }) : () -> ()
      %add3A_296 = arith.constant 4 : i32
      %add3A_297 = arith.addi %add3A_287, %add3A_296 : i32
      %lt3A_298 = arith.constant 128 : i32
      %lt3A_299 = arith.cmpi slt, %add3A_297, %lt3A_298 : i32
      %convert_element_type3A_300 = arith.extui %lt3A_299 : i1 to i32
      %cond3A_301 = arith.constant 0 : i32
      %cond3A_302 = arith.cmpi ne, %convert_element_type3A_300, %cond3A_301 : i32
      scf.if %cond3A_302 {
        %dma_start3A_499 = arith.constant 2 : i32
        %dma_start3A_500 = arith.constant 0 : i32
        %dma_start3A_501 = tpu.memref_slice %arg12[%dma_start3A_499, %dma_start3A_500] : memref<8x80xi32, #tpu.memory_space<vmem>> -> memref<1x80xi32, #tpu.memory_space<vmem>>
        %dma_start3A_502 = tpu.memref_squeeze %dma_start3A_501 : memref<1x80xi32, #tpu.memory_space<vmem>> -> memref<80xi32, #tpu.memory_space<vmem>>
        %dma_start3A_503 = arith.constant 0 : i32
        %dma_start3A_504 = arith.constant 0 : i32
        %dma_start3A_505 = tpu.memref_slice %arg2[%dma_start3A_503, %dma_start3A_504] : memref<10000x128xf32, #tpu.memory_space<hbm>> -> memref<10000x128xf32, #tpu.memory_space<hbm>>
        tpu.enqueue_indirect_dma source(%dma_start3A_505 : memref<10000x128xf32, #tpu.memory_space<hbm>>) target(%arg9 : memref<80x128xf32, #tpu.memory_space<vmem>>) offsets(%dma_start3A_502 : memref<80xi32, #tpu.memory_space<vmem>>) semaphore(%arg17 : memref<!tpu.dma_semaphore, #tpu.memory_space<semaphore_mem>>)
      } else {
      }
      %mul3A_303 = arith.constant 8 : i32
      %mul3A_304 = arith.muli %add3A_166, %mul3A_303 : i32
      %add3A_305 = arith.constant 7 : i32
      %add3A_306 = arith.addi %mul3A_304, %add3A_305 : i32
      %dma_wait3A_307 = arith.constant 7 : i32
      %dma_wait3A_308 = arith.constant 0 : i32
      %dma_wait3A_309 = tpu.memref_slice %arg11[%dma_wait3A_307, %dma_wait3A_308] : memref<8x80xi32, #tpu.memory_space<vmem>> -> memref<1x80xi32, #tpu.memory_space<vmem>>
      %dma_wait3A_310 = tpu.memref_squeeze %dma_wait3A_309 : memref<1x80xi32, #tpu.memory_space<vmem>> -> memref<80xi32, #tpu.memory_space<vmem>>
      %dma_wait3A_311 = arith.constant 0 : i32
      %dma_wait3A_312 = arith.constant 0 : i32
      %dma_wait3A_313 = tpu.memref_slice %arg2[%dma_wait3A_311, %dma_wait3A_312] : memref<10000x128xf32, #tpu.memory_space<hbm>> -> memref<10000x128xf32, #tpu.memory_space<hbm>>
      tpu.wait_indirect_dma semaphore(%arg18 : memref<!tpu.dma_semaphore, #tpu.memory_space<semaphore_mem>>) src(%dma_wait3A_313 : memref<10000x128xf32, #tpu.memory_space<hbm>>) dst(%arg10 : memref<80x128xf32, #tpu.memory_space<vmem>>)
      %run_scoped3A_314 = arith.constant 7 : i32
      "tpu.region"() ({
        %run_scoped3A_499 = tpu.sem_alloc : memref<!tpu.dma_semaphore, #tpu.memory_space<semaphore_mem>>
        %dma_start3A_500 = arith.constant 0 : i32
        %dma_start3A_501 = tpu.memref_slice %arg13[%run_scoped3A_314, %dma_start3A_500] : memref<8x80xi32, #tpu.memory_space<vmem>> -> memref<1x80xi32, #tpu.memory_space<vmem>>
        %dma_start3A_502 = tpu.memref_squeeze %dma_start3A_501 : memref<1x80xi32, #tpu.memory_space<vmem>> -> memref<80xi32, #tpu.memory_space<vmem>>
        %dma_start3A_503 = arith.constant 0 : i32
        %dma_start3A_504 = arith.constant 0 : i32
        %dma_start3A_505 = tpu.memref_slice %arg6[%dma_start3A_503, %dma_start3A_504] : memref<10112x128xf32, #tpu.memory_space<vmem_shared>> -> memref<10112x128xf32, #tpu.memory_space<vmem_shared>>
        tpu.enqueue_indirect_dma source(%arg10 : memref<80x128xf32, #tpu.memory_space<vmem>>) target(%dma_start3A_505 : memref<10112x128xf32, #tpu.memory_space<vmem_shared>>) offsets(%dma_start3A_502 : memref<80xi32, #tpu.memory_space<vmem>>) semaphore(%run_scoped3A_499 : memref<!tpu.dma_semaphore, #tpu.memory_space<semaphore_mem>>) {add = true}
        %dma_wait3A_506 = arith.constant 0 : i32
        %dma_wait3A_507 = tpu.memref_slice %arg13[%run_scoped3A_314, %dma_wait3A_506] : memref<8x80xi32, #tpu.memory_space<vmem>> -> memref<1x80xi32, #tpu.memory_space<vmem>>
        %dma_wait3A_508 = tpu.memref_squeeze %dma_wait3A_507 : memref<1x80xi32, #tpu.memory_space<vmem>> -> memref<80xi32, #tpu.memory_space<vmem>>
        %dma_wait3A_509 = arith.constant 0 : i32
        %dma_wait3A_510 = arith.constant 0 : i32
        %dma_wait3A_511 = tpu.memref_slice %arg6[%dma_wait3A_509, %dma_wait3A_510] : memref<10112x128xf32, #tpu.memory_space<vmem_shared>> -> memref<10112x128xf32, #tpu.memory_space<vmem_shared>>
        tpu.wait_indirect_dma semaphore(%run_scoped3A_499 : memref<!tpu.dma_semaphore, #tpu.memory_space<semaphore_mem>>) src(%arg10 : memref<80x128xf32, #tpu.memory_space<vmem>>) dst(%dma_wait3A_511 : memref<10112x128xf32, #tpu.memory_space<vmem_shared>>)
        tpu.yield
      }) : () -> ()
      %add3A_315 = arith.constant 4 : i32
      %add3A_316 = arith.addi %add3A_306, %add3A_315 : i32
      %lt3A_317 = arith.constant 128 : i32
      %lt3A_318 = arith.cmpi slt, %add3A_316, %lt3A_317 : i32
      %convert_element_type3A_319 = arith.extui %lt3A_318 : i1 to i32
      %cond3A_320 = arith.constant 0 : i32
      %cond3A_321 = arith.cmpi ne, %convert_element_type3A_319, %cond3A_320 : i32
      scf.if %cond3A_321 {
        %dma_start3A_499 = arith.constant 3 : i32
        %dma_start3A_500 = arith.constant 0 : i32
        %dma_start3A_501 = tpu.memref_slice %arg12[%dma_start3A_499, %dma_start3A_500] : memref<8x80xi32, #tpu.memory_space<vmem>> -> memref<1x80xi32, #tpu.memory_space<vmem>>
        %dma_start3A_502 = tpu.memref_squeeze %dma_start3A_501 : memref<1x80xi32, #tpu.memory_space<vmem>> -> memref<80xi32, #tpu.memory_space<vmem>>
        %dma_start3A_503 = arith.constant 0 : i32
        %dma_start3A_504 = arith.constant 0 : i32
        %dma_start3A_505 = tpu.memref_slice %arg2[%dma_start3A_503, %dma_start3A_504] : memref<10000x128xf32, #tpu.memory_space<hbm>> -> memref<10000x128xf32, #tpu.memory_space<hbm>>
        tpu.enqueue_indirect_dma source(%dma_start3A_505 : memref<10000x128xf32, #tpu.memory_space<hbm>>) target(%arg10 : memref<80x128xf32, #tpu.memory_space<vmem>>) offsets(%dma_start3A_502 : memref<80xi32, #tpu.memory_space<vmem>>) semaphore(%arg18 : memref<!tpu.dma_semaphore, #tpu.memory_space<semaphore_mem>>)
      } else {
      }
      %add3A_322 = arith.constant 2 : i32
      %add3A_323 = arith.addi %add3A_166, %add3A_322 : i32
      %lt3A_324 = arith.constant 16 : i32
      %lt3A_325 = arith.cmpi slt, %add3A_323, %lt3A_324 : i32
      %convert_element_type3A_326 = arith.extui %lt3A_325 : i1 to i32
      %cond3A_327 = arith.constant 0 : i32
      %cond3A_328 = arith.cmpi ne, %convert_element_type3A_326, %cond3A_327 : i32
      scf.if %cond3A_328 {
        %add3A_499 = arith.constant 2 : i32
        %add3A_500 = arith.addi %add3A_166, %add3A_499 : i32
        %mul3A_501 = arith.constant 8 : i32
        %mul3A_502 = arith.muli %add3A_500, %mul3A_501 : i32
        %dma_start3A_503 = arith.constant 0 : i32
        %dma_start3A_504 = arith.constant 0 : i32
        %dma_start3A_505 = tpu.memref_slice %arg3[%scan3A, %add3A, %dma_start3A_503, %dma_start3A_504] : memref<2x32x128x80xi32, #tpu.memory_space<hbm>> -> memref<1x1x128x80xi32, #tpu.memory_space<hbm>>
        %dma_start3A_506 = tpu.memref_squeeze %dma_start3A_505 : memref<1x1x128x80xi32, #tpu.memory_space<hbm>> -> memref<128x80xi32, #tpu.memory_space<hbm>>
        %dma_start3A_507 = arith.constant 0 : i32
        %dma_start3A_508 = tpu.memref_slice %dma_start3A_506[%mul3A_502, %dma_start3A_507] : memref<128x80xi32, #tpu.memory_space<hbm>> -> memref<8x80xi32, #tpu.memory_space<hbm>>
        %dma_start3A_509 = arith.constant 0 : i32
        %dma_start3A_510 = arith.constant 0 : i32
        %dma_start3A_511 = tpu.memref_slice %arg3[%scan3A, %add3A, %dma_start3A_509, %dma_start3A_510] : memref<2x32x128x80xi32, #tpu.memory_space<hbm>> -> memref<1x1x128x80xi32, #tpu.memory_space<hbm>>
        %dma_start3A_512 = tpu.memref_squeeze %dma_start3A_511 : memref<1x1x128x80xi32, #tpu.memory_space<hbm>> -> memref<128x80xi32, #tpu.memory_space<hbm>>
        %dma_start3A_513 = arith.constant 0 : i32
        %dma_start3A_514 = tpu.memref_slice %dma_start3A_512[%mul3A_502, %dma_start3A_513] : memref<128x80xi32, #tpu.memory_space<hbm>> -> memref<8x80xi32, #tpu.memory_space<hbm>>
        tpu.enqueue_dma source(%dma_start3A_514 : memref<8x80xi32, #tpu.memory_space<hbm>>) target(%arg11 : memref<8x80xi32, #tpu.memory_space<vmem>>) target_semaphore(%arg19 : memref<!tpu.dma_semaphore, #tpu.memory_space<semaphore_mem>>)
        %dma_start3A_515 = arith.constant 0 : i32
        %dma_start3A_516 = arith.constant 0 : i32
        %dma_start3A_517 = tpu.memref_slice %arg3[%scan3A_151, %add3A, %dma_start3A_515, %dma_start3A_516] : memref<2x32x128x80xi32, #tpu.memory_space<hbm>> -> memref<1x1x128x80xi32, #tpu.memory_space<hbm>>
        %dma_start3A_518 = tpu.memref_squeeze %dma_start3A_517 : memref<1x1x128x80xi32, #tpu.memory_space<hbm>> -> memref<128x80xi32, #tpu.memory_space<hbm>>
        %dma_start3A_519 = arith.constant 0 : i32
        %dma_start3A_520 = tpu.memref_slice %dma_start3A_518[%mul3A_502, %dma_start3A_519] : memref<128x80xi32, #tpu.memory_space<hbm>> -> memref<8x80xi32, #tpu.memory_space<hbm>>
        %dma_start3A_521 = arith.constant 0 : i32
        %dma_start3A_522 = arith.constant 0 : i32
        %dma_start3A_523 = tpu.memref_slice %arg3[%scan3A_151, %add3A, %dma_start3A_521, %dma_start3A_522] : memref<2x32x128x80xi32, #tpu.memory_space<hbm>> -> memref<1x1x128x80xi32, #tpu.memory_space<hbm>>
        %dma_start3A_524 = tpu.memref_squeeze %dma_start3A_523 : memref<1x1x128x80xi32, #tpu.memory_space<hbm>> -> memref<128x80xi32, #tpu.memory_space<hbm>>
        %dma_start3A_525 = arith.constant 0 : i32
        %dma_start3A_526 = tpu.memref_slice %dma_start3A_524[%mul3A_502, %dma_start3A_525] : memref<128x80xi32, #tpu.memory_space<hbm>> -> memref<8x80xi32, #tpu.memory_space<hbm>>
        tpu.enqueue_dma source(%dma_start3A_526 : memref<8x80xi32, #tpu.memory_space<hbm>>) target(%arg13 : memref<8x80xi32, #tpu.memory_space<vmem>>) target_semaphore(%arg19 : memref<!tpu.dma_semaphore, #tpu.memory_space<semaphore_mem>>)
      } else {
      }
      %mul3A_329 = arith.constant 2 : i32
      %mul3A_330 = arith.muli %add3A_162, %mul3A_329 : i32
      %add3A_331 = arith.constant 1 : i32
      %add3A_332 = arith.addi %mul3A_330, %add3A_331 : i32
      %mul3A_333 = arith.constant 8 : i32
      %mul3A_334 = arith.muli %add3A_332, %mul3A_333 : i32
      %add3A_335 = arith.constant 0 : i32
      %add3A_336 = arith.addi %mul3A_334, %add3A_335 : i32
      %dma_wait3A_337 = arith.constant 0 : i32
      %dma_wait3A_338 = arith.constant 0 : i32
      %dma_wait3A_339 = tpu.memref_slice %arg12[%dma_wait3A_337, %dma_wait3A_338] : memref<8x80xi32, #tpu.memory_space<vmem>> -> memref<1x80xi32, #tpu.memory_space<vmem>>
      %dma_wait3A_340 = tpu.memref_squeeze %dma_wait3A_339 : memref<1x80xi32, #tpu.memory_space<vmem>> -> memref<80xi32, #tpu.memory_space<vmem>>
      %dma_wait3A_341 = arith.constant 0 : i32
      %dma_wait3A_342 = arith.constant 0 : i32
      %dma_wait3A_343 = tpu.memref_slice %arg2[%dma_wait3A_341, %dma_wait3A_342] : memref<10000x128xf32, #tpu.memory_space<hbm>> -> memref<10000x128xf32, #tpu.memory_space<hbm>>
      tpu.wait_indirect_dma semaphore(%arg15 : memref<!tpu.dma_semaphore, #tpu.memory_space<semaphore_mem>>) src(%dma_wait3A_343 : memref<10000x128xf32, #tpu.memory_space<hbm>>) dst(%arg7 : memref<80x128xf32, #tpu.memory_space<vmem>>)
      %run_scoped3A_344 = arith.constant 0 : i32
      "tpu.region"() ({
        %run_scoped3A_499 = tpu.sem_alloc : memref<!tpu.dma_semaphore, #tpu.memory_space<semaphore_mem>>
        %dma_start3A_500 = arith.constant 0 : i32
        %dma_start3A_501 = tpu.memref_slice %arg14[%run_scoped3A_344, %dma_start3A_500] : memref<8x80xi32, #tpu.memory_space<vmem>> -> memref<1x80xi32, #tpu.memory_space<vmem>>
        %dma_start3A_502 = tpu.memref_squeeze %dma_start3A_501 : memref<1x80xi32, #tpu.memory_space<vmem>> -> memref<80xi32, #tpu.memory_space<vmem>>
        %dma_start3A_503 = arith.constant 0 : i32
        %dma_start3A_504 = arith.constant 0 : i32
        %dma_start3A_505 = tpu.memref_slice %arg6[%dma_start3A_503, %dma_start3A_504] : memref<10112x128xf32, #tpu.memory_space<vmem_shared>> -> memref<10112x128xf32, #tpu.memory_space<vmem_shared>>
        tpu.enqueue_indirect_dma source(%arg7 : memref<80x128xf32, #tpu.memory_space<vmem>>) target(%dma_start3A_505 : memref<10112x128xf32, #tpu.memory_space<vmem_shared>>) offsets(%dma_start3A_502 : memref<80xi32, #tpu.memory_space<vmem>>) semaphore(%run_scoped3A_499 : memref<!tpu.dma_semaphore, #tpu.memory_space<semaphore_mem>>) {add = true}
        %dma_wait3A_506 = arith.constant 0 : i32
        %dma_wait3A_507 = tpu.memref_slice %arg14[%run_scoped3A_344, %dma_wait3A_506] : memref<8x80xi32, #tpu.memory_space<vmem>> -> memref<1x80xi32, #tpu.memory_space<vmem>>
        %dma_wait3A_508 = tpu.memref_squeeze %dma_wait3A_507 : memref<1x80xi32, #tpu.memory_space<vmem>> -> memref<80xi32, #tpu.memory_space<vmem>>
        %dma_wait3A_509 = arith.constant 0 : i32
        %dma_wait3A_510 = arith.constant 0 : i32
        %dma_wait3A_511 = tpu.memref_slice %arg6[%dma_wait3A_509, %dma_wait3A_510] : memref<10112x128xf32, #tpu.memory_space<vmem_shared>> -> memref<10112x128xf32, #tpu.memory_space<vmem_shared>>
        tpu.wait_indirect_dma semaphore(%run_scoped3A_499 : memref<!tpu.dma_semaphore, #tpu.memory_space<semaphore_mem>>) src(%arg7 : memref<80x128xf32, #tpu.memory_space<vmem>>) dst(%dma_wait3A_511 : memref<10112x128xf32, #tpu.memory_space<vmem_shared>>)
        tpu.yield
      }) : () -> ()
      %add3A_345 = arith.constant 4 : i32
      %add3A_346 = arith.addi %add3A_336, %add3A_345 : i32
      %lt3A_347 = arith.constant 128 : i32
      %lt3A_348 = arith.cmpi slt, %add3A_346, %lt3A_347 : i32
      %convert_element_type3A_349 = arith.extui %lt3A_348 : i1 to i32
      %cond3A_350 = arith.constant 0 : i32
      %cond3A_351 = arith.cmpi ne, %convert_element_type3A_349, %cond3A_350 : i32
      scf.if %cond3A_351 {
        %dma_start3A_499 = arith.constant 4 : i32
        %dma_start3A_500 = arith.constant 0 : i32
        %dma_start3A_501 = tpu.memref_slice %arg12[%dma_start3A_499, %dma_start3A_500] : memref<8x80xi32, #tpu.memory_space<vmem>> -> memref<1x80xi32, #tpu.memory_space<vmem>>
        %dma_start3A_502 = tpu.memref_squeeze %dma_start3A_501 : memref<1x80xi32, #tpu.memory_space<vmem>> -> memref<80xi32, #tpu.memory_space<vmem>>
        %dma_start3A_503 = arith.constant 0 : i32
        %dma_start3A_504 = arith.constant 0 : i32
        %dma_start3A_505 = tpu.memref_slice %arg2[%dma_start3A_503, %dma_start3A_504] : memref<10000x128xf32, #tpu.memory_space<hbm>> -> memref<10000x128xf32, #tpu.memory_space<hbm>>
        tpu.enqueue_indirect_dma source(%dma_start3A_505 : memref<10000x128xf32, #tpu.memory_space<hbm>>) target(%arg7 : memref<80x128xf32, #tpu.memory_space<vmem>>) offsets(%dma_start3A_502 : memref<80xi32, #tpu.memory_space<vmem>>) semaphore(%arg15 : memref<!tpu.dma_semaphore, #tpu.memory_space<semaphore_mem>>)
      } else {
      }
      %mul3A_352 = arith.constant 8 : i32
      %mul3A_353 = arith.muli %add3A_332, %mul3A_352 : i32
      %add3A_354 = arith.constant 1 : i32
      %add3A_355 = arith.addi %mul3A_353, %add3A_354 : i32
      %dma_wait3A_356 = arith.constant 1 : i32
      %dma_wait3A_357 = arith.constant 0 : i32
      %dma_wait3A_358 = tpu.memref_slice %arg12[%dma_wait3A_356, %dma_wait3A_357] : memref<8x80xi32, #tpu.memory_space<vmem>> -> memref<1x80xi32, #tpu.memory_space<vmem>>
      %dma_wait3A_359 = tpu.memref_squeeze %dma_wait3A_358 : memref<1x80xi32, #tpu.memory_space<vmem>> -> memref<80xi32, #tpu.memory_space<vmem>>
      %dma_wait3A_360 = arith.constant 0 : i32
      %dma_wait3A_361 = arith.constant 0 : i32
      %dma_wait3A_362 = tpu.memref_slice %arg2[%dma_wait3A_360, %dma_wait3A_361] : memref<10000x128xf32, #tpu.memory_space<hbm>> -> memref<10000x128xf32, #tpu.memory_space<hbm>>
      tpu.wait_indirect_dma semaphore(%arg16 : memref<!tpu.dma_semaphore, #tpu.memory_space<semaphore_mem>>) src(%dma_wait3A_362 : memref<10000x128xf32, #tpu.memory_space<hbm>>) dst(%arg8 : memref<80x128xf32, #tpu.memory_space<vmem>>)
      %run_scoped3A_363 = arith.constant 1 : i32
      "tpu.region"() ({
        %run_scoped3A_499 = tpu.sem_alloc : memref<!tpu.dma_semaphore, #tpu.memory_space<semaphore_mem>>
        %dma_start3A_500 = arith.constant 0 : i32
        %dma_start3A_501 = tpu.memref_slice %arg14[%run_scoped3A_363, %dma_start3A_500] : memref<8x80xi32, #tpu.memory_space<vmem>> -> memref<1x80xi32, #tpu.memory_space<vmem>>
        %dma_start3A_502 = tpu.memref_squeeze %dma_start3A_501 : memref<1x80xi32, #tpu.memory_space<vmem>> -> memref<80xi32, #tpu.memory_space<vmem>>
        %dma_start3A_503 = arith.constant 0 : i32
        %dma_start3A_504 = arith.constant 0 : i32
        %dma_start3A_505 = tpu.memref_slice %arg6[%dma_start3A_503, %dma_start3A_504] : memref<10112x128xf32, #tpu.memory_space<vmem_shared>> -> memref<10112x128xf32, #tpu.memory_space<vmem_shared>>
        tpu.enqueue_indirect_dma source(%arg8 : memref<80x128xf32, #tpu.memory_space<vmem>>) target(%dma_start3A_505 : memref<10112x128xf32, #tpu.memory_space<vmem_shared>>) offsets(%dma_start3A_502 : memref<80xi32, #tpu.memory_space<vmem>>) semaphore(%run_scoped3A_499 : memref<!tpu.dma_semaphore, #tpu.memory_space<semaphore_mem>>) {add = true}
        %dma_wait3A_506 = arith.constant 0 : i32
        %dma_wait3A_507 = tpu.memref_slice %arg14[%run_scoped3A_363, %dma_wait3A_506] : memref<8x80xi32, #tpu.memory_space<vmem>> -> memref<1x80xi32, #tpu.memory_space<vmem>>
        %dma_wait3A_508 = tpu.memref_squeeze %dma_wait3A_507 : memref<1x80xi32, #tpu.memory_space<vmem>> -> memref<80xi32, #tpu.memory_space<vmem>>
        %dma_wait3A_509 = arith.constant 0 : i32
        %dma_wait3A_510 = arith.constant 0 : i32
        %dma_wait3A_511 = tpu.memref_slice %arg6[%dma_wait3A_509, %dma_wait3A_510] : memref<10112x128xf32, #tpu.memory_space<vmem_shared>> -> memref<10112x128xf32, #tpu.memory_space<vmem_shared>>
        tpu.wait_indirect_dma semaphore(%run_scoped3A_499 : memref<!tpu.dma_semaphore, #tpu.memory_space<semaphore_mem>>) src(%arg8 : memref<80x128xf32, #tpu.memory_space<vmem>>) dst(%dma_wait3A_511 : memref<10112x128xf32, #tpu.memory_space<vmem_shared>>)
        tpu.yield
      }) : () -> ()
      %add3A_364 = arith.constant 4 : i32
      %add3A_365 = arith.addi %add3A_355, %add3A_364 : i32
      %lt3A_366 = arith.constant 128 : i32
      %lt3A_367 = arith.cmpi slt, %add3A_365, %lt3A_366 : i32
      %convert_element_type3A_368 = arith.extui %lt3A_367 : i1 to i32
      %cond3A_369 = arith.constant 0 : i32
      %cond3A_370 = arith.cmpi ne, %convert_element_type3A_368, %cond3A_369 : i32
      scf.if %cond3A_370 {
        %dma_start3A_499 = arith.constant 5 : i32
        %dma_start3A_500 = arith.constant 0 : i32
        %dma_start3A_501 = tpu.memref_slice %arg12[%dma_start3A_499, %dma_start3A_500] : memref<8x80xi32, #tpu.memory_space<vmem>> -> memref<1x80xi32, #tpu.memory_space<vmem>>
        %dma_start3A_502 = tpu.memref_squeeze %dma_start3A_501 : memref<1x80xi32, #tpu.memory_space<vmem>> -> memref<80xi32, #tpu.memory_space<vmem>>
        %dma_start3A_503 = arith.constant 0 : i32
        %dma_start3A_504 = arith.constant 0 : i32
        %dma_start3A_505 = tpu.memref_slice %arg2[%dma_start3A_503, %dma_start3A_504] : memref<10000x128xf32, #tpu.memory_space<hbm>> -> memref<10000x128xf32, #tpu.memory_space<hbm>>
        tpu.enqueue_indirect_dma source(%dma_start3A_505 : memref<10000x128xf32, #tpu.memory_space<hbm>>) target(%arg8 : memref<80x128xf32, #tpu.memory_space<vmem>>) offsets(%dma_start3A_502 : memref<80xi32, #tpu.memory_space<vmem>>) semaphore(%arg16 : memref<!tpu.dma_semaphore, #tpu.memory_space<semaphore_mem>>)
      } else {
      }
      %mul3A_371 = arith.constant 8 : i32
      %mul3A_372 = arith.muli %add3A_332, %mul3A_371 : i32
      %add3A_373 = arith.constant 2 : i32
      %add3A_374 = arith.addi %mul3A_372, %add3A_373 : i32
      %dma_wait3A_375 = arith.constant 2 : i32
      %dma_wait3A_376 = arith.constant 0 : i32
      %dma_wait3A_377 = tpu.memref_slice %arg12[%dma_wait3A_375, %dma_wait3A_376] : memref<8x80xi32, #tpu.memory_space<vmem>> -> memref<1x80xi32, #tpu.memory_space<vmem>>
      %dma_wait3A_378 = tpu.memref_squeeze %dma_wait3A_377 : memref<1x80xi32, #tpu.memory_space<vmem>> -> memref<80xi32, #tpu.memory_space<vmem>>
      %dma_wait3A_379 = arith.constant 0 : i32
      %dma_wait3A_380 = arith.constant 0 : i32
      %dma_wait3A_381 = tpu.memref_slice %arg2[%dma_wait3A_379, %dma_wait3A_380] : memref<10000x128xf32, #tpu.memory_space<hbm>> -> memref<10000x128xf32, #tpu.memory_space<hbm>>
      tpu.wait_indirect_dma semaphore(%arg17 : memref<!tpu.dma_semaphore, #tpu.memory_space<semaphore_mem>>) src(%dma_wait3A_381 : memref<10000x128xf32, #tpu.memory_space<hbm>>) dst(%arg9 : memref<80x128xf32, #tpu.memory_space<vmem>>)
      %run_scoped3A_382 = arith.constant 2 : i32
      "tpu.region"() ({
        %run_scoped3A_499 = tpu.sem_alloc : memref<!tpu.dma_semaphore, #tpu.memory_space<semaphore_mem>>
        %dma_start3A_500 = arith.constant 0 : i32
        %dma_start3A_501 = tpu.memref_slice %arg14[%run_scoped3A_382, %dma_start3A_500] : memref<8x80xi32, #tpu.memory_space<vmem>> -> memref<1x80xi32, #tpu.memory_space<vmem>>
        %dma_start3A_502 = tpu.memref_squeeze %dma_start3A_501 : memref<1x80xi32, #tpu.memory_space<vmem>> -> memref<80xi32, #tpu.memory_space<vmem>>
        %dma_start3A_503 = arith.constant 0 : i32
        %dma_start3A_504 = arith.constant 0 : i32
        %dma_start3A_505 = tpu.memref_slice %arg6[%dma_start3A_503, %dma_start3A_504] : memref<10112x128xf32, #tpu.memory_space<vmem_shared>> -> memref<10112x128xf32, #tpu.memory_space<vmem_shared>>
        tpu.enqueue_indirect_dma source(%arg9 : memref<80x128xf32, #tpu.memory_space<vmem>>) target(%dma_start3A_505 : memref<10112x128xf32, #tpu.memory_space<vmem_shared>>) offsets(%dma_start3A_502 : memref<80xi32, #tpu.memory_space<vmem>>) semaphore(%run_scoped3A_499 : memref<!tpu.dma_semaphore, #tpu.memory_space<semaphore_mem>>) {add = true}
        %dma_wait3A_506 = arith.constant 0 : i32
        %dma_wait3A_507 = tpu.memref_slice %arg14[%run_scoped3A_382, %dma_wait3A_506] : memref<8x80xi32, #tpu.memory_space<vmem>> -> memref<1x80xi32, #tpu.memory_space<vmem>>
        %dma_wait3A_508 = tpu.memref_squeeze %dma_wait3A_507 : memref<1x80xi32, #tpu.memory_space<vmem>> -> memref<80xi32, #tpu.memory_space<vmem>>
        %dma_wait3A_509 = arith.constant 0 : i32
        %dma_wait3A_510 = arith.constant 0 : i32
        %dma_wait3A_511 = tpu.memref_slice %arg6[%dma_wait3A_509, %dma_wait3A_510] : memref<10112x128xf32, #tpu.memory_space<vmem_shared>> -> memref<10112x128xf32, #tpu.memory_space<vmem_shared>>
        tpu.wait_indirect_dma semaphore(%run_scoped3A_499 : memref<!tpu.dma_semaphore, #tpu.memory_space<semaphore_mem>>) src(%arg9 : memref<80x128xf32, #tpu.memory_space<vmem>>) dst(%dma_wait3A_511 : memref<10112x128xf32, #tpu.memory_space<vmem_shared>>)
        tpu.yield
      }) : () -> ()
      %add3A_383 = arith.constant 4 : i32
      %add3A_384 = arith.addi %add3A_374, %add3A_383 : i32
      %lt3A_385 = arith.constant 128 : i32
      %lt3A_386 = arith.cmpi slt, %add3A_384, %lt3A_385 : i32
      %convert_element_type3A_387 = arith.extui %lt3A_386 : i1 to i32
      %cond3A_388 = arith.constant 0 : i32
      %cond3A_389 = arith.cmpi ne, %convert_element_type3A_387, %cond3A_388 : i32
      scf.if %cond3A_389 {
        %dma_start3A_499 = arith.constant 6 : i32
        %dma_start3A_500 = arith.constant 0 : i32
        %dma_start3A_501 = tpu.memref_slice %arg12[%dma_start3A_499, %dma_start3A_500] : memref<8x80xi32, #tpu.memory_space<vmem>> -> memref<1x80xi32, #tpu.memory_space<vmem>>
        %dma_start3A_502 = tpu.memref_squeeze %dma_start3A_501 : memref<1x80xi32, #tpu.memory_space<vmem>> -> memref<80xi32, #tpu.memory_space<vmem>>
        %dma_start3A_503 = arith.constant 0 : i32
        %dma_start3A_504 = arith.constant 0 : i32
        %dma_start3A_505 = tpu.memref_slice %arg2[%dma_start3A_503, %dma_start3A_504] : memref<10000x128xf32, #tpu.memory_space<hbm>> -> memref<10000x128xf32, #tpu.memory_space<hbm>>
        tpu.enqueue_indirect_dma source(%dma_start3A_505 : memref<10000x128xf32, #tpu.memory_space<hbm>>) target(%arg9 : memref<80x128xf32, #tpu.memory_space<vmem>>) offsets(%dma_start3A_502 : memref<80xi32, #tpu.memory_space<vmem>>) semaphore(%arg17 : memref<!tpu.dma_semaphore, #tpu.memory_space<semaphore_mem>>)
      } else {
      }
      %mul3A_390 = arith.constant 8 : i32
      %mul3A_391 = arith.muli %add3A_332, %mul3A_390 : i32
      %add3A_392 = arith.constant 3 : i32
      %add3A_393 = arith.addi %mul3A_391, %add3A_392 : i32
      %dma_wait3A_394 = arith.constant 3 : i32
      %dma_wait3A_395 = arith.constant 0 : i32
      %dma_wait3A_396 = tpu.memref_slice %arg12[%dma_wait3A_394, %dma_wait3A_395] : memref<8x80xi32, #tpu.memory_space<vmem>> -> memref<1x80xi32, #tpu.memory_space<vmem>>
      %dma_wait3A_397 = tpu.memref_squeeze %dma_wait3A_396 : memref<1x80xi32, #tpu.memory_space<vmem>> -> memref<80xi32, #tpu.memory_space<vmem>>
      %dma_wait3A_398 = arith.constant 0 : i32
      %dma_wait3A_399 = arith.constant 0 : i32
      %dma_wait3A_400 = tpu.memref_slice %arg2[%dma_wait3A_398, %dma_wait3A_399] : memref<10000x128xf32, #tpu.memory_space<hbm>> -> memref<10000x128xf32, #tpu.memory_space<hbm>>
      tpu.wait_indirect_dma semaphore(%arg18 : memref<!tpu.dma_semaphore, #tpu.memory_space<semaphore_mem>>) src(%dma_wait3A_400 : memref<10000x128xf32, #tpu.memory_space<hbm>>) dst(%arg10 : memref<80x128xf32, #tpu.memory_space<vmem>>)
      %run_scoped3A_401 = arith.constant 3 : i32
      "tpu.region"() ({
        %run_scoped3A_499 = tpu.sem_alloc : memref<!tpu.dma_semaphore, #tpu.memory_space<semaphore_mem>>
        %dma_start3A_500 = arith.constant 0 : i32
        %dma_start3A_501 = tpu.memref_slice %arg14[%run_scoped3A_401, %dma_start3A_500] : memref<8x80xi32, #tpu.memory_space<vmem>> -> memref<1x80xi32, #tpu.memory_space<vmem>>
        %dma_start3A_502 = tpu.memref_squeeze %dma_start3A_501 : memref<1x80xi32, #tpu.memory_space<vmem>> -> memref<80xi32, #tpu.memory_space<vmem>>
        %dma_start3A_503 = arith.constant 0 : i32
        %dma_start3A_504 = arith.constant 0 : i32
        %dma_start3A_505 = tpu.memref_slice %arg6[%dma_start3A_503, %dma_start3A_504] : memref<10112x128xf32, #tpu.memory_space<vmem_shared>> -> memref<10112x128xf32, #tpu.memory_space<vmem_shared>>
        tpu.enqueue_indirect_dma source(%arg10 : memref<80x128xf32, #tpu.memory_space<vmem>>) target(%dma_start3A_505 : memref<10112x128xf32, #tpu.memory_space<vmem_shared>>) offsets(%dma_start3A_502 : memref<80xi32, #tpu.memory_space<vmem>>) semaphore(%run_scoped3A_499 : memref<!tpu.dma_semaphore, #tpu.memory_space<semaphore_mem>>) {add = true}
        %dma_wait3A_506 = arith.constant 0 : i32
        %dma_wait3A_507 = tpu.memref_slice %arg14[%run_scoped3A_401, %dma_wait3A_506] : memref<8x80xi32, #tpu.memory_space<vmem>> -> memref<1x80xi32, #tpu.memory_space<vmem>>
        %dma_wait3A_508 = tpu.memref_squeeze %dma_wait3A_507 : memref<1x80xi32, #tpu.memory_space<vmem>> -> memref<80xi32, #tpu.memory_space<vmem>>
        %dma_wait3A_509 = arith.constant 0 : i32
        %dma_wait3A_510 = arith.constant 0 : i32
        %dma_wait3A_511 = tpu.memref_slice %arg6[%dma_wait3A_509, %dma_wait3A_510] : memref<10112x128xf32, #tpu.memory_space<vmem_shared>> -> memref<10112x128xf32, #tpu.memory_space<vmem_shared>>
        tpu.wait_indirect_dma semaphore(%run_scoped3A_499 : memref<!tpu.dma_semaphore, #tpu.memory_space<semaphore_mem>>) src(%arg10 : memref<80x128xf32, #tpu.memory_space<vmem>>) dst(%dma_wait3A_511 : memref<10112x128xf32, #tpu.memory_space<vmem_shared>>)
        tpu.yield
      }) : () -> ()
      %add3A_402 = arith.constant 4 : i32
      %add3A_403 = arith.addi %add3A_393, %add3A_402 : i32
      %lt3A_404 = arith.constant 128 : i32
      %lt3A_405 = arith.cmpi slt, %add3A_403, %lt3A_404 : i32
      %convert_element_type3A_406 = arith.extui %lt3A_405 : i1 to i32
      %cond3A_407 = arith.constant 0 : i32
      %cond3A_408 = arith.cmpi ne, %convert_element_type3A_406, %cond3A_407 : i32
      scf.if %cond3A_408 {
        %dma_start3A_499 = arith.constant 7 : i32
        %dma_start3A_500 = arith.constant 0 : i32
        %dma_start3A_501 = tpu.memref_slice %arg12[%dma_start3A_499, %dma_start3A_500] : memref<8x80xi32, #tpu.memory_space<vmem>> -> memref<1x80xi32, #tpu.memory_space<vmem>>
        %dma_start3A_502 = tpu.memref_squeeze %dma_start3A_501 : memref<1x80xi32, #tpu.memory_space<vmem>> -> memref<80xi32, #tpu.memory_space<vmem>>
        %dma_start3A_503 = arith.constant 0 : i32
        %dma_start3A_504 = arith.constant 0 : i32
        %dma_start3A_505 = tpu.memref_slice %arg2[%dma_start3A_503, %dma_start3A_504] : memref<10000x128xf32, #tpu.memory_space<hbm>> -> memref<10000x128xf32, #tpu.memory_space<hbm>>
        tpu.enqueue_indirect_dma source(%dma_start3A_505 : memref<10000x128xf32, #tpu.memory_space<hbm>>) target(%arg10 : memref<80x128xf32, #tpu.memory_space<vmem>>) offsets(%dma_start3A_502 : memref<80xi32, #tpu.memory_space<vmem>>) semaphore(%arg18 : memref<!tpu.dma_semaphore, #tpu.memory_space<semaphore_mem>>)
      } else {
      }
      %mul3A_409 = arith.constant 8 : i32
      %mul3A_410 = arith.muli %add3A_332, %mul3A_409 : i32
      %add3A_411 = arith.constant 4 : i32
      %add3A_412 = arith.addi %mul3A_410, %add3A_411 : i32
      %dma_wait3A_413 = arith.constant 4 : i32
      %dma_wait3A_414 = arith.constant 0 : i32
      %dma_wait3A_415 = tpu.memref_slice %arg12[%dma_wait3A_413, %dma_wait3A_414] : memref<8x80xi32, #tpu.memory_space<vmem>> -> memref<1x80xi32, #tpu.memory_space<vmem>>
      %dma_wait3A_416 = tpu.memref_squeeze %dma_wait3A_415 : memref<1x80xi32, #tpu.memory_space<vmem>> -> memref<80xi32, #tpu.memory_space<vmem>>
      %dma_wait3A_417 = arith.constant 0 : i32
      %dma_wait3A_418 = arith.constant 0 : i32
      %dma_wait3A_419 = tpu.memref_slice %arg2[%dma_wait3A_417, %dma_wait3A_418] : memref<10000x128xf32, #tpu.memory_space<hbm>> -> memref<10000x128xf32, #tpu.memory_space<hbm>>
      tpu.wait_indirect_dma semaphore(%arg15 : memref<!tpu.dma_semaphore, #tpu.memory_space<semaphore_mem>>) src(%dma_wait3A_419 : memref<10000x128xf32, #tpu.memory_space<hbm>>) dst(%arg7 : memref<80x128xf32, #tpu.memory_space<vmem>>)
      %run_scoped3A_420 = arith.constant 4 : i32
      "tpu.region"() ({
        %run_scoped3A_499 = tpu.sem_alloc : memref<!tpu.dma_semaphore, #tpu.memory_space<semaphore_mem>>
        %dma_start3A_500 = arith.constant 0 : i32
        %dma_start3A_501 = tpu.memref_slice %arg14[%run_scoped3A_420, %dma_start3A_500] : memref<8x80xi32, #tpu.memory_space<vmem>> -> memref<1x80xi32, #tpu.memory_space<vmem>>
        %dma_start3A_502 = tpu.memref_squeeze %dma_start3A_501 : memref<1x80xi32, #tpu.memory_space<vmem>> -> memref<80xi32, #tpu.memory_space<vmem>>
        %dma_start3A_503 = arith.constant 0 : i32
        %dma_start3A_504 = arith.constant 0 : i32
        %dma_start3A_505 = tpu.memref_slice %arg6[%dma_start3A_503, %dma_start3A_504] : memref<10112x128xf32, #tpu.memory_space<vmem_shared>> -> memref<10112x128xf32, #tpu.memory_space<vmem_shared>>
        tpu.enqueue_indirect_dma source(%arg7 : memref<80x128xf32, #tpu.memory_space<vmem>>) target(%dma_start3A_505 : memref<10112x128xf32, #tpu.memory_space<vmem_shared>>) offsets(%dma_start3A_502 : memref<80xi32, #tpu.memory_space<vmem>>) semaphore(%run_scoped3A_499 : memref<!tpu.dma_semaphore, #tpu.memory_space<semaphore_mem>>) {add = true}
        %dma_wait3A_506 = arith.constant 0 : i32
        %dma_wait3A_507 = tpu.memref_slice %arg14[%run_scoped3A_420, %dma_wait3A_506] : memref<8x80xi32, #tpu.memory_space<vmem>> -> memref<1x80xi32, #tpu.memory_space<vmem>>
        %dma_wait3A_508 = tpu.memref_squeeze %dma_wait3A_507 : memref<1x80xi32, #tpu.memory_space<vmem>> -> memref<80xi32, #tpu.memory_space<vmem>>
        %dma_wait3A_509 = arith.constant 0 : i32
        %dma_wait3A_510 = arith.constant 0 : i32
        %dma_wait3A_511 = tpu.memref_slice %arg6[%dma_wait3A_509, %dma_wait3A_510] : memref<10112x128xf32, #tpu.memory_space<vmem_shared>> -> memref<10112x128xf32, #tpu.memory_space<vmem_shared>>
        tpu.wait_indirect_dma semaphore(%run_scoped3A_499 : memref<!tpu.dma_semaphore, #tpu.memory_space<semaphore_mem>>) src(%arg7 : memref<80x128xf32, #tpu.memory_space<vmem>>) dst(%dma_wait3A_511 : memref<10112x128xf32, #tpu.memory_space<vmem_shared>>)
        tpu.yield
      }) : () -> ()
      %add3A_421 = arith.constant 1 : i32
      %add3A_422 = arith.addi %add3A_332, %add3A_421 : i32
      %lt3A_423 = arith.constant 16 : i32
      %lt3A_424 = arith.cmpi slt, %add3A_422, %lt3A_423 : i32
      %convert_element_type3A_425 = arith.extui %lt3A_424 : i1 to i32
      %cond3A_426 = arith.constant 0 : i32
      %cond3A_427 = arith.cmpi ne, %convert_element_type3A_425, %cond3A_426 : i32
      scf.if %cond3A_427 {
        %add3A_499 = arith.constant 1 : i32
        %add3A_500 = arith.addi %add3A_332, %add3A_499 : i32
        %mul3A_501 = arith.constant 8 : i32
        %mul3A_502 = arith.muli %add3A_500, %mul3A_501 : i32
        %dma_wait3A_503 = arith.constant 0 : i32
        %dma_wait3A_504 = arith.constant 0 : i32
        %dma_wait3A_505 = tpu.memref_slice %arg3[%scan3A, %add3A, %dma_wait3A_503, %dma_wait3A_504] : memref<2x32x128x80xi32, #tpu.memory_space<hbm>> -> memref<1x1x128x80xi32, #tpu.memory_space<hbm>>
        %dma_wait3A_506 = tpu.memref_squeeze %dma_wait3A_505 : memref<1x1x128x80xi32, #tpu.memory_space<hbm>> -> memref<128x80xi32, #tpu.memory_space<hbm>>
        %dma_wait3A_507 = arith.constant 0 : i32
        %dma_wait3A_508 = tpu.memref_slice %dma_wait3A_506[%mul3A_502, %dma_wait3A_507] : memref<128x80xi32, #tpu.memory_space<hbm>> -> memref<8x80xi32, #tpu.memory_space<hbm>>
        %dma_wait3A_509 = arith.constant 0 : i32
        %dma_wait3A_510 = arith.constant 0 : i32
        %dma_wait3A_511 = tpu.memref_slice %arg3[%scan3A, %add3A, %dma_wait3A_509, %dma_wait3A_510] : memref<2x32x128x80xi32, #tpu.memory_space<hbm>> -> memref<1x1x128x80xi32, #tpu.memory_space<hbm>>
        %dma_wait3A_512 = tpu.memref_squeeze %dma_wait3A_511 : memref<1x1x128x80xi32, #tpu.memory_space<hbm>> -> memref<128x80xi32, #tpu.memory_space<hbm>>
        %dma_wait3A_513 = arith.constant 0 : i32
        %dma_wait3A_514 = tpu.memref_slice %dma_wait3A_512[%mul3A_502, %dma_wait3A_513] : memref<128x80xi32, #tpu.memory_space<hbm>> -> memref<8x80xi32, #tpu.memory_space<hbm>>
        tpu.wait_dma2 semaphore(%arg19 : memref<!tpu.dma_semaphore, #tpu.memory_space<semaphore_mem>>) src(%dma_wait3A_514 : memref<8x80xi32, #tpu.memory_space<hbm>>) dst(%arg11 : memref<8x80xi32, #tpu.memory_space<vmem>>)
        %dma_wait3A_515 = arith.constant 0 : i32
        %dma_wait3A_516 = arith.constant 0 : i32
        %dma_wait3A_517 = tpu.memref_slice %arg3[%scan3A_151, %add3A, %dma_wait3A_515, %dma_wait3A_516] : memref<2x32x128x80xi32, #tpu.memory_space<hbm>> -> memref<1x1x128x80xi32, #tpu.memory_space<hbm>>
        %dma_wait3A_518 = tpu.memref_squeeze %dma_wait3A_517 : memref<1x1x128x80xi32, #tpu.memory_space<hbm>> -> memref<128x80xi32, #tpu.memory_space<hbm>>
        %dma_wait3A_519 = arith.constant 0 : i32
        %dma_wait3A_520 = tpu.memref_slice %dma_wait3A_518[%mul3A_502, %dma_wait3A_519] : memref<128x80xi32, #tpu.memory_space<hbm>> -> memref<8x80xi32, #tpu.memory_space<hbm>>
        %dma_wait3A_521 = arith.constant 0 : i32
        %dma_wait3A_522 = arith.constant 0 : i32
        %dma_wait3A_523 = tpu.memref_slice %arg3[%scan3A_151, %add3A, %dma_wait3A_521, %dma_wait3A_522] : memref<2x32x128x80xi32, #tpu.memory_space<hbm>> -> memref<1x1x128x80xi32, #tpu.memory_space<hbm>>
        %dma_wait3A_524 = tpu.memref_squeeze %dma_wait3A_523 : memref<1x1x128x80xi32, #tpu.memory_space<hbm>> -> memref<128x80xi32, #tpu.memory_space<hbm>>
        %dma_wait3A_525 = arith.constant 0 : i32
        %dma_wait3A_526 = tpu.memref_slice %dma_wait3A_524[%mul3A_502, %dma_wait3A_525] : memref<128x80xi32, #tpu.memory_space<hbm>> -> memref<8x80xi32, #tpu.memory_space<hbm>>
        tpu.wait_dma2 semaphore(%arg19 : memref<!tpu.dma_semaphore, #tpu.memory_space<semaphore_mem>>) src(%dma_wait3A_526 : memref<8x80xi32, #tpu.memory_space<hbm>>) dst(%arg13 : memref<8x80xi32, #tpu.memory_space<vmem>>)
      } else {
      }
      %add3A_428 = arith.constant 4 : i32
      %add3A_429 = arith.addi %add3A_412, %add3A_428 : i32
      %lt3A_430 = arith.constant 128 : i32
      %lt3A_431 = arith.cmpi slt, %add3A_429, %lt3A_430 : i32
      %convert_element_type3A_432 = arith.extui %lt3A_431 : i1 to i32
      %cond3A_433 = arith.constant 0 : i32
      %cond3A_434 = arith.cmpi ne, %convert_element_type3A_432, %cond3A_433 : i32
      scf.if %cond3A_434 {
        %dma_start3A_499 = arith.constant 0 : i32
        %dma_start3A_500 = arith.constant 0 : i32
        %dma_start3A_501 = tpu.memref_slice %arg11[%dma_start3A_499, %dma_start3A_500] : memref<8x80xi32, #tpu.memory_space<vmem>> -> memref<1x80xi32, #tpu.memory_space<vmem>>
        %dma_start3A_502 = tpu.memref_squeeze %dma_start3A_501 : memref<1x80xi32, #tpu.memory_space<vmem>> -> memref<80xi32, #tpu.memory_space<vmem>>
        %dma_start3A_503 = arith.constant 0 : i32
        %dma_start3A_504 = arith.constant 0 : i32
        %dma_start3A_505 = tpu.memref_slice %arg2[%dma_start3A_503, %dma_start3A_504] : memref<10000x128xf32, #tpu.memory_space<hbm>> -> memref<10000x128xf32, #tpu.memory_space<hbm>>
        tpu.enqueue_indirect_dma source(%dma_start3A_505 : memref<10000x128xf32, #tpu.memory_space<hbm>>) target(%arg7 : memref<80x128xf32, #tpu.memory_space<vmem>>) offsets(%dma_start3A_502 : memref<80xi32, #tpu.memory_space<vmem>>) semaphore(%arg15 : memref<!tpu.dma_semaphore, #tpu.memory_space<semaphore_mem>>)
      } else {
      }
      %mul3A_435 = arith.constant 8 : i32
      %mul3A_436 = arith.muli %add3A_332, %mul3A_435 : i32
      %add3A_437 = arith.constant 5 : i32
      %add3A_438 = arith.addi %mul3A_436, %add3A_437 : i32
      %dma_wait3A_439 = arith.constant 5 : i32
      %dma_wait3A_440 = arith.constant 0 : i32
      %dma_wait3A_441 = tpu.memref_slice %arg12[%dma_wait3A_439, %dma_wait3A_440] : memref<8x80xi32, #tpu.memory_space<vmem>> -> memref<1x80xi32, #tpu.memory_space<vmem>>
      %dma_wait3A_442 = tpu.memref_squeeze %dma_wait3A_441 : memref<1x80xi32, #tpu.memory_space<vmem>> -> memref<80xi32, #tpu.memory_space<vmem>>
      %dma_wait3A_443 = arith.constant 0 : i32
      %dma_wait3A_444 = arith.constant 0 : i32
      %dma_wait3A_445 = tpu.memref_slice %arg2[%dma_wait3A_443, %dma_wait3A_444] : memref<10000x128xf32, #tpu.memory_space<hbm>> -> memref<10000x128xf32, #tpu.memory_space<hbm>>
      tpu.wait_indirect_dma semaphore(%arg16 : memref<!tpu.dma_semaphore, #tpu.memory_space<semaphore_mem>>) src(%dma_wait3A_445 : memref<10000x128xf32, #tpu.memory_space<hbm>>) dst(%arg8 : memref<80x128xf32, #tpu.memory_space<vmem>>)
      %run_scoped3A_446 = arith.constant 5 : i32
      "tpu.region"() ({
        %run_scoped3A_499 = tpu.sem_alloc : memref<!tpu.dma_semaphore, #tpu.memory_space<semaphore_mem>>
        %dma_start3A_500 = arith.constant 0 : i32
        %dma_start3A_501 = tpu.memref_slice %arg14[%run_scoped3A_446, %dma_start3A_500] : memref<8x80xi32, #tpu.memory_space<vmem>> -> memref<1x80xi32, #tpu.memory_space<vmem>>
        %dma_start3A_502 = tpu.memref_squeeze %dma_start3A_501 : memref<1x80xi32, #tpu.memory_space<vmem>> -> memref<80xi32, #tpu.memory_space<vmem>>
        %dma_start3A_503 = arith.constant 0 : i32
        %dma_start3A_504 = arith.constant 0 : i32
        %dma_start3A_505 = tpu.memref_slice %arg6[%dma_start3A_503, %dma_start3A_504] : memref<10112x128xf32, #tpu.memory_space<vmem_shared>> -> memref<10112x128xf32, #tpu.memory_space<vmem_shared>>
        tpu.enqueue_indirect_dma source(%arg8 : memref<80x128xf32, #tpu.memory_space<vmem>>) target(%dma_start3A_505 : memref<10112x128xf32, #tpu.memory_space<vmem_shared>>) offsets(%dma_start3A_502 : memref<80xi32, #tpu.memory_space<vmem>>) semaphore(%run_scoped3A_499 : memref<!tpu.dma_semaphore, #tpu.memory_space<semaphore_mem>>) {add = true}
        %dma_wait3A_506 = arith.constant 0 : i32
        %dma_wait3A_507 = tpu.memref_slice %arg14[%run_scoped3A_446, %dma_wait3A_506] : memref<8x80xi32, #tpu.memory_space<vmem>> -> memref<1x80xi32, #tpu.memory_space<vmem>>
        %dma_wait3A_508 = tpu.memref_squeeze %dma_wait3A_507 : memref<1x80xi32, #tpu.memory_space<vmem>> -> memref<80xi32, #tpu.memory_space<vmem>>
        %dma_wait3A_509 = arith.constant 0 : i32
        %dma_wait3A_510 = arith.constant 0 : i32
        %dma_wait3A_511 = tpu.memref_slice %arg6[%dma_wait3A_509, %dma_wait3A_510] : memref<10112x128xf32, #tpu.memory_space<vmem_shared>> -> memref<10112x128xf32, #tpu.memory_space<vmem_shared>>
        tpu.wait_indirect_dma semaphore(%run_scoped3A_499 : memref<!tpu.dma_semaphore, #tpu.memory_space<semaphore_mem>>) src(%arg8 : memref<80x128xf32, #tpu.memory_space<vmem>>) dst(%dma_wait3A_511 : memref<10112x128xf32, #tpu.memory_space<vmem_shared>>)
        tpu.yield
      }) : () -> ()
      %add3A_447 = arith.constant 4 : i32
      %add3A_448 = arith.addi %add3A_438, %add3A_447 : i32
      %lt3A_449 = arith.constant 128 : i32
      %lt3A_450 = arith.cmpi slt, %add3A_448, %lt3A_449 : i32
      %convert_element_type3A_451 = arith.extui %lt3A_450 : i1 to i32
      %cond3A_452 = arith.constant 0 : i32
      %cond3A_453 = arith.cmpi ne, %convert_element_type3A_451, %cond3A_452 : i32
      scf.if %cond3A_453 {
        %dma_start3A_499 = arith.constant 1 : i32
        %dma_start3A_500 = arith.constant 0 : i32
        %dma_start3A_501 = tpu.memref_slice %arg11[%dma_start3A_499, %dma_start3A_500] : memref<8x80xi32, #tpu.memory_space<vmem>> -> memref<1x80xi32, #tpu.memory_space<vmem>>
        %dma_start3A_502 = tpu.memref_squeeze %dma_start3A_501 : memref<1x80xi32, #tpu.memory_space<vmem>> -> memref<80xi32, #tpu.memory_space<vmem>>
        %dma_start3A_503 = arith.constant 0 : i32
        %dma_start3A_504 = arith.constant 0 : i32
        %dma_start3A_505 = tpu.memref_slice %arg2[%dma_start3A_503, %dma_start3A_504] : memref<10000x128xf32, #tpu.memory_space<hbm>> -> memref<10000x128xf32, #tpu.memory_space<hbm>>
        tpu.enqueue_indirect_dma source(%dma_start3A_505 : memref<10000x128xf32, #tpu.memory_space<hbm>>) target(%arg8 : memref<80x128xf32, #tpu.memory_space<vmem>>) offsets(%dma_start3A_502 : memref<80xi32, #tpu.memory_space<vmem>>) semaphore(%arg16 : memref<!tpu.dma_semaphore, #tpu.memory_space<semaphore_mem>>)
      } else {
      }
      %mul3A_454 = arith.constant 8 : i32
      %mul3A_455 = arith.muli %add3A_332, %mul3A_454 : i32
      %add3A_456 = arith.constant 6 : i32
      %add3A_457 = arith.addi %mul3A_455, %add3A_456 : i32
      %dma_wait3A_458 = arith.constant 6 : i32
      %dma_wait3A_459 = arith.constant 0 : i32
      %dma_wait3A_460 = tpu.memref_slice %arg12[%dma_wait3A_458, %dma_wait3A_459] : memref<8x80xi32, #tpu.memory_space<vmem>> -> memref<1x80xi32, #tpu.memory_space<vmem>>
      %dma_wait3A_461 = tpu.memref_squeeze %dma_wait3A_460 : memref<1x80xi32, #tpu.memory_space<vmem>> -> memref<80xi32, #tpu.memory_space<vmem>>
      %dma_wait3A_462 = arith.constant 0 : i32
      %dma_wait3A_463 = arith.constant 0 : i32
      %dma_wait3A_464 = tpu.memref_slice %arg2[%dma_wait3A_462, %dma_wait3A_463] : memref<10000x128xf32, #tpu.memory_space<hbm>> -> memref<10000x128xf32, #tpu.memory_space<hbm>>
      tpu.wait_indirect_dma semaphore(%arg17 : memref<!tpu.dma_semaphore, #tpu.memory_space<semaphore_mem>>) src(%dma_wait3A_464 : memref<10000x128xf32, #tpu.memory_space<hbm>>) dst(%arg9 : memref<80x128xf32, #tpu.memory_space<vmem>>)
      %run_scoped3A_465 = arith.constant 6 : i32
      "tpu.region"() ({
        %run_scoped3A_499 = tpu.sem_alloc : memref<!tpu.dma_semaphore, #tpu.memory_space<semaphore_mem>>
        %dma_start3A_500 = arith.constant 0 : i32
        %dma_start3A_501 = tpu.memref_slice %arg14[%run_scoped3A_465, %dma_start3A_500] : memref<8x80xi32, #tpu.memory_space<vmem>> -> memref<1x80xi32, #tpu.memory_space<vmem>>
        %dma_start3A_502 = tpu.memref_squeeze %dma_start3A_501 : memref<1x80xi32, #tpu.memory_space<vmem>> -> memref<80xi32, #tpu.memory_space<vmem>>
        %dma_start3A_503 = arith.constant 0 : i32
        %dma_start3A_504 = arith.constant 0 : i32
        %dma_start3A_505 = tpu.memref_slice %arg6[%dma_start3A_503, %dma_start3A_504] : memref<10112x128xf32, #tpu.memory_space<vmem_shared>> -> memref<10112x128xf32, #tpu.memory_space<vmem_shared>>
        tpu.enqueue_indirect_dma source(%arg9 : memref<80x128xf32, #tpu.memory_space<vmem>>) target(%dma_start3A_505 : memref<10112x128xf32, #tpu.memory_space<vmem_shared>>) offsets(%dma_start3A_502 : memref<80xi32, #tpu.memory_space<vmem>>) semaphore(%run_scoped3A_499 : memref<!tpu.dma_semaphore, #tpu.memory_space<semaphore_mem>>) {add = true}
        %dma_wait3A_506 = arith.constant 0 : i32
        %dma_wait3A_507 = tpu.memref_slice %arg14[%run_scoped3A_465, %dma_wait3A_506] : memref<8x80xi32, #tpu.memory_space<vmem>> -> memref<1x80xi32, #tpu.memory_space<vmem>>
        %dma_wait3A_508 = tpu.memref_squeeze %dma_wait3A_507 : memref<1x80xi32, #tpu.memory_space<vmem>> -> memref<80xi32, #tpu.memory_space<vmem>>
        %dma_wait3A_509 = arith.constant 0 : i32
        %dma_wait3A_510 = arith.constant 0 : i32
        %dma_wait3A_511 = tpu.memref_slice %arg6[%dma_wait3A_509, %dma_wait3A_510] : memref<10112x128xf32, #tpu.memory_space<vmem_shared>> -> memref<10112x128xf32, #tpu.memory_space<vmem_shared>>
        tpu.wait_indirect_dma semaphore(%run_scoped3A_499 : memref<!tpu.dma_semaphore, #tpu.memory_space<semaphore_mem>>) src(%arg9 : memref<80x128xf32, #tpu.memory_space<vmem>>) dst(%dma_wait3A_511 : memref<10112x128xf32, #tpu.memory_space<vmem_shared>>)
        tpu.yield
      }) : () -> ()
      %add3A_466 = arith.constant 4 : i32
      %add3A_467 = arith.addi %add3A_457, %add3A_466 : i32
      %lt3A_468 = arith.constant 128 : i32
      %lt3A_469 = arith.cmpi slt, %add3A_467, %lt3A_468 : i32
      %convert_element_type3A_470 = arith.extui %lt3A_469 : i1 to i32
      %cond3A_471 = arith.constant 0 : i32
      %cond3A_472 = arith.cmpi ne, %convert_element_type3A_470, %cond3A_471 : i32
      scf.if %cond3A_472 {
        %dma_start3A_499 = arith.constant 2 : i32
        %dma_start3A_500 = arith.constant 0 : i32
        %dma_start3A_501 = tpu.memref_slice %arg11[%dma_start3A_499, %dma_start3A_500] : memref<8x80xi32, #tpu.memory_space<vmem>> -> memref<1x80xi32, #tpu.memory_space<vmem>>
        %dma_start3A_502 = tpu.memref_squeeze %dma_start3A_501 : memref<1x80xi32, #tpu.memory_space<vmem>> -> memref<80xi32, #tpu.memory_space<vmem>>
        %dma_start3A_503 = arith.constant 0 : i32
        %dma_start3A_504 = arith.constant 0 : i32
        %dma_start3A_505 = tpu.memref_slice %arg2[%dma_start3A_503, %dma_start3A_504] : memref<10000x128xf32, #tpu.memory_space<hbm>> -> memref<10000x128xf32, #tpu.memory_space<hbm>>
        tpu.enqueue_indirect_dma source(%dma_start3A_505 : memref<10000x128xf32, #tpu.memory_space<hbm>>) target(%arg9 : memref<80x128xf32, #tpu.memory_space<vmem>>) offsets(%dma_start3A_502 : memref<80xi32, #tpu.memory_space<vmem>>) semaphore(%arg17 : memref<!tpu.dma_semaphore, #tpu.memory_space<semaphore_mem>>)
      } else {
      }
      %mul3A_473 = arith.constant 8 : i32
      %mul3A_474 = arith.muli %add3A_332, %mul3A_473 : i32
      %add3A_475 = arith.constant 7 : i32
      %add3A_476 = arith.addi %mul3A_474, %add3A_475 : i32
      %dma_wait3A_477 = arith.constant 7 : i32
      %dma_wait3A_478 = arith.constant 0 : i32
      %dma_wait3A_479 = tpu.memref_slice %arg12[%dma_wait3A_477, %dma_wait3A_478] : memref<8x80xi32, #tpu.memory_space<vmem>> -> memref<1x80xi32, #tpu.memory_space<vmem>>
      %dma_wait3A_480 = tpu.memref_squeeze %dma_wait3A_479 : memref<1x80xi32, #tpu.memory_space<vmem>> -> memref<80xi32, #tpu.memory_space<vmem>>
      %dma_wait3A_481 = arith.constant 0 : i32
      %dma_wait3A_482 = arith.constant 0 : i32
      %dma_wait3A_483 = tpu.memref_slice %arg2[%dma_wait3A_481, %dma_wait3A_482] : memref<10000x128xf32, #tpu.memory_space<hbm>> -> memref<10000x128xf32, #tpu.memory_space<hbm>>
      tpu.wait_indirect_dma semaphore(%arg18 : memref<!tpu.dma_semaphore, #tpu.memory_space<semaphore_mem>>) src(%dma_wait3A_483 : memref<10000x128xf32, #tpu.memory_space<hbm>>) dst(%arg10 : memref<80x128xf32, #tpu.memory_space<vmem>>)
      %run_scoped3A_484 = arith.constant 7 : i32
      "tpu.region"() ({
        %run_scoped3A_499 = tpu.sem_alloc : memref<!tpu.dma_semaphore, #tpu.memory_space<semaphore_mem>>
        %dma_start3A_500 = arith.constant 0 : i32
        %dma_start3A_501 = tpu.memref_slice %arg14[%run_scoped3A_484, %dma_start3A_500] : memref<8x80xi32, #tpu.memory_space<vmem>> -> memref<1x80xi32, #tpu.memory_space<vmem>>
        %dma_start3A_502 = tpu.memref_squeeze %dma_start3A_501 : memref<1x80xi32, #tpu.memory_space<vmem>> -> memref<80xi32, #tpu.memory_space<vmem>>
        %dma_start3A_503 = arith.constant 0 : i32
        %dma_start3A_504 = arith.constant 0 : i32
        %dma_start3A_505 = tpu.memref_slice %arg6[%dma_start3A_503, %dma_start3A_504] : memref<10112x128xf32, #tpu.memory_space<vmem_shared>> -> memref<10112x128xf32, #tpu.memory_space<vmem_shared>>
        tpu.enqueue_indirect_dma source(%arg10 : memref<80x128xf32, #tpu.memory_space<vmem>>) target(%dma_start3A_505 : memref<10112x128xf32, #tpu.memory_space<vmem_shared>>) offsets(%dma_start3A_502 : memref<80xi32, #tpu.memory_space<vmem>>) semaphore(%run_scoped3A_499 : memref<!tpu.dma_semaphore, #tpu.memory_space<semaphore_mem>>) {add = true}
        %dma_wait3A_506 = arith.constant 0 : i32
        %dma_wait3A_507 = tpu.memref_slice %arg14[%run_scoped3A_484, %dma_wait3A_506] : memref<8x80xi32, #tpu.memory_space<vmem>> -> memref<1x80xi32, #tpu.memory_space<vmem>>
        %dma_wait3A_508 = tpu.memref_squeeze %dma_wait3A_507 : memref<1x80xi32, #tpu.memory_space<vmem>> -> memref<80xi32, #tpu.memory_space<vmem>>
        %dma_wait3A_509 = arith.constant 0 : i32
        %dma_wait3A_510 = arith.constant 0 : i32
        %dma_wait3A_511 = tpu.memref_slice %arg6[%dma_wait3A_509, %dma_wait3A_510] : memref<10112x128xf32, #tpu.memory_space<vmem_shared>> -> memref<10112x128xf32, #tpu.memory_space<vmem_shared>>
        tpu.wait_indirect_dma semaphore(%run_scoped3A_499 : memref<!tpu.dma_semaphore, #tpu.memory_space<semaphore_mem>>) src(%arg10 : memref<80x128xf32, #tpu.memory_space<vmem>>) dst(%dma_wait3A_511 : memref<10112x128xf32, #tpu.memory_space<vmem_shared>>)
        tpu.yield
      }) : () -> ()
      %add3A_485 = arith.constant 4 : i32
      %add3A_486 = arith.addi %add3A_476, %add3A_485 : i32
      %lt3A_487 = arith.constant 128 : i32
      %lt3A_488 = arith.cmpi slt, %add3A_486, %lt3A_487 : i32
      %convert_element_type3A_489 = arith.extui %lt3A_488 : i1 to i32
      %cond3A_490 = arith.constant 0 : i32
      %cond3A_491 = arith.cmpi ne, %convert_element_type3A_489, %cond3A_490 : i32
      scf.if %cond3A_491 {
        %dma_start3A_499 = arith.constant 3 : i32
        %dma_start3A_500 = arith.constant 0 : i32
        %dma_start3A_501 = tpu.memref_slice %arg11[%dma_start3A_499, %dma_start3A_500] : memref<8x80xi32, #tpu.memory_space<vmem>> -> memref<1x80xi32, #tpu.memory_space<vmem>>
        %dma_start3A_502 = tpu.memref_squeeze %dma_start3A_501 : memref<1x80xi32, #tpu.memory_space<vmem>> -> memref<80xi32, #tpu.memory_space<vmem>>
        %dma_start3A_503 = arith.constant 0 : i32
        %dma_start3A_504 = arith.constant 0 : i32
        %dma_start3A_505 = tpu.memref_slice %arg2[%dma_start3A_503, %dma_start3A_504] : memref<10000x128xf32, #tpu.memory_space<hbm>> -> memref<10000x128xf32, #tpu.memory_space<hbm>>
        tpu.enqueue_indirect_dma source(%dma_start3A_505 : memref<10000x128xf32, #tpu.memory_space<hbm>>) target(%arg10 : memref<80x128xf32, #tpu.memory_space<vmem>>) offsets(%dma_start3A_502 : memref<80xi32, #tpu.memory_space<vmem>>) semaphore(%arg18 : memref<!tpu.dma_semaphore, #tpu.memory_space<semaphore_mem>>)
      } else {
      }
      %add3A_492 = arith.constant 2 : i32
      %add3A_493 = arith.addi %add3A_332, %add3A_492 : i32
      %lt3A_494 = arith.constant 16 : i32
      %lt3A_495 = arith.cmpi slt, %add3A_493, %lt3A_494 : i32
      %convert_element_type3A_496 = arith.extui %lt3A_495 : i1 to i32
      %cond3A_497 = arith.constant 0 : i32
      %cond3A_498 = arith.cmpi ne, %convert_element_type3A_496, %cond3A_497 : i32
      scf.if %cond3A_498 {
        %add3A_499 = arith.constant 2 : i32
        %add3A_500 = arith.addi %add3A_332, %add3A_499 : i32
        %mul3A_501 = arith.constant 8 : i32
        %mul3A_502 = arith.muli %add3A_500, %mul3A_501 : i32
        %dma_start3A_503 = arith.constant 0 : i32
        %dma_start3A_504 = arith.constant 0 : i32
        %dma_start3A_505 = tpu.memref_slice %arg3[%scan3A, %add3A, %dma_start3A_503, %dma_start3A_504] : memref<2x32x128x80xi32, #tpu.memory_space<hbm>> -> memref<1x1x128x80xi32, #tpu.memory_space<hbm>>
        %dma_start3A_506 = tpu.memref_squeeze %dma_start3A_505 : memref<1x1x128x80xi32, #tpu.memory_space<hbm>> -> memref<128x80xi32, #tpu.memory_space<hbm>>
        %dma_start3A_507 = arith.constant 0 : i32
        %dma_start3A_508 = tpu.memref_slice %dma_start3A_506[%mul3A_502, %dma_start3A_507] : memref<128x80xi32, #tpu.memory_space<hbm>> -> memref<8x80xi32, #tpu.memory_space<hbm>>
        %dma_start3A_509 = arith.constant 0 : i32
        %dma_start3A_510 = arith.constant 0 : i32
        %dma_start3A_511 = tpu.memref_slice %arg3[%scan3A, %add3A, %dma_start3A_509, %dma_start3A_510] : memref<2x32x128x80xi32, #tpu.memory_space<hbm>> -> memref<1x1x128x80xi32, #tpu.memory_space<hbm>>
        %dma_start3A_512 = tpu.memref_squeeze %dma_start3A_511 : memref<1x1x128x80xi32, #tpu.memory_space<hbm>> -> memref<128x80xi32, #tpu.memory_space<hbm>>
        %dma_start3A_513 = arith.constant 0 : i32
        %dma_start3A_514 = tpu.memref_slice %dma_start3A_512[%mul3A_502, %dma_start3A_513] : memref<128x80xi32, #tpu.memory_space<hbm>> -> memref<8x80xi32, #tpu.memory_space<hbm>>
        tpu.enqueue_dma source(%dma_start3A_514 : memref<8x80xi32, #tpu.memory_space<hbm>>) target(%arg12 : memref<8x80xi32, #tpu.memory_space<vmem>>) target_semaphore(%arg20 : memref<!tpu.dma_semaphore, #tpu.memory_space<semaphore_mem>>)
        %dma_start3A_515 = arith.constant 0 : i32
        %dma_start3A_516 = arith.constant 0 : i32
        %dma_start3A_517 = tpu.memref_slice %arg3[%scan3A_151, %add3A, %dma_start3A_515, %dma_start3A_516] : memref<2x32x128x80xi32, #tpu.memory_space<hbm>> -> memref<1x1x128x80xi32, #tpu.memory_space<hbm>>
        %dma_start3A_518 = tpu.memref_squeeze %dma_start3A_517 : memref<1x1x128x80xi32, #tpu.memory_space<hbm>> -> memref<128x80xi32, #tpu.memory_space<hbm>>
        %dma_start3A_519 = arith.constant 0 : i32
        %dma_start3A_520 = tpu.memref_slice %dma_start3A_518[%mul3A_502, %dma_start3A_519] : memref<128x80xi32, #tpu.memory_space<hbm>> -> memref<8x80xi32, #tpu.memory_space<hbm>>
        %dma_start3A_521 = arith.constant 0 : i32
        %dma_start3A_522 = arith.constant 0 : i32
        %dma_start3A_523 = tpu.memref_slice %arg3[%scan3A_151, %add3A, %dma_start3A_521, %dma_start3A_522] : memref<2x32x128x80xi32, #tpu.memory_space<hbm>> -> memref<1x1x128x80xi32, #tpu.memory_space<hbm>>
        %dma_start3A_524 = tpu.memref_squeeze %dma_start3A_523 : memref<1x1x128x80xi32, #tpu.memory_space<hbm>> -> memref<128x80xi32, #tpu.memory_space<hbm>>
        %dma_start3A_525 = arith.constant 0 : i32
        %dma_start3A_526 = tpu.memref_slice %dma_start3A_524[%mul3A_502, %dma_start3A_525] : memref<128x80xi32, #tpu.memory_space<hbm>> -> memref<8x80xi32, #tpu.memory_space<hbm>>
        tpu.enqueue_dma source(%dma_start3A_526 : memref<8x80xi32, #tpu.memory_space<hbm>>) target(%arg14 : memref<8x80xi32, #tpu.memory_space<vmem>>) target_semaphore(%arg20 : memref<!tpu.dma_semaphore, #tpu.memory_space<semaphore_mem>>)
      } else {
      }
    }
    %scan3A_156 = arith.constant 8 : i32
    %barrier3A_157 = arith.constant 0 : index
    tpu.barrier barrier_id(%barrier3A_157)
    "tpu.region"() ({
      %run_scoped3A = tpu.sem_alloc : memref<!tpu.dma_semaphore, #tpu.memory_space<semaphore_mem>>
      %dma_start3A_158 = arith.constant 0 : i32
      %dma_start3A_159 = arith.constant 0 : i32
      %dma_start3A_160 = tpu.memref_slice %arg5[%arg0, %dma_start3A_158, %dma_start3A_159] : memref<2x10112x128xf32, #tpu.memory_space<hbm>> -> memref<1x10112x128xf32, #tpu.memory_space<hbm>>
      %dma_start3A_161 = tpu.memref_squeeze %dma_start3A_160 : memref<1x10112x128xf32, #tpu.memory_space<hbm>> -> memref<10112x128xf32, #tpu.memory_space<hbm>>
      %dma_start3A_162 = arith.constant 0 : i32
      %dma_start3A_163 = tpu.memref_slice %dma_start3A_161[%mul3A_2, %dma_start3A_162] : memref<10112x128xf32, #tpu.memory_space<hbm>> -> memref<632x128xf32, #tpu.memory_space<hbm>>
      %dma_start3A_164 = arith.constant 0 : i32
      %dma_start3A_165 = tpu.memref_slice %arg6[%mul3A_2, %dma_start3A_164] : memref<10112x128xf32, #tpu.memory_space<vmem_shared>> -> memref<632x128xf32, #tpu.memory_space<vmem_shared>>
      tpu.enqueue_dma source(%dma_start3A_165 : memref<632x128xf32, #tpu.memory_space<vmem_shared>>) target(%dma_start3A_163 : memref<632x128xf32, #tpu.memory_space<hbm>>) target_semaphore(%run_scoped3A : memref<!tpu.dma_semaphore, #tpu.memory_space<semaphore_mem>>)
      %dma_wait3A_166 = arith.constant 0 : i32
      %dma_wait3A_167 = arith.constant 0 : i32
      %dma_wait3A_168 = tpu.memref_slice %arg5[%arg0, %dma_wait3A_166, %dma_wait3A_167] : memref<2x10112x128xf32, #tpu.memory_space<hbm>> -> memref<1x10112x128xf32, #tpu.memory_space<hbm>>
      %dma_wait3A_169 = tpu.memref_squeeze %dma_wait3A_168 : memref<1x10112x128xf32, #tpu.memory_space<hbm>> -> memref<10112x128xf32, #tpu.memory_space<hbm>>
      %dma_wait3A_170 = arith.constant 0 : i32
      %dma_wait3A_171 = tpu.memref_slice %dma_wait3A_169[%mul3A_2, %dma_wait3A_170] : memref<10112x128xf32, #tpu.memory_space<hbm>> -> memref<632x128xf32, #tpu.memory_space<hbm>>
      %dma_wait3A_172 = arith.constant 0 : i32
      %dma_wait3A_173 = tpu.memref_slice %arg6[%mul3A_2, %dma_wait3A_172] : memref<10112x128xf32, #tpu.memory_space<vmem_shared>> -> memref<632x128xf32, #tpu.memory_space<vmem_shared>>
      tpu.wait_dma2 semaphore(%run_scoped3A : memref<!tpu.dma_semaphore, #tpu.memory_space<semaphore_mem>>) src(%dma_wait3A_173 : memref<632x128xf32, #tpu.memory_space<vmem_shared>>) dst(%dma_wait3A_171 : memref<632x128xf32, #tpu.memory_space<hbm>>)
      tpu.yield
    }) : () -> ()
    return
  }
}

module attributes {stable_mosaic.version = 14 : i64} {
  func.func @_linear_norm_body(%arg0: i32, %arg1: memref<5000x128xf32, #tpu.memory_space<vmem>>, %arg2: memref<128x128xf32, #tpu.memory_space<vmem>>, %arg3: memref<1x128xf32, #tpu.memory_space<vmem>>, %arg4: memref<5000x128xf32, #tpu.memory_space<vmem>>) attributes {dimension_semantics = [#tpu.dimension_semantics<arbitrary>], iteration_bounds = array<i64: 2>, scalar_prefetch = 0 : i64, scratch_operands = 0 : i64, tpu.core_type = #tpu.core_type<tc>, window_params = [{transform_indices = @transform_0, window_bounds = array<i64: 5000, 128>}, {pipeline_mode = #tpu.pipeline_mode<synchronous>, transform_indices = @transform_1, window_bounds = array<i64: 128, 128>}, {pipeline_mode = #tpu.pipeline_mode<synchronous>, transform_indices = @transform_2, window_bounds = array<i64: 1, 128>}, {transform_indices = @transform_3, window_bounds = array<i64: 5000, 128>}]} {
    %get3A = arith.constant 0 : index
    %get3A_0 = arith.constant 0 : index
    %get3A_1 = vector.load %arg1[%get3A, %get3A_0] : memref<5000x128xf32, #tpu.memory_space<vmem>>, vector<5000x128xf32>
    %get3A_2 = arith.constant 0 : index
    %get3A_3 = arith.constant 0 : index
    %get3A_4 = vector.load %arg2[%get3A_2, %get3A_3] : memref<128x128xf32, #tpu.memory_space<vmem>>, vector<128x128xf32>
    %dot_general3A = arith.constant dense<0.000000e+00> : vector<5000x128xf32>
    %dot_general3A_5 = tpu.matmul %get3A_1, %get3A_4, %dot_general3A {dimension_numbers = #tpu.dot_dimension_numbers<[1], [1], [0], [0], [0, 0, 1, 0], [], []>, transpose_lhs_hint = false} : vector<5000x128xf32>, vector<128x128xf32>, vector<5000x128xf32> -> vector<5000x128xf32>
    %get3A_6 = arith.constant 0 : index
    %get3A_7 = arith.constant 0 : index
    %get3A_8 = vector.load %arg3[%get3A_6, %get3A_7] : memref<1x128xf32, #tpu.memory_space<vmem>>, vector<1x128xf32>
    %add3A = vector.broadcast %get3A_8 : vector<1x128xf32> to vector<5000x128xf32>
    %add3A_9 = arith.addf %dot_general3A_5, %add3A : vector<5000x128xf32>
    %mul3A = arith.mulf %add3A_9, %add3A_9 : vector<5000x128xf32>
    %reduce_sum3A = arith.constant dense<0.000000e+00> : vector<5000xf32>
    %reduce_sum3A_10 = vector.multi_reduction <add>, %mul3A, %reduce_sum3A [1] : vector<5000x128xf32> to vector<5000xf32>
    %broadcast_in_dim3A = vector.shape_cast %reduce_sum3A_10 : vector<5000xf32> to vector<5000x1xf32>
    %sqrt3A = math.sqrt %broadcast_in_dim3A : vector<5000x1xf32>
    %max3A = arith.constant 9.99999996E-13 : f32
    %max3A_11 = vector.broadcast %max3A : f32 to vector<5000x1xf32>
    %max3A_12 = arith.maximumf %sqrt3A, %max3A_11 : vector<5000x1xf32>
    %div3A = arith.constant 1.800000e+00 : f32
    %div3A_13 = vector.broadcast %div3A : f32 to vector<5000x1xf32>
    %div3A_14 = arith.divf %div3A_13, %max3A_12 : vector<5000x1xf32>
    %mul3A_15 = vector.broadcast %div3A_14 : vector<5000x1xf32> to vector<5000x128xf32>
    %mul3A_16 = arith.mulf %add3A_9, %mul3A_15 : vector<5000x128xf32>
    %swap3A = arith.constant 0 : index
    %swap3A_17 = arith.constant 0 : index
    %swap3A_18 = vector.load %arg4[%swap3A, %swap3A_17] : memref<5000x128xf32, #tpu.memory_space<vmem>>, vector<5000x128xf32>
    tpu.vector_store %arg4[%swap3A, %swap3A_17], %mul3A_16 {strides = array<i32>} : memref<5000x128xf32, #tpu.memory_space<vmem>>, vector<5000x128xf32>,
    return
  }
  func.func @transform_0(%arg0: i32) -> (i32, i32) {
    %c0_i32 = arith.constant 0 : i32
    %c0_i32_0 = arith.constant 0 : i32
    return %arg0, %c0_i32 : i32, i32
  }
  func.func @transform_1(%arg0: i32) -> (i32, i32) {
    %c0_i32 = arith.constant 0 : i32
    %c0_i32_0 = arith.constant 0 : i32
    %c0_i32_1 = arith.constant 0 : i32
    return %c0_i32, %c0_i32_0 : i32, i32
  }
  func.func @transform_2(%arg0: i32) -> (i32, i32) {
    %c0_i32 = arith.constant 0 : i32
    %c0_i32_0 = arith.constant 0 : i32
    %c0_i32_1 = arith.constant 0 : i32
    return %c0_i32, %c0_i32_0 : i32, i32
  }
  func.func @transform_3(%arg0: i32) -> (i32, i32) {
    %c0_i32 = arith.constant 0 : i32
    %c0_i32_0 = arith.constant 0 : i32
    return %arg0, %c0_i32 : i32, i32
  }
}

module attributes {stable_mosaic.version = 14 : i64} {
  func.func @_dis_body(%arg0: i32, %arg1: memref<32x79x128xf32, #tpu.memory_space<vmem>>, %arg2: memref<79x128xf32, #tpu.memory_space<vmem>>) attributes {dimension_semantics = [#tpu.dimension_semantics<arbitrary>], iteration_bounds = array<i64: 1>, scalar_prefetch = 0 : i64, scratch_operands = 0 : i64, tpu.core_type = #tpu.core_type<tc>, window_params = [{pipeline_mode = #tpu.pipeline_mode<synchronous>, transform_indices = @transform_0, window_bounds = array<i64: 32, 79, 128>}, {pipeline_mode = #tpu.pipeline_mode<synchronous>, transform_indices = @transform_1, window_bounds = array<i64: 79, 128>}]} {
    %get3A = arith.constant 0 : index
    %get3A_0 = arith.constant 0 : index
    %get3A_1 = arith.constant 0 : index
    %get3A_2 = vector.load %arg1[%get3A, %get3A_0, %get3A_1] : memref<32x79x128xf32, #tpu.memory_space<vmem>>, vector<32x79x128xf32>
    %reduce_sum3A = arith.constant dense<0.000000e+00> : vector<79x128xf32>
    %reduce_sum3A_3 = vector.multi_reduction <add>, %get3A_2, %reduce_sum3A [0] : vector<32x79x128xf32> to vector<79x128xf32>
    %add3A = arith.constant 1.000000e+00 : f32
    %add3A_4 = vector.broadcast %add3A : f32 to vector<79x128xf32>
    %add3A_5 = arith.addf %reduce_sum3A_3, %add3A_4 : vector<79x128xf32>
    %rsqrt3A = math.rsqrt %add3A_5 : vector<79x128xf32>
    %swap3A = arith.constant 0 : index
    %swap3A_6 = arith.constant 0 : index
    %swap3A_7 = vector.load %arg2[%swap3A, %swap3A_6] : memref<79x128xf32, #tpu.memory_space<vmem>>, vector<79x128xf32>
    tpu.vector_store %arg2[%swap3A, %swap3A_6], %rsqrt3A {strides = array<i32>} : memref<79x128xf32, #tpu.memory_space<vmem>>, vector<79x128xf32>,
    return
  }
  func.func @transform_0(%arg0: i32) -> (i32, i32, i32) {
    %c0_i32 = arith.constant 0 : i32
    %c0_i32_0 = arith.constant 0 : i32
    %c0_i32_1 = arith.constant 0 : i32
    %c0_i32_2 = arith.constant 0 : i32
    return %c0_i32, %c0_i32_0, %c0_i32_1 : i32, i32, i32
  }
  func.func @transform_1(%arg0: i32) -> (i32, i32) {
    %c0_i32 = arith.constant 0 : i32
    %c0_i32_0 = arith.constant 0 : i32
    %c0_i32_1 = arith.constant 0 : i32
    return %c0_i32, %c0_i32_0 : i32, i32
  }
}

module attributes {stable_mosaic.version = 14 : i64} {
  func.func @_prep_body(%arg0: i32, %arg1: memref<5000x1xf32, #tpu.memory_space<vmem>>, %arg2: memref<5000x128xf32, #tpu.memory_space<vmem>>, %arg3: memref<5000x128xf32, #tpu.memory_space<vmem>>) attributes {dimension_semantics = [#tpu.dimension_semantics<arbitrary>], iteration_bounds = array<i64: 2>, scalar_prefetch = 0 : i64, scratch_operands = 0 : i64, tpu.core_type = #tpu.core_type<tc>, window_params = [{transform_indices = @transform_0, window_bounds = array<i64: 5000, 1>}, {transform_indices = @transform_1, window_bounds = array<i64: 5000, 128>}, {transform_indices = @transform_2, window_bounds = array<i64: 5000, 128>}]} {
    %get3A = arith.constant 0 : index
    %get3A_0 = arith.constant 0 : index
    %get3A_1 = vector.load %arg2[%get3A, %get3A_0] : memref<5000x128xf32, #tpu.memory_space<vmem>>, vector<5000x128xf32>
    %get3A_2 = arith.constant 0 : index
    %get3A_3 = arith.constant 0 : index
    %get3A_4 = vector.load %arg1[%get3A_2, %get3A_3] : memref<5000x1xf32, #tpu.memory_space<vmem>>, vector<5000x1xf32>
    %mul3A = vector.broadcast %get3A_4 : vector<5000x1xf32> to vector<5000x128xf32>
    %mul3A_5 = arith.mulf %get3A_1, %mul3A : vector<5000x128xf32>
    %swap3A = arith.constant 0 : index
    %swap3A_6 = arith.constant 0 : index
    %swap3A_7 = vector.load %arg3[%swap3A, %swap3A_6] : memref<5000x128xf32, #tpu.memory_space<vmem>>, vector<5000x128xf32>
    tpu.vector_store %arg3[%swap3A, %swap3A_6], %mul3A_5 {strides = array<i32>} : memref<5000x128xf32, #tpu.memory_space<vmem>>, vector<5000x128xf32>,
    return
  }
  func.func @transform_0(%arg0: i32) -> (i32, i32) {
    %c0_i32 = arith.constant 0 : i32
    %c0_i32_0 = arith.constant 0 : i32
    return %arg0, %c0_i32 : i32, i32
  }
  func.func @transform_1(%arg0: i32) -> (i32, i32) {
    %c0_i32 = arith.constant 0 : i32
    %c0_i32_0 = arith.constant 0 : i32
    return %arg0, %c0_i32 : i32, i32
  }
  func.func @transform_2(%arg0: i32) -> (i32, i32) {
    %c0_i32 = arith.constant 0 : i32
    %c0_i32_0 = arith.constant 0 : i32
    return %arg0, %c0_i32 : i32, i32
  }
}

module attributes {stable_mosaic.version = 14 : i64} {
  func.func @_combine_v_body(%arg0: i32, %arg1: memref<2x5000x128xf32, #tpu.memory_space<vmem>>, %arg2: memref<5000x128xf32, #tpu.memory_space<vmem>>, %arg3: memref<5000x128xf32, #tpu.memory_space<vmem>>, %arg4: memref<5000x1xf32, #tpu.memory_space<vmem>>, %arg5: memref<5000x128xf32, #tpu.memory_space<vmem>>) attributes {dimension_semantics = [#tpu.dimension_semantics<arbitrary>], iteration_bounds = array<i64: 2>, scalar_prefetch = 0 : i64, scratch_operands = 0 : i64, tpu.core_type = #tpu.core_type<tc>, window_params = [{transform_indices = @transform_0, window_bounds = array<i64: 2, 5000, 128>}, {transform_indices = @transform_1, window_bounds = array<i64: 5000, 128>}, {transform_indices = @transform_2, window_bounds = array<i64: 5000, 128>}, {transform_indices = @transform_3, window_bounds = array<i64: 5000, 1>}, {transform_indices = @transform_4, window_bounds = array<i64: 5000, 128>}]} {
    %get3A = arith.constant 0 : index
    %get3A_0 = arith.constant 0 : index
    %get3A_1 = arith.constant 0 : index
    %get3A_2 = vector.load %arg1[%get3A, %get3A_0, %get3A_1] : memref<2x5000x128xf32, #tpu.memory_space<vmem>>, vector<1x5000x128xf32>
    %get3A_3 = vector.shape_cast %get3A_2 : vector<1x5000x128xf32> to vector<5000x128xf32>
    %get3A_4 = arith.constant 1 : index
    %get3A_5 = arith.constant 0 : index
    %get3A_6 = arith.constant 0 : index
    %get3A_7 = vector.load %arg1[%get3A_4, %get3A_5, %get3A_6] : memref<2x5000x128xf32, #tpu.memory_space<vmem>>, vector<1x5000x128xf32>
    %get3A_8 = vector.shape_cast %get3A_7 : vector<1x5000x128xf32> to vector<5000x128xf32>
    %add3A = arith.addf %get3A_3, %get3A_8 : vector<5000x128xf32>
    %get3A_9 = arith.constant 0 : index
    %get3A_10 = arith.constant 0 : index
    %get3A_11 = vector.load %arg2[%get3A_9, %get3A_10] : memref<5000x128xf32, #tpu.memory_space<vmem>>, vector<5000x128xf32>
    %add3A_12 = arith.addf %add3A, %get3A_11 : vector<5000x128xf32>
    %get3A_13 = arith.constant 0 : index
    %get3A_14 = arith.constant 0 : index
    %get3A_15 = vector.load %arg4[%get3A_13, %get3A_14] : memref<5000x1xf32, #tpu.memory_space<vmem>>, vector<5000x1xf32>
    %mul3A = arith.mulf %get3A_15, %get3A_15 : vector<5000x1xf32>
    %mul3A_16 = arith.constant 8.500000e-01 : f32
    %mul3A_17 = vector.broadcast %mul3A_16 : f32 to vector<5000x1xf32>
    %mul3A_18 = arith.mulf %mul3A_17, %mul3A : vector<5000x1xf32>
    %mul3A_19 = vector.broadcast %mul3A_18 : vector<5000x1xf32> to vector<5000x128xf32>
    %mul3A_20 = arith.mulf %mul3A_19, %add3A_12 : vector<5000x128xf32>
    %get3A_21 = arith.constant 0 : index
    %get3A_22 = arith.constant 0 : index
    %get3A_23 = vector.load %arg3[%get3A_21, %get3A_22] : memref<5000x128xf32, #tpu.memory_space<vmem>>, vector<5000x128xf32>
    %mul3A_24 = arith.constant 1.500000e-01 : f32
    %mul3A_25 = vector.broadcast %mul3A_24 : f32 to vector<5000x128xf32>
    %mul3A_26 = arith.mulf %mul3A_25, %get3A_23 : vector<5000x128xf32>
    %add3A_27 = arith.addf %mul3A_20, %mul3A_26 : vector<5000x128xf32>
    %swap3A = arith.constant 0 : index
    %swap3A_28 = arith.constant 0 : index
    %swap3A_29 = vector.load %arg5[%swap3A, %swap3A_28] : memref<5000x128xf32, #tpu.memory_space<vmem>>, vector<5000x128xf32>
    tpu.vector_store %arg5[%swap3A, %swap3A_28], %add3A_27 {strides = array<i32>} : memref<5000x128xf32, #tpu.memory_space<vmem>>, vector<5000x128xf32>,
    return
  }
  func.func @transform_0(%arg0: i32) -> (i32, i32, i32) {
    %c0_i32 = arith.constant 0 : i32
    %c0_i32_0 = arith.constant 0 : i32
    %c0_i32_1 = arith.constant 0 : i32
    return %c0_i32, %arg0, %c0_i32_0 : i32, i32, i32
  }
  func.func @transform_1(%arg0: i32) -> (i32, i32) {
    %c0_i32 = arith.constant 0 : i32
    %c0_i32_0 = arith.constant 0 : i32
    return %arg0, %c0_i32 : i32, i32
  }
  func.func @transform_2(%arg0: i32) -> (i32, i32) {
    %c0_i32 = arith.constant 0 : i32
    %c0_i32_0 = arith.constant 0 : i32
    return %arg0, %c0_i32 : i32, i32
  }
  func.func @transform_3(%arg0: i32) -> (i32, i32) {
    %c0_i32 = arith.constant 0 : i32
    %c0_i32_0 = arith.constant 0 : i32
    return %arg0, %c0_i32 : i32, i32
  }
  func.func @transform_4(%arg0: i32) -> (i32, i32) {
    %c0_i32 = arith.constant 0 : i32
    %c0_i32_0 = arith.constant 0 : i32
    return %arg0, %c0_i32 : i32, i32
  }
}

module attributes {stable_mosaic.version = 14 : i64} {
  func.func @_combine_f_body(%arg0: i32, %arg1: memref<2x5000x128xf32, #tpu.memory_space<vmem>>, %arg2: memref<5000x128xf32, #tpu.memory_space<vmem>>, %arg3: memref<5000x128xf32, #tpu.memory_space<vmem>>, %arg4: memref<5000x1xf32, #tpu.memory_space<vmem>>, %arg5: memref<5000x128xf32, #tpu.memory_space<vmem>>) attributes {dimension_semantics = [#tpu.dimension_semantics<arbitrary>], iteration_bounds = array<i64: 2>, scalar_prefetch = 0 : i64, scratch_operands = 0 : i64, tpu.core_type = #tpu.core_type<tc>, window_params = [{transform_indices = @transform_0, window_bounds = array<i64: 2, 5000, 128>}, {transform_indices = @transform_1, window_bounds = array<i64: 5000, 128>}, {transform_indices = @transform_2, window_bounds = array<i64: 5000, 128>}, {transform_indices = @transform_3, window_bounds = array<i64: 5000, 1>}, {transform_indices = @transform_4, window_bounds = array<i64: 5000, 128>}]} {
    %get3A = arith.constant 0 : index
    %get3A_0 = arith.constant 0 : index
    %get3A_1 = arith.constant 0 : index
    %get3A_2 = vector.load %arg1[%get3A, %get3A_0, %get3A_1] : memref<2x5000x128xf32, #tpu.memory_space<vmem>>, vector<1x5000x128xf32>
    %get3A_3 = vector.shape_cast %get3A_2 : vector<1x5000x128xf32> to vector<5000x128xf32>
    %get3A_4 = arith.constant 1 : index
    %get3A_5 = arith.constant 0 : index
    %get3A_6 = arith.constant 0 : index
    %get3A_7 = vector.load %arg1[%get3A_4, %get3A_5, %get3A_6] : memref<2x5000x128xf32, #tpu.memory_space<vmem>>, vector<1x5000x128xf32>
    %get3A_8 = vector.shape_cast %get3A_7 : vector<1x5000x128xf32> to vector<5000x128xf32>
    %add3A = arith.addf %get3A_3, %get3A_8 : vector<5000x128xf32>
    %get3A_9 = arith.constant 0 : index
    %get3A_10 = arith.constant 0 : index
    %get3A_11 = vector.load %arg2[%get3A_9, %get3A_10] : memref<5000x128xf32, #tpu.memory_space<vmem>>, vector<5000x128xf32>
    %add3A_12 = arith.addf %add3A, %get3A_11 : vector<5000x128xf32>
    %get3A_13 = arith.constant 0 : index
    %get3A_14 = arith.constant 0 : index
    %get3A_15 = vector.load %arg4[%get3A_13, %get3A_14] : memref<5000x1xf32, #tpu.memory_space<vmem>>, vector<5000x1xf32>
    %mul3A = arith.constant 8.500000e-01 : f32
    %mul3A_16 = vector.broadcast %mul3A : f32 to vector<5000x1xf32>
    %mul3A_17 = arith.mulf %mul3A_16, %get3A_15 : vector<5000x1xf32>
    %mul3A_18 = vector.broadcast %mul3A_17 : vector<5000x1xf32> to vector<5000x128xf32>
    %mul3A_19 = arith.mulf %mul3A_18, %add3A_12 : vector<5000x128xf32>
    %get3A_20 = arith.constant 0 : index
    %get3A_21 = arith.constant 0 : index
    %get3A_22 = vector.load %arg3[%get3A_20, %get3A_21] : memref<5000x128xf32, #tpu.memory_space<vmem>>, vector<5000x128xf32>
    %mul3A_23 = arith.constant 1.500000e-01 : f32
    %mul3A_24 = vector.broadcast %mul3A_23 : f32 to vector<5000x128xf32>
    %mul3A_25 = arith.mulf %mul3A_24, %get3A_22 : vector<5000x128xf32>
    %add3A_26 = arith.addf %mul3A_19, %mul3A_25 : vector<5000x128xf32>
    %swap3A = arith.constant 0 : index
    %swap3A_27 = arith.constant 0 : index
    %swap3A_28 = vector.load %arg5[%swap3A, %swap3A_27] : memref<5000x128xf32, #tpu.memory_space<vmem>>, vector<5000x128xf32>
    tpu.vector_store %arg5[%swap3A, %swap3A_27], %add3A_26 {strides = array<i32>} : memref<5000x128xf32, #tpu.memory_space<vmem>>, vector<5000x128xf32>,
    return
  }
  func.func @transform_0(%arg0: i32) -> (i32, i32, i32) {
    %c0_i32 = arith.constant 0 : i32
    %c0_i32_0 = arith.constant 0 : i32
    %c0_i32_1 = arith.constant 0 : i32
    return %c0_i32, %arg0, %c0_i32_0 : i32, i32, i32
  }
  func.func @transform_1(%arg0: i32) -> (i32, i32) {
    %c0_i32 = arith.constant 0 : i32
    %c0_i32_0 = arith.constant 0 : i32
    return %arg0, %c0_i32 : i32, i32
  }
  func.func @transform_2(%arg0: i32) -> (i32, i32) {
    %c0_i32 = arith.constant 0 : i32
    %c0_i32_0 = arith.constant 0 : i32
    return %arg0, %c0_i32 : i32, i32
  }
  func.func @transform_3(%arg0: i32) -> (i32, i32) {
    %c0_i32 = arith.constant 0 : i32
    %c0_i32_0 = arith.constant 0 : i32
    return %arg0, %c0_i32 : i32, i32
  }
  func.func @transform_4(%arg0: i32) -> (i32, i32) {
    %c0_i32 = arith.constant 0 : i32
    %c0_i32_0 = arith.constant 0 : i32
    return %arg0, %c0_i32 : i32, i32
  }
}

</mosaic_0001>

<sc_bundles>
// kernel: kernel.10.cloned.1.call-start
scs
__scs_entry_jumppad:
0x0: {  	(pc) =	sbr.rel $0x88, $3  }
0x1: {  	(tag) =	ssettag $0x0;
	lr =	simm.s32 $0x1  }
0x2: {  	[smem:$0x3F9D] =	sst lr;
	_ =	strace $0xD0000000  }
0x3: {  	_ = 	snop  }
0x4: {  	_ = 	snop  }
0x5: {  	_ = 	snop  }
0x6: {  	_ = 	snop  }
0x7: {  	_ = 	snop  }
__scs_overlays_trampoline_lowered:
0x8: {  	[smem:$0x3FAC] =	sst s0  }
0x9: {  	[smem:$0x3FAD] =	sst s1  }
0xa: {  	[smem:$0x3FAE] =	sst s2  }
0xb: {  	[smem:$0x3FAF] =	sst s3  }
0xc: {  	[smem:$0x3FB0] =	sst s4  }
0xd: {  	[smem:$0x3FB1] =	sst s5  }
0xe: {  	[smem:$0x3FB2] =	sst s6  }
0xf: {  	[smem:$0x3FB3] =	sst s7  }
0x10: {  	[smem:$0x3FB4] =	sst s8  }
0x11: {  	[smem:$0x3FB5] =	sst s9;
	s0 =	simm.s32 @!p0 $0x0  }
0x12: {  	s1 =	sld [smem:$0x3F9B];
	s0 =	simm.s32 @p0 $0x1  }
0x13: {  	[smem:$0x3FB6] =	sst s0;
	s0 =	simm.s32 @!p1 $0x0  }
0x14: {  	s2 =	sld [smem:$0x3F9A];
	s0 =	simm.s32 @p1 $0x1  }
0x15: {  	[smem:$0x3FB7] =	sst s0;
	s0 =	simm.s32 @!p2 $0x0  }
0x16: {  	s3 =	sld [smem:$0x3FDB];
	s0 =	simm.s32 @p2 $0x1  }
0x17: {  	s4 =	simm.s32 $0x1BF5;
	[smem:$0x3FB9] =	sst s0  }
0x18: {  	s0 =	sld [smem:$0x3F9C];
	_ =	swait.ge [sflag:s4], $0x0  }
0x19: {  	s7 =	sld [smem:$0x3F9D]  }
0x1a: {  	s8 =	sadd.s32 $0xFFFFE003, lr  }
0x1b: {  	s9 =	sadd.s32 $0xFFFFFEF7, lr;
	s5 =	simm.s32 $0xFFFFFFFF;
	p2 =	slt.u32 s8, $0xFFFFF086  }
0x1c: {  	p1 =	slt.u32 s9, $0xF7A;
	s5 =	simm.s32 @!p2 $0x0  }
0x1d: {  	s5 =	simm.s32 @p1 $0x1;
	p0 =	seq.s32 s7, s2  }
0x1e: {  	s7 =	smul.u32 @!p0 $0xF7A, s2;
	p2 =	seq.s32 @!p0 s5, $0x0  }
0x1f: {  	s9 =	smul.u32 $0xF7A, s1;
	s8 =	simm.s32 @!p0 $0x1BF5;
	p2 =	por !p2, p0  }
0x20: {  	[sflag:s8] =	ssyncset.s32 @!p0 $0xFFFFF086;
	s6 =	sadd.s32 @!p0 s3, s7;
	s7 =	simm.s32 @!p0 $0x108  }
0x21: {  	s3 =	sadd.s32 s3, s9;
	s6 =	sadd.s32 @!p0 $0x88, s6;
	s7 =	simm.s32 @p2 $0x1082  }
0x22: {  	[simem:s7], [sflag:s8] =	dma.local @!p0 [hbm:s6], $0xF7A  }
0x23: {  	s9 =	sor.u32 $0xD0000000, s2;
	s6 =	simm.s32 $0x108;
	_ =	swait.ge @!p0 [sflag:s8], $0x0  }
0x24: {  	s3 =	sadd.s32 $0x88, s3;
	s6 =	simm.s32 @!p1 $0x1082;
	[sflag:s4] =	ssyncset.s32 $0xFFFFF086  }
0x25: {  	[simem:s6], [sflag:s4] =	dma.local [hbm:s3], $0xF7A  }
0x26: {  	[smem:$0x3F9D] =	sst s1;
	(tag) =	ssettag s2;
	_ =	strace s9  }
0x27: {  	s1 =	sld [smem:$0x3FAD]  }
0x28: {  	s2 =	sld [smem:$0x3FAE]  }
0x29: {  	s4 =	sld [smem:$0x3FB0]  }
0x2a: {  	p0 =	seq.s32 s5, $0x0;
	s5 =	sld [smem:$0x3FB1]  }
0x2b: {  	s6 =	sld [smem:$0x3FB2]  }
0x2c: {  	s7 =	sld [smem:$0x3FB3]  }
0x2d: {  	s3 =	simm.s32 $0x108;
	s8 =	sld [smem:$0x3FB4]  }
0x2e: {  	s3 =	simm.s32 @!p0 $0x1082;
	s9 =	sld [smem:$0x3FB5]  }
0x2f: {  	lr =	sadd.s32 s0, s3;
	s0 =	sld [smem:$0x3FAC]  }
0x30: {  	s3 =	sld [smem:$0x3FAF]  }
0x31: {  	[smem:$0x3FB8] =	sst s10  }
0x32: {  	s10 =	sld [smem:$0x3FB6];
	_ =	sdelay $0x3  }
0x33: {  	p0 =	seq.s32 s10, $0x1;
	s10 =	sld [smem:$0x3FB8];
	_ =	sdelay $0x3  }
0x34: {  	[smem:$0x3FB8] =	sst s10  }
0x35: {  	s10 =	sld [smem:$0x3FB7];
	_ =	sdelay $0x3  }
0x36: {  	p1 =	seq.s32 s10, $0x1;
	s10 =	sld [smem:$0x3FB8];
	_ =	sdelay $0x3  }
0x37: {  	[smem:$0x3FB8] =	sst s10  }
0x38: {  	s10 =	sld [smem:$0x3FB9]  }
0x39: {  	_ = 	snop;
	(pc) =	sbr.ind lr, $3  }
0x3a: {  	_ = 	snop  }
0x3b: {  	_ = 	snop  }
0x3c: {  	p2 =	seq.s32 s10, $0x1;
	s10 =	sld [smem:$0x3FB8]  }
0x3d: {  	_ =	shalt  }
0x3e: {  	_ =	shalt  }
0x3f: {  	_ =	shalt  }
0x40: {  	_ =	shalt  }
0x41: {  	_ =	shalt  }
0x42: {  	_ =	shalt  }
0x43: {  	_ =	shalt  }
0x44: {  	_ =	shalt  }
0x45: {  	_ =	shalt  }
0x46: {  	_ =	shalt  }
0x47: {  	_ =	shalt  }
0x48: {  	_ =	shalt  }
0x49: {  	_ =	shalt  }
0x4a: {  	_ =	shalt  }
0x4b: {  	_ =	shalt  }
0x4c: {  	_ =	shalt  }
0x4d: {  	_ =	shalt  }
0x4e: {  	_ =	shalt  }
0x4f: {  	_ =	shalt  }
0x50: {  	_ =	shalt  }
0x51: {  	_ =	shalt  }
0x52: {  	_ =	shalt  }
0x53: {  	_ =	shalt  }
0x54: {  	_ =	shalt  }
0x55: {  	_ =	shalt  }
0x56: {  	_ =	shalt  }
0x57: {  	_ =	shalt  }
0x58: {  	_ =	shalt  }
0x59: {  	_ =	shalt  }
0x5a: {  	_ =	shalt  }
0x5b: {  	_ =	shalt  }
0x5c: {  	_ =	shalt  }
0x5d: {  	_ =	shalt  }
0x5e: {  	_ =	shalt  }
0x5f: {  	_ =	shalt  }
0x60: {  	_ =	shalt  }
0x61: {  	_ =	shalt  }
0x62: {  	_ =	shalt  }
0x63: {  	_ =	shalt  }
0x64: {  	_ =	shalt  }
0x65: {  	_ =	shalt  }
0x66: {  	_ =	shalt  }
0x67: {  	_ =	shalt  }
0x68: {  	_ =	shalt  }
0x69: {  	_ =	shalt  }
0x6a: {  	_ =	shalt  }
0x6b: {  	_ =	shalt  }
0x6c: {  	_ =	shalt  }
0x6d: {  	_ =	shalt  }
0x6e: {  	_ =	shalt  }
0x6f: {  	_ =	shalt  }
0x70: {  	_ =	shalt  }
0x71: {  	_ =	shalt  }
0x72: {  	_ =	shalt  }
0x73: {  	_ =	shalt  }
0x74: {  	_ =	shalt  }
0x75: {  	_ =	shalt  }
0x76: {  	_ =	shalt  }
0x77: {  	_ =	shalt  }
0x78: {  	_ =	shalt  }
0x79: {  	_ =	shalt  }
0x7a: {  	_ =	shalt  }
0x7b: {  	_ =	shalt  }
0x7c: {  	_ =	shalt  }
0x7d: {  	_ =	shalt  }
0x7e: {  	_ =	shalt  }
0x7f: {  	_ =	shalt  }
0x80: {  	_ =	shalt  }
0x81: {  	_ =	shalt  }
0x82: {  	_ =	shalt  }
0x83: {  	_ =	shalt  }
0x84: {  	_ =	shalt  }
0x85: {  	_ =	shalt  }
0x86: {  	_ =	shalt  }
0x87: {  	_ =	shalt  }
.Lfunc_end0:
.L_simem_size_0:
called_computation_lowered:
.L_overlay_start_0:
0x88: {  	s2 =	sld [smem:$0x3FD9]  }
0x89: {  	s3 =	sld [smem:$0x3FFE];
	_ =	sdelay $0x1  }
0x8a: {  	s1 =	srdreg.scid  }
0x8b: {  	s0 =	sand.u32 $0x1, s1  }
0x8c: {  	s17 =	sshll.u32 s0, $0xA;
	s2 =	sadd.s32 s3, s2  }
0x8d: {  	s2 =	sadd.s32 s2, s17  }
0x8e: {  	[smem:$0x3FC4] =	sst s2  }
0x8f: {  	_ = 	snop  }
0x90: {  	s2 =	sld [smem:$0x3FD0];
	(tm) =	ssettm $0x1  }
0x91: {  	s18 =	sld [smem:$0x3FFB];
	_ =	sdelay $0x3  }
0x92: {  	_ =	strace s18  }
0x93: {  	s3 =	sld [smem:$0x3FFC];
	_ =	sdelay $0x3  }
0x94: {  	_ =	strace s3  }
0x95: {  	s3 =	sld [smem:$0x3FFD];
	_ =	sdelay $0x3  }
0x96: {  	_ =	strace s3  }
0x97: {  	_ =	strace $0x8FFFFFFF  }
0x98: {  	s19 =	sld [smem:$0x3FDB];
	_ =	sdelay $0x1  }
0x99: {  	s4 =	simm.s32 $_scs_section_size  }
0x9a: {  	s5 =	simm.s32 $_size__tile_overlayer_lowered;
	s6 =	simm.s32 $_tile_overlayer_lowered  }
0x9b: {  	s22 =	simm.s32 $0x1BFF;
	s21 =	sshll.u32 s6, $0x1;
	s3 =	sadd.s32 s4, s19  }
0x9c: {  	s7 =	simm.s32 $0x0;
	s20 =	sshll.u32 s5, $0x1;
	s5 =	sadd.s32 s21, s3  }
0x9d: {  	[timem:s7], [sflag:s22] =	dma.local [hbm:s5], s20  }
0x9e: {  	_ =	swait.ge [sflag:s22], s20  }
0x9f: {  	s4 =	ssub.s32 $0x0, s20;
	[sflag:s22] =	ssyncset.done $0x0  }
0xa0: {  	[sflag:s22] =	ssyncadd.s32 s4;
	_ =	sdelay $0x1  }
0xa1: {  	s23 =	simm.s32 $0x1B8B  }
0xa2: {  	_ =	swait.ge [sflag:s23], $0x1  }
0xa3: {  	[sflag:s23] =	ssyncset.done $0x0  }
0xa4: {  	s25 =	simm.s32 $0x1B8E;
	s24 =	sld [smem:$0x3FFE];
	[sflag:s23] =	ssyncadd.s32 $0xFFFFFFFF  }
0xa5: {  	s26 =	simm.s32 $execute0_lowered;
	[smem:$0x3FD2] =	sst s25  }
0xa6: {  	s5 =	sshll.u32 s26, $0x1;
	_ =	strace $0x80000046;
	[dreg:$0x1] =	wrdreg $0xFFFFFFFF  }
0xa7: {  	s28 =	simm.s32 $_size_execute0_lowered;
	s3 =	sadd.s32 s3, s5;
	[dreg:$0x0] =	wrdreg $0x0  }
0xa8: {  	s5 =	sshll.u32 s28, $0x1;
	[dreg:$0x2] =	wrdreg s3  }
0xa9: {  	[dreg:$0x3] =	wrdreg s5  }
0xaa: {  	[dreg:$0x4] =	wrdreg $0xC0  }
0xab: {  	_ =	task [dreg:s7], $0x5FFFF  }
0xac: {  	[dreg:$0x1] =	wrdreg $0xFFFFFFFF  }
0xad: {  	[dreg:$0x0] =	wrdreg $0x60  }
0xae: {  	[dreg:$0x2] =	wrdreg s24  }
0xaf: {  	[dreg:$0x3] =	wrdreg s2  }
0xb0: {  	[dreg:$0x4] =	wrdreg $0x9  }
0xb1: {  	_ =	task.clear_ibuf [dreg:s7], $0x5FFFF;
	_ =	strace $0x90000046  }
0xb2: {  	s29 =	simm.s32 $0x9;
	_ =	strace $0x80000048  }
0xb3: {  	_ =	swait.ge [sflag:s29], $0x1  }
0xb4: {  	[sflag:s29] =	ssyncadd.s32 $0xFFFFFFFF  }
0xb5: {  	_ =	strace $0x90000048  }
0xb6: {  	_ =	sfence  }
0xb7: {  	s30 =	sld [smem:$0x0];
	_ =	sdelay $0x2  }
0xb8: {  	s31 =	sshll.u32 s1, $0xD;
	s1 =	sshrl.u32 s1, $0x2  }
0xb9: {  	s3 =	sand.u32 $0x4000, s31;
	s1 =	sadd.s32 s1, s30  }
0xba: {  	s0 =	sor.u32 s3, s0;
	s1 =	sshll.u32 s1, $0x11  }
0xbb: {  	s0 =	sor.u32 s1, s0  }
0xbc: {  	s0 =	sadd.s32 $0x8F2B, s0  }
0xbd: {  	[sflag:s0] =	ssyncadd.remote.s32 $0x1  }
0xbe: {  	_ =	sfence.sel $0xFFFF  }
0xbf: {  	[dreg:$0x0] =	wrdreg $0xFFFFFFFF;
	(pc) =	sbr.abs _section_cstart, $3  }
0xc0: {  	[dreg:$0x1] =	wrdreg $0xFFFFFFFF  }
0xc1: {  	_ =	task.clear_ibuf [dreg:s7], $0x2FFFF;
	_ =	strace $0x9FFFFFFF  }
0xc2: {  	(tm) =	ssettm $0x7FFFFFFF  }
0xc3: {  	_ =	shalt  }
tec
execute0_lowered:
.L_overlay_start_1:
0x0: {  	(tag) =	ssettag $0x1  }
0x1: {  	s3 =	rddreg [dreg:$0x0]  }
0x2: {  	s5 =	rddreg [dreg:$0x1];
	s1 =	srdreg.scid  }
0x3: {  	s0 =	rddreg [dreg:$0x2];
	s2 =	simm.s32 $0x0;
	s4 =	sand.u32 $0x1, s1  }
0x4: {  	s9 =	simm.s32 $0x0;
	s1 =	stileid.u32;
	s6 =	sshll.u32 s4, $0x4  }
0x5: {  	[smem:$0x7FF] =	sst s2;
	s4 =	ssub.s32 $0x2, s4;
	s6 =	sor.u32 s1, s6  }
0x6: {  	s8 =	sshrl.u32 s4, $0x1;
	s7 =	sshll.u32 s6, $0xB;
	s6 =	smul.u32 $0x500, s6  }
0x7: {  	_ =	strace $0x80000047;
	s8 =	ssub.s32 s4, s8;
	s7 =	sadd.s32 s7, s3  }
0x8: {  	s3 =	sadd.s32 $0x22200, s3;
	s4 =	sadd.s32 $0x12200, s7;
	s5 =	sadd.s32 s5, s6  }
0x9: {  	v0 =	vimm.f32 $1.000000000e+00;
	s6 =	smax.u32 s8, $0x1;
	s7 =	simm.s32 $0x1;
	s8 =	simm.s32 $0x2800  }
.LBB2_1:
0xa: {  	[tilespmem:s2], [sflag:$0x1] =	stream.linear.gather [hbm4b:s3+s2], $0x2780, $0x38;
	[tilespmem:$0x6800] =	vst v63  }
0xb: {  	_ =	swait.ge [sflag:s7], $0x2780  }
0xc: {  	[sflag:s7] =	ssyncset.done $0x0  }
0xd: {  	[sflag:s7] =	ssyncadd.s32 $0xFFFFD880  }
0xe: {  	[tilespmem:s8], [sflag:$0x1] =	stream.linear.gather [hbm4b:s4+s2], $0x4000, $0x38;
	[tilespmem:$0x6800] =	vst v63  }
0xf: {  	_ =	swait.ge [sflag:s7], $0x4000  }
0x10: {  	[sflag:s7] =	ssyncset.done $0x0  }
0x11: {  	s10 =	simm.s32 $0x0;
	[sflag:s7] =	ssyncadd.s32 $0xFFFFC000  }
.LBB2_2:
0x12: {  	s11 =	sshra.s32 s10, $0x2  }
0x13: {  	v1 =	vld [tilespmem:s11+$0x2800];
	_ =	sdelay $0x7  }
0x14: {  	[tilespmem:v1+s2+$0x0] =	vst.idx.add.f32.msk $0xffff, v0  }
0x15: {  	v1 =	vld [tilespmem:s11+$0x2810];
	_ =	sdelay $0x7  }
0x16: {  	[tilespmem:v1+s2+$0x0] =	vst.idx.add.f32.msk $0xffff, v0  }
0x17: {  	v1 =	vld [tilespmem:s11+$0x2820];
	_ =	sdelay $0x7  }
0x18: {  	[tilespmem:v1+s2+$0x0] =	vst.idx.add.f32.msk $0xffff, v0  }
0x19: {  	v1 =	vld [tilespmem:s11+$0x2830];
	_ =	sdelay $0x7  }
0x1a: {  	[tilespmem:v1+s2+$0x0] =	vst.idx.add.f32.msk $0xffff, v0  }
0x1b: {  	v1 =	vld [tilespmem:s11+$0x2840];
	_ =	sdelay $0x2  }
0x1c: {  	p0 =	sne.s32 s10, $0xFE00  }
.Ltmp0:
0x1d: {  	_ = 	snop;
	(pc) =	sbr.rel @p0 .LBB2_2-.Ltmp0, $2  }
0x1e: {  	_ =	sdelay $0x2  }
0x1f: {  	s10 =	sadd.s32 $0x200, s10;
	[tilespmem:v1+s2+$0x0] =	vst.idx.add.f32.msk $0xffff, v0  }
0x20: {  	s9 =	sadd.s32 $0x1, s9  }
0x21: {  	p0 =	sne.s32 s9, s6  }
.Ltmp1:
0x22: {  	_ = 	snop;
	(pc) =	sbr.rel @p0 .LBB2_1-.Ltmp1, $4  }
0x23: {  	[hbm4b:s5+s2] =	stream.linear.scatter [tilespmem:s2], [sflag:$0x1], $0x2780, $0x38;
	[tilespmem:$0x6800] =	vst v63  }
0x24: {  	_ =	swait.ge [sflag:s7], $0x2780  }
0x25: {  	[sflag:s7] =	ssyncset.done $0x0  }
0x26: {  	[sflag:s7] =	ssyncadd.s32 $0xFFFFD880  }
0x27: {  	_ =	sfence.sel $0x180000  }
0x28: {  	[bflag:$0x0] =	sbarrier.arrive $0xFFFF  }
0x29: {  	p0 =	sne.s32 s1, $0x0;
	_ =	strace $0x90000047  }
0x2a: {  	s0 =	sadd.s32 @!p0 $0x100000, s0;
	[bflag:$0x2] =	sbarrier.arrive $0xFFFF  }
0x2b: {  	[sflag:s0] =	ssyncadd.tile.s32 @!p0 $0x1;
	_ =	shalt  }
.Lfunc_end2:
_tile_overlayer_lowered:
.L_overlay_start_2:
0x2c: {  	(tag) =	ssettag $0x2  }
0x2d: {  	s0 =	rddreg [dreg:$0x0];
	s2 =	stileid.u32  }
0x2e: {  	s1 =	rddreg [dreg:$0x1];
	p0 =	sne.s32 s2, $0x0  }
0x2f: {  	s3 =	rddreg [dreg:$0x2];
	[bflag:$0x3] =	sbarrier.arrive $0xFFFF;
	s2 =	simm.s32 @!p0 $0x1C01  }
0x30: {  	[timem:s3], [sflag:s2] =	dma.local @!p0 [hbm:s0], s1  }
0x31: {  	s0 =	simm.s32 @!p0 $0x1  }
0x32: {  	_ =	swait.ge @!p0 [sflag:s0], s1  }
0x33: {  	s1 =	ssub.s32 @!p0 $0x0, s1;
	[sflag:s0] =	ssyncset.done @!p0 $0x0  }
0x34: {  	[sflag:s0] =	ssyncadd.s32 @!p0 s1  }
0x35: {  	[bflag:$0x3] =	sbarrier.arrive $0xFFFF  }
0x36: {  	_ =	shalt  }

// kernel: kernel.13.cloned.1.call-start
scs
__scs_entry_jumppad:
0x0: {  	(pc) =	sbr.rel $0x88, $3  }
0x1: {  	(tag) =	ssettag $0x0;
	lr =	simm.s32 $0x1  }
0x2: {  	[smem:$0x3F9D] =	sst lr;
	_ =	strace $0xD0000000  }
0x3: {  	_ = 	snop  }
0x4: {  	_ = 	snop  }
0x5: {  	_ = 	snop  }
0x6: {  	_ = 	snop  }
0x7: {  	_ = 	snop  }
__scs_overlays_trampoline_lowered:
0x8: {  	[smem:$0x3FAC] =	sst s0  }
0x9: {  	[smem:$0x3FAD] =	sst s1  }
0xa: {  	[smem:$0x3FAE] =	sst s2  }
0xb: {  	[smem:$0x3FAF] =	sst s3  }
0xc: {  	[smem:$0x3FB0] =	sst s4  }
0xd: {  	[smem:$0x3FB1] =	sst s5  }
0xe: {  	[smem:$0x3FB2] =	sst s6  }
0xf: {  	[smem:$0x3FB3] =	sst s7  }
0x10: {  	[smem:$0x3FB4] =	sst s8  }
0x11: {  	[smem:$0x3FB5] =	sst s9;
	s0 =	simm.s32 @!p0 $0x0  }
0x12: {  	s1 =	sld [smem:$0x3F9B];
	s0 =	simm.s32 @p0 $0x1  }
0x13: {  	[smem:$0x3FB6] =	sst s0;
	s0 =	simm.s32 @!p1 $0x0  }
0x14: {  	s2 =	sld [smem:$0x3F9A];
	s0 =	simm.s32 @p1 $0x1  }
0x15: {  	[smem:$0x3FB7] =	sst s0;
	s0 =	simm.s32 @!p2 $0x0  }
0x16: {  	s3 =	sld [smem:$0x3FDB];
	s0 =	simm.s32 @p2 $0x1  }
0x17: {  	s4 =	simm.s32 $0x1BF5;
	[smem:$0x3FB9] =	sst s0  }
0x18: {  	s0 =	sld [smem:$0x3F9C];
	_ =	swait.ge [sflag:s4], $0x0  }
0x19: {  	s7 =	sld [smem:$0x3F9D]  }
0x1a: {  	s8 =	sadd.s32 $0xFFFFE003, lr  }
0x1b: {  	s9 =	sadd.s32 $0xFFFFFEF7, lr;
	s5 =	simm.s32 $0xFFFFFFFF;
	p2 =	slt.u32 s8, $0xFFFFF086  }
0x1c: {  	p1 =	slt.u32 s9, $0xF7A;
	s5 =	simm.s32 @!p2 $0x0  }
0x1d: {  	s5 =	simm.s32 @p1 $0x1;
	p0 =	seq.s32 s7, s2  }
0x1e: {  	s7 =	smul.u32 @!p0 $0xF7A, s2;
	p2 =	seq.s32 @!p0 s5, $0x0  }
0x1f: {  	s9 =	smul.u32 $0xF7A, s1;
	s8 =	simm.s32 @!p0 $0x1BF5;
	p2 =	por !p2, p0  }
0x20: {  	[sflag:s8] =	ssyncset.s32 @!p0 $0xFFFFF086;
	s6 =	sadd.s32 @!p0 s3, s7;
	s7 =	simm.s32 @!p0 $0x108  }
0x21: {  	s3 =	sadd.s32 s3, s9;
	s6 =	sadd.s32 @!p0 $0x88, s6;
	s7 =	simm.s32 @p2 $0x1082  }
0x22: {  	[simem:s7], [sflag:s8] =	dma.local @!p0 [hbm:s6], $0xF7A  }
0x23: {  	s9 =	sor.u32 $0xD0000000, s2;
	s6 =	simm.s32 $0x108;
	_ =	swait.ge @!p0 [sflag:s8], $0x0  }
0x24: {  	s3 =	sadd.s32 $0x88, s3;
	s6 =	simm.s32 @!p1 $0x1082;
	[sflag:s4] =	ssyncset.s32 $0xFFFFF086  }
0x25: {  	[simem:s6], [sflag:s4] =	dma.local [hbm:s3], $0xF7A  }
0x26: {  	[smem:$0x3F9D] =	sst s1;
	(tag) =	ssettag s2;
	_ =	strace s9  }
0x27: {  	s1 =	sld [smem:$0x3FAD]  }
0x28: {  	s2 =	sld [smem:$0x3FAE]  }
0x29: {  	s4 =	sld [smem:$0x3FB0]  }
0x2a: {  	p0 =	seq.s32 s5, $0x0;
	s5 =	sld [smem:$0x3FB1]  }
0x2b: {  	s6 =	sld [smem:$0x3FB2]  }
0x2c: {  	s7 =	sld [smem:$0x3FB3]  }
0x2d: {  	s3 =	simm.s32 $0x108;
	s8 =	sld [smem:$0x3FB4]  }
0x2e: {  	s3 =	simm.s32 @!p0 $0x1082;
	s9 =	sld [smem:$0x3FB5]  }
0x2f: {  	lr =	sadd.s32 s0, s3;
	s0 =	sld [smem:$0x3FAC]  }
0x30: {  	s3 =	sld [smem:$0x3FAF]  }
0x31: {  	[smem:$0x3FB8] =	sst s10  }
0x32: {  	s10 =	sld [smem:$0x3FB6];
	_ =	sdelay $0x3  }
0x33: {  	p0 =	seq.s32 s10, $0x1;
	s10 =	sld [smem:$0x3FB8];
	_ =	sdelay $0x3  }
0x34: {  	[smem:$0x3FB8] =	sst s10  }
0x35: {  	s10 =	sld [smem:$0x3FB7];
	_ =	sdelay $0x3  }
0x36: {  	p1 =	seq.s32 s10, $0x1;
	s10 =	sld [smem:$0x3FB8];
	_ =	sdelay $0x3  }
0x37: {  	[smem:$0x3FB8] =	sst s10  }
0x38: {  	s10 =	sld [smem:$0x3FB9]  }
0x39: {  	_ = 	snop;
	(pc) =	sbr.ind lr, $3  }
0x3a: {  	_ = 	snop  }
0x3b: {  	_ = 	snop  }
0x3c: {  	p2 =	seq.s32 s10, $0x1;
	s10 =	sld [smem:$0x3FB8]  }
0x3d: {  	_ =	shalt  }
0x3e: {  	_ =	shalt  }
0x3f: {  	_ =	shalt  }
0x40: {  	_ =	shalt  }
0x41: {  	_ =	shalt  }
0x42: {  	_ =	shalt  }
0x43: {  	_ =	shalt  }
0x44: {  	_ =	shalt  }
0x45: {  	_ =	shalt  }
0x46: {  	_ =	shalt  }
0x47: {  	_ =	shalt  }
0x48: {  	_ =	shalt  }
0x49: {  	_ =	shalt  }
0x4a: {  	_ =	shalt  }
0x4b: {  	_ =	shalt  }
0x4c: {  	_ =	shalt  }
0x4d: {  	_ =	shalt  }
0x4e: {  	_ =	shalt  }
0x4f: {  	_ =	shalt  }
0x50: {  	_ =	shalt  }
0x51: {  	_ =	shalt  }
0x52: {  	_ =	shalt  }
0x53: {  	_ =	shalt  }
0x54: {  	_ =	shalt  }
0x55: {  	_ =	shalt  }
0x56: {  	_ =	shalt  }
0x57: {  	_ =	shalt  }
0x58: {  	_ =	shalt  }
0x59: {  	_ =	shalt  }
0x5a: {  	_ =	shalt  }
0x5b: {  	_ =	shalt  }
0x5c: {  	_ =	shalt  }
0x5d: {  	_ =	shalt  }
0x5e: {  	_ =	shalt  }
0x5f: {  	_ =	shalt  }
0x60: {  	_ =	shalt  }
0x61: {  	_ =	shalt  }
0x62: {  	_ =	shalt  }
0x63: {  	_ =	shalt  }
0x64: {  	_ =	shalt  }
0x65: {  	_ =	shalt  }
0x66: {  	_ =	shalt  }
0x67: {  	_ =	shalt  }
0x68: {  	_ =	shalt  }
0x69: {  	_ =	shalt  }
0x6a: {  	_ =	shalt  }
0x6b: {  	_ =	shalt  }
0x6c: {  	_ =	shalt  }
0x6d: {  	_ =	shalt  }
0x6e: {  	_ =	shalt  }
0x6f: {  	_ =	shalt  }
0x70: {  	_ =	shalt  }
0x71: {  	_ =	shalt  }
0x72: {  	_ =	shalt  }
0x73: {  	_ =	shalt  }
0x74: {  	_ =	shalt  }
0x75: {  	_ =	shalt  }
0x76: {  	_ =	shalt  }
0x77: {  	_ =	shalt  }
0x78: {  	_ =	shalt  }
0x79: {  	_ =	shalt  }
0x7a: {  	_ =	shalt  }
0x7b: {  	_ =	shalt  }
0x7c: {  	_ =	shalt  }
0x7d: {  	_ =	shalt  }
0x7e: {  	_ =	shalt  }
0x7f: {  	_ =	shalt  }
0x80: {  	_ =	shalt  }
0x81: {  	_ =	shalt  }
0x82: {  	_ =	shalt  }
0x83: {  	_ =	shalt  }
0x84: {  	_ =	shalt  }
0x85: {  	_ =	shalt  }
0x86: {  	_ =	shalt  }
0x87: {  	_ =	shalt  }
.Lfunc_end0:
.L_simem_size_0:
called_computation.1_lowered:
.L_overlay_start_0:
0x88: {  	s2 =	sld [smem:$0x3FD9]  }
0x89: {  	s3 =	sld [smem:$0x3FFE];
	_ =	sdelay $0x1  }
0x8a: {  	s1 =	srdreg.scid  }
0x8b: {  	s0 =	sand.u32 $0x1, s1  }
0x8c: {  	s17 =	sshll.u32 s0, $0xA;
	s2 =	sadd.s32 s3, s2  }
0x8d: {  	s2 =	sadd.s32 s2, s17  }
0x8e: {  	[smem:$0x3FC4] =	sst s2  }
0x8f: {  	_ = 	snop  }
0x90: {  	s2 =	sld [smem:$0x3FD0];
	(tm) =	ssettm $0x1  }
0x91: {  	s18 =	sld [smem:$0x3FFB];
	_ =	sdelay $0x3  }
0x92: {  	_ =	strace s18  }
0x93: {  	s3 =	sld [smem:$0x3FFC];
	_ =	sdelay $0x3  }
0x94: {  	_ =	strace s3  }
0x95: {  	s3 =	sld [smem:$0x3FFD];
	_ =	sdelay $0x3  }
0x96: {  	_ =	strace s3  }
0x97: {  	_ =	strace $0x8FFFFFFF  }
0x98: {  	s19 =	sld [smem:$0x3FDB];
	_ =	sdelay $0x1  }
0x99: {  	s4 =	simm.s32 $_scs_section_size  }
0x9a: {  	s5 =	simm.s32 $_size__tile_overlayer_lowered;
	s6 =	simm.s32 $_tile_overlayer_lowered  }
0x9b: {  	s22 =	simm.s32 $0x1BFF;
	s21 =	sshll.u32 s6, $0x1;
	s3 =	sadd.s32 s4, s19  }
0x9c: {  	s7 =	simm.s32 $0x0;
	s20 =	sshll.u32 s5, $0x1;
	s5 =	sadd.s32 s21, s3  }
0x9d: {  	[timem:s7], [sflag:s22] =	dma.local [hbm:s5], s20  }
0x9e: {  	_ =	swait.ge [sflag:s22], s20  }
0x9f: {  	s4 =	ssub.s32 $0x0, s20;
	[sflag:s22] =	ssyncset.done $0x0  }
0xa0: {  	[sflag:s22] =	ssyncadd.s32 s4;
	_ =	sdelay $0x1  }
0xa1: {  	s23 =	simm.s32 $0x1B8B  }
0xa2: {  	_ =	swait.ge [sflag:s23], $0x1  }
0xa3: {  	[sflag:s23] =	ssyncset.done $0x0  }
0xa4: {  	s25 =	simm.s32 $0x1B8E;
	s24 =	sld [smem:$0x3FFE];
	[sflag:s23] =	ssyncadd.s32 $0xFFFFFFFF  }
0xa5: {  	s26 =	simm.s32 $execute0_lowered;
	[smem:$0x3FD2] =	sst s25  }
0xa6: {  	s5 =	sshll.u32 s26, $0x1;
	_ =	strace $0x80000049;
	[dreg:$0x1] =	wrdreg $0xFFFFFFFF  }
0xa7: {  	s28 =	simm.s32 $_size_execute0_lowered;
	s3 =	sadd.s32 s3, s5;
	[dreg:$0x0] =	wrdreg $0x0  }
0xa8: {  	s5 =	sshll.u32 s28, $0x1;
	[dreg:$0x2] =	wrdreg s3  }
0xa9: {  	[dreg:$0x3] =	wrdreg s5  }
0xaa: {  	[dreg:$0x4] =	wrdreg $0xC0  }
0xab: {  	_ =	task [dreg:s7], $0x5FFFF  }
0xac: {  	[dreg:$0x1] =	wrdreg $0xFFFFFFFF  }
0xad: {  	[dreg:$0x0] =	wrdreg $0x60  }
0xae: {  	[dreg:$0x2] =	wrdreg s2  }
0xaf: {  	[dreg:$0x3] =	wrdreg s24  }
0xb0: {  	[dreg:$0x4] =	wrdreg $0x0  }
0xb1: {  	[dreg:$0x5] =	wrdreg $0x9  }
0xb2: {  	_ =	task.clear_ibuf [dreg:s7], $0x6FFFF;
	_ =	strace $0x90000049  }
0xb3: {  	s29 =	simm.s32 $0x9;
	_ =	strace $0x8000004B  }
0xb4: {  	_ =	swait.ge [sflag:s29], $0x1  }
0xb5: {  	[sflag:s29] =	ssyncadd.s32 $0xFFFFFFFF  }
0xb6: {  	_ =	strace $0x9000004B  }
0xb7: {  	_ =	sfence  }
0xb8: {  	s30 =	sld [smem:$0x0];
	_ =	sdelay $0x2  }
0xb9: {  	s31 =	sshll.u32 s1, $0xD;
	s1 =	sshrl.u32 s1, $0x2  }
0xba: {  	s3 =	sand.u32 $0x4000, s31;
	s1 =	sadd.s32 s1, s30  }
0xbb: {  	s0 =	sor.u32 s3, s0;
	s1 =	sshll.u32 s1, $0x11  }
0xbc: {  	s0 =	sor.u32 s1, s0  }
0xbd: {  	s0 =	sadd.s32 $0x8F2B, s0  }
0xbe: {  	[sflag:s0] =	ssyncadd.remote.s32 $0x1  }
0xbf: {  	_ =	sfence.sel $0xFFFF  }
0xc0: {  	[dreg:$0x0] =	wrdreg $0xFFFFFFFF;
	(pc) =	sbr.abs _section_cstart, $3  }
0xc1: {  	[dreg:$0x1] =	wrdreg $0xFFFFFFFF  }
0xc2: {  	_ =	task.clear_ibuf [dreg:s7], $0x2FFFF;
	_ =	strace $0x9FFFFFFF  }
0xc3: {  	(tm) =	ssettm $0x7FFFFFFF  }
tec
execute0_lowered:
.L_overlay_start_1:
0x0: {  	(tag) =	ssettag $0x1  }
0x1: {  	s1 =	rddreg [dreg:$0x0]  }
0x2: {  	s0 =	rddreg [dreg:$0x1]  }
0x3: {  	s2 =	rddreg [dreg:$0x2];
	s4 =	simm.s32 $0x0  }
0x4: {  	s3 =	srdreg.scid;
	s9 =	stileid.u32;
	s28 =	simm.s32 $0x50  }
0x5: {  	s30 =	simm.s32 $0x16400;
	s29 =	simm.s32 $0x1B400;
	s10 =	simm.s32 $0x2  }
0x6: {  	s13 =	simm.s32 $0x3;
	s14 =	simm.s32 $0x1E280;
	s15 =	simm.s32 $0x1E900  }
0x7: {  	[smem:$0x7FF] =	sst s4;
	s3 =	sand.u32 $0x1, s3;
	s16 =	smul.u32 $0x4F000, s9  }
0x8: {  	s6 =	sshll.u32 s9, $0xB;
	s8 =	sadd.s32 $0x22200, s0;
	s31 =	smul.u32 $0x2780, s9  }
0x9: {  	_ =	strace $0x8000004A;
	s5 =	sshll.u32 s3, $0xF;
	s7 =	smul.u32 $0x27800, s3  }
0xa: {  	[dreg:$0x4] =	wrdreg s8;
	s5 =	sor.u32 s6, s5;
	s18 =	sshrl.u32 s16, $0x2  }
0xb: {  	s5 =	sadd.s32 s5, s0;
	s0 =	sadd.s32 s7, s0;
	s11 =	sadd.s32 s18, s2  }
0xc: {  	s6 =	sadd.s32 $0x2200, s5;
	s19 =	sadd.s32 $0x2280, s5;
	[dreg:$0x5] =	wrdreg s11  }
0xd: {  	s7 =	sadd.s32 $0x12200, s5;
	s5 =	sadd.s32 $0x12280, s5;
	[dreg:$0x6] =	wrdreg s19  }
0xe: {  	s9 =	simm.s32 $0x0;
	s20 =	sadd.s32 $0x2800, s11;
	[dreg:$0x7] =	wrdreg s5  }
0xf: {  	s3 =	ssub.s32 $0x2, s3;
	s21 =	sadd.s32 $0x5000, s11;
	[dreg:$0x8] =	wrdreg s20  }
0x10: {  	s8 =	simm.s32 $0x1EA00;
	s22 =	sadd.s32 $0x7800, s11;
	[dreg:$0x9] =	wrdreg s21  }
0x11: {  	s17 =	sshrl.u32 s3, $0x1;
	s23 =	sadd.s32 $0xA000, s11;
	[dreg:$0xa] =	wrdreg s22  }
0x12: {  	s16 =	simm.s32 $0x4;
	s24 =	sadd.s32 $0xC800, s11;
	[dreg:$0xb] =	wrdreg s23  }
0x13: {  	s3 =	ssub.s32 s3, s17;
	s25 =	sadd.s32 $0xF000, s11;
	[dreg:$0xc] =	wrdreg s24  }
0x14: {  	s17 =	simm.s32 $0x1E980;
	s26 =	sadd.s32 $0x11800, s11;
	[dreg:$0xd] =	wrdreg s25  }
0x15: {  	s18 =	simm.s32 $0x1E380;
	s3 =	smax.u32 s3, $0x1;
	[dreg:$0xe] =	wrdreg s26  }
.Ltmp0:
0x16: {  	s0 =	sadd.s32 $0x22800, s0;
	[dreg:$0xf] =	wrdreg s3;
	(pc) =	sbr.rel .LBB2_1-.Ltmp0, $4  }
0x17: {  	s21 =	simm.s32 $0x1E000;
	s22 =	simm.s32 $0x1E800;
	s23 =	simm.s32 $0x13C00  }
0x18: {  	s0 =	sadd.s32 s31, s0;
	s25 =	simm.s32 $0x7;
	s5 =	simm.s32 $0x1  }
0x19: {  	s24 =	simm.s32 $0x6;
	s19 =	simm.s32 $0x1E300;
	s26 =	simm.s32 $0x1EB00  }
0x1a: {  	s20 =	simm.s32 $0x1EB80;
	[dreg:$0x10] =	wrdreg s0;
	s0 =	simm.s32 $0x18C00  }
.LBB2_4:
0x1b: {  	_ =	swait.ge [sflag:s16], $0x2800  }
0x1c: {  	[sflag:s16] =	ssyncset.done $0x0  }
0x1d: {  	[sflag:s16] =	ssyncadd.s32 $0xFFFFD800  }
0x1e: {  	[spmem:s2] =	stream.indirect.scatter.add.f32 [tilespmem:s29], [sflag:$0x7], $0x80, s20, s28, $0xb8;
	[tilespmem:$0x1EC00] =	vst v63  }
0x1f: {  	_ =	swait.ge [sflag:s25], $0x2800  }
0x20: {  	[sflag:s25] =	ssyncset.done $0x0  }
0x21: {  	[sflag:s25] =	ssyncadd.s32 $0xFFFFD800  }
0x22: {  	s3 =	stileid.u32;
	[bflag:$0x0] =	sbarrier.arrive $0xFFFF  }
0x23: {  	s3 =	sshll.u32 s3, $0x6;
	s11 =	rddreg [dreg:$0x5]  }
0x24: {  	s3 =	sor.u32 $0x1C07, s3;
	s12 =	rddreg [dreg:$0x10];
	s9 =	sshrl.u32 s11, $0x3  }
0x25: {  	[hbm:s12], [sflag:s3] =	dma.local [spmem:s9], $0x2780  }
0x26: {  	_ =	swait.ge [sflag:s25], $0x2780  }
0x27: {  	s12 =	rddreg [dreg:$0x11]  }
0x28: {  	s31 =	rddreg [dreg:$0xf];
	s9 =	sadd.s32 $0x1, s12  }
0x29: {  	p0 =	sne.s32 s9, s31  }
.Ltmp1:
0x2a: {  	_ = 	snop;
	(pc) =	sbr.rel @!p0 .LBB2_5-.Ltmp1, $3  }
0x2b: {  	_ =	sdelay $0x1  }
0x2c: {  	[sflag:s25] =	ssyncset.done $0x0  }
0x2d: {  	[sflag:s25] =	ssyncadd.s32 $0xFFFFD880  }
.LBB2_1:
0x2e: {  	[dreg:$0x11] =	wrdreg s9;
	s9 =	simm.s32 $0x1DC00  }
0x2f: {  	[tilespmem:s9], [sflag:$0x5] =	stream.linear.gather [hbm4b:s6+s4], $0x400, $0x38;
	[tilespmem:$0x1EC00] =	vst v63  }
0x30: {  	s3 =	simm.s32 $0x1E400  }
0x31: {  	[tilespmem:s3], [sflag:$0x5] =	stream.linear.gather [hbm4b:s7+s4], $0x400, $0x38;
	[tilespmem:$0x1EC00] =	vst v63  }
0x32: {  	s12 =	rddreg [dreg:$0x6]  }
0x33: {  	[tilespmem:s21], [sflag:$0x6] =	stream.linear.gather [hbm4b:s12+s4], $0x400, $0x38;
	[tilespmem:$0x1EC00] =	vst v63  }
0x34: {  	s12 =	rddreg [dreg:$0x7]  }
0x35: {  	[tilespmem:s22], [sflag:$0x6] =	stream.linear.gather [hbm4b:s12+s4], $0x400, $0x38;
	[tilespmem:$0x1EC00] =	vst v63  }
0x36: {  	s12 =	rddreg [dreg:$0x4]  }
0x37: {  	[tilespmem:s23], [sflag:$0x7] =	stream.linear.gather [hbm4b:s12+s4], $0x2800, $0x38;
	[tilespmem:$0x1EC00] =	vst v63  }
0x38: {  	_ =	swait.ge [sflag:s25], $0x2800  }
0x39: {  	[sflag:s25] =	ssyncset.done $0x0  }
0x3a: {  	[sflag:s25] =	ssyncadd.s32 $0xFFFFD800  }
0x3b: {  	[spmem:s11] =	stream.linear.scatter [tilespmem:s23], [sflag:$0x7], $0x2800, $0x38;
	[tilespmem:$0x1EC00] =	vst v63  }
0x3c: {  	_ =	swait.ge [sflag:s25], $0x2800  }
0x3d: {  	[sflag:s25] =	ssyncset.done $0x0  }
0x3e: {  	s11 =	rddreg [dreg:$0x8];
	[sflag:s25] =	ssyncadd.s32 $0xFFFFD800  }
0x3f: {  	[spmem:s11] =	stream.linear.scatter [tilespmem:s23], [sflag:$0x7], $0x2800, $0x38;
	[tilespmem:$0x1EC00] =	vst v63  }
0x40: {  	_ =	swait.ge [sflag:s25], $0x2800  }
0x41: {  	[sflag:s25] =	ssyncset.done $0x0  }
0x42: {  	s12 =	rddreg [dreg:$0x9];
	[sflag:s25] =	ssyncadd.s32 $0xFFFFD800  }
0x43: {  	[spmem:s12] =	stream.linear.scatter [tilespmem:s23], [sflag:$0x7], $0x2800, $0x38;
	[tilespmem:$0x1EC00] =	vst v63  }
0x44: {  	_ =	swait.ge [sflag:s25], $0x2800  }
0x45: {  	[sflag:s25] =	ssyncset.done $0x0  }
0x46: {  	s11 =	rddreg [dreg:$0xa];
	[sflag:s25] =	ssyncadd.s32 $0xFFFFD800  }
0x47: {  	[spmem:s11] =	stream.linear.scatter [tilespmem:s23], [sflag:$0x7], $0x2800, $0x38;
	[tilespmem:$0x1EC00] =	vst v63  }
0x48: {  	_ =	swait.ge [sflag:s25], $0x2800  }
0x49: {  	[sflag:s25] =	ssyncset.done $0x0  }
0x4a: {  	s12 =	rddreg [dreg:$0xb];
	[sflag:s25] =	ssyncadd.s32 $0xFFFFD800  }
0x4b: {  	[spmem:s12] =	stream.linear.scatter [tilespmem:s23], [sflag:$0x7], $0x2800, $0x38;
	[tilespmem:$0x1EC00] =	vst v63  }
0x4c: {  	_ =	swait.ge [sflag:s25], $0x2800  }
0x4d: {  	[sflag:s25] =	ssyncset.done $0x0  }
0x4e: {  	s11 =	rddreg [dreg:$0xc];
	[sflag:s25] =	ssyncadd.s32 $0xFFFFD800  }
0x4f: {  	[spmem:s11] =	stream.linear.scatter [tilespmem:s23], [sflag:$0x7], $0x2800, $0x38;
	[tilespmem:$0x1EC00] =	vst v63  }
0x50: {  	_ =	swait.ge [sflag:s25], $0x2800  }
0x51: {  	[sflag:s25] =	ssyncset.done $0x0  }
0x52: {  	s12 =	rddreg [dreg:$0xd];
	[sflag:s25] =	ssyncadd.s32 $0xFFFFD800  }
0x53: {  	[spmem:s12] =	stream.linear.scatter [tilespmem:s23], [sflag:$0x7], $0x2800, $0x38;
	[tilespmem:$0x1EC00] =	vst v63  }
0x54: {  	_ =	swait.ge [sflag:s25], $0x2800  }
0x55: {  	[sflag:s25] =	ssyncset.done $0x0  }
0x56: {  	s11 =	rddreg [dreg:$0xe];
	[sflag:s25] =	ssyncadd.s32 $0xFFFFD800  }
0x57: {  	[spmem:s11] =	stream.linear.scatter [tilespmem:s23], [sflag:$0x7], $0x2400, $0x38;
	[tilespmem:$0x1EC00] =	vst v63  }
0x58: {  	_ =	swait.ge [sflag:s25], $0x2400  }
0x59: {  	[sflag:s25] =	ssyncset.done $0x0  }
0x5a: {  	[sflag:s25] =	ssyncadd.s32 $0xFFFFDC00  }
0x5b: {  	s12 =	simm.s32 $0x5;
	[bflag:$0x0] =	sbarrier.arrive $0xFFFF  }
0x5c: {  	_ =	swait.ge [sflag:s12], $0x400  }
0x5d: {  	[sflag:s12] =	ssyncset.done $0x0  }
0x5e: {  	[sflag:s12] =	ssyncadd.s32 $0xFFFFFC00  }
0x5f: {  	_ =	swait.ge [sflag:s12], $0x400  }
0x60: {  	[sflag:s12] =	ssyncset.done $0x0  }
0x61: {  	[sflag:s12] =	ssyncadd.s32 $0xFFFFFC00  }
0x62: {  	[tilespmem:s23], [sflag:$0x1] =	stream.indirect.gather [hbm4b:s1+s28], $0x80, s9, s28, $0xb8;
	[tilespmem:$0x1EC00] =	vst v63  }
0x63: {  	s9 =	simm.s32 $0x1DC80  }
0x64: {  	[tilespmem:s30], [sflag:$0x2] =	stream.indirect.gather [hbm4b:s1+s28], $0x80, s9, s28, $0xb8;
	[tilespmem:$0x1EC00] =	vst v63  }
0x65: {  	s11 =	simm.s32 $0x1DD00  }
0x66: {  	[tilespmem:s0], [sflag:$0x3] =	stream.indirect.gather [hbm4b:s1+s28], $0x80, s11, s28, $0xb8;
	[tilespmem:$0x1EC00] =	vst v63  }
0x67: {  	s31 =	simm.s32 $0xFFFFF900;
	s12 =	simm.s32 $0x1DD80  }
0x68: {  	[tilespmem:s29], [sflag:$0x4] =	stream.indirect.gather [hbm4b:s1+s28], $0x80, s12, s28, $0xb8;
	[tilespmem:$0x1EC00] =	vst v63  }
.LBB2_2:
0x69: {  	_ =	swait.ge [sflag:s5], $0x2800  }
0x6a: {  	[sflag:s5] =	ssyncset.done $0x0  }
0x6b: {  	s3 =	simm.s32 $0x1E400;
	[sflag:s5] =	ssyncadd.s32 $0xFFFFD800  }
0x6c: {  	[spmem:s2] =	stream.indirect.scatter.add.f32 [tilespmem:s23], [sflag:$0x7], $0x80, s3, s28, $0xb8;
	[tilespmem:$0x1EC00] =	vst v63  }
0x6d: {  	_ =	swait.ge [sflag:s25], $0x2800  }
0x6e: {  	[sflag:s25] =	ssyncset.done $0x0  }
0x6f: {  	s12 =	simm.s32 $0x1DE00;
	[sflag:s25] =	ssyncadd.s32 $0xFFFFD800  }
0x70: {  	[tilespmem:s23], [sflag:$0x1] =	stream.indirect.gather [hbm4b:s1+s28], $0x80, s12, s28, $0xb8;
	[tilespmem:$0x1EC00] =	vst v63  }
0x71: {  	_ =	swait.ge [sflag:s10], $0x2800  }
0x72: {  	[sflag:s10] =	ssyncset.done $0x0  }
0x73: {  	s9 =	simm.s32 $0x1E480;
	[sflag:s10] =	ssyncadd.s32 $0xFFFFD800  }
0x74: {  	[spmem:s2] =	stream.indirect.scatter.add.f32 [tilespmem:s30], [sflag:$0x7], $0x80, s9, s28, $0xb8;
	[tilespmem:$0x1EC00] =	vst v63  }
0x75: {  	_ =	swait.ge [sflag:s25], $0x2800  }
0x76: {  	[sflag:s25] =	ssyncset.done $0x0  }
0x77: {  	s11 =	simm.s32 $0x1DE80;
	[sflag:s25] =	ssyncadd.s32 $0xFFFFD800  }
0x78: {  	[tilespmem:s30], [sflag:$0x2] =	stream.indirect.gather [hbm4b:s1+s28], $0x80, s11, s28, $0xb8;
	[tilespmem:$0x1EC00] =	vst v63  }
0x79: {  	_ =	swait.ge [sflag:s13], $0x2800  }
0x7a: {  	[sflag:s13] =	ssyncset.done $0x0  }
0x7b: {  	s12 =	simm.s32 $0x1E500;
	[sflag:s13] =	ssyncadd.s32 $0xFFFFD800  }
0x7c: {  	[spmem:s2] =	stream.indirect.scatter.add.f32 [tilespmem:s0], [sflag:$0x7], $0x80, s12, s28, $0xb8;
	[tilespmem:$0x1EC00] =	vst v63  }
0x7d: {  	_ =	swait.ge [sflag:s25], $0x2800  }
0x7e: {  	[sflag:s25] =	ssyncset.done $0x0  }
0x7f: {  	s9 =	simm.s32 $0x1DF00;
	[sflag:s25] =	ssyncadd.s32 $0xFFFFD800  }
0x80: {  	[tilespmem:s0], [sflag:$0x3] =	stream.indirect.gather [hbm4b:s1+s28], $0x80, s9, s28, $0xb8;
	[tilespmem:$0x1EC00] =	vst v63  }
0x81: {  	_ =	swait.ge [sflag:s16], $0x2800  }
0x82: {  	[sflag:s16] =	ssyncset.done $0x0  }
0x83: {  	s11 =	simm.s32 $0x1E580;
	[sflag:s16] =	ssyncadd.s32 $0xFFFFD800  }
0x84: {  	[spmem:s2] =	stream.indirect.scatter.add.f32 [tilespmem:s29], [sflag:$0x7], $0x80, s11, s28, $0xb8;
	[tilespmem:$0x1EC00] =	vst v63  }
0x85: {  	_ =	swait.ge [sflag:s25], $0x2800  }
0x86: {  	[sflag:s25] =	ssyncset.done $0x0  }
0x87: {  	s12 =	simm.s32 $0x1DF80;
	[sflag:s25] =	ssyncadd.s32 $0xFFFFD800  }
0x88: {  	[tilespmem:s29], [sflag:$0x4] =	stream.indirect.gather [hbm4b:s1+s28], $0x80, s12, s28, $0xb8;
	[tilespmem:$0x1EC00] =	vst v63  }
0x89: {  	_ =	swait.ge [sflag:s5], $0x2800  }
0x8a: {  	[sflag:s5] =	ssyncset.done $0x0  }
0x8b: {  	s9 =	simm.s32 $0x1E600;
	[sflag:s5] =	ssyncadd.s32 $0xFFFFD800  }
0x8c: {  	[spmem:s2] =	stream.indirect.scatter.add.f32 [tilespmem:s23], [sflag:$0x7], $0x80, s9, s28, $0xb8;
	[tilespmem:$0x1EC00] =	vst v63  }
0x8d: {  	_ =	swait.ge [sflag:s25], $0x2800  }
0x8e: {  	[sflag:s25] =	ssyncset.done $0x0  }
0x8f: {  	[sflag:s25] =	ssyncadd.s32 $0xFFFFD800  }
0x90: {  	_ =	swait.ge [sflag:s24], $0x400  }
0x91: {  	[sflag:s24] =	ssyncset.done $0x0  }
0x92: {  	[sflag:s24] =	ssyncadd.s32 $0xFFFFFC00  }
0x93: {  	_ =	swait.ge [sflag:s24], $0x400  }
0x94: {  	[sflag:s24] =	ssyncset.done $0x0  }
0x95: {  	[sflag:s24] =	ssyncadd.s32 $0xFFFFFC00  }
0x96: {  	[tilespmem:s23], [sflag:$0x1] =	stream.indirect.gather [hbm4b:s1+s28], $0x80, s21, s28, $0xb8;
	[tilespmem:$0x1EC00] =	vst v63  }
0x97: {  	_ =	swait.ge [sflag:s10], $0x2800  }
0x98: {  	[sflag:s10] =	ssyncset.done $0x0  }
0x99: {  	s11 =	simm.s32 $0x1E680;
	[sflag:s10] =	ssyncadd.s32 $0xFFFFD800  }
0x9a: {  	[spmem:s2] =	stream.indirect.scatter.add.f32 [tilespmem:s30], [sflag:$0x7], $0x80, s11, s28, $0xb8;
	[tilespmem:$0x1EC00] =	vst v63  }
0x9b: {  	_ =	swait.ge [sflag:s25], $0x2800  }
0x9c: {  	[sflag:s25] =	ssyncset.done $0x0  }
0x9d: {  	s12 =	simm.s32 $0x1E080;
	[sflag:s25] =	ssyncadd.s32 $0xFFFFD800  }
0x9e: {  	[tilespmem:s30], [sflag:$0x2] =	stream.indirect.gather [hbm4b:s1+s28], $0x80, s12, s28, $0xb8;
	[tilespmem:$0x1EC00] =	vst v63  }
0x9f: {  	_ =	swait.ge [sflag:s13], $0x2800  }
0xa0: {  	[sflag:s13] =	ssyncset.done $0x0  }
0xa1: {  	s9 =	simm.s32 $0x1E700;
	[sflag:s13] =	ssyncadd.s32 $0xFFFFD800  }
0xa2: {  	[spmem:s2] =	stream.indirect.scatter.add.f32 [tilespmem:s0], [sflag:$0x7], $0x80, s9, s28, $0xb8;
	[tilespmem:$0x1EC00] =	vst v63  }
0xa3: {  	_ =	swait.ge [sflag:s25], $0x2800  }
0xa4: {  	[sflag:s25] =	ssyncset.done $0x0  }
0xa5: {  	s11 =	simm.s32 $0x1E100;
	[sflag:s25] =	ssyncadd.s32 $0xFFFFD800  }
0xa6: {  	[tilespmem:s0], [sflag:$0x3] =	stream.indirect.gather [hbm4b:s1+s28], $0x80, s11, s28, $0xb8;
	[tilespmem:$0x1EC00] =	vst v63  }
0xa7: {  	_ =	swait.ge [sflag:s16], $0x2800  }
0xa8: {  	[sflag:s16] =	ssyncset.done $0x0  }
0xa9: {  	s12 =	simm.s32 $0x1E780;
	[sflag:s16] =	ssyncadd.s32 $0xFFFFD800  }
0xaa: {  	[spmem:s2] =	stream.indirect.scatter.add.f32 [tilespmem:s29], [sflag:$0x7], $0x80, s12, s28, $0xb8;
	[tilespmem:$0x1EC00] =	vst v63  }
0xab: {  	_ =	swait.ge [sflag:s25], $0x2800  }
0xac: {  	p0 =	seq.s32 s31, $0x0;
	[sflag:s25] =	ssyncset.done $0x0  }
0xad: {  	s3 =	sadd.s32 @!p0 s31, s6;
	s9 =	simm.s32 $0x1E180;
	[sflag:s25] =	ssyncadd.s32 $0xFFFFD800  }
0xae: {  	[tilespmem:s29], [sflag:$0x4] =	stream.indirect.gather [hbm4b:s1+s28], $0x80, s9, s28, $0xb8;
	[tilespmem:$0x1EC00] =	vst v63  }
0xaf: {  	s11 =	simm.s32 @!p0 $0x0;
	s9 =	sadd.s32 @!p0 $0x800, s3;
	s3 =	simm.s32 @!p0 $0x1DC00  }
0xb0: {  	[tilespmem:s3], [sflag:$0x5] =	stream.linear.gather @!p0 [hbm4b:s9+s11], $0x400, $0x38;
	[tilespmem:$0x1EC00] =	vst v63  }
0xb1: {  	s9 =	sadd.s32 @!p0 s31, s7  }
0xb2: {  	s12 =	simm.s32 @!p0 $0x1E400;
	s9 =	sadd.s32 @!p0 $0x800, s9  }
0xb3: {  	[tilespmem:s12], [sflag:$0x5] =	stream.linear.gather @!p0 [hbm4b:s9+s11], $0x400, $0x38;
	[tilespmem:$0x1EC00] =	vst v63  }
0xb4: {  	_ =	swait.ge [sflag:s5], $0x2800  }
0xb5: {  	[sflag:s5] =	ssyncset.done $0x0  }
0xb6: {  	[sflag:s5] =	ssyncadd.s32 $0xFFFFD800  }
0xb7: {  	[spmem:s2] =	stream.indirect.scatter.add.f32 [tilespmem:s23], [sflag:$0x7], $0x80, s22, s28, $0xb8;
	[tilespmem:$0x1EC00] =	vst v63  }
0xb8: {  	_ =	swait.ge [sflag:s25], $0x2800  }
0xb9: {  	[sflag:s25] =	ssyncset.done $0x0  }
0xba: {  	s11 =	simm.s32 $0x1E200;
	[sflag:s25] =	ssyncadd.s32 $0xFFFFD800  }
0xbb: {  	[tilespmem:s23], [sflag:$0x1] =	stream.indirect.gather [hbm4b:s1+s28], $0x80, s11, s28, $0xb8;
	[tilespmem:$0x1EC00] =	vst v63  }
0xbc: {  	_ =	swait.ge [sflag:s10], $0x2800  }
0xbd: {  	[sflag:s10] =	ssyncset.done $0x0  }
0xbe: {  	s12 =	simm.s32 $0x1E880;
	[sflag:s10] =	ssyncadd.s32 $0xFFFFD800  }
0xbf: {  	[spmem:s2] =	stream.indirect.scatter.add.f32 [tilespmem:s30], [sflag:$0x7], $0x80, s12, s28, $0xb8;
	[tilespmem:$0x1EC00] =	vst v63  }
0xc0: {  	_ =	swait.ge [sflag:s25], $0x2800  }
0xc1: {  	[sflag:s25] =	ssyncset.done $0x0  }
0xc2: {  	[sflag:s25] =	ssyncadd.s32 $0xFFFFD800  }
0xc3: {  	[tilespmem:s30], [sflag:$0x2] =	stream.indirect.gather [hbm4b:s1+s28], $0x80, s14, s28, $0xb8;
	[tilespmem:$0x1EC00] =	vst v63  }
0xc4: {  	_ =	swait.ge [sflag:s13], $0x2800  }
0xc5: {  	[sflag:s13] =	ssyncset.done $0x0  }
0xc6: {  	[sflag:s13] =	ssyncadd.s32 $0xFFFFD800  }
0xc7: {  	[spmem:s2] =	stream.indirect.scatter.add.f32 [tilespmem:s0], [sflag:$0x7], $0x80, s15, s28, $0xb8;
	[tilespmem:$0x1EC00] =	vst v63  }
0xc8: {  	_ =	swait.ge [sflag:s25], $0x2800  }
0xc9: {  	[sflag:s25] =	ssyncset.done $0x0  }
0xca: {  	[sflag:s25] =	ssyncadd.s32 $0xFFFFD800  }
0xcb: {  	[tilespmem:s0], [sflag:$0x3] =	stream.indirect.gather [hbm4b:s1+s28], $0x80, s19, s28, $0xb8;
	[tilespmem:$0x1EC00] =	vst v63  }
0xcc: {  	_ =	swait.ge [sflag:s16], $0x2800  }
0xcd: {  	[sflag:s16] =	ssyncset.done $0x0  }
0xce: {  	[sflag:s16] =	ssyncadd.s32 $0xFFFFD800  }
0xcf: {  	[spmem:s2] =	stream.indirect.scatter.add.f32 [tilespmem:s29], [sflag:$0x7], $0x80, s17, s28, $0xb8;
	[tilespmem:$0x1EC00] =	vst v63  }
0xd0: {  	_ =	swait.ge [sflag:s25], $0x2800  }
0xd1: {  	[sflag:s25] =	ssyncset.done $0x0  }
0xd2: {  	[sflag:s25] =	ssyncadd.s32 $0xFFFFD800  }
0xd3: {  	[tilespmem:s29], [sflag:$0x4] =	stream.indirect.gather [hbm4b:s1+s28], $0x80, s18, s28, $0xb8;
	[tilespmem:$0x1EC00] =	vst v63  }
0xd4: {  	_ =	swait.ge [sflag:s5], $0x2800  }
0xd5: {  	[sflag:s5] =	ssyncset.done $0x0  }
0xd6: {  	[sflag:s5] =	ssyncadd.s32 $0xFFFFD800  }
0xd7: {  	[spmem:s2] =	stream.indirect.scatter.add.f32 [tilespmem:s23], [sflag:$0x7], $0x80, s8, s28, $0xb8;
	[tilespmem:$0x1EC00] =	vst v63  }
0xd8: {  	_ =	swait.ge [sflag:s25], $0x2800  }
0xd9: {  	[sflag:s25] =	ssyncset.done $0x0  }
0xda: {  	s9 =	simm.s32 @p0 $0x2;
	[sflag:s25] =	ssyncadd.s32 $0xFFFFD800  }
0xdb: {  	_ =	swait.ge @p0 [sflag:s9], $0x2800  }
0xdc: {  	s11 =	simm.s32 @p0 $0x1EA80;
	[sflag:s9] =	ssyncset.done @p0 $0x0  }
0xdd: {  	s12 =	simm.s32 @p0 $0x16400;
	[sflag:s9] =	ssyncadd.s32 @p0 $0xFFFFD800;
	s9 =	simm.s32 @p0 $0x50  }
0xde: {  	[spmem:s2] =	stream.indirect.scatter.add.f32 @p0 [tilespmem:s12], [sflag:$0x7], $0x80, s11, s9, $0xb8;
	[tilespmem:$0x1EC00] =	vst v63  }
0xdf: {  	s9 =	simm.s32 @p0 $0x7  }
0xe0: {  	_ =	swait.ge @p0 [sflag:s9], $0x2800  }
0xe1: {  	[sflag:s9] =	ssyncset.done @p0 $0x0  }
0xe2: {  	[sflag:s9] =	ssyncadd.s32 @p0 $0xFFFFD800;
	s9 =	simm.s32 @!p0 $0x5  }
0xe3: {  	_ =	swait.ge @!p0 [sflag:s9], $0x400  }
0xe4: {  	[sflag:s9] =	ssyncset.done @!p0 $0x0  }
0xe5: {  	[sflag:s9] =	ssyncadd.s32 @!p0 $0xFFFFFC00  }
0xe6: {  	_ =	swait.ge @!p0 [sflag:s9], $0x400  }
0xe7: {  	[sflag:s9] =	ssyncset.done @!p0 $0x0  }
0xe8: {  	s11 =	simm.s32 @!p0 $0x13C00;
	[sflag:s9] =	ssyncadd.s32 @!p0 $0xFFFFFC00;
	s9 =	simm.s32 @!p0 $0x50  }
0xe9: {  	[tilespmem:s11], [sflag:$0x1] =	stream.indirect.gather @!p0 [hbm4b:s1+s9], $0x80, s3, s9, $0xb8;
	[tilespmem:$0x1EC00] =	vst v63  }
0xea: {  	s3 =	simm.s32 @!p0 $0x2  }
0xeb: {  	_ =	swait.ge @!p0 [sflag:s3], $0x2800  }
0xec: {  	[sflag:s3] =	ssyncset.done @!p0 $0x0  }
0xed: {  	s11 =	simm.s32 @!p0 $0x16400;
	[sflag:s3] =	ssyncadd.s32 @!p0 $0xFFFFD800;
	s3 =	simm.s32 @!p0 $0x1EA80  }
0xee: {  	[spmem:s2] =	stream.indirect.scatter.add.f32 @!p0 [tilespmem:s11], [sflag:$0x7], $0x80, s3, s9, $0xb8;
	[tilespmem:$0x1EC00] =	vst v63  }
0xef: {  	s3 =	simm.s32 @!p0 $0x7  }
0xf0: {  	_ =	swait.ge @!p0 [sflag:s3], $0x2800  }
0xf1: {  	[sflag:s3] =	ssyncset.done @!p0 $0x0  }
0xf2: {  	[sflag:s3] =	ssyncadd.s32 @!p0 $0xFFFFD800;
	s3 =	simm.s32 @!p0 $0x1DC80  }
0xf3: {  	[tilespmem:s11], [sflag:$0x2] =	stream.indirect.gather @!p0 [hbm4b:s1+s9], $0x80, s3, s9, $0xb8;
	[tilespmem:$0x1EC00] =	vst v63  }
0xf4: {  	_ =	swait.ge [sflag:s13], $0x2800  }
0xf5: {  	[sflag:s13] =	ssyncset.done $0x0  }
.Ltmp2:
0xf6: {  	[sflag:s13] =	ssyncadd.s32 $0xFFFFD800;
	(pc) =	sbr.rel @p0 .LBB2_4-.Ltmp2, $4  }
0xf7: {  	[spmem:s2] =	stream.indirect.scatter.add.f32 [tilespmem:s0], [sflag:$0x7], $0x80, s26, s28, $0xb8;
	[tilespmem:$0x1EC00] =	vst v63  }
0xf8: {  	_ =	swait.ge [sflag:s25], $0x2800  }
0xf9: {  	[sflag:s25] =	ssyncset.done $0x0  }
0xfa: {  	[sflag:s25] =	ssyncadd.s32 $0xFFFFD800  }
0xfb: {  	s3 =	simm.s32 $0x1DD00  }
0xfc: {  	[tilespmem:s0], [sflag:$0x3] =	stream.indirect.gather [hbm4b:s1+s28], $0x80, s3, s28, $0xb8;
	[tilespmem:$0x1EC00] =	vst v63  }
0xfd: {  	_ =	swait.ge [sflag:s16], $0x2800  }
0xfe: {  	[sflag:s16] =	ssyncset.done $0x0  }
0xff: {  	[sflag:s16] =	ssyncadd.s32 $0xFFFFD800  }
0x100: {  	[spmem:s2] =	stream.indirect.scatter.add.f32 [tilespmem:s29], [sflag:$0x7], $0x80, s20, s28, $0xb8;
	[tilespmem:$0x1EC00] =	vst v63  }
0x101: {  	_ =	swait.ge [sflag:s25], $0x2800  }
0x102: {  	[sflag:s25] =	ssyncset.done $0x0  }
0x103: {  	s9 =	simm.s32 $0x1DD80;
	[sflag:s25] =	ssyncadd.s32 $0xFFFFD800  }
0x104: {  	[tilespmem:s29], [sflag:$0x4] =	stream.indirect.gather [hbm4b:s1+s28], $0x80, s9, s28, $0xb8;
	[tilespmem:$0x1EC00] =	vst v63  }
.Ltmp3:
0x105: {  	s11 =	sadd.s32 s31, s6;
	(pc) =	sbr.rel .LBB2_2-.Ltmp3, $4  }
0x106: {  	s12 =	sadd.s32 s31, s7;
	s3 =	sadd.s32 $0x880, s11  }
0x107: {  	[tilespmem:s21], [sflag:$0x6] =	stream.linear.gather [hbm4b:s3+s4], $0x400, $0x38;
	[tilespmem:$0x1EC00] =	vst v63  }
0x108: {  	s31 =	sadd.s32 $0x100, s31;
	s3 =	sadd.s32 $0x880, s12  }
0x109: {  	[tilespmem:s22], [sflag:$0x6] =	stream.linear.gather [hbm4b:s3+s4], $0x400, $0x38;
	[tilespmem:$0x1EC00] =	vst v63  }
.LBB2_5:
0x10a: {  	_ =	sfence.sel $0x180000  }
0x10b: {  	[bflag:$0x0] =	sbarrier.arrive $0xFFFF  }
0x10c: {  	_ =	strace $0x9000004A  }
0x10d: {  	s0 =	stileid.u32;
	[bflag:$0x2] =	sbarrier.arrive $0xFFFF  }
0x10e: {  	p0 =	sne.s32 s0, $0x0;
	s0 =	rddreg [dreg:$0x3]  }
0x10f: {  	s0 =	sadd.s32 @!p0 $0x100000, s0  }
0x110: {  	[sflag:s0] =	ssyncadd.tile.s32 @!p0 $0x1;
	_ =	shalt  }
.Lfunc_end2:
_tile_overlayer_lowered:
.L_overlay_start_2:
0x111: {  	(tag) =	ssettag $0x2  }
0x112: {  	s0 =	rddreg [dreg:$0x0];
	s2 =	stileid.u32  }
0x113: {  	s1 =	rddreg [dreg:$0x1];
	p0 =	sne.s32 s2, $0x0  }
0x114: {  	s3 =	rddreg [dreg:$0x2];
	[bflag:$0x3] =	sbarrier.arrive $0xFFFF;
	s2 =	simm.s32 @!p0 $0x1C07  }
0x115: {  	[timem:s3], [sflag:s2] =	dma.local @!p0 [hbm:s0], s1  }
0x116: {  	s0 =	simm.s32 @!p0 $0x7  }
0x117: {  	_ =	swait.ge @!p0 [sflag:s0], s1  }
0x118: {  	s1 =	ssub.s32 @!p0 $0x0, s1;
	[sflag:s0] =	ssyncset.done @!p0 $0x0  }
0x119: {  	[sflag:s0] =	ssyncadd.s32 @!p0 s1  }
0x11a: {  	[bflag:$0x3] =	sbarrier.arrive $0xFFFF  }
0x11b: {  	_ =	shalt  }

// kernel: kernel.16.cloned.1.call-start
scs
__scs_entry_jumppad:
0x0: {  	(pc) =	sbr.rel $0x88, $3  }
0x1: {  	(tag) =	ssettag $0x0;
	lr =	simm.s32 $0x1  }
0x2: {  	[smem:$0x3F9D] =	sst lr;
	_ =	strace $0xD0000000  }
0x3: {  	_ = 	snop  }
0x4: {  	_ = 	snop  }
0x5: {  	_ = 	snop  }
0x6: {  	_ = 	snop  }
0x7: {  	_ = 	snop  }
__scs_overlays_trampoline_lowered:
0x8: {  	[smem:$0x3FAC] =	sst s0  }
0x9: {  	[smem:$0x3FAD] =	sst s1  }
0xa: {  	[smem:$0x3FAE] =	sst s2  }
0xb: {  	[smem:$0x3FAF] =	sst s3  }
0xc: {  	[smem:$0x3FB0] =	sst s4  }
0xd: {  	[smem:$0x3FB1] =	sst s5  }
0xe: {  	[smem:$0x3FB2] =	sst s6  }
0xf: {  	[smem:$0x3FB3] =	sst s7  }
0x10: {  	[smem:$0x3FB4] =	sst s8  }
0x11: {  	[smem:$0x3FB5] =	sst s9;
	s0 =	simm.s32 @!p0 $0x0  }
0x12: {  	s1 =	sld [smem:$0x3F9B];
	s0 =	simm.s32 @p0 $0x1  }
0x13: {  	[smem:$0x3FB6] =	sst s0;
	s0 =	simm.s32 @!p1 $0x0  }
0x14: {  	s2 =	sld [smem:$0x3F9A];
	s0 =	simm.s32 @p1 $0x1  }
0x15: {  	[smem:$0x3FB7] =	sst s0;
	s0 =	simm.s32 @!p2 $0x0  }
0x16: {  	s3 =	sld [smem:$0x3FDB];
	s0 =	simm.s32 @p2 $0x1  }
0x17: {  	s4 =	simm.s32 $0x1BF5;
	[smem:$0x3FB9] =	sst s0  }
0x18: {  	s0 =	sld [smem:$0x3F9C];
	_ =	swait.ge [sflag:s4], $0x0  }
0x19: {  	s7 =	sld [smem:$0x3F9D]  }
0x1a: {  	s8 =	sadd.s32 $0xFFFFE003, lr  }
0x1b: {  	s9 =	sadd.s32 $0xFFFFFEF7, lr;
	s5 =	simm.s32 $0xFFFFFFFF;
	p2 =	slt.u32 s8, $0xFFFFF086  }
0x1c: {  	p1 =	slt.u32 s9, $0xF7A;
	s5 =	simm.s32 @!p2 $0x0  }
0x1d: {  	s5 =	simm.s32 @p1 $0x1;
	p0 =	seq.s32 s7, s2  }
0x1e: {  	s7 =	smul.u32 @!p0 $0xF7A, s2;
	p2 =	seq.s32 @!p0 s5, $0x0  }
0x1f: {  	s9 =	smul.u32 $0xF7A, s1;
	s8 =	simm.s32 @!p0 $0x1BF5;
	p2 =	por !p2, p0  }
0x20: {  	[sflag:s8] =	ssyncset.s32 @!p0 $0xFFFFF086;
	s6 =	sadd.s32 @!p0 s3, s7;
	s7 =	simm.s32 @!p0 $0x108  }
0x21: {  	s3 =	sadd.s32 s3, s9;
	s6 =	sadd.s32 @!p0 $0x88, s6;
	s7 =	simm.s32 @p2 $0x1082  }
0x22: {  	[simem:s7], [sflag:s8] =	dma.local @!p0 [hbm:s6], $0xF7A  }
0x23: {  	s9 =	sor.u32 $0xD0000000, s2;
	s6 =	simm.s32 $0x108;
	_ =	swait.ge @!p0 [sflag:s8], $0x0  }
0x24: {  	s3 =	sadd.s32 $0x88, s3;
	s6 =	simm.s32 @!p1 $0x1082;
	[sflag:s4] =	ssyncset.s32 $0xFFFFF086  }
0x25: {  	[simem:s6], [sflag:s4] =	dma.local [hbm:s3], $0xF7A  }
0x26: {  	[smem:$0x3F9D] =	sst s1;
	(tag) =	ssettag s2;
	_ =	strace s9  }
0x27: {  	s1 =	sld [smem:$0x3FAD]  }
0x28: {  	s2 =	sld [smem:$0x3FAE]  }
0x29: {  	s4 =	sld [smem:$0x3FB0]  }
0x2a: {  	p0 =	seq.s32 s5, $0x0;
	s5 =	sld [smem:$0x3FB1]  }
0x2b: {  	s6 =	sld [smem:$0x3FB2]  }
0x2c: {  	s7 =	sld [smem:$0x3FB3]  }
0x2d: {  	s3 =	simm.s32 $0x108;
	s8 =	sld [smem:$0x3FB4]  }
0x2e: {  	s3 =	simm.s32 @!p0 $0x1082;
	s9 =	sld [smem:$0x3FB5]  }
0x2f: {  	lr =	sadd.s32 s0, s3;
	s0 =	sld [smem:$0x3FAC]  }
0x30: {  	s3 =	sld [smem:$0x3FAF]  }
0x31: {  	[smem:$0x3FB8] =	sst s10  }
0x32: {  	s10 =	sld [smem:$0x3FB6];
	_ =	sdelay $0x3  }
0x33: {  	p0 =	seq.s32 s10, $0x1;
	s10 =	sld [smem:$0x3FB8];
	_ =	sdelay $0x3  }
0x34: {  	[smem:$0x3FB8] =	sst s10  }
0x35: {  	s10 =	sld [smem:$0x3FB7];
	_ =	sdelay $0x3  }
0x36: {  	p1 =	seq.s32 s10, $0x1;
	s10 =	sld [smem:$0x3FB8];
	_ =	sdelay $0x3  }
0x37: {  	[smem:$0x3FB8] =	sst s10  }
0x38: {  	s10 =	sld [smem:$0x3FB9]  }
0x39: {  	_ = 	snop;
	(pc) =	sbr.ind lr, $3  }
0x3a: {  	_ = 	snop  }
0x3b: {  	_ = 	snop  }
0x3c: {  	p2 =	seq.s32 s10, $0x1;
	s10 =	sld [smem:$0x3FB8]  }
0x3d: {  	_ =	shalt  }
0x3e: {  	_ =	shalt  }
0x3f: {  	_ =	shalt  }
0x40: {  	_ =	shalt  }
0x41: {  	_ =	shalt  }
0x42: {  	_ =	shalt  }
0x43: {  	_ =	shalt  }
0x44: {  	_ =	shalt  }
0x45: {  	_ =	shalt  }
0x46: {  	_ =	shalt  }
0x47: {  	_ =	shalt  }
0x48: {  	_ =	shalt  }
0x49: {  	_ =	shalt  }
0x4a: {  	_ =	shalt  }
0x4b: {  	_ =	shalt  }
0x4c: {  	_ =	shalt  }
0x4d: {  	_ =	shalt  }
0x4e: {  	_ =	shalt  }
0x4f: {  	_ =	shalt  }
0x50: {  	_ =	shalt  }
0x51: {  	_ =	shalt  }
0x52: {  	_ =	shalt  }
0x53: {  	_ =	shalt  }
0x54: {  	_ =	shalt  }
0x55: {  	_ =	shalt  }
0x56: {  	_ =	shalt  }
0x57: {  	_ =	shalt  }
0x58: {  	_ =	shalt  }
0x59: {  	_ =	shalt  }
0x5a: {  	_ =	shalt  }
0x5b: {  	_ =	shalt  }
0x5c: {  	_ =	shalt  }
0x5d: {  	_ =	shalt  }
0x5e: {  	_ =	shalt  }
0x5f: {  	_ =	shalt  }
0x60: {  	_ =	shalt  }
0x61: {  	_ =	shalt  }
0x62: {  	_ =	shalt  }
0x63: {  	_ =	shalt  }
0x64: {  	_ =	shalt  }
0x65: {  	_ =	shalt  }
0x66: {  	_ =	shalt  }
0x67: {  	_ =	shalt  }
0x68: {  	_ =	shalt  }
0x69: {  	_ =	shalt  }
0x6a: {  	_ =	shalt  }
0x6b: {  	_ =	shalt  }
0x6c: {  	_ =	shalt  }
0x6d: {  	_ =	shalt  }
0x6e: {  	_ =	shalt  }
0x6f: {  	_ =	shalt  }
0x70: {  	_ =	shalt  }
0x71: {  	_ =	shalt  }
0x72: {  	_ =	shalt  }
0x73: {  	_ =	shalt  }
0x74: {  	_ =	shalt  }
0x75: {  	_ =	shalt  }
0x76: {  	_ =	shalt  }
0x77: {  	_ =	shalt  }
0x78: {  	_ =	shalt  }
0x79: {  	_ =	shalt  }
0x7a: {  	_ =	shalt  }
0x7b: {  	_ =	shalt  }
0x7c: {  	_ =	shalt  }
0x7d: {  	_ =	shalt  }
0x7e: {  	_ =	shalt  }
0x7f: {  	_ =	shalt  }
0x80: {  	_ =	shalt  }
0x81: {  	_ =	shalt  }
0x82: {  	_ =	shalt  }
0x83: {  	_ =	shalt  }
0x84: {  	_ =	shalt  }
0x85: {  	_ =	shalt  }
0x86: {  	_ =	shalt  }
0x87: {  	_ =	shalt  }
.Lfunc_end0:
.L_simem_size_0:
called_computation.2_lowered:
.L_overlay_start_0:
0x88: {  	s2 =	sld [smem:$0x3FD9]  }
0x89: {  	s3 =	sld [smem:$0x3FFE];
	_ =	sdelay $0x1  }
0x8a: {  	s1 =	srdreg.scid  }
0x8b: {  	s0 =	sand.u32 $0x1, s1  }
0x8c: {  	s17 =	sshll.u32 s0, $0xA;
	s2 =	sadd.s32 s3, s2  }
0x8d: {  	s2 =	sadd.s32 s2, s17  }
0x8e: {  	[smem:$0x3FC4] =	sst s2  }
0x8f: {  	_ = 	snop  }
0x90: {  	s2 =	sld [smem:$0x3FD0];
	(tm) =	ssettm $0x1  }
0x91: {  	s18 =	sld [smem:$0x3FFB];
	_ =	sdelay $0x3  }
0x92: {  	_ =	strace s18  }
0x93: {  	s3 =	sld [smem:$0x3FFC];
	_ =	sdelay $0x3  }
0x94: {  	_ =	strace s3  }
0x95: {  	s3 =	sld [smem:$0x3FFD];
	_ =	sdelay $0x3  }
0x96: {  	_ =	strace s3  }
0x97: {  	_ =	strace $0x8FFFFFFF  }
0x98: {  	s19 =	sld [smem:$0x3FDB];
	_ =	sdelay $0x1  }
0x99: {  	s4 =	simm.s32 $_scs_section_size  }
0x9a: {  	s5 =	simm.s32 $_size__tile_overlayer_lowered;
	s6 =	simm.s32 $_tile_overlayer_lowered  }
0x9b: {  	s22 =	simm.s32 $0x1BFF;
	s21 =	sshll.u32 s6, $0x1;
	s3 =	sadd.s32 s4, s19  }
0x9c: {  	s7 =	simm.s32 $0x0;
	s20 =	sshll.u32 s5, $0x1;
	s5 =	sadd.s32 s21, s3  }
0x9d: {  	[timem:s7], [sflag:s22] =	dma.local [hbm:s5], s20  }
0x9e: {  	_ =	swait.ge [sflag:s22], s20  }
0x9f: {  	s4 =	ssub.s32 $0x0, s20;
	[sflag:s22] =	ssyncset.done $0x0  }
0xa0: {  	[sflag:s22] =	ssyncadd.s32 s4;
	_ =	sdelay $0x1  }
0xa1: {  	s23 =	simm.s32 $0x1B8B  }
0xa2: {  	_ =	swait.ge [sflag:s23], $0x1  }
0xa3: {  	[sflag:s23] =	ssyncset.done $0x0  }
0xa4: {  	s25 =	simm.s32 $0x1B8E;
	s24 =	sld [smem:$0x3FFE];
	[sflag:s23] =	ssyncadd.s32 $0xFFFFFFFF  }
0xa5: {  	s26 =	simm.s32 $execute0_lowered;
	[smem:$0x3FD2] =	sst s25  }
0xa6: {  	s5 =	sshll.u32 s26, $0x1;
	_ =	strace $0x8000004C;
	[dreg:$0x1] =	wrdreg $0xFFFFFFFF  }
0xa7: {  	s28 =	simm.s32 $_size_execute0_lowered;
	s3 =	sadd.s32 s3, s5;
	[dreg:$0x0] =	wrdreg $0x0  }
0xa8: {  	s5 =	sshll.u32 s28, $0x1;
	[dreg:$0x2] =	wrdreg s3  }
0xa9: {  	[dreg:$0x3] =	wrdreg s5  }
0xaa: {  	[dreg:$0x4] =	wrdreg $0xC0  }
0xab: {  	_ =	task [dreg:s7], $0x5FFFF  }
0xac: {  	[dreg:$0x1] =	wrdreg $0xFFFFFFFF  }
0xad: {  	[dreg:$0x0] =	wrdreg $0x60  }
0xae: {  	[dreg:$0x2] =	wrdreg s2  }
0xaf: {  	[dreg:$0x3] =	wrdreg s24  }
0xb0: {  	[dreg:$0x4] =	wrdreg $0x0  }
0xb1: {  	[dreg:$0x5] =	wrdreg $0x9  }
0xb2: {  	_ =	task.clear_ibuf [dreg:s7], $0x6FFFF;
	_ =	strace $0x9000004C  }
0xb3: {  	s29 =	simm.s32 $0x9;
	_ =	strace $0x8000004E  }
0xb4: {  	_ =	swait.ge [sflag:s29], $0x1  }
0xb5: {  	[sflag:s29] =	ssyncadd.s32 $0xFFFFFFFF  }
0xb6: {  	_ =	strace $0x9000004E  }
0xb7: {  	_ =	sfence  }
0xb8: {  	s30 =	sld [smem:$0x0];
	_ =	sdelay $0x2  }
0xb9: {  	s31 =	sshll.u32 s1, $0xD;
	s1 =	sshrl.u32 s1, $0x2  }
0xba: {  	s3 =	sand.u32 $0x4000, s31;
	s1 =	sadd.s32 s1, s30  }
0xbb: {  	s0 =	sor.u32 s3, s0;
	s1 =	sshll.u32 s1, $0x11  }
0xbc: {  	s0 =	sor.u32 s1, s0  }
0xbd: {  	s0 =	sadd.s32 $0x8F2B, s0  }
0xbe: {  	[sflag:s0] =	ssyncadd.remote.s32 $0x1  }
0xbf: {  	_ =	sfence.sel $0xFFFF  }
0xc0: {  	[dreg:$0x0] =	wrdreg $0xFFFFFFFF;
	(pc) =	sbr.abs _section_cstart, $3  }
0xc1: {  	[dreg:$0x1] =	wrdreg $0xFFFFFFFF  }
0xc2: {  	_ =	task.clear_ibuf [dreg:s7], $0x2FFFF;
	_ =	strace $0x9FFFFFFF  }
0xc3: {  	(tm) =	ssettm $0x7FFFFFFF  }
tec
execute0_lowered:
.L_overlay_start_1:
0x0: {  	(tag) =	ssettag $0x1  }
0x1: {  	s1 =	rddreg [dreg:$0x0]  }
0x2: {  	s0 =	rddreg [dreg:$0x1]  }
0x3: {  	s2 =	rddreg [dreg:$0x2];
	s4 =	simm.s32 $0x0  }
0x4: {  	s3 =	srdreg.scid;
	s9 =	stileid.u32;
	s28 =	simm.s32 $0x50  }
0x5: {  	s30 =	simm.s32 $0x16400;
	s29 =	simm.s32 $0x1B400;
	s10 =	simm.s32 $0x2  }
0x6: {  	s13 =	simm.s32 $0x3;
	s14 =	simm.s32 $0x1E280;
	s15 =	simm.s32 $0x1E900  }
0x7: {  	[smem:$0x7FF] =	sst s4;
	s3 =	sand.u32 $0x1, s3;
	s16 =	smul.u32 $0x4F000, s9  }
0x8: {  	s6 =	sshll.u32 s9, $0xB;
	s8 =	sadd.s32 $0x22200, s0;
	s31 =	smul.u32 $0x2780, s9  }
0x9: {  	_ =	strace $0x8000004D;
	s5 =	sshll.u32 s3, $0xF;
	s7 =	smul.u32 $0x27800, s3  }
0xa: {  	[dreg:$0x4] =	wrdreg s8;
	s5 =	sor.u32 s6, s5;
	s18 =	sshrl.u32 s16, $0x2  }
0xb: {  	s5 =	sadd.s32 s5, s0;
	s0 =	sadd.s32 s7, s0;
	s11 =	sadd.s32 s18, s2  }
0xc: {  	s6 =	sadd.s32 $0x2200, s5;
	s19 =	sadd.s32 $0x2280, s5;
	[dreg:$0x5] =	wrdreg s11  }
0xd: {  	s7 =	sadd.s32 $0x12200, s5;
	s5 =	sadd.s32 $0x12280, s5;
	[dreg:$0x6] =	wrdreg s19  }
0xe: {  	s9 =	simm.s32 $0x0;
	s20 =	sadd.s32 $0x2800, s11;
	[dreg:$0x7] =	wrdreg s5  }
0xf: {  	s3 =	ssub.s32 $0x2, s3;
	s21 =	sadd.s32 $0x5000, s11;
	[dreg:$0x8] =	wrdreg s20  }
0x10: {  	s8 =	simm.s32 $0x1EA00;
	s22 =	sadd.s32 $0x7800, s11;
	[dreg:$0x9] =	wrdreg s21  }
0x11: {  	s17 =	sshrl.u32 s3, $0x1;
	s23 =	sadd.s32 $0xA000, s11;
	[dreg:$0xa] =	wrdreg s22  }
0x12: {  	s16 =	simm.s32 $0x4;
	s24 =	sadd.s32 $0xC800, s11;
	[dreg:$0xb] =	wrdreg s23  }
0x13: {  	s3 =	ssub.s32 s3, s17;
	s25 =	sadd.s32 $0xF000, s11;
	[dreg:$0xc] =	wrdreg s24  }
0x14: {  	s17 =	simm.s32 $0x1E980;
	s26 =	sadd.s32 $0x11800, s11;
	[dreg:$0xd] =	wrdreg s25  }
0x15: {  	s18 =	simm.s32 $0x1E380;
	s3 =	smax.u32 s3, $0x1;
	[dreg:$0xe] =	wrdreg s26  }
.Ltmp0:
0x16: {  	s0 =	sadd.s32 $0x22800, s0;
	[dreg:$0xf] =	wrdreg s3;
	(pc) =	sbr.rel .LBB2_1-.Ltmp0, $4  }
0x17: {  	s21 =	simm.s32 $0x1E000;
	s22 =	simm.s32 $0x1E800;
	s23 =	simm.s32 $0x13C00  }
0x18: {  	s0 =	sadd.s32 s31, s0;
	s25 =	simm.s32 $0x7;
	s5 =	simm.s32 $0x1  }
0x19: {  	s24 =	simm.s32 $0x6;
	s19 =	simm.s32 $0x1E300;
	s26 =	simm.s32 $0x1EB00  }
0x1a: {  	s20 =	simm.s32 $0x1EB80;
	[dreg:$0x10] =	wrdreg s0;
	s0 =	simm.s32 $0x18C00  }
.LBB2_4:
0x1b: {  	_ =	swait.ge [sflag:s16], $0x2800  }
0x1c: {  	[sflag:s16] =	ssyncset.done $0x0  }
0x1d: {  	[sflag:s16] =	ssyncadd.s32 $0xFFFFD800  }
0x1e: {  	[spmem:s2] =	stream.indirect.scatter.add.f32 [tilespmem:s29], [sflag:$0x7], $0x80, s20, s28, $0xb8;
	[tilespmem:$0x1EC00] =	vst v63  }
0x1f: {  	_ =	swait.ge [sflag:s25], $0x2800  }
0x20: {  	[sflag:s25] =	ssyncset.done $0x0  }
0x21: {  	[sflag:s25] =	ssyncadd.s32 $0xFFFFD800  }
0x22: {  	s3 =	stileid.u32;
	[bflag:$0x0] =	sbarrier.arrive $0xFFFF  }
0x23: {  	s3 =	sshll.u32 s3, $0x6;
	s11 =	rddreg [dreg:$0x5]  }
0x24: {  	s3 =	sor.u32 $0x1C07, s3;
	s12 =	rddreg [dreg:$0x10];
	s9 =	sshrl.u32 s11, $0x3  }
0x25: {  	[hbm:s12], [sflag:s3] =	dma.local [spmem:s9], $0x2780  }
0x26: {  	_ =	swait.ge [sflag:s25], $0x2780  }
0x27: {  	s12 =	rddreg [dreg:$0x11]  }
0x28: {  	s31 =	rddreg [dreg:$0xf];
	s9 =	sadd.s32 $0x1, s12  }
0x29: {  	p0 =	sne.s32 s9, s31  }
.Ltmp1:
0x2a: {  	_ = 	snop;
	(pc) =	sbr.rel @!p0 .LBB2_5-.Ltmp1, $3  }
0x2b: {  	_ =	sdelay $0x1  }
0x2c: {  	[sflag:s25] =	ssyncset.done $0x0  }
0x2d: {  	[sflag:s25] =	ssyncadd.s32 $0xFFFFD880  }
.LBB2_1:
0x2e: {  	[dreg:$0x11] =	wrdreg s9;
	s9 =	simm.s32 $0x1DC00  }
0x2f: {  	[tilespmem:s9], [sflag:$0x5] =	stream.linear.gather [hbm4b:s6+s4], $0x400, $0x38;
	[tilespmem:$0x1EC00] =	vst v63  }
0x30: {  	s3 =	simm.s32 $0x1E400  }
0x31: {  	[tilespmem:s3], [sflag:$0x5] =	stream.linear.gather [hbm4b:s7+s4], $0x400, $0x38;
	[tilespmem:$0x1EC00] =	vst v63  }
0x32: {  	s12 =	rddreg [dreg:$0x6]  }
0x33: {  	[tilespmem:s21], [sflag:$0x6] =	stream.linear.gather [hbm4b:s12+s4], $0x400, $0x38;
	[tilespmem:$0x1EC00] =	vst v63  }
0x34: {  	s12 =	rddreg [dreg:$0x7]  }
0x35: {  	[tilespmem:s22], [sflag:$0x6] =	stream.linear.gather [hbm4b:s12+s4], $0x400, $0x38;
	[tilespmem:$0x1EC00] =	vst v63  }
0x36: {  	s12 =	rddreg [dreg:$0x4]  }
0x37: {  	[tilespmem:s23], [sflag:$0x7] =	stream.linear.gather [hbm4b:s12+s4], $0x2800, $0x38;
	[tilespmem:$0x1EC00] =	vst v63  }
0x38: {  	_ =	swait.ge [sflag:s25], $0x2800  }
0x39: {  	[sflag:s25] =	ssyncset.done $0x0  }
0x3a: {  	[sflag:s25] =	ssyncadd.s32 $0xFFFFD800  }
0x3b: {  	[spmem:s11] =	stream.linear.scatter [tilespmem:s23], [sflag:$0x7], $0x2800, $0x38;
	[tilespmem:$0x1EC00] =	vst v63  }
0x3c: {  	_ =	swait.ge [sflag:s25], $0x2800  }
0x3d: {  	[sflag:s25] =	ssyncset.done $0x0  }
0x3e: {  	s11 =	rddreg [dreg:$0x8];
	[sflag:s25] =	ssyncadd.s32 $0xFFFFD800  }
0x3f: {  	[spmem:s11] =	stream.linear.scatter [tilespmem:s23], [sflag:$0x7], $0x2800, $0x38;
	[tilespmem:$0x1EC00] =	vst v63  }
0x40: {  	_ =	swait.ge [sflag:s25], $0x2800  }
0x41: {  	[sflag:s25] =	ssyncset.done $0x0  }
0x42: {  	s12 =	rddreg [dreg:$0x9];
	[sflag:s25] =	ssyncadd.s32 $0xFFFFD800  }
0x43: {  	[spmem:s12] =	stream.linear.scatter [tilespmem:s23], [sflag:$0x7], $0x2800, $0x38;
	[tilespmem:$0x1EC00] =	vst v63  }
0x44: {  	_ =	swait.ge [sflag:s25], $0x2800  }
0x45: {  	[sflag:s25] =	ssyncset.done $0x0  }
0x46: {  	s11 =	rddreg [dreg:$0xa];
	[sflag:s25] =	ssyncadd.s32 $0xFFFFD800  }
0x47: {  	[spmem:s11] =	stream.linear.scatter [tilespmem:s23], [sflag:$0x7], $0x2800, $0x38;
	[tilespmem:$0x1EC00] =	vst v63  }
0x48: {  	_ =	swait.ge [sflag:s25], $0x2800  }
0x49: {  	[sflag:s25] =	ssyncset.done $0x0  }
0x4a: {  	s12 =	rddreg [dreg:$0xb];
	[sflag:s25] =	ssyncadd.s32 $0xFFFFD800  }
0x4b: {  	[spmem:s12] =	stream.linear.scatter [tilespmem:s23], [sflag:$0x7], $0x2800, $0x38;
	[tilespmem:$0x1EC00] =	vst v63  }
0x4c: {  	_ =	swait.ge [sflag:s25], $0x2800  }
0x4d: {  	[sflag:s25] =	ssyncset.done $0x0  }
0x4e: {  	s11 =	rddreg [dreg:$0xc];
	[sflag:s25] =	ssyncadd.s32 $0xFFFFD800  }
0x4f: {  	[spmem:s11] =	stream.linear.scatter [tilespmem:s23], [sflag:$0x7], $0x2800, $0x38;
	[tilespmem:$0x1EC00] =	vst v63  }
0x50: {  	_ =	swait.ge [sflag:s25], $0x2800  }
0x51: {  	[sflag:s25] =	ssyncset.done $0x0  }
0x52: {  	s12 =	rddreg [dreg:$0xd];
	[sflag:s25] =	ssyncadd.s32 $0xFFFFD800  }
0x53: {  	[spmem:s12] =	stream.linear.scatter [tilespmem:s23], [sflag:$0x7], $0x2800, $0x38;
	[tilespmem:$0x1EC00] =	vst v63  }
0x54: {  	_ =	swait.ge [sflag:s25], $0x2800  }
0x55: {  	[sflag:s25] =	ssyncset.done $0x0  }
0x56: {  	s11 =	rddreg [dreg:$0xe];
	[sflag:s25] =	ssyncadd.s32 $0xFFFFD800  }
0x57: {  	[spmem:s11] =	stream.linear.scatter [tilespmem:s23], [sflag:$0x7], $0x2400, $0x38;
	[tilespmem:$0x1EC00] =	vst v63  }
0x58: {  	_ =	swait.ge [sflag:s25], $0x2400  }
0x59: {  	[sflag:s25] =	ssyncset.done $0x0  }
0x5a: {  	[sflag:s25] =	ssyncadd.s32 $0xFFFFDC00  }
0x5b: {  	s12 =	simm.s32 $0x5;
	[bflag:$0x0] =	sbarrier.arrive $0xFFFF  }
0x5c: {  	_ =	swait.ge [sflag:s12], $0x400  }
0x5d: {  	[sflag:s12] =	ssyncset.done $0x0  }
0x5e: {  	[sflag:s12] =	ssyncadd.s32 $0xFFFFFC00  }
0x5f: {  	_ =	swait.ge [sflag:s12], $0x400  }
0x60: {  	[sflag:s12] =	ssyncset.done $0x0  }
0x61: {  	[sflag:s12] =	ssyncadd.s32 $0xFFFFFC00  }
0x62: {  	[tilespmem:s23], [sflag:$0x1] =	stream.indirect.gather [hbm4b:s1+s28], $0x80, s9, s28, $0xb8;
	[tilespmem:$0x1EC00] =	vst v63  }
0x63: {  	s9 =	simm.s32 $0x1DC80  }
0x64: {  	[tilespmem:s30], [sflag:$0x2] =	stream.indirect.gather [hbm4b:s1+s28], $0x80, s9, s28, $0xb8;
	[tilespmem:$0x1EC00] =	vst v63  }
0x65: {  	s11 =	simm.s32 $0x1DD00  }
0x66: {  	[tilespmem:s0], [sflag:$0x3] =	stream.indirect.gather [hbm4b:s1+s28], $0x80, s11, s28, $0xb8;
	[tilespmem:$0x1EC00] =	vst v63  }
0x67: {  	s31 =	simm.s32 $0xFFFFF900;
	s12 =	simm.s32 $0x1DD80  }
0x68: {  	[tilespmem:s29], [sflag:$0x4] =	stream.indirect.gather [hbm4b:s1+s28], $0x80, s12, s28, $0xb8;
	[tilespmem:$0x1EC00] =	vst v63  }
.LBB2_2:
0x69: {  	_ =	swait.ge [sflag:s5], $0x2800  }
0x6a: {  	[sflag:s5] =	ssyncset.done $0x0  }
0x6b: {  	s3 =	simm.s32 $0x1E400;
	[sflag:s5] =	ssyncadd.s32 $0xFFFFD800  }
0x6c: {  	[spmem:s2] =	stream.indirect.scatter.add.f32 [tilespmem:s23], [sflag:$0x7], $0x80, s3, s28, $0xb8;
	[tilespmem:$0x1EC00] =	vst v63  }
0x6d: {  	_ =	swait.ge [sflag:s25], $0x2800  }
0x6e: {  	[sflag:s25] =	ssyncset.done $0x0  }
0x6f: {  	s12 =	simm.s32 $0x1DE00;
	[sflag:s25] =	ssyncadd.s32 $0xFFFFD800  }
0x70: {  	[tilespmem:s23], [sflag:$0x1] =	stream.indirect.gather [hbm4b:s1+s28], $0x80, s12, s28, $0xb8;
	[tilespmem:$0x1EC00] =	vst v63  }
0x71: {  	_ =	swait.ge [sflag:s10], $0x2800  }
0x72: {  	[sflag:s10] =	ssyncset.done $0x0  }
0x73: {  	s9 =	simm.s32 $0x1E480;
	[sflag:s10] =	ssyncadd.s32 $0xFFFFD800  }
0x74: {  	[spmem:s2] =	stream.indirect.scatter.add.f32 [tilespmem:s30], [sflag:$0x7], $0x80, s9, s28, $0xb8;
	[tilespmem:$0x1EC00] =	vst v63  }
0x75: {  	_ =	swait.ge [sflag:s25], $0x2800  }
0x76: {  	[sflag:s25] =	ssyncset.done $0x0  }
0x77: {  	s11 =	simm.s32 $0x1DE80;
	[sflag:s25] =	ssyncadd.s32 $0xFFFFD800  }
0x78: {  	[tilespmem:s30], [sflag:$0x2] =	stream.indirect.gather [hbm4b:s1+s28], $0x80, s11, s28, $0xb8;
	[tilespmem:$0x1EC00] =	vst v63  }
0x79: {  	_ =	swait.ge [sflag:s13], $0x2800  }
0x7a: {  	[sflag:s13] =	ssyncset.done $0x0  }
0x7b: {  	s12 =	simm.s32 $0x1E500;
	[sflag:s13] =	ssyncadd.s32 $0xFFFFD800  }
0x7c: {  	[spmem:s2] =	stream.indirect.scatter.add.f32 [tilespmem:s0], [sflag:$0x7], $0x80, s12, s28, $0xb8;
	[tilespmem:$0x1EC00] =	vst v63  }
0x7d: {  	_ =	swait.ge [sflag:s25], $0x2800  }
0x7e: {  	[sflag:s25] =	ssyncset.done $0x0  }
0x7f: {  	s9 =	simm.s32 $0x1DF00;
	[sflag:s25] =	ssyncadd.s32 $0xFFFFD800  }
0x80: {  	[tilespmem:s0], [sflag:$0x3] =	stream.indirect.gather [hbm4b:s1+s28], $0x80, s9, s28, $0xb8;
	[tilespmem:$0x1EC00] =	vst v63  }
0x81: {  	_ =	swait.ge [sflag:s16], $0x2800  }
0x82: {  	[sflag:s16] =	ssyncset.done $0x0  }
0x83: {  	s11 =	simm.s32 $0x1E580;
	[sflag:s16] =	ssyncadd.s32 $0xFFFFD800  }
0x84: {  	[spmem:s2] =	stream.indirect.scatter.add.f32 [tilespmem:s29], [sflag:$0x7], $0x80, s11, s28, $0xb8;
	[tilespmem:$0x1EC00] =	vst v63  }
0x85: {  	_ =	swait.ge [sflag:s25], $0x2800  }
0x86: {  	[sflag:s25] =	ssyncset.done $0x0  }
0x87: {  	s12 =	simm.s32 $0x1DF80;
	[sflag:s25] =	ssyncadd.s32 $0xFFFFD800  }
0x88: {  	[tilespmem:s29], [sflag:$0x4] =	stream.indirect.gather [hbm4b:s1+s28], $0x80, s12, s28, $0xb8;
	[tilespmem:$0x1EC00] =	vst v63  }
0x89: {  	_ =	swait.ge [sflag:s5], $0x2800  }
0x8a: {  	[sflag:s5] =	ssyncset.done $0x0  }
0x8b: {  	s9 =	simm.s32 $0x1E600;
	[sflag:s5] =	ssyncadd.s32 $0xFFFFD800  }
0x8c: {  	[spmem:s2] =	stream.indirect.scatter.add.f32 [tilespmem:s23], [sflag:$0x7], $0x80, s9, s28, $0xb8;
	[tilespmem:$0x1EC00] =	vst v63  }
0x8d: {  	_ =	swait.ge [sflag:s25], $0x2800  }
0x8e: {  	[sflag:s25] =	ssyncset.done $0x0  }
0x8f: {  	[sflag:s25] =	ssyncadd.s32 $0xFFFFD800  }
0x90: {  	_ =	swait.ge [sflag:s24], $0x400  }
0x91: {  	[sflag:s24] =	ssyncset.done $0x0  }
0x92: {  	[sflag:s24] =	ssyncadd.s32 $0xFFFFFC00  }
0x93: {  	_ =	swait.ge [sflag:s24], $0x400  }
0x94: {  	[sflag:s24] =	ssyncset.done $0x0  }
0x95: {  	[sflag:s24] =	ssyncadd.s32 $0xFFFFFC00  }
0x96: {  	[tilespmem:s23], [sflag:$0x1] =	stream.indirect.gather [hbm4b:s1+s28], $0x80, s21, s28, $0xb8;
	[tilespmem:$0x1EC00] =	vst v63  }
0x97: {  	_ =	swait.ge [sflag:s10], $0x2800  }
0x98: {  	[sflag:s10] =	ssyncset.done $0x0  }
0x99: {  	s11 =	simm.s32 $0x1E680;
	[sflag:s10] =	ssyncadd.s32 $0xFFFFD800  }
0x9a: {  	[spmem:s2] =	stream.indirect.scatter.add.f32 [tilespmem:s30], [sflag:$0x7], $0x80, s11, s28, $0xb8;
	[tilespmem:$0x1EC00] =	vst v63  }
0x9b: {  	_ =	swait.ge [sflag:s25], $0x2800  }
0x9c: {  	[sflag:s25] =	ssyncset.done $0x0  }
0x9d: {  	s12 =	simm.s32 $0x1E080;
	[sflag:s25] =	ssyncadd.s32 $0xFFFFD800  }
0x9e: {  	[tilespmem:s30], [sflag:$0x2] =	stream.indirect.gather [hbm4b:s1+s28], $0x80, s12, s28, $0xb8;
	[tilespmem:$0x1EC00] =	vst v63  }
0x9f: {  	_ =	swait.ge [sflag:s13], $0x2800  }
0xa0: {  	[sflag:s13] =	ssyncset.done $0x0  }
0xa1: {  	s9 =	simm.s32 $0x1E700;
	[sflag:s13] =	ssyncadd.s32 $0xFFFFD800  }
0xa2: {  	[spmem:s2] =	stream.indirect.scatter.add.f32 [tilespmem:s0], [sflag:$0x7], $0x80, s9, s28, $0xb8;
	[tilespmem:$0x1EC00] =	vst v63  }
0xa3: {  	_ =	swait.ge [sflag:s25], $0x2800  }
0xa4: {  	[sflag:s25] =	ssyncset.done $0x0  }
0xa5: {  	s11 =	simm.s32 $0x1E100;
	[sflag:s25] =	ssyncadd.s32 $0xFFFFD800  }
0xa6: {  	[tilespmem:s0], [sflag:$0x3] =	stream.indirect.gather [hbm4b:s1+s28], $0x80, s11, s28, $0xb8;
	[tilespmem:$0x1EC00] =	vst v63  }
0xa7: {  	_ =	swait.ge [sflag:s16], $0x2800  }
0xa8: {  	[sflag:s16] =	ssyncset.done $0x0  }
0xa9: {  	s12 =	simm.s32 $0x1E780;
	[sflag:s16] =	ssyncadd.s32 $0xFFFFD800  }
0xaa: {  	[spmem:s2] =	stream.indirect.scatter.add.f32 [tilespmem:s29], [sflag:$0x7], $0x80, s12, s28, $0xb8;
	[tilespmem:$0x1EC00] =	vst v63  }
0xab: {  	_ =	swait.ge [sflag:s25], $0x2800  }
0xac: {  	p0 =	seq.s32 s31, $0x0;
	[sflag:s25] =	ssyncset.done $0x0  }
0xad: {  	s3 =	sadd.s32 @!p0 s31, s6;
	s9 =	simm.s32 $0x1E180;
	[sflag:s25] =	ssyncadd.s32 $0xFFFFD800  }
0xae: {  	[tilespmem:s29], [sflag:$0x4] =	stream.indirect.gather [hbm4b:s1+s28], $0x80, s9, s28, $0xb8;
	[tilespmem:$0x1EC00] =	vst v63  }
0xaf: {  	s11 =	simm.s32 @!p0 $0x0;
	s9 =	sadd.s32 @!p0 $0x800, s3;
	s3 =	simm.s32 @!p0 $0x1DC00  }
0xb0: {  	[tilespmem:s3], [sflag:$0x5] =	stream.linear.gather @!p0 [hbm4b:s9+s11], $0x400, $0x38;
	[tilespmem:$0x1EC00] =	vst v63  }
0xb1: {  	s9 =	sadd.s32 @!p0 s31, s7  }
0xb2: {  	s12 =	simm.s32 @!p0 $0x1E400;
	s9 =	sadd.s32 @!p0 $0x800, s9  }
0xb3: {  	[tilespmem:s12], [sflag:$0x5] =	stream.linear.gather @!p0 [hbm4b:s9+s11], $0x400, $0x38;
	[tilespmem:$0x1EC00] =	vst v63  }
0xb4: {  	_ =	swait.ge [sflag:s5], $0x2800  }
0xb5: {  	[sflag:s5] =	ssyncset.done $0x0  }
0xb6: {  	[sflag:s5] =	ssyncadd.s32 $0xFFFFD800  }
0xb7: {  	[spmem:s2] =	stream.indirect.scatter.add.f32 [tilespmem:s23], [sflag:$0x7], $0x80, s22, s28, $0xb8;
	[tilespmem:$0x1EC00] =	vst v63  }
0xb8: {  	_ =	swait.ge [sflag:s25], $0x2800  }
0xb9: {  	[sflag:s25] =	ssyncset.done $0x0  }
0xba: {  	s11 =	simm.s32 $0x1E200;
	[sflag:s25] =	ssyncadd.s32 $0xFFFFD800  }
0xbb: {  	[tilespmem:s23], [sflag:$0x1] =	stream.indirect.gather [hbm4b:s1+s28], $0x80, s11, s28, $0xb8;
	[tilespmem:$0x1EC00] =	vst v63  }
0xbc: {  	_ =	swait.ge [sflag:s10], $0x2800  }
0xbd: {  	[sflag:s10] =	ssyncset.done $0x0  }
0xbe: {  	s12 =	simm.s32 $0x1E880;
	[sflag:s10] =	ssyncadd.s32 $0xFFFFD800  }
0xbf: {  	[spmem:s2] =	stream.indirect.scatter.add.f32 [tilespmem:s30], [sflag:$0x7], $0x80, s12, s28, $0xb8;
	[tilespmem:$0x1EC00] =	vst v63  }
0xc0: {  	_ =	swait.ge [sflag:s25], $0x2800  }
0xc1: {  	[sflag:s25] =	ssyncset.done $0x0  }
0xc2: {  	[sflag:s25] =	ssyncadd.s32 $0xFFFFD800  }
0xc3: {  	[tilespmem:s30], [sflag:$0x2] =	stream.indirect.gather [hbm4b:s1+s28], $0x80, s14, s28, $0xb8;
	[tilespmem:$0x1EC00] =	vst v63  }
0xc4: {  	_ =	swait.ge [sflag:s13], $0x2800  }
0xc5: {  	[sflag:s13] =	ssyncset.done $0x0  }
0xc6: {  	[sflag:s13] =	ssyncadd.s32 $0xFFFFD800  }
0xc7: {  	[spmem:s2] =	stream.indirect.scatter.add.f32 [tilespmem:s0], [sflag:$0x7], $0x80, s15, s28, $0xb8;
	[tilespmem:$0x1EC00] =	vst v63  }
0xc8: {  	_ =	swait.ge [sflag:s25], $0x2800  }
0xc9: {  	[sflag:s25] =	ssyncset.done $0x0  }
0xca: {  	[sflag:s25] =	ssyncadd.s32 $0xFFFFD800  }
0xcb: {  	[tilespmem:s0], [sflag:$0x3] =	stream.indirect.gather [hbm4b:s1+s28], $0x80, s19, s28, $0xb8;
	[tilespmem:$0x1EC00] =	vst v63  }
0xcc: {  	_ =	swait.ge [sflag:s16], $0x2800  }
0xcd: {  	[sflag:s16] =	ssyncset.done $0x0  }
0xce: {  	[sflag:s16] =	ssyncadd.s32 $0xFFFFD800  }
0xcf: {  	[spmem:s2] =	stream.indirect.scatter.add.f32 [tilespmem:s29], [sflag:$0x7], $0x80, s17, s28, $0xb8;
	[tilespmem:$0x1EC00] =	vst v63  }
0xd0: {  	_ =	swait.ge [sflag:s25], $0x2800  }
0xd1: {  	[sflag:s25] =	ssyncset.done $0x0  }
0xd2: {  	[sflag:s25] =	ssyncadd.s32 $0xFFFFD800  }
0xd3: {  	[tilespmem:s29], [sflag:$0x4] =	stream.indirect.gather [hbm4b:s1+s28], $0x80, s18, s28, $0xb8;
	[tilespmem:$0x1EC00] =	vst v63  }
0xd4: {  	_ =	swait.ge [sflag:s5], $0x2800  }
0xd5: {  	[sflag:s5] =	ssyncset.done $0x0  }
0xd6: {  	[sflag:s5] =	ssyncadd.s32 $0xFFFFD800  }
0xd7: {  	[spmem:s2] =	stream.indirect.scatter.add.f32 [tilespmem:s23], [sflag:$0x7], $0x80, s8, s28, $0xb8;
	[tilespmem:$0x1EC00] =	vst v63  }
0xd8: {  	_ =	swait.ge [sflag:s25], $0x2800  }
0xd9: {  	[sflag:s25] =	ssyncset.done $0x0  }
0xda: {  	s9 =	simm.s32 @p0 $0x2;
	[sflag:s25] =	ssyncadd.s32 $0xFFFFD800  }
0xdb: {  	_ =	swait.ge @p0 [sflag:s9], $0x2800  }
0xdc: {  	s11 =	simm.s32 @p0 $0x1EA80;
	[sflag:s9] =	ssyncset.done @p0 $0x0  }
0xdd: {  	s12 =	simm.s32 @p0 $0x16400;
	[sflag:s9] =	ssyncadd.s32 @p0 $0xFFFFD800;
	s9 =	simm.s32 @p0 $0x50  }
0xde: {  	[spmem:s2] =	stream.indirect.scatter.add.f32 @p0 [tilespmem:s12], [sflag:$0x7], $0x80, s11, s9, $0xb8;
	[tilespmem:$0x1EC00] =	vst v63  }
0xdf: {  	s9 =	simm.s32 @p0 $0x7  }
0xe0: {  	_ =	swait.ge @p0 [sflag:s9], $0x2800  }
0xe1: {  	[sflag:s9] =	ssyncset.done @p0 $0x0  }
0xe2: {  	[sflag:s9] =	ssyncadd.s32 @p0 $0xFFFFD800;
	s9 =	simm.s32 @!p0 $0x5  }
0xe3: {  	_ =	swait.ge @!p0 [sflag:s9], $0x400  }
0xe4: {  	[sflag:s9] =	ssyncset.done @!p0 $0x0  }
0xe5: {  	[sflag:s9] =	ssyncadd.s32 @!p0 $0xFFFFFC00  }
0xe6: {  	_ =	swait.ge @!p0 [sflag:s9], $0x400  }
0xe7: {  	[sflag:s9] =	ssyncset.done @!p0 $0x0  }
0xe8: {  	s11 =	simm.s32 @!p0 $0x13C00;
	[sflag:s9] =	ssyncadd.s32 @!p0 $0xFFFFFC00;
	s9 =	simm.s32 @!p0 $0x50  }
0xe9: {  	[tilespmem:s11], [sflag:$0x1] =	stream.indirect.gather @!p0 [hbm4b:s1+s9], $0x80, s3, s9, $0xb8;
	[tilespmem:$0x1EC00] =	vst v63  }
0xea: {  	s3 =	simm.s32 @!p0 $0x2  }
0xeb: {  	_ =	swait.ge @!p0 [sflag:s3], $0x2800  }
0xec: {  	[sflag:s3] =	ssyncset.done @!p0 $0x0  }
0xed: {  	s11 =	simm.s32 @!p0 $0x16400;
	[sflag:s3] =	ssyncadd.s32 @!p0 $0xFFFFD800;
	s3 =	simm.s32 @!p0 $0x1EA80  }
0xee: {  	[spmem:s2] =	stream.indirect.scatter.add.f32 @!p0 [tilespmem:s11], [sflag:$0x7], $0x80, s3, s9, $0xb8;
	[tilespmem:$0x1EC00] =	vst v63  }
0xef: {  	s3 =	simm.s32 @!p0 $0x7  }
0xf0: {  	_ =	swait.ge @!p0 [sflag:s3], $0x2800  }
0xf1: {  	[sflag:s3] =	ssyncset.done @!p0 $0x0  }
0xf2: {  	[sflag:s3] =	ssyncadd.s32 @!p0 $0xFFFFD800;
	s3 =	simm.s32 @!p0 $0x1DC80  }
0xf3: {  	[tilespmem:s11], [sflag:$0x2] =	stream.indirect.gather @!p0 [hbm4b:s1+s9], $0x80, s3, s9, $0xb8;
	[tilespmem:$0x1EC00] =	vst v63  }
0xf4: {  	_ =	swait.ge [sflag:s13], $0x2800  }
0xf5: {  	[sflag:s13] =	ssyncset.done $0x0  }
.Ltmp2:
0xf6: {  	[sflag:s13] =	ssyncadd.s32 $0xFFFFD800;
	(pc) =	sbr.rel @p0 .LBB2_4-.Ltmp2, $4  }
0xf7: {  	[spmem:s2] =	stream.indirect.scatter.add.f32 [tilespmem:s0], [sflag:$0x7], $0x80, s26, s28, $0xb8;
	[tilespmem:$0x1EC00] =	vst v63  }
0xf8: {  	_ =	swait.ge [sflag:s25], $0x2800  }
0xf9: {  	[sflag:s25] =	ssyncset.done $0x0  }
0xfa: {  	[sflag:s25] =	ssyncadd.s32 $0xFFFFD800  }
0xfb: {  	s3 =	simm.s32 $0x1DD00  }
0xfc: {  	[tilespmem:s0], [sflag:$0x3] =	stream.indirect.gather [hbm4b:s1+s28], $0x80, s3, s28, $0xb8;
	[tilespmem:$0x1EC00] =	vst v63  }
0xfd: {  	_ =	swait.ge [sflag:s16], $0x2800  }
0xfe: {  	[sflag:s16] =	ssyncset.done $0x0  }
0xff: {  	[sflag:s16] =	ssyncadd.s32 $0xFFFFD800  }
0x100: {  	[spmem:s2] =	stream.indirect.scatter.add.f32 [tilespmem:s29], [sflag:$0x7], $0x80, s20, s28, $0xb8;
	[tilespmem:$0x1EC00] =	vst v63  }
0x101: {  	_ =	swait.ge [sflag:s25], $0x2800  }
0x102: {  	[sflag:s25] =	ssyncset.done $0x0  }
0x103: {  	s9 =	simm.s32 $0x1DD80;
	[sflag:s25] =	ssyncadd.s32 $0xFFFFD800  }
0x104: {  	[tilespmem:s29], [sflag:$0x4] =	stream.indirect.gather [hbm4b:s1+s28], $0x80, s9, s28, $0xb8;
	[tilespmem:$0x1EC00] =	vst v63  }
.Ltmp3:
0x105: {  	s11 =	sadd.s32 s31, s6;
	(pc) =	sbr.rel .LBB2_2-.Ltmp3, $4  }
0x106: {  	s12 =	sadd.s32 s31, s7;
	s3 =	sadd.s32 $0x880, s11  }
0x107: {  	[tilespmem:s21], [sflag:$0x6] =	stream.linear.gather [hbm4b:s3+s4], $0x400, $0x38;
	[tilespmem:$0x1EC00] =	vst v63  }
0x108: {  	s31 =	sadd.s32 $0x100, s31;
	s3 =	sadd.s32 $0x880, s12  }
0x109: {  	[tilespmem:s22], [sflag:$0x6] =	stream.linear.gather [hbm4b:s3+s4], $0x400, $0x38;
	[tilespmem:$0x1EC00] =	vst v63  }
.LBB2_5:
0x10a: {  	_ =	sfence.sel $0x180000  }
0x10b: {  	[bflag:$0x0] =	sbarrier.arrive $0xFFFF  }
0x10c: {  	_ =	strace $0x9000004D  }
0x10d: {  	s0 =	stileid.u32;
	[bflag:$0x2] =	sbarrier.arrive $0xFFFF  }
0x10e: {  	p0 =	sne.s32 s0, $0x0;
	s0 =	rddreg [dreg:$0x3]  }
0x10f: {  	s0 =	sadd.s32 @!p0 $0x100000, s0  }
0x110: {  	[sflag:s0] =	ssyncadd.tile.s32 @!p0 $0x1;
	_ =	shalt  }
.Lfunc_end2:
_tile_overlayer_lowered:
.L_overlay_start_2:
0x111: {  	(tag) =	ssettag $0x2  }
0x112: {  	s0 =	rddreg [dreg:$0x0];
	s2 =	stileid.u32  }
0x113: {  	s1 =	rddreg [dreg:$0x1];
	p0 =	sne.s32 s2, $0x0  }
0x114: {  	s3 =	rddreg [dreg:$0x2];
	[bflag:$0x3] =	sbarrier.arrive $0xFFFF;
	s2 =	simm.s32 @!p0 $0x1C07  }
0x115: {  	[timem:s3], [sflag:s2] =	dma.local @!p0 [hbm:s0], s1  }
0x116: {  	s0 =	simm.s32 @!p0 $0x7  }
0x117: {  	_ =	swait.ge @!p0 [sflag:s0], s1  }
0x118: {  	s1 =	ssub.s32 @!p0 $0x0, s1;
	[sflag:s0] =	ssyncset.done @!p0 $0x0  }
0x119: {  	[sflag:s0] =	ssyncadd.s32 @!p0 s1  }
0x11a: {  	[bflag:$0x3] =	sbarrier.arrive $0xFFFF  }
0x11b: {  	_ =	shalt  }

</sc_bundles>
